<compile_context>
chip_gen: v7x
topology: tpu7x:2x2x1
jax: 0.10.2.dev20260603
libtpu: 0.0.44.dev20260713+nightly
codegen_flags: <defaults>
</compile_context>

<pallas_src>
import functools

import jax
import jax.numpy as jnp
from jax import lax
from jax.experimental import pallas as pl
from jax.experimental.pallas import tpu as pltpu
from jax.experimental.pallas import tpu_sc as plsc

_N = 100000
_E = 1600000
_H = 32
_MSG = 2

_NC = 2
_NS = 16
_NW = _NC * _NS
_S = 5
_ES = _E // _S
_EW = _ES // _NW
_SG = 125
_NSG = 10
_CH = _SG * _NSG
_CPW = _EW // _CH
_IROWS = _E // _SG
_IRW = _EW // _SG
_GQ = _ES // 4
_WPK = 8


def _node_tables_body(x_ref, wa_ref, wb_ref, ca_ref, cb_ref, a_ref, b_ref):
    xb = x_ref[...]
    a_ref[...] = (
        jnp.dot(xb, wa_ref[...], preferred_element_type=jnp.float32) + ca_ref[...]
    )
    b_ref[...] = (
        jnp.dot(xb, wb_ref[...], preferred_element_type=jnp.float32) + cb_ref[...]
    )


def _node_tables(x, wa_t, wb_t, ca, cb):
    bn = 10000
    grid = (_N // bn,)
    return pl.pallas_call(
        _node_tables_body,
        grid=grid,
        in_specs=[
            pl.BlockSpec((bn, 2), lambda i: (i, 0)),
            pl.BlockSpec((2, _H), lambda i: (0, 0)),
            pl.BlockSpec((2, _H), lambda i: (0, 0)),
            pl.BlockSpec((1, _H), lambda i: (0, 0)),
            pl.BlockSpec((1, _H), lambda i: (0, 0)),
        ],
        out_specs=[
            pl.BlockSpec((bn, _H), lambda i: (i, 0)),
            pl.BlockSpec((bn, _H), lambda i: (i, 0)),
        ],
        out_shape=[
            jax.ShapeDtypeStruct((_N, _H), jnp.float32),
            jax.ShapeDtypeStruct((_N, _H), jnp.float32),
        ],
    )(x, wa_t, wb_t, ca, cb)


def _gather_body(slab, a_hbm, b_hbm, dst_hbm, src_hbm, g_hbm, dstv, srcv, rows, sem_g):
    c = lax.axis_index("c")
    s = lax.axis_index("s")
    wid = s * _NC + c
    kcol = (wid // _WPK) * _H
    base_irow = slab * (_ES // _SG) + wid * _IRW
    base_grow = (wid % _WPK) * _EW

    def chunk_body(k, carry):
        irow0 = base_irow + k * _NSG
        grow0 = base_grow + k * _CH
        pltpu.sync_copy(dst_hbm.at[pl.ds(irow0, _NSG)], dstv)
        pltpu.sync_copy(src_hbm.at[pl.ds(irow0, _NSG)], srcv)

        def fire_a(j, cy):
            pltpu.async_copy(a_hbm.at[dstv.at[j]], rows.at[j], sem_g)
            return cy

        lax.fori_loop(0, _NSG, fire_a, 0)

        def drain_a(j, cy):
            pltpu.make_async_copy(a_hbm.at[dstv.at[j]], rows.at[j], sem_g).wait()
            return cy

        lax.fori_loop(0, _NSG, drain_a, 0)

        def fire_b(j, cy):
            pltpu.async_copy(b_hbm.at[srcv.at[j]], rows.at[j], sem_g, add=True)
            return cy

        lax.fori_loop(0, _NSG, fire_b, 0)

        def drain_b(j, cy):
            pltpu.make_async_copy(b_hbm.at[srcv.at[j]], rows.at[j], sem_g).wait()
            return cy

        lax.fori_loop(0, _NSG, drain_b, 0)

        def put_row(j, cy):
            pltpu.sync_copy(
                rows.at[j],
                g_hbm.at[pl.ds(grow0 + j * _SG, _SG), pl.ds(kcol, _H)],
            )
            return cy

        lax.fori_loop(0, _NSG, put_row, 0)
        return carry

    lax.fori_loop(0, _CPW, chunk_body, 0)


def _gather_add(a, b, dst3, src3, slab):
    mesh = plsc.VectorSubcoreMesh(
        core_axis_name="c", subcore_axis_name="s", num_cores=_NC, num_subcores=_NS
    )
    fn = pl.kernel(
        functools.partial(_gather_body, slab),
        out_type=jax.ShapeDtypeStruct((_GQ, 128), jnp.float32),
        mesh=mesh,
        scratch_types=[
            pltpu.VMEM((_NSG, _SG), jnp.int32),
            pltpu.VMEM((_NSG, _SG), jnp.int32),
            pltpu.VMEM((_NSG, _SG, _H), jnp.float32),
            pltpu.SemaphoreType.DMA,
        ],
        compiler_params=pltpu.CompilerParams(use_tc_tiling_on_sc=False),
    )
    return fn(a, b, dst3, src3)


_BQ = 3200
_NBQ = _GQ // _BQ


def _mlp_body(
    g_ref, yt0, yt1, yt2, yt3, ht0, ht1, ht2, ht3,
    wc_ref, wm2_ref, bm2_ref, wdec_ref, bdec_ref,
    hn0, hn1, hn2, hn3, yn0, yn1, yn2, yn3,
):
    gt_full = g_ref[...].T
    yts = (yt0, yt1, yt2, yt3)
    hts = (ht0, ht1, ht2, ht3)
    hns = (hn0, hn1, hn2, hn3)
    yns = (yn0, yn1, yn2, yn3)
    wc = wc_ref[...]
    wm2 = wm2_ref[...]
    bm2 = bm2_ref[...]
    wdec = wdec_ref[...]
    bdec = bdec_ref[...]
    for k in range(4):
        gt = gt_full[k * _H:(k + 1) * _H, :]
        yh = jnp.concatenate([yts[k][...], hts[k][...]], axis=0)
        m1 = gt + jnp.dot(wc, yh, preferred_element_type=jnp.float32)
        m1 = jnp.where(m1 > 0, m1, 0.01 * m1)
        m2 = jnp.dot(wm2, m1, preferred_element_type=jnp.float32) + bm2
        m2 = jnp.where(m2 > 0, m2, 0.01 * m2)
        hns[k][...] = m2
        lg = jnp.dot(wdec, m2, preferred_element_type=jnp.float32) + bdec
        mx = jnp.max(lg, axis=0, keepdims=True)
        ex = jnp.exp(lg - mx)
        yns[k][...] = ex / jnp.sum(ex, axis=0, keepdims=True)


def _edge_mlp(g, yt, ht, wc, wm2, bm2, wdec, bdec, slab):
    grid = (_NBQ,)
    sb = slab * (_ES // _BQ)

    def edge_spec(rows, k):
        return pl.BlockSpec((rows, _BQ), lambda i, k=k: (0, sb + k * _NBQ + i))

    return pl.pallas_call(
        _mlp_body,
        grid=grid,
        in_specs=[
            pl.BlockSpec((_BQ, 128), lambda i: (i, 0)),
            *[edge_spec(_MSG, k) for k in range(4)],
            *[edge_spec(_H, k) for k in range(4)],
            pl.BlockSpec((_H, _MSG + _H), lambda i: (0, 0)),
            pl.BlockSpec((_H, _H), lambda i: (0, 0)),
            pl.BlockSpec((_H, 1), lambda i: (0, 0)),
            pl.BlockSpec((_MSG, _H), lambda i: (0, 0)),
            pl.BlockSpec((_MSG, 1), lambda i: (0, 0)),
        ],
        out_specs=[
            *[pl.BlockSpec((_H, _BQ), lambda i: (0, i)) for _ in range(4)],
            *[pl.BlockSpec((_MSG, _BQ), lambda i: (0, i)) for _ in range(4)],
        ],
        out_shape=[
            *[jax.ShapeDtypeStruct((_H, _GQ), jnp.float32) for _ in range(4)],
            *[jax.ShapeDtypeStruct((_MSG, _GQ), jnp.float32) for _ in range(4)],
        ],
    )(g, *([yt] * 4), *([ht] * 4), wc, wm2, bm2, wdec, bdec)


def _mlp_and_pack(gs, yt, ht, wc, wm2, bm2, wdec, bdec):
    hparts, yparts = [], []
    for s in range(_S):
        outs = _edge_mlp(gs[s], yt, ht, wc, wm2, bm2, wdec, bdec, s)
        hparts.extend(outs[:4])
        yparts.extend(outs[4:])
    hnewt = jnp.stack(hparts, axis=1).reshape(_H, _E)
    ynewt = jnp.stack(yparts, axis=1).reshape(_MSG, _E)
    return hnewt, ynewt


def kernel(x, edge_index, h_msg, y_msg, W_in, b_in, W_enc, b_enc, W_m1, b_m1,
           W_m2, b_m2, W_u, b_u, W_dec, b_dec):
    w_m1a = W_m1[:, :_H]
    w_m1b = W_m1[:, _H:2 * _H]
    w_m1c = W_m1[:, 2 * _H:]
    wa = w_m1a @ W_in
    wb = w_m1b @ W_in
    wc = w_m1c @ W_enc
    ca = w_m1a @ b_in + w_m1c @ b_enc + b_m1
    cb = w_m1b @ b_in

    a, b = _node_tables(x, wa.T, wb.T, ca[None, :], cb[None, :])

    dst3 = edge_index[1].reshape(_IROWS, _SG)
    src3 = edge_index[0].reshape(_IROWS, _SG)
    gs = [_gather_add(a, b, dst3, src3, s) for s in range(_S)]

    hnewt, ynewt = _mlp_and_pack(
        gs, y_msg.T, h_msg.T, wc, W_m2, b_m2[:, None], W_dec, b_dec[:, None]
    )
    return hnewt.T, ynewt.T

# --- scband reference (transcript-rebuilt; emitter-appended) ---
"""Pipeline reference for scband-algo-reasoning-1675037246216 (READ-ONLY COPY).

The authoritative reference and input builder live on the scoring server;
editing this copy changes nothing except your own understanding.
"""

import jax, jax.numpy as jnp
import numpy as np

N = 100000
E = 1600000
H = 32
MSG = 2
XD = 2

def setup_inputs(seed: int = 0) -> dict:
    key = jax.random.key(seed)
    ks = jax.random.split(key, 20)
    def W(k, o, i):
        return (jax.random.normal(k, (o, i), dtype=jnp.float32) * (1.0 / np.sqrt(i))).astype(jnp.float32)
    def b(k, o):
        return (jax.random.normal(k, (o,), dtype=jnp.float32) * 0.01).astype(jnp.float32)
    inp = {}
    inp['x'] = jax.random.normal(ks[0], (N, XD), dtype=jnp.float32)
    inp['edge_index'] = jax.random.randint(ks[1], (2, E), 0, N, dtype=jnp.int32)
    inp['h_msg'] = jax.random.normal(ks[2], (E, H), dtype=jnp.float32)
    inp['y_msg'] = jax.random.normal(ks[3], (E, MSG), dtype=jnp.float32)
    inp['W_in'] = W(ks[4], H, XD); inp['b_in'] = b(ks[5], H)
    inp['W_enc'] = W(ks[6], H, MSG + H); inp['b_enc'] = b(ks[7], H)
    inp['W_m1'] = W(ks[8], H, 3 * H); inp['b_m1'] = b(ks[9], H)
    inp['W_m2'] = W(ks[10], H, H); inp['b_m2'] = b(ks[11], H)
    inp['W_u'] = W(ks[12], H, 2 * H); inp['b_u'] = b(ks[13], H)
    inp['W_dec'] = W(ks[14], MSG, H); inp['b_dec'] = b(ks[15], MSG)
    return inp

def reference(x, edge_index, h_msg, y_msg, W_in, b_in, W_enc, b_enc, W_m1, b_m1, W_m2, b_m2, W_u, b_u, W_dec, b_dec):
    # lin_in
    h_node = x @ W_in.T + b_in
    # encoder: cat(y_msg, h_msg) -> linear
    encoded_msg = jnp.concatenate([y_msg, h_msg], axis=1) @ W_enc.T + b_enc
    # MPNN propagate: message on each edge (i = dst = edge_index[1], j = src = edge_index[0])
    src = edge_index[0]
    dst = edge_index[1]
    h_i = jnp.take(h_node, dst, axis=0)
    h_j = jnp.take(h_node, src, axis=0)
    m = jnp.concatenate([h_i, h_j, encoded_msg], axis=-1)
    m = jax.nn.leaky_relu(m @ W_m1.T + b_m1, negative_slope=0.01)
    m = jax.nn.leaky_relu(m @ W_m2.T + b_m2, negative_slope=0.01)
    h_msg_new = m  # h_msg_temp saved in message()
    # aggregate (add) to dst nodes, then update (computed in torch but not returned)
    aggr = jax.ops.segment_sum(m, dst, num_segments=N)
    h_node_new = jax.nn.leaky_relu(jnp.concatenate([h_node, aggr], axis=1) @ W_u.T + b_u, negative_slope=0.01)
    del h_node_new  # AlgoReasoning.forward discards h_node
    # decoder
    y_msg_new = jax.nn.softmax(h_msg_new @ W_dec.T + b_dec, axis=-1)
    return (h_msg_new, y_msg_new)

if __name__ == "__main__":
    import jax
    _d = setup_inputs()
    print(jax.jit(kernel)(*tuple(_d.values())))

</pallas_src>

<mosaic_0001>
#map = affine_map<(d0, d1) -> (0, 0)>
module attributes {stable_mosaic.version = 14 : i64} {
  func.func @_gather_body(%arg0: i32, %arg1: i32, %arg2: memref<100000x32xf32, #tpu.memory_space<hbm>>, %arg3: memref<100000x32xf32, #tpu.memory_space<hbm>>, %arg4: memref<12800x125xi32, #tpu.memory_space<hbm>>, %arg5: memref<12800x125xi32, #tpu.memory_space<hbm>>, %arg6: memref<80000x128xf32, #tpu.memory_space<hbm>>, %arg7: memref<10x125xi32, #tpu.memory_space<vmem>>, %arg8: memref<10x125xi32, #tpu.memory_space<vmem>>, %arg9: memref<10x125x32xf32, #tpu.memory_space<vmem>>, %arg10: memref<!tpu.dma_semaphore, #tpu.memory_space<semaphore_mem>>) attributes {dimension_semantics = [#tpu.dimension_semantics<core_parallel>, #tpu.dimension_semantics<subcore_parallel>], iteration_bounds = array<i64: 2, 16>, scalar_prefetch = 0 : i64, scratch_operands = 4 : i64, tpu.core_type = #tpu.core_type<sc_vector_subcore>, window_params = [{transform_indices = #map}, {transform_indices = #map}, {transform_indices = #map}, {transform_indices = #map}, {transform_indices = #map}]} {
    %mul3A = arith.constant 2 : i32
    %mul3A_0 = arith.muli %arg1, %mul3A : i32
    %add3A = arith.addi %mul3A_0, %arg0 : i32
    %jit3A = arith.constant 8 : i32
    %div3A = arith.divsi %add3A, %jit3A : i32
    %sign3A = arith.constant 0 : i32
    %sign3A_1 = arith.cmpi sgt, %add3A, %sign3A : i32
    %sign3A_2 = arith.extui %sign3A_1 : i1 to i32
    %sign3A_3 = arith.constant 0 : i32
    %sign3A_4 = arith.cmpi slt, %add3A, %sign3A_3 : i32
    %sign3A_5 = arith.extui %sign3A_4 : i1 to i32
    %sign3A_6 = arith.subi %sign3A_2, %sign3A_5 : i32
    %sign3A_7 = arith.constant 0 : i32
    %sign3A_8 = arith.cmpi sgt, %jit3A, %sign3A_7 : i32
    %sign3A_9 = arith.extui %sign3A_8 : i1 to i32
    %sign3A_10 = arith.constant 0 : i32
    %sign3A_11 = arith.cmpi slt, %jit3A, %sign3A_10 : i32
    %sign3A_12 = arith.extui %sign3A_11 : i1 to i32
    %sign3A_13 = arith.subi %sign3A_9, %sign3A_12 : i32
    %ne3A = arith.cmpi ne, %sign3A_6, %sign3A_13 : i32
    %rem3A = arith.remsi %add3A, %jit3A : i32
    %ne3A_14 = arith.constant 0 : i32
    %ne3A_15 = arith.cmpi ne, %rem3A, %ne3A_14 : i32
    %and3A = arith.andi %ne3A, %ne3A_15 : i1
    %sub3A = arith.constant 1 : i32
    %sub3A_16 = arith.subi %div3A, %sub3A : i32
    %select_n3A = arith.select %and3A, %sub3A_16, %div3A : i32
    %mul3A_17 = arith.constant 32 : i32
    %mul3A_18 = arith.muli %select_n3A, %mul3A_17 : i32
    %mul3A_19 = arith.constant 80 : i32
    %mul3A_20 = arith.muli %add3A, %mul3A_19 : i32
    %add3A_21 = arith.constant 0 : i32
    %add3A_22 = arith.addi %add3A_21, %mul3A_20 : i32
    %jit3A_23 = arith.constant 8 : i32
    %eq3A = arith.constant 0 : i32
    %eq3A_24 = arith.cmpi eq, %jit3A_23, %eq3A : i32
    %jit3A_25 = arith.constant 1 : i32
    %select_n3A_26 = arith.select %eq3A_24, %jit3A_25, %jit3A_23 : i32
    %rem3A_27 = arith.remsi %add3A, %select_n3A_26 : i32
    %ne3A_28 = arith.constant 0 : i32
    %ne3A_29 = arith.cmpi ne, %rem3A_27, %ne3A_28 : i32
    %lt3A = arith.constant 0 : i32
    %lt3A_30 = arith.cmpi slt, %rem3A_27, %lt3A : i32
    %lt3A_31 = arith.constant 0 : i32
    %lt3A_32 = arith.cmpi slt, %select_n3A_26, %lt3A_31 : i32
    %ne3A_33 = arith.xori %lt3A_30, %lt3A_32 : i1
    %and3A_34 = arith.andi %ne3A_33, %ne3A_29 : i1
    %add3A_35 = arith.addi %rem3A_27, %select_n3A_26 : i32
    %select_n3A_36 = arith.select %and3A_34, %add3A_35, %rem3A_27 : i32
    %mul3A_37 = arith.constant 10000 : i32
    %mul3A_38 = arith.muli %select_n3A_36, %mul3A_37 : i32
    %scan3A = arith.constant 0 : i32
    %scan3A_39 = arith.constant 0 : i32
    %scan3A_40 = arith.constant 8 : i32
    %scan3A_41 = arith.addi %scan3A_39, %scan3A_40 : i32
    %scan3A_42 = arith.constant 1 : i32
    scf.for %scan3A_44 = %scan3A_39 to %scan3A_41 step %scan3A_42  : i32 {
      %mul3A_45 = arith.constant 10 : i32
      %mul3A_46 = arith.muli %scan3A_44, %mul3A_45 : i32
      %add3A_47 = arith.addi %add3A_22, %mul3A_46 : i32
      %mul3A_48 = arith.constant 1250 : i32
      %mul3A_49 = arith.muli %scan3A_44, %mul3A_48 : i32
      %add3A_50 = arith.addi %mul3A_38, %mul3A_49 : i32
      "tpu.region"() ({
        %run_scoped3A = tpu.sem_alloc : memref<!tpu.dma_semaphore, #tpu.memory_space<semaphore_mem>>
        %dma_start3A = arith.constant 0 : i32
        %dma_start3A_81 = tpu.memref_slice %arg4[%add3A_47, %dma_start3A] : memref<12800x125xi32, #tpu.memory_space<hbm>> -> memref<10x125xi32, #tpu.memory_space<hbm>>
        %dma_start3A_82 = arith.constant 0 : i32
        %dma_start3A_83 = tpu.memref_slice %arg4[%add3A_47, %dma_start3A_82] : memref<12800x125xi32, #tpu.memory_space<hbm>> -> memref<10x125xi32, #tpu.memory_space<hbm>>
        tpu.enqueue_dma source(%dma_start3A_83 : memref<10x125xi32, #tpu.memory_space<hbm>>) target(%arg7 : memref<10x125xi32, #tpu.memory_space<vmem>>) target_semaphore(%run_scoped3A : memref<!tpu.dma_semaphore, #tpu.memory_space<semaphore_mem>>)
        %dma_wait3A = arith.constant 0 : i32
        %dma_wait3A_84 = tpu.memref_slice %arg4[%add3A_47, %dma_wait3A] : memref<12800x125xi32, #tpu.memory_space<hbm>> -> memref<10x125xi32, #tpu.memory_space<hbm>>
        %dma_wait3A_85 = arith.constant 0 : i32
        %dma_wait3A_86 = tpu.memref_slice %arg4[%add3A_47, %dma_wait3A_85] : memref<12800x125xi32, #tpu.memory_space<hbm>> -> memref<10x125xi32, #tpu.memory_space<hbm>>
        tpu.wait_dma2 semaphore(%run_scoped3A : memref<!tpu.dma_semaphore, #tpu.memory_space<semaphore_mem>>) src(%dma_wait3A_86 : memref<10x125xi32, #tpu.memory_space<hbm>>) dst(%arg7 : memref<10x125xi32, #tpu.memory_space<vmem>>)
        tpu.yield
      }) : () -> ()
      "tpu.region"() ({
        %run_scoped3A = tpu.sem_alloc : memref<!tpu.dma_semaphore, #tpu.memory_space<semaphore_mem>>
        %dma_start3A = arith.constant 0 : i32
        %dma_start3A_81 = tpu.memref_slice %arg5[%add3A_47, %dma_start3A] : memref<12800x125xi32, #tpu.memory_space<hbm>> -> memref<10x125xi32, #tpu.memory_space<hbm>>
        %dma_start3A_82 = arith.constant 0 : i32
        %dma_start3A_83 = tpu.memref_slice %arg5[%add3A_47, %dma_start3A_82] : memref<12800x125xi32, #tpu.memory_space<hbm>> -> memref<10x125xi32, #tpu.memory_space<hbm>>
        tpu.enqueue_dma source(%dma_start3A_83 : memref<10x125xi32, #tpu.memory_space<hbm>>) target(%arg8 : memref<10x125xi32, #tpu.memory_space<vmem>>) target_semaphore(%run_scoped3A : memref<!tpu.dma_semaphore, #tpu.memory_space<semaphore_mem>>)
        %dma_wait3A = arith.constant 0 : i32
        %dma_wait3A_84 = tpu.memref_slice %arg5[%add3A_47, %dma_wait3A] : memref<12800x125xi32, #tpu.memory_space<hbm>> -> memref<10x125xi32, #tpu.memory_space<hbm>>
        %dma_wait3A_85 = arith.constant 0 : i32
        %dma_wait3A_86 = tpu.memref_slice %arg5[%add3A_47, %dma_wait3A_85] : memref<12800x125xi32, #tpu.memory_space<hbm>> -> memref<10x125xi32, #tpu.memory_space<hbm>>
        tpu.wait_dma2 semaphore(%run_scoped3A : memref<!tpu.dma_semaphore, #tpu.memory_space<semaphore_mem>>) src(%dma_wait3A_86 : memref<10x125xi32, #tpu.memory_space<hbm>>) dst(%arg8 : memref<10x125xi32, #tpu.memory_space<vmem>>)
        tpu.yield
      }) : () -> ()
      %scan3A_51 = arith.constant 0 : i32
      %scan3A_52 = arith.constant 0 : i32
      %scan3A_53 = arith.constant 10 : i32
      %scan3A_54 = arith.addi %scan3A_52, %scan3A_53 : i32
      %scan3A_55 = arith.constant 1 : i32
      scf.for %scan3A_81 = %scan3A_52 to %scan3A_54 step %scan3A_55  : i32 {
        %dma_start3A = arith.constant 0 : i32
        %dma_start3A_82 = arith.constant 0 : i32
        %dma_start3A_83 = tpu.memref_slice %arg9[%scan3A_81, %dma_start3A, %dma_start3A_82] : memref<10x125x32xf32, #tpu.memory_space<vmem>> -> memref<1x125x32xf32, #tpu.memory_space<vmem>>
        %dma_start3A_84 = tpu.memref_squeeze %dma_start3A_83 : memref<1x125x32xf32, #tpu.memory_space<vmem>> -> memref<125x32xf32, #tpu.memory_space<vmem>>
        %dma_start3A_85 = arith.constant 0 : i32
        %dma_start3A_86 = tpu.memref_slice %arg7[%scan3A_81, %dma_start3A_85] : memref<10x125xi32, #tpu.memory_space<vmem>> -> memref<1x125xi32, #tpu.memory_space<vmem>>
        %dma_start3A_87 = tpu.memref_squeeze %dma_start3A_86 : memref<1x125xi32, #tpu.memory_space<vmem>> -> memref<125xi32, #tpu.memory_space<vmem>>
        %dma_start3A_88 = arith.constant 0 : i32
        %dma_start3A_89 = arith.constant 0 : i32
        %dma_start3A_90 = tpu.memref_slice %arg2[%dma_start3A_88, %dma_start3A_89] : memref<100000x32xf32, #tpu.memory_space<hbm>> -> memref<100000x32xf32, #tpu.memory_space<hbm>>
        tpu.enqueue_indirect_dma source(%dma_start3A_90 : memref<100000x32xf32, #tpu.memory_space<hbm>>) target(%dma_start3A_84 : memref<125x32xf32, #tpu.memory_space<vmem>>) offsets(%dma_start3A_87 : memref<125xi32, #tpu.memory_space<vmem>>) semaphore(%arg10 : memref<!tpu.dma_semaphore, #tpu.memory_space<semaphore_mem>>)
      }
      %scan3A_56 = arith.constant 10 : i32
      %scan3A_57 = arith.constant 0 : i32
      %scan3A_58 = arith.constant 0 : i32
      %scan3A_59 = arith.constant 10 : i32
      %scan3A_60 = arith.addi %scan3A_58, %scan3A_59 : i32
      %scan3A_61 = arith.constant 1 : i32
      scf.for %scan3A_81 = %scan3A_58 to %scan3A_60 step %scan3A_61  : i32 {
        %dma_wait3A = arith.constant 0 : i32
        %dma_wait3A_82 = arith.constant 0 : i32
        %dma_wait3A_83 = tpu.memref_slice %arg9[%scan3A_81, %dma_wait3A, %dma_wait3A_82] : memref<10x125x32xf32, #tpu.memory_space<vmem>> -> memref<1x125x32xf32, #tpu.memory_space<vmem>>
        %dma_wait3A_84 = tpu.memref_squeeze %dma_wait3A_83 : memref<1x125x32xf32, #tpu.memory_space<vmem>> -> memref<125x32xf32, #tpu.memory_space<vmem>>
        %dma_wait3A_85 = arith.constant 0 : i32
        %dma_wait3A_86 = tpu.memref_slice %arg7[%scan3A_81, %dma_wait3A_85] : memref<10x125xi32, #tpu.memory_space<vmem>> -> memref<1x125xi32, #tpu.memory_space<vmem>>
        %dma_wait3A_87 = tpu.memref_squeeze %dma_wait3A_86 : memref<1x125xi32, #tpu.memory_space<vmem>> -> memref<125xi32, #tpu.memory_space<vmem>>
        %dma_wait3A_88 = arith.constant 0 : i32
        %dma_wait3A_89 = arith.constant 0 : i32
        %dma_wait3A_90 = tpu.memref_slice %arg2[%dma_wait3A_88, %dma_wait3A_89] : memref<100000x32xf32, #tpu.memory_space<hbm>> -> memref<100000x32xf32, #tpu.memory_space<hbm>>
        tpu.wait_indirect_dma semaphore(%arg10 : memref<!tpu.dma_semaphore, #tpu.memory_space<semaphore_mem>>) src(%dma_wait3A_90 : memref<100000x32xf32, #tpu.memory_space<hbm>>) dst(%dma_wait3A_84 : memref<125x32xf32, #tpu.memory_space<vmem>>)
      }
      %scan3A_62 = arith.constant 10 : i32
      %scan3A_63 = arith.constant 0 : i32
      %scan3A_64 = arith.constant 0 : i32
      %scan3A_65 = arith.constant 10 : i32
      %scan3A_66 = arith.addi %scan3A_64, %scan3A_65 : i32
      %scan3A_67 = arith.constant 1 : i32
      scf.for %scan3A_81 = %scan3A_64 to %scan3A_66 step %scan3A_67  : i32 {
        %dma_start3A = arith.constant 0 : i32
        %dma_start3A_82 = arith.constant 0 : i32
        %dma_start3A_83 = tpu.memref_slice %arg9[%scan3A_81, %dma_start3A, %dma_start3A_82] : memref<10x125x32xf32, #tpu.memory_space<vmem>> -> memref<1x125x32xf32, #tpu.memory_space<vmem>>
        %dma_start3A_84 = tpu.memref_squeeze %dma_start3A_83 : memref<1x125x32xf32, #tpu.memory_space<vmem>> -> memref<125x32xf32, #tpu.memory_space<vmem>>
        %dma_start3A_85 = arith.constant 0 : i32
        %dma_start3A_86 = tpu.memref_slice %arg8[%scan3A_81, %dma_start3A_85] : memref<10x125xi32, #tpu.memory_space<vmem>> -> memref<1x125xi32, #tpu.memory_space<vmem>>
        %dma_start3A_87 = tpu.memref_squeeze %dma_start3A_86 : memref<1x125xi32, #tpu.memory_space<vmem>> -> memref<125xi32, #tpu.memory_space<vmem>>
        %dma_start3A_88 = arith.constant 0 : i32
        %dma_start3A_89 = arith.constant 0 : i32
        %dma_start3A_90 = tpu.memref_slice %arg3[%dma_start3A_88, %dma_start3A_89] : memref<100000x32xf32, #tpu.memory_space<hbm>> -> memref<100000x32xf32, #tpu.memory_space<hbm>>
        tpu.enqueue_indirect_dma source(%dma_start3A_90 : memref<100000x32xf32, #tpu.memory_space<hbm>>) target(%dma_start3A_84 : memref<125x32xf32, #tpu.memory_space<vmem>>) offsets(%dma_start3A_87 : memref<125xi32, #tpu.memory_space<vmem>>) semaphore(%arg10 : memref<!tpu.dma_semaphore, #tpu.memory_space<semaphore_mem>>) {add = true}
      }
      %scan3A_68 = arith.constant 10 : i32
      %scan3A_69 = arith.constant 0 : i32
      %scan3A_70 = arith.constant 0 : i32
      %scan3A_71 = arith.constant 10 : i32
      %scan3A_72 = arith.addi %scan3A_70, %scan3A_71 : i32
      %scan3A_73 = arith.constant 1 : i32
      scf.for %scan3A_81 = %scan3A_70 to %scan3A_72 step %scan3A_73  : i32 {
        %dma_wait3A = arith.constant 0 : i32
        %dma_wait3A_82 = arith.constant 0 : i32
        %dma_wait3A_83 = tpu.memref_slice %arg9[%scan3A_81, %dma_wait3A, %dma_wait3A_82] : memref<10x125x32xf32, #tpu.memory_space<vmem>> -> memref<1x125x32xf32, #tpu.memory_space<vmem>>
        %dma_wait3A_84 = tpu.memref_squeeze %dma_wait3A_83 : memref<1x125x32xf32, #tpu.memory_space<vmem>> -> memref<125x32xf32, #tpu.memory_space<vmem>>
        %dma_wait3A_85 = arith.constant 0 : i32
        %dma_wait3A_86 = tpu.memref_slice %arg8[%scan3A_81, %dma_wait3A_85] : memref<10x125xi32, #tpu.memory_space<vmem>> -> memref<1x125xi32, #tpu.memory_space<vmem>>
        %dma_wait3A_87 = tpu.memref_squeeze %dma_wait3A_86 : memref<1x125xi32, #tpu.memory_space<vmem>> -> memref<125xi32, #tpu.memory_space<vmem>>
        %dma_wait3A_88 = arith.constant 0 : i32
        %dma_wait3A_89 = arith.constant 0 : i32
        %dma_wait3A_90 = tpu.memref_slice %arg3[%dma_wait3A_88, %dma_wait3A_89] : memref<100000x32xf32, #tpu.memory_space<hbm>> -> memref<100000x32xf32, #tpu.memory_space<hbm>>
        tpu.wait_indirect_dma semaphore(%arg10 : memref<!tpu.dma_semaphore, #tpu.memory_space<semaphore_mem>>) src(%dma_wait3A_90 : memref<100000x32xf32, #tpu.memory_space<hbm>>) dst(%dma_wait3A_84 : memref<125x32xf32, #tpu.memory_space<vmem>>)
      }
      %scan3A_74 = arith.constant 10 : i32
      %scan3A_75 = arith.constant 0 : i32
      %scan3A_76 = arith.constant 0 : i32
      %scan3A_77 = arith.constant 10 : i32
      %scan3A_78 = arith.addi %scan3A_76, %scan3A_77 : i32
      %scan3A_79 = arith.constant 1 : i32
      scf.for %scan3A_81 = %scan3A_76 to %scan3A_78 step %scan3A_79  : i32 {
        %mul3A_82 = arith.constant 125 : i32
        %mul3A_83 = arith.muli %scan3A_81, %mul3A_82 : i32
        %add3A_84 = arith.addi %add3A_50, %mul3A_83 : i32
        "tpu.region"() ({
          %run_scoped3A = tpu.sem_alloc : memref<!tpu.dma_semaphore, #tpu.memory_space<semaphore_mem>>
          %dma_start3A = arith.constant 0 : i32
          %dma_start3A_85 = arith.constant 0 : i32
          %dma_start3A_86 = tpu.memref_slice %arg9[%scan3A_81, %dma_start3A, %dma_start3A_85] : memref<10x125x32xf32, #tpu.memory_space<vmem>> -> memref<1x125x32xf32, #tpu.memory_space<vmem>>
          %dma_start3A_87 = tpu.memref_squeeze %dma_start3A_86 : memref<1x125x32xf32, #tpu.memory_space<vmem>> -> memref<125x32xf32, #tpu.memory_space<vmem>>
          %dma_start3A_88 = tpu.memref_slice %arg6[%add3A_84, %mul3A_18] : memref<80000x128xf32, #tpu.memory_space<hbm>> -> memref<125x32xf32, #tpu.memory_space<hbm>>
          %dma_start3A_89 = tpu.memref_slice %arg6[%add3A_84, %mul3A_18] : memref<80000x128xf32, #tpu.memory_space<hbm>> -> memref<125x32xf32, #tpu.memory_space<hbm>>
          %dma_start3A_90 = arith.constant 0 : i32
          %dma_start3A_91 = arith.constant 0 : i32
          %dma_start3A_92 = tpu.memref_slice %arg9[%scan3A_81, %dma_start3A_90, %dma_start3A_91] : memref<10x125x32xf32, #tpu.memory_space<vmem>> -> memref<1x125x32xf32, #tpu.memory_space<vmem>>
          %dma_start3A_93 = tpu.memref_squeeze %dma_start3A_92 : memref<1x125x32xf32, #tpu.memory_space<vmem>> -> memref<125x32xf32, #tpu.memory_space<vmem>>
          tpu.enqueue_dma source(%dma_start3A_93 : memref<125x32xf32, #tpu.memory_space<vmem>>) target(%dma_start3A_89 : memref<125x32xf32, #tpu.memory_space<hbm>>) target_semaphore(%run_scoped3A : memref<!tpu.dma_semaphore, #tpu.memory_space<semaphore_mem>>)
          %dma_wait3A = arith.constant 0 : i32
          %dma_wait3A_94 = arith.constant 0 : i32
          %dma_wait3A_95 = tpu.memref_slice %arg9[%scan3A_81, %dma_wait3A, %dma_wait3A_94] : memref<10x125x32xf32, #tpu.memory_space<vmem>> -> memref<1x125x32xf32, #tpu.memory_space<vmem>>
          %dma_wait3A_96 = tpu.memref_squeeze %dma_wait3A_95 : memref<1x125x32xf32, #tpu.memory_space<vmem>> -> memref<125x32xf32, #tpu.memory_space<vmem>>
          %dma_wait3A_97 = tpu.memref_slice %arg6[%add3A_84, %mul3A_18] : memref<80000x128xf32, #tpu.memory_space<hbm>> -> memref<125x32xf32, #tpu.memory_space<hbm>>
          %dma_wait3A_98 = tpu.memref_slice %arg6[%add3A_84, %mul3A_18] : memref<80000x128xf32, #tpu.memory_space<hbm>> -> memref<125x32xf32, #tpu.memory_space<hbm>>
          %dma_wait3A_99 = arith.constant 0 : i32
          %dma_wait3A_100 = arith.constant 0 : i32
          %dma_wait3A_101 = tpu.memref_slice %arg9[%scan3A_81, %dma_wait3A_99, %dma_wait3A_100] : memref<10x125x32xf32, #tpu.memory_space<vmem>> -> memref<1x125x32xf32, #tpu.memory_space<vmem>>
          %dma_wait3A_102 = tpu.memref_squeeze %dma_wait3A_101 : memref<1x125x32xf32, #tpu.memory_space<vmem>> -> memref<125x32xf32, #tpu.memory_space<vmem>>
          tpu.wait_dma2 semaphore(%run_scoped3A : memref<!tpu.dma_semaphore, #tpu.memory_space<semaphore_mem>>) src(%dma_wait3A_102 : memref<125x32xf32, #tpu.memory_space<vmem>>) dst(%dma_wait3A_98 : memref<125x32xf32, #tpu.memory_space<hbm>>)
          tpu.yield
        }) : () -> ()
      }
      %scan3A_80 = arith.constant 10 : i32
    }
    %scan3A_43 = arith.constant 8 : i32
    return
  }
}

#map = affine_map<(d0, d1) -> (0, 0)>
module attributes {stable_mosaic.version = 14 : i64} {
  func.func @_gather_body(%arg0: i32, %arg1: i32, %arg2: memref<100000x32xf32, #tpu.memory_space<hbm>>, %arg3: memref<100000x32xf32, #tpu.memory_space<hbm>>, %arg4: memref<12800x125xi32, #tpu.memory_space<hbm>>, %arg5: memref<12800x125xi32, #tpu.memory_space<hbm>>, %arg6: memref<80000x128xf32, #tpu.memory_space<hbm>>, %arg7: memref<10x125xi32, #tpu.memory_space<vmem>>, %arg8: memref<10x125xi32, #tpu.memory_space<vmem>>, %arg9: memref<10x125x32xf32, #tpu.memory_space<vmem>>, %arg10: memref<!tpu.dma_semaphore, #tpu.memory_space<semaphore_mem>>) attributes {dimension_semantics = [#tpu.dimension_semantics<core_parallel>, #tpu.dimension_semantics<subcore_parallel>], iteration_bounds = array<i64: 2, 16>, scalar_prefetch = 0 : i64, scratch_operands = 4 : i64, tpu.core_type = #tpu.core_type<sc_vector_subcore>, window_params = [{transform_indices = #map}, {transform_indices = #map}, {transform_indices = #map}, {transform_indices = #map}, {transform_indices = #map}]} {
    %mul3A = arith.constant 2 : i32
    %mul3A_0 = arith.muli %arg1, %mul3A : i32
    %add3A = arith.addi %mul3A_0, %arg0 : i32
    %jit3A = arith.constant 8 : i32
    %div3A = arith.divsi %add3A, %jit3A : i32
    %sign3A = arith.constant 0 : i32
    %sign3A_1 = arith.cmpi sgt, %add3A, %sign3A : i32
    %sign3A_2 = arith.extui %sign3A_1 : i1 to i32
    %sign3A_3 = arith.constant 0 : i32
    %sign3A_4 = arith.cmpi slt, %add3A, %sign3A_3 : i32
    %sign3A_5 = arith.extui %sign3A_4 : i1 to i32
    %sign3A_6 = arith.subi %sign3A_2, %sign3A_5 : i32
    %sign3A_7 = arith.constant 0 : i32
    %sign3A_8 = arith.cmpi sgt, %jit3A, %sign3A_7 : i32
    %sign3A_9 = arith.extui %sign3A_8 : i1 to i32
    %sign3A_10 = arith.constant 0 : i32
    %sign3A_11 = arith.cmpi slt, %jit3A, %sign3A_10 : i32
    %sign3A_12 = arith.extui %sign3A_11 : i1 to i32
    %sign3A_13 = arith.subi %sign3A_9, %sign3A_12 : i32
    %ne3A = arith.cmpi ne, %sign3A_6, %sign3A_13 : i32
    %rem3A = arith.remsi %add3A, %jit3A : i32
    %ne3A_14 = arith.constant 0 : i32
    %ne3A_15 = arith.cmpi ne, %rem3A, %ne3A_14 : i32
    %and3A = arith.andi %ne3A, %ne3A_15 : i1
    %sub3A = arith.constant 1 : i32
    %sub3A_16 = arith.subi %div3A, %sub3A : i32
    %select_n3A = arith.select %and3A, %sub3A_16, %div3A : i32
    %mul3A_17 = arith.constant 32 : i32
    %mul3A_18 = arith.muli %select_n3A, %mul3A_17 : i32
    %mul3A_19 = arith.constant 80 : i32
    %mul3A_20 = arith.muli %add3A, %mul3A_19 : i32
    %add3A_21 = arith.constant 7680 : i32
    %add3A_22 = arith.addi %add3A_21, %mul3A_20 : i32
    %jit3A_23 = arith.constant 8 : i32
    %eq3A = arith.constant 0 : i32
    %eq3A_24 = arith.cmpi eq, %jit3A_23, %eq3A : i32
    %jit3A_25 = arith.constant 1 : i32
    %select_n3A_26 = arith.select %eq3A_24, %jit3A_25, %jit3A_23 : i32
    %rem3A_27 = arith.remsi %add3A, %select_n3A_26 : i32
    %ne3A_28 = arith.constant 0 : i32
    %ne3A_29 = arith.cmpi ne, %rem3A_27, %ne3A_28 : i32
    %lt3A = arith.constant 0 : i32
    %lt3A_30 = arith.cmpi slt, %rem3A_27, %lt3A : i32
    %lt3A_31 = arith.constant 0 : i32
    %lt3A_32 = arith.cmpi slt, %select_n3A_26, %lt3A_31 : i32
    %ne3A_33 = arith.xori %lt3A_30, %lt3A_32 : i1
    %and3A_34 = arith.andi %ne3A_33, %ne3A_29 : i1
    %add3A_35 = arith.addi %rem3A_27, %select_n3A_26 : i32
    %select_n3A_36 = arith.select %and3A_34, %add3A_35, %rem3A_27 : i32
    %mul3A_37 = arith.constant 10000 : i32
    %mul3A_38 = arith.muli %select_n3A_36, %mul3A_37 : i32
    %scan3A = arith.constant 0 : i32
    %scan3A_39 = arith.constant 0 : i32
    %scan3A_40 = arith.constant 8 : i32
    %scan3A_41 = arith.addi %scan3A_39, %scan3A_40 : i32
    %scan3A_42 = arith.constant 1 : i32
    scf.for %scan3A_44 = %scan3A_39 to %scan3A_41 step %scan3A_42  : i32 {
      %mul3A_45 = arith.constant 10 : i32
      %mul3A_46 = arith.muli %scan3A_44, %mul3A_45 : i32
      %add3A_47 = arith.addi %add3A_22, %mul3A_46 : i32
      %mul3A_48 = arith.constant 1250 : i32
      %mul3A_49 = arith.muli %scan3A_44, %mul3A_48 : i32
      %add3A_50 = arith.addi %mul3A_38, %mul3A_49 : i32
      "tpu.region"() ({
        %run_scoped3A = tpu.sem_alloc : memref<!tpu.dma_semaphore, #tpu.memory_space<semaphore_mem>>
        %dma_start3A = arith.constant 0 : i32
        %dma_start3A_81 = tpu.memref_slice %arg4[%add3A_47, %dma_start3A] : memref<12800x125xi32, #tpu.memory_space<hbm>> -> memref<10x125xi32, #tpu.memory_space<hbm>>
        %dma_start3A_82 = arith.constant 0 : i32
        %dma_start3A_83 = tpu.memref_slice %arg4[%add3A_47, %dma_start3A_82] : memref<12800x125xi32, #tpu.memory_space<hbm>> -> memref<10x125xi32, #tpu.memory_space<hbm>>
        tpu.enqueue_dma source(%dma_start3A_83 : memref<10x125xi32, #tpu.memory_space<hbm>>) target(%arg7 : memref<10x125xi32, #tpu.memory_space<vmem>>) target_semaphore(%run_scoped3A : memref<!tpu.dma_semaphore, #tpu.memory_space<semaphore_mem>>)
        %dma_wait3A = arith.constant 0 : i32
        %dma_wait3A_84 = tpu.memref_slice %arg4[%add3A_47, %dma_wait3A] : memref<12800x125xi32, #tpu.memory_space<hbm>> -> memref<10x125xi32, #tpu.memory_space<hbm>>
        %dma_wait3A_85 = arith.constant 0 : i32
        %dma_wait3A_86 = tpu.memref_slice %arg4[%add3A_47, %dma_wait3A_85] : memref<12800x125xi32, #tpu.memory_space<hbm>> -> memref<10x125xi32, #tpu.memory_space<hbm>>
        tpu.wait_dma2 semaphore(%run_scoped3A : memref<!tpu.dma_semaphore, #tpu.memory_space<semaphore_mem>>) src(%dma_wait3A_86 : memref<10x125xi32, #tpu.memory_space<hbm>>) dst(%arg7 : memref<10x125xi32, #tpu.memory_space<vmem>>)
        tpu.yield
      }) : () -> ()
      "tpu.region"() ({
        %run_scoped3A = tpu.sem_alloc : memref<!tpu.dma_semaphore, #tpu.memory_space<semaphore_mem>>
        %dma_start3A = arith.constant 0 : i32
        %dma_start3A_81 = tpu.memref_slice %arg5[%add3A_47, %dma_start3A] : memref<12800x125xi32, #tpu.memory_space<hbm>> -> memref<10x125xi32, #tpu.memory_space<hbm>>
        %dma_start3A_82 = arith.constant 0 : i32
        %dma_start3A_83 = tpu.memref_slice %arg5[%add3A_47, %dma_start3A_82] : memref<12800x125xi32, #tpu.memory_space<hbm>> -> memref<10x125xi32, #tpu.memory_space<hbm>>
        tpu.enqueue_dma source(%dma_start3A_83 : memref<10x125xi32, #tpu.memory_space<hbm>>) target(%arg8 : memref<10x125xi32, #tpu.memory_space<vmem>>) target_semaphore(%run_scoped3A : memref<!tpu.dma_semaphore, #tpu.memory_space<semaphore_mem>>)
        %dma_wait3A = arith.constant 0 : i32
        %dma_wait3A_84 = tpu.memref_slice %arg5[%add3A_47, %dma_wait3A] : memref<12800x125xi32, #tpu.memory_space<hbm>> -> memref<10x125xi32, #tpu.memory_space<hbm>>
        %dma_wait3A_85 = arith.constant 0 : i32
        %dma_wait3A_86 = tpu.memref_slice %arg5[%add3A_47, %dma_wait3A_85] : memref<12800x125xi32, #tpu.memory_space<hbm>> -> memref<10x125xi32, #tpu.memory_space<hbm>>
        tpu.wait_dma2 semaphore(%run_scoped3A : memref<!tpu.dma_semaphore, #tpu.memory_space<semaphore_mem>>) src(%dma_wait3A_86 : memref<10x125xi32, #tpu.memory_space<hbm>>) dst(%arg8 : memref<10x125xi32, #tpu.memory_space<vmem>>)
        tpu.yield
      }) : () -> ()
      %scan3A_51 = arith.constant 0 : i32
      %scan3A_52 = arith.constant 0 : i32
      %scan3A_53 = arith.constant 10 : i32
      %scan3A_54 = arith.addi %scan3A_52, %scan3A_53 : i32
      %scan3A_55 = arith.constant 1 : i32
      scf.for %scan3A_81 = %scan3A_52 to %scan3A_54 step %scan3A_55  : i32 {
        %dma_start3A = arith.constant 0 : i32
        %dma_start3A_82 = arith.constant 0 : i32
        %dma_start3A_83 = tpu.memref_slice %arg9[%scan3A_81, %dma_start3A, %dma_start3A_82] : memref<10x125x32xf32, #tpu.memory_space<vmem>> -> memref<1x125x32xf32, #tpu.memory_space<vmem>>
        %dma_start3A_84 = tpu.memref_squeeze %dma_start3A_83 : memref<1x125x32xf32, #tpu.memory_space<vmem>> -> memref<125x32xf32, #tpu.memory_space<vmem>>
        %dma_start3A_85 = arith.constant 0 : i32
        %dma_start3A_86 = tpu.memref_slice %arg7[%scan3A_81, %dma_start3A_85] : memref<10x125xi32, #tpu.memory_space<vmem>> -> memref<1x125xi32, #tpu.memory_space<vmem>>
        %dma_start3A_87 = tpu.memref_squeeze %dma_start3A_86 : memref<1x125xi32, #tpu.memory_space<vmem>> -> memref<125xi32, #tpu.memory_space<vmem>>
        %dma_start3A_88 = arith.constant 0 : i32
        %dma_start3A_89 = arith.constant 0 : i32
        %dma_start3A_90 = tpu.memref_slice %arg2[%dma_start3A_88, %dma_start3A_89] : memref<100000x32xf32, #tpu.memory_space<hbm>> -> memref<100000x32xf32, #tpu.memory_space<hbm>>
        tpu.enqueue_indirect_dma source(%dma_start3A_90 : memref<100000x32xf32, #tpu.memory_space<hbm>>) target(%dma_start3A_84 : memref<125x32xf32, #tpu.memory_space<vmem>>) offsets(%dma_start3A_87 : memref<125xi32, #tpu.memory_space<vmem>>) semaphore(%arg10 : memref<!tpu.dma_semaphore, #tpu.memory_space<semaphore_mem>>)
      }
      %scan3A_56 = arith.constant 10 : i32
      %scan3A_57 = arith.constant 0 : i32
      %scan3A_58 = arith.constant 0 : i32
      %scan3A_59 = arith.constant 10 : i32
      %scan3A_60 = arith.addi %scan3A_58, %scan3A_59 : i32
      %scan3A_61 = arith.constant 1 : i32
      scf.for %scan3A_81 = %scan3A_58 to %scan3A_60 step %scan3A_61  : i32 {
        %dma_wait3A = arith.constant 0 : i32
        %dma_wait3A_82 = arith.constant 0 : i32
        %dma_wait3A_83 = tpu.memref_slice %arg9[%scan3A_81, %dma_wait3A, %dma_wait3A_82] : memref<10x125x32xf32, #tpu.memory_space<vmem>> -> memref<1x125x32xf32, #tpu.memory_space<vmem>>
        %dma_wait3A_84 = tpu.memref_squeeze %dma_wait3A_83 : memref<1x125x32xf32, #tpu.memory_space<vmem>> -> memref<125x32xf32, #tpu.memory_space<vmem>>
        %dma_wait3A_85 = arith.constant 0 : i32
        %dma_wait3A_86 = tpu.memref_slice %arg7[%scan3A_81, %dma_wait3A_85] : memref<10x125xi32, #tpu.memory_space<vmem>> -> memref<1x125xi32, #tpu.memory_space<vmem>>
        %dma_wait3A_87 = tpu.memref_squeeze %dma_wait3A_86 : memref<1x125xi32, #tpu.memory_space<vmem>> -> memref<125xi32, #tpu.memory_space<vmem>>
        %dma_wait3A_88 = arith.constant 0 : i32
        %dma_wait3A_89 = arith.constant 0 : i32
        %dma_wait3A_90 = tpu.memref_slice %arg2[%dma_wait3A_88, %dma_wait3A_89] : memref<100000x32xf32, #tpu.memory_space<hbm>> -> memref<100000x32xf32, #tpu.memory_space<hbm>>
        tpu.wait_indirect_dma semaphore(%arg10 : memref<!tpu.dma_semaphore, #tpu.memory_space<semaphore_mem>>) src(%dma_wait3A_90 : memref<100000x32xf32, #tpu.memory_space<hbm>>) dst(%dma_wait3A_84 : memref<125x32xf32, #tpu.memory_space<vmem>>)
      }
      %scan3A_62 = arith.constant 10 : i32
      %scan3A_63 = arith.constant 0 : i32
      %scan3A_64 = arith.constant 0 : i32
      %scan3A_65 = arith.constant 10 : i32
      %scan3A_66 = arith.addi %scan3A_64, %scan3A_65 : i32
      %scan3A_67 = arith.constant 1 : i32
      scf.for %scan3A_81 = %scan3A_64 to %scan3A_66 step %scan3A_67  : i32 {
        %dma_start3A = arith.constant 0 : i32
        %dma_start3A_82 = arith.constant 0 : i32
        %dma_start3A_83 = tpu.memref_slice %arg9[%scan3A_81, %dma_start3A, %dma_start3A_82] : memref<10x125x32xf32, #tpu.memory_space<vmem>> -> memref<1x125x32xf32, #tpu.memory_space<vmem>>
        %dma_start3A_84 = tpu.memref_squeeze %dma_start3A_83 : memref<1x125x32xf32, #tpu.memory_space<vmem>> -> memref<125x32xf32, #tpu.memory_space<vmem>>
        %dma_start3A_85 = arith.constant 0 : i32
        %dma_start3A_86 = tpu.memref_slice %arg8[%scan3A_81, %dma_start3A_85] : memref<10x125xi32, #tpu.memory_space<vmem>> -> memref<1x125xi32, #tpu.memory_space<vmem>>
        %dma_start3A_87 = tpu.memref_squeeze %dma_start3A_86 : memref<1x125xi32, #tpu.memory_space<vmem>> -> memref<125xi32, #tpu.memory_space<vmem>>
        %dma_start3A_88 = arith.constant 0 : i32
        %dma_start3A_89 = arith.constant 0 : i32
        %dma_start3A_90 = tpu.memref_slice %arg3[%dma_start3A_88, %dma_start3A_89] : memref<100000x32xf32, #tpu.memory_space<hbm>> -> memref<100000x32xf32, #tpu.memory_space<hbm>>
        tpu.enqueue_indirect_dma source(%dma_start3A_90 : memref<100000x32xf32, #tpu.memory_space<hbm>>) target(%dma_start3A_84 : memref<125x32xf32, #tpu.memory_space<vmem>>) offsets(%dma_start3A_87 : memref<125xi32, #tpu.memory_space<vmem>>) semaphore(%arg10 : memref<!tpu.dma_semaphore, #tpu.memory_space<semaphore_mem>>) {add = true}
      }
      %scan3A_68 = arith.constant 10 : i32
      %scan3A_69 = arith.constant 0 : i32
      %scan3A_70 = arith.constant 0 : i32
      %scan3A_71 = arith.constant 10 : i32
      %scan3A_72 = arith.addi %scan3A_70, %scan3A_71 : i32
      %scan3A_73 = arith.constant 1 : i32
      scf.for %scan3A_81 = %scan3A_70 to %scan3A_72 step %scan3A_73  : i32 {
        %dma_wait3A = arith.constant 0 : i32
        %dma_wait3A_82 = arith.constant 0 : i32
        %dma_wait3A_83 = tpu.memref_slice %arg9[%scan3A_81, %dma_wait3A, %dma_wait3A_82] : memref<10x125x32xf32, #tpu.memory_space<vmem>> -> memref<1x125x32xf32, #tpu.memory_space<vmem>>
        %dma_wait3A_84 = tpu.memref_squeeze %dma_wait3A_83 : memref<1x125x32xf32, #tpu.memory_space<vmem>> -> memref<125x32xf32, #tpu.memory_space<vmem>>
        %dma_wait3A_85 = arith.constant 0 : i32
        %dma_wait3A_86 = tpu.memref_slice %arg8[%scan3A_81, %dma_wait3A_85] : memref<10x125xi32, #tpu.memory_space<vmem>> -> memref<1x125xi32, #tpu.memory_space<vmem>>
        %dma_wait3A_87 = tpu.memref_squeeze %dma_wait3A_86 : memref<1x125xi32, #tpu.memory_space<vmem>> -> memref<125xi32, #tpu.memory_space<vmem>>
        %dma_wait3A_88 = arith.constant 0 : i32
        %dma_wait3A_89 = arith.constant 0 : i32
        %dma_wait3A_90 = tpu.memref_slice %arg3[%dma_wait3A_88, %dma_wait3A_89] : memref<100000x32xf32, #tpu.memory_space<hbm>> -> memref<100000x32xf32, #tpu.memory_space<hbm>>
        tpu.wait_indirect_dma semaphore(%arg10 : memref<!tpu.dma_semaphore, #tpu.memory_space<semaphore_mem>>) src(%dma_wait3A_90 : memref<100000x32xf32, #tpu.memory_space<hbm>>) dst(%dma_wait3A_84 : memref<125x32xf32, #tpu.memory_space<vmem>>)
      }
      %scan3A_74 = arith.constant 10 : i32
      %scan3A_75 = arith.constant 0 : i32
      %scan3A_76 = arith.constant 0 : i32
      %scan3A_77 = arith.constant 10 : i32
      %scan3A_78 = arith.addi %scan3A_76, %scan3A_77 : i32
      %scan3A_79 = arith.constant 1 : i32
      scf.for %scan3A_81 = %scan3A_76 to %scan3A_78 step %scan3A_79  : i32 {
        %mul3A_82 = arith.constant 125 : i32
        %mul3A_83 = arith.muli %scan3A_81, %mul3A_82 : i32
        %add3A_84 = arith.addi %add3A_50, %mul3A_83 : i32
        "tpu.region"() ({
          %run_scoped3A = tpu.sem_alloc : memref<!tpu.dma_semaphore, #tpu.memory_space<semaphore_mem>>
          %dma_start3A = arith.constant 0 : i32
          %dma_start3A_85 = arith.constant 0 : i32
          %dma_start3A_86 = tpu.memref_slice %arg9[%scan3A_81, %dma_start3A, %dma_start3A_85] : memref<10x125x32xf32, #tpu.memory_space<vmem>> -> memref<1x125x32xf32, #tpu.memory_space<vmem>>
          %dma_start3A_87 = tpu.memref_squeeze %dma_start3A_86 : memref<1x125x32xf32, #tpu.memory_space<vmem>> -> memref<125x32xf32, #tpu.memory_space<vmem>>
          %dma_start3A_88 = tpu.memref_slice %arg6[%add3A_84, %mul3A_18] : memref<80000x128xf32, #tpu.memory_space<hbm>> -> memref<125x32xf32, #tpu.memory_space<hbm>>
          %dma_start3A_89 = tpu.memref_slice %arg6[%add3A_84, %mul3A_18] : memref<80000x128xf32, #tpu.memory_space<hbm>> -> memref<125x32xf32, #tpu.memory_space<hbm>>
          %dma_start3A_90 = arith.constant 0 : i32
          %dma_start3A_91 = arith.constant 0 : i32
          %dma_start3A_92 = tpu.memref_slice %arg9[%scan3A_81, %dma_start3A_90, %dma_start3A_91] : memref<10x125x32xf32, #tpu.memory_space<vmem>> -> memref<1x125x32xf32, #tpu.memory_space<vmem>>
          %dma_start3A_93 = tpu.memref_squeeze %dma_start3A_92 : memref<1x125x32xf32, #tpu.memory_space<vmem>> -> memref<125x32xf32, #tpu.memory_space<vmem>>
          tpu.enqueue_dma source(%dma_start3A_93 : memref<125x32xf32, #tpu.memory_space<vmem>>) target(%dma_start3A_89 : memref<125x32xf32, #tpu.memory_space<hbm>>) target_semaphore(%run_scoped3A : memref<!tpu.dma_semaphore, #tpu.memory_space<semaphore_mem>>)
          %dma_wait3A = arith.constant 0 : i32
          %dma_wait3A_94 = arith.constant 0 : i32
          %dma_wait3A_95 = tpu.memref_slice %arg9[%scan3A_81, %dma_wait3A, %dma_wait3A_94] : memref<10x125x32xf32, #tpu.memory_space<vmem>> -> memref<1x125x32xf32, #tpu.memory_space<vmem>>
          %dma_wait3A_96 = tpu.memref_squeeze %dma_wait3A_95 : memref<1x125x32xf32, #tpu.memory_space<vmem>> -> memref<125x32xf32, #tpu.memory_space<vmem>>
          %dma_wait3A_97 = tpu.memref_slice %arg6[%add3A_84, %mul3A_18] : memref<80000x128xf32, #tpu.memory_space<hbm>> -> memref<125x32xf32, #tpu.memory_space<hbm>>
          %dma_wait3A_98 = tpu.memref_slice %arg6[%add3A_84, %mul3A_18] : memref<80000x128xf32, #tpu.memory_space<hbm>> -> memref<125x32xf32, #tpu.memory_space<hbm>>
          %dma_wait3A_99 = arith.constant 0 : i32
          %dma_wait3A_100 = arith.constant 0 : i32
          %dma_wait3A_101 = tpu.memref_slice %arg9[%scan3A_81, %dma_wait3A_99, %dma_wait3A_100] : memref<10x125x32xf32, #tpu.memory_space<vmem>> -> memref<1x125x32xf32, #tpu.memory_space<vmem>>
          %dma_wait3A_102 = tpu.memref_squeeze %dma_wait3A_101 : memref<1x125x32xf32, #tpu.memory_space<vmem>> -> memref<125x32xf32, #tpu.memory_space<vmem>>
          tpu.wait_dma2 semaphore(%run_scoped3A : memref<!tpu.dma_semaphore, #tpu.memory_space<semaphore_mem>>) src(%dma_wait3A_102 : memref<125x32xf32, #tpu.memory_space<vmem>>) dst(%dma_wait3A_98 : memref<125x32xf32, #tpu.memory_space<hbm>>)
          tpu.yield
        }) : () -> ()
      }
      %scan3A_80 = arith.constant 10 : i32
    }
    %scan3A_43 = arith.constant 8 : i32
    return
  }
}

#map = affine_map<(d0, d1) -> (0, 0)>
module attributes {stable_mosaic.version = 14 : i64} {
  func.func @_gather_body(%arg0: i32, %arg1: i32, %arg2: memref<100000x32xf32, #tpu.memory_space<hbm>>, %arg3: memref<100000x32xf32, #tpu.memory_space<hbm>>, %arg4: memref<12800x125xi32, #tpu.memory_space<hbm>>, %arg5: memref<12800x125xi32, #tpu.memory_space<hbm>>, %arg6: memref<80000x128xf32, #tpu.memory_space<hbm>>, %arg7: memref<10x125xi32, #tpu.memory_space<vmem>>, %arg8: memref<10x125xi32, #tpu.memory_space<vmem>>, %arg9: memref<10x125x32xf32, #tpu.memory_space<vmem>>, %arg10: memref<!tpu.dma_semaphore, #tpu.memory_space<semaphore_mem>>) attributes {dimension_semantics = [#tpu.dimension_semantics<core_parallel>, #tpu.dimension_semantics<subcore_parallel>], iteration_bounds = array<i64: 2, 16>, scalar_prefetch = 0 : i64, scratch_operands = 4 : i64, tpu.core_type = #tpu.core_type<sc_vector_subcore>, window_params = [{transform_indices = #map}, {transform_indices = #map}, {transform_indices = #map}, {transform_indices = #map}, {transform_indices = #map}]} {
    %mul3A = arith.constant 2 : i32
    %mul3A_0 = arith.muli %arg1, %mul3A : i32
    %add3A = arith.addi %mul3A_0, %arg0 : i32
    %jit3A = arith.constant 8 : i32
    %div3A = arith.divsi %add3A, %jit3A : i32
    %sign3A = arith.constant 0 : i32
    %sign3A_1 = arith.cmpi sgt, %add3A, %sign3A : i32
    %sign3A_2 = arith.extui %sign3A_1 : i1 to i32
    %sign3A_3 = arith.constant 0 : i32
    %sign3A_4 = arith.cmpi slt, %add3A, %sign3A_3 : i32
    %sign3A_5 = arith.extui %sign3A_4 : i1 to i32
    %sign3A_6 = arith.subi %sign3A_2, %sign3A_5 : i32
    %sign3A_7 = arith.constant 0 : i32
    %sign3A_8 = arith.cmpi sgt, %jit3A, %sign3A_7 : i32
    %sign3A_9 = arith.extui %sign3A_8 : i1 to i32
    %sign3A_10 = arith.constant 0 : i32
    %sign3A_11 = arith.cmpi slt, %jit3A, %sign3A_10 : i32
    %sign3A_12 = arith.extui %sign3A_11 : i1 to i32
    %sign3A_13 = arith.subi %sign3A_9, %sign3A_12 : i32
    %ne3A = arith.cmpi ne, %sign3A_6, %sign3A_13 : i32
    %rem3A = arith.remsi %add3A, %jit3A : i32
    %ne3A_14 = arith.constant 0 : i32
    %ne3A_15 = arith.cmpi ne, %rem3A, %ne3A_14 : i32
    %and3A = arith.andi %ne3A, %ne3A_15 : i1
    %sub3A = arith.constant 1 : i32
    %sub3A_16 = arith.subi %div3A, %sub3A : i32
    %select_n3A = arith.select %and3A, %sub3A_16, %div3A : i32
    %mul3A_17 = arith.constant 32 : i32
    %mul3A_18 = arith.muli %select_n3A, %mul3A_17 : i32
    %mul3A_19 = arith.constant 80 : i32
    %mul3A_20 = arith.muli %add3A, %mul3A_19 : i32
    %add3A_21 = arith.constant 5120 : i32
    %add3A_22 = arith.addi %add3A_21, %mul3A_20 : i32
    %jit3A_23 = arith.constant 8 : i32
    %eq3A = arith.constant 0 : i32
    %eq3A_24 = arith.cmpi eq, %jit3A_23, %eq3A : i32
    %jit3A_25 = arith.constant 1 : i32
    %select_n3A_26 = arith.select %eq3A_24, %jit3A_25, %jit3A_23 : i32
    %rem3A_27 = arith.remsi %add3A, %select_n3A_26 : i32
    %ne3A_28 = arith.constant 0 : i32
    %ne3A_29 = arith.cmpi ne, %rem3A_27, %ne3A_28 : i32
    %lt3A = arith.constant 0 : i32
    %lt3A_30 = arith.cmpi slt, %rem3A_27, %lt3A : i32
    %lt3A_31 = arith.constant 0 : i32
    %lt3A_32 = arith.cmpi slt, %select_n3A_26, %lt3A_31 : i32
    %ne3A_33 = arith.xori %lt3A_30, %lt3A_32 : i1
    %and3A_34 = arith.andi %ne3A_33, %ne3A_29 : i1
    %add3A_35 = arith.addi %rem3A_27, %select_n3A_26 : i32
    %select_n3A_36 = arith.select %and3A_34, %add3A_35, %rem3A_27 : i32
    %mul3A_37 = arith.constant 10000 : i32
    %mul3A_38 = arith.muli %select_n3A_36, %mul3A_37 : i32
    %scan3A = arith.constant 0 : i32
    %scan3A_39 = arith.constant 0 : i32
    %scan3A_40 = arith.constant 8 : i32
    %scan3A_41 = arith.addi %scan3A_39, %scan3A_40 : i32
    %scan3A_42 = arith.constant 1 : i32
    scf.for %scan3A_44 = %scan3A_39 to %scan3A_41 step %scan3A_42  : i32 {
      %mul3A_45 = arith.constant 10 : i32
      %mul3A_46 = arith.muli %scan3A_44, %mul3A_45 : i32
      %add3A_47 = arith.addi %add3A_22, %mul3A_46 : i32
      %mul3A_48 = arith.constant 1250 : i32
      %mul3A_49 = arith.muli %scan3A_44, %mul3A_48 : i32
      %add3A_50 = arith.addi %mul3A_38, %mul3A_49 : i32
      "tpu.region"() ({
        %run_scoped3A = tpu.sem_alloc : memref<!tpu.dma_semaphore, #tpu.memory_space<semaphore_mem>>
        %dma_start3A = arith.constant 0 : i32
        %dma_start3A_81 = tpu.memref_slice %arg4[%add3A_47, %dma_start3A] : memref<12800x125xi32, #tpu.memory_space<hbm>> -> memref<10x125xi32, #tpu.memory_space<hbm>>
        %dma_start3A_82 = arith.constant 0 : i32
        %dma_start3A_83 = tpu.memref_slice %arg4[%add3A_47, %dma_start3A_82] : memref<12800x125xi32, #tpu.memory_space<hbm>> -> memref<10x125xi32, #tpu.memory_space<hbm>>
        tpu.enqueue_dma source(%dma_start3A_83 : memref<10x125xi32, #tpu.memory_space<hbm>>) target(%arg7 : memref<10x125xi32, #tpu.memory_space<vmem>>) target_semaphore(%run_scoped3A : memref<!tpu.dma_semaphore, #tpu.memory_space<semaphore_mem>>)
        %dma_wait3A = arith.constant 0 : i32
        %dma_wait3A_84 = tpu.memref_slice %arg4[%add3A_47, %dma_wait3A] : memref<12800x125xi32, #tpu.memory_space<hbm>> -> memref<10x125xi32, #tpu.memory_space<hbm>>
        %dma_wait3A_85 = arith.constant 0 : i32
        %dma_wait3A_86 = tpu.memref_slice %arg4[%add3A_47, %dma_wait3A_85] : memref<12800x125xi32, #tpu.memory_space<hbm>> -> memref<10x125xi32, #tpu.memory_space<hbm>>
        tpu.wait_dma2 semaphore(%run_scoped3A : memref<!tpu.dma_semaphore, #tpu.memory_space<semaphore_mem>>) src(%dma_wait3A_86 : memref<10x125xi32, #tpu.memory_space<hbm>>) dst(%arg7 : memref<10x125xi32, #tpu.memory_space<vmem>>)
        tpu.yield
      }) : () -> ()
      "tpu.region"() ({
        %run_scoped3A = tpu.sem_alloc : memref<!tpu.dma_semaphore, #tpu.memory_space<semaphore_mem>>
        %dma_start3A = arith.constant 0 : i32
        %dma_start3A_81 = tpu.memref_slice %arg5[%add3A_47, %dma_start3A] : memref<12800x125xi32, #tpu.memory_space<hbm>> -> memref<10x125xi32, #tpu.memory_space<hbm>>
        %dma_start3A_82 = arith.constant 0 : i32
        %dma_start3A_83 = tpu.memref_slice %arg5[%add3A_47, %dma_start3A_82] : memref<12800x125xi32, #tpu.memory_space<hbm>> -> memref<10x125xi32, #tpu.memory_space<hbm>>
        tpu.enqueue_dma source(%dma_start3A_83 : memref<10x125xi32, #tpu.memory_space<hbm>>) target(%arg8 : memref<10x125xi32, #tpu.memory_space<vmem>>) target_semaphore(%run_scoped3A : memref<!tpu.dma_semaphore, #tpu.memory_space<semaphore_mem>>)
        %dma_wait3A = arith.constant 0 : i32
        %dma_wait3A_84 = tpu.memref_slice %arg5[%add3A_47, %dma_wait3A] : memref<12800x125xi32, #tpu.memory_space<hbm>> -> memref<10x125xi32, #tpu.memory_space<hbm>>
        %dma_wait3A_85 = arith.constant 0 : i32
        %dma_wait3A_86 = tpu.memref_slice %arg5[%add3A_47, %dma_wait3A_85] : memref<12800x125xi32, #tpu.memory_space<hbm>> -> memref<10x125xi32, #tpu.memory_space<hbm>>
        tpu.wait_dma2 semaphore(%run_scoped3A : memref<!tpu.dma_semaphore, #tpu.memory_space<semaphore_mem>>) src(%dma_wait3A_86 : memref<10x125xi32, #tpu.memory_space<hbm>>) dst(%arg8 : memref<10x125xi32, #tpu.memory_space<vmem>>)
        tpu.yield
      }) : () -> ()
      %scan3A_51 = arith.constant 0 : i32
      %scan3A_52 = arith.constant 0 : i32
      %scan3A_53 = arith.constant 10 : i32
      %scan3A_54 = arith.addi %scan3A_52, %scan3A_53 : i32
      %scan3A_55 = arith.constant 1 : i32
      scf.for %scan3A_81 = %scan3A_52 to %scan3A_54 step %scan3A_55  : i32 {
        %dma_start3A = arith.constant 0 : i32
        %dma_start3A_82 = arith.constant 0 : i32
        %dma_start3A_83 = tpu.memref_slice %arg9[%scan3A_81, %dma_start3A, %dma_start3A_82] : memref<10x125x32xf32, #tpu.memory_space<vmem>> -> memref<1x125x32xf32, #tpu.memory_space<vmem>>
        %dma_start3A_84 = tpu.memref_squeeze %dma_start3A_83 : memref<1x125x32xf32, #tpu.memory_space<vmem>> -> memref<125x32xf32, #tpu.memory_space<vmem>>
        %dma_start3A_85 = arith.constant 0 : i32
        %dma_start3A_86 = tpu.memref_slice %arg7[%scan3A_81, %dma_start3A_85] : memref<10x125xi32, #tpu.memory_space<vmem>> -> memref<1x125xi32, #tpu.memory_space<vmem>>
        %dma_start3A_87 = tpu.memref_squeeze %dma_start3A_86 : memref<1x125xi32, #tpu.memory_space<vmem>> -> memref<125xi32, #tpu.memory_space<vmem>>
        %dma_start3A_88 = arith.constant 0 : i32
        %dma_start3A_89 = arith.constant 0 : i32
        %dma_start3A_90 = tpu.memref_slice %arg2[%dma_start3A_88, %dma_start3A_89] : memref<100000x32xf32, #tpu.memory_space<hbm>> -> memref<100000x32xf32, #tpu.memory_space<hbm>>
        tpu.enqueue_indirect_dma source(%dma_start3A_90 : memref<100000x32xf32, #tpu.memory_space<hbm>>) target(%dma_start3A_84 : memref<125x32xf32, #tpu.memory_space<vmem>>) offsets(%dma_start3A_87 : memref<125xi32, #tpu.memory_space<vmem>>) semaphore(%arg10 : memref<!tpu.dma_semaphore, #tpu.memory_space<semaphore_mem>>)
      }
      %scan3A_56 = arith.constant 10 : i32
      %scan3A_57 = arith.constant 0 : i32
      %scan3A_58 = arith.constant 0 : i32
      %scan3A_59 = arith.constant 10 : i32
      %scan3A_60 = arith.addi %scan3A_58, %scan3A_59 : i32
      %scan3A_61 = arith.constant 1 : i32
      scf.for %scan3A_81 = %scan3A_58 to %scan3A_60 step %scan3A_61  : i32 {
        %dma_wait3A = arith.constant 0 : i32
        %dma_wait3A_82 = arith.constant 0 : i32
        %dma_wait3A_83 = tpu.memref_slice %arg9[%scan3A_81, %dma_wait3A, %dma_wait3A_82] : memref<10x125x32xf32, #tpu.memory_space<vmem>> -> memref<1x125x32xf32, #tpu.memory_space<vmem>>
        %dma_wait3A_84 = tpu.memref_squeeze %dma_wait3A_83 : memref<1x125x32xf32, #tpu.memory_space<vmem>> -> memref<125x32xf32, #tpu.memory_space<vmem>>
        %dma_wait3A_85 = arith.constant 0 : i32
        %dma_wait3A_86 = tpu.memref_slice %arg7[%scan3A_81, %dma_wait3A_85] : memref<10x125xi32, #tpu.memory_space<vmem>> -> memref<1x125xi32, #tpu.memory_space<vmem>>
        %dma_wait3A_87 = tpu.memref_squeeze %dma_wait3A_86 : memref<1x125xi32, #tpu.memory_space<vmem>> -> memref<125xi32, #tpu.memory_space<vmem>>
        %dma_wait3A_88 = arith.constant 0 : i32
        %dma_wait3A_89 = arith.constant 0 : i32
        %dma_wait3A_90 = tpu.memref_slice %arg2[%dma_wait3A_88, %dma_wait3A_89] : memref<100000x32xf32, #tpu.memory_space<hbm>> -> memref<100000x32xf32, #tpu.memory_space<hbm>>
        tpu.wait_indirect_dma semaphore(%arg10 : memref<!tpu.dma_semaphore, #tpu.memory_space<semaphore_mem>>) src(%dma_wait3A_90 : memref<100000x32xf32, #tpu.memory_space<hbm>>) dst(%dma_wait3A_84 : memref<125x32xf32, #tpu.memory_space<vmem>>)
      }
      %scan3A_62 = arith.constant 10 : i32
      %scan3A_63 = arith.constant 0 : i32
      %scan3A_64 = arith.constant 0 : i32
      %scan3A_65 = arith.constant 10 : i32
      %scan3A_66 = arith.addi %scan3A_64, %scan3A_65 : i32
      %scan3A_67 = arith.constant 1 : i32
      scf.for %scan3A_81 = %scan3A_64 to %scan3A_66 step %scan3A_67  : i32 {
        %dma_start3A = arith.constant 0 : i32
        %dma_start3A_82 = arith.constant 0 : i32
        %dma_start3A_83 = tpu.memref_slice %arg9[%scan3A_81, %dma_start3A, %dma_start3A_82] : memref<10x125x32xf32, #tpu.memory_space<vmem>> -> memref<1x125x32xf32, #tpu.memory_space<vmem>>
        %dma_start3A_84 = tpu.memref_squeeze %dma_start3A_83 : memref<1x125x32xf32, #tpu.memory_space<vmem>> -> memref<125x32xf32, #tpu.memory_space<vmem>>
        %dma_start3A_85 = arith.constant 0 : i32
        %dma_start3A_86 = tpu.memref_slice %arg8[%scan3A_81, %dma_start3A_85] : memref<10x125xi32, #tpu.memory_space<vmem>> -> memref<1x125xi32, #tpu.memory_space<vmem>>
        %dma_start3A_87 = tpu.memref_squeeze %dma_start3A_86 : memref<1x125xi32, #tpu.memory_space<vmem>> -> memref<125xi32, #tpu.memory_space<vmem>>
        %dma_start3A_88 = arith.constant 0 : i32
        %dma_start3A_89 = arith.constant 0 : i32
        %dma_start3A_90 = tpu.memref_slice %arg3[%dma_start3A_88, %dma_start3A_89] : memref<100000x32xf32, #tpu.memory_space<hbm>> -> memref<100000x32xf32, #tpu.memory_space<hbm>>
        tpu.enqueue_indirect_dma source(%dma_start3A_90 : memref<100000x32xf32, #tpu.memory_space<hbm>>) target(%dma_start3A_84 : memref<125x32xf32, #tpu.memory_space<vmem>>) offsets(%dma_start3A_87 : memref<125xi32, #tpu.memory_space<vmem>>) semaphore(%arg10 : memref<!tpu.dma_semaphore, #tpu.memory_space<semaphore_mem>>) {add = true}
      }
      %scan3A_68 = arith.constant 10 : i32
      %scan3A_69 = arith.constant 0 : i32
      %scan3A_70 = arith.constant 0 : i32
      %scan3A_71 = arith.constant 10 : i32
      %scan3A_72 = arith.addi %scan3A_70, %scan3A_71 : i32
      %scan3A_73 = arith.constant 1 : i32
      scf.for %scan3A_81 = %scan3A_70 to %scan3A_72 step %scan3A_73  : i32 {
        %dma_wait3A = arith.constant 0 : i32
        %dma_wait3A_82 = arith.constant 0 : i32
        %dma_wait3A_83 = tpu.memref_slice %arg9[%scan3A_81, %dma_wait3A, %dma_wait3A_82] : memref<10x125x32xf32, #tpu.memory_space<vmem>> -> memref<1x125x32xf32, #tpu.memory_space<vmem>>
        %dma_wait3A_84 = tpu.memref_squeeze %dma_wait3A_83 : memref<1x125x32xf32, #tpu.memory_space<vmem>> -> memref<125x32xf32, #tpu.memory_space<vmem>>
        %dma_wait3A_85 = arith.constant 0 : i32
        %dma_wait3A_86 = tpu.memref_slice %arg8[%scan3A_81, %dma_wait3A_85] : memref<10x125xi32, #tpu.memory_space<vmem>> -> memref<1x125xi32, #tpu.memory_space<vmem>>
        %dma_wait3A_87 = tpu.memref_squeeze %dma_wait3A_86 : memref<1x125xi32, #tpu.memory_space<vmem>> -> memref<125xi32, #tpu.memory_space<vmem>>
        %dma_wait3A_88 = arith.constant 0 : i32
        %dma_wait3A_89 = arith.constant 0 : i32
        %dma_wait3A_90 = tpu.memref_slice %arg3[%dma_wait3A_88, %dma_wait3A_89] : memref<100000x32xf32, #tpu.memory_space<hbm>> -> memref<100000x32xf32, #tpu.memory_space<hbm>>
        tpu.wait_indirect_dma semaphore(%arg10 : memref<!tpu.dma_semaphore, #tpu.memory_space<semaphore_mem>>) src(%dma_wait3A_90 : memref<100000x32xf32, #tpu.memory_space<hbm>>) dst(%dma_wait3A_84 : memref<125x32xf32, #tpu.memory_space<vmem>>)
      }
      %scan3A_74 = arith.constant 10 : i32
      %scan3A_75 = arith.constant 0 : i32
      %scan3A_76 = arith.constant 0 : i32
      %scan3A_77 = arith.constant 10 : i32
      %scan3A_78 = arith.addi %scan3A_76, %scan3A_77 : i32
      %scan3A_79 = arith.constant 1 : i32
      scf.for %scan3A_81 = %scan3A_76 to %scan3A_78 step %scan3A_79  : i32 {
        %mul3A_82 = arith.constant 125 : i32
        %mul3A_83 = arith.muli %scan3A_81, %mul3A_82 : i32
        %add3A_84 = arith.addi %add3A_50, %mul3A_83 : i32
        "tpu.region"() ({
          %run_scoped3A = tpu.sem_alloc : memref<!tpu.dma_semaphore, #tpu.memory_space<semaphore_mem>>
          %dma_start3A = arith.constant 0 : i32
          %dma_start3A_85 = arith.constant 0 : i32
          %dma_start3A_86 = tpu.memref_slice %arg9[%scan3A_81, %dma_start3A, %dma_start3A_85] : memref<10x125x32xf32, #tpu.memory_space<vmem>> -> memref<1x125x32xf32, #tpu.memory_space<vmem>>
          %dma_start3A_87 = tpu.memref_squeeze %dma_start3A_86 : memref<1x125x32xf32, #tpu.memory_space<vmem>> -> memref<125x32xf32, #tpu.memory_space<vmem>>
          %dma_start3A_88 = tpu.memref_slice %arg6[%add3A_84, %mul3A_18] : memref<80000x128xf32, #tpu.memory_space<hbm>> -> memref<125x32xf32, #tpu.memory_space<hbm>>
          %dma_start3A_89 = tpu.memref_slice %arg6[%add3A_84, %mul3A_18] : memref<80000x128xf32, #tpu.memory_space<hbm>> -> memref<125x32xf32, #tpu.memory_space<hbm>>
          %dma_start3A_90 = arith.constant 0 : i32
          %dma_start3A_91 = arith.constant 0 : i32
          %dma_start3A_92 = tpu.memref_slice %arg9[%scan3A_81, %dma_start3A_90, %dma_start3A_91] : memref<10x125x32xf32, #tpu.memory_space<vmem>> -> memref<1x125x32xf32, #tpu.memory_space<vmem>>
          %dma_start3A_93 = tpu.memref_squeeze %dma_start3A_92 : memref<1x125x32xf32, #tpu.memory_space<vmem>> -> memref<125x32xf32, #tpu.memory_space<vmem>>
          tpu.enqueue_dma source(%dma_start3A_93 : memref<125x32xf32, #tpu.memory_space<vmem>>) target(%dma_start3A_89 : memref<125x32xf32, #tpu.memory_space<hbm>>) target_semaphore(%run_scoped3A : memref<!tpu.dma_semaphore, #tpu.memory_space<semaphore_mem>>)
          %dma_wait3A = arith.constant 0 : i32
          %dma_wait3A_94 = arith.constant 0 : i32
          %dma_wait3A_95 = tpu.memref_slice %arg9[%scan3A_81, %dma_wait3A, %dma_wait3A_94] : memref<10x125x32xf32, #tpu.memory_space<vmem>> -> memref<1x125x32xf32, #tpu.memory_space<vmem>>
          %dma_wait3A_96 = tpu.memref_squeeze %dma_wait3A_95 : memref<1x125x32xf32, #tpu.memory_space<vmem>> -> memref<125x32xf32, #tpu.memory_space<vmem>>
          %dma_wait3A_97 = tpu.memref_slice %arg6[%add3A_84, %mul3A_18] : memref<80000x128xf32, #tpu.memory_space<hbm>> -> memref<125x32xf32, #tpu.memory_space<hbm>>
          %dma_wait3A_98 = tpu.memref_slice %arg6[%add3A_84, %mul3A_18] : memref<80000x128xf32, #tpu.memory_space<hbm>> -> memref<125x32xf32, #tpu.memory_space<hbm>>
          %dma_wait3A_99 = arith.constant 0 : i32
          %dma_wait3A_100 = arith.constant 0 : i32
          %dma_wait3A_101 = tpu.memref_slice %arg9[%scan3A_81, %dma_wait3A_99, %dma_wait3A_100] : memref<10x125x32xf32, #tpu.memory_space<vmem>> -> memref<1x125x32xf32, #tpu.memory_space<vmem>>
          %dma_wait3A_102 = tpu.memref_squeeze %dma_wait3A_101 : memref<1x125x32xf32, #tpu.memory_space<vmem>> -> memref<125x32xf32, #tpu.memory_space<vmem>>
          tpu.wait_dma2 semaphore(%run_scoped3A : memref<!tpu.dma_semaphore, #tpu.memory_space<semaphore_mem>>) src(%dma_wait3A_102 : memref<125x32xf32, #tpu.memory_space<vmem>>) dst(%dma_wait3A_98 : memref<125x32xf32, #tpu.memory_space<hbm>>)
          tpu.yield
        }) : () -> ()
      }
      %scan3A_80 = arith.constant 10 : i32
    }
    %scan3A_43 = arith.constant 8 : i32
    return
  }
}

#map = affine_map<(d0, d1) -> (0, 0)>
module attributes {stable_mosaic.version = 14 : i64} {
  func.func @_gather_body(%arg0: i32, %arg1: i32, %arg2: memref<100000x32xf32, #tpu.memory_space<hbm>>, %arg3: memref<100000x32xf32, #tpu.memory_space<hbm>>, %arg4: memref<12800x125xi32, #tpu.memory_space<hbm>>, %arg5: memref<12800x125xi32, #tpu.memory_space<hbm>>, %arg6: memref<80000x128xf32, #tpu.memory_space<hbm>>, %arg7: memref<10x125xi32, #tpu.memory_space<vmem>>, %arg8: memref<10x125xi32, #tpu.memory_space<vmem>>, %arg9: memref<10x125x32xf32, #tpu.memory_space<vmem>>, %arg10: memref<!tpu.dma_semaphore, #tpu.memory_space<semaphore_mem>>) attributes {dimension_semantics = [#tpu.dimension_semantics<core_parallel>, #tpu.dimension_semantics<subcore_parallel>], iteration_bounds = array<i64: 2, 16>, scalar_prefetch = 0 : i64, scratch_operands = 4 : i64, tpu.core_type = #tpu.core_type<sc_vector_subcore>, window_params = [{transform_indices = #map}, {transform_indices = #map}, {transform_indices = #map}, {transform_indices = #map}, {transform_indices = #map}]} {
    %mul3A = arith.constant 2 : i32
    %mul3A_0 = arith.muli %arg1, %mul3A : i32
    %add3A = arith.addi %mul3A_0, %arg0 : i32
    %jit3A = arith.constant 8 : i32
    %div3A = arith.divsi %add3A, %jit3A : i32
    %sign3A = arith.constant 0 : i32
    %sign3A_1 = arith.cmpi sgt, %add3A, %sign3A : i32
    %sign3A_2 = arith.extui %sign3A_1 : i1 to i32
    %sign3A_3 = arith.constant 0 : i32
    %sign3A_4 = arith.cmpi slt, %add3A, %sign3A_3 : i32
    %sign3A_5 = arith.extui %sign3A_4 : i1 to i32
    %sign3A_6 = arith.subi %sign3A_2, %sign3A_5 : i32
    %sign3A_7 = arith.constant 0 : i32
    %sign3A_8 = arith.cmpi sgt, %jit3A, %sign3A_7 : i32
    %sign3A_9 = arith.extui %sign3A_8 : i1 to i32
    %sign3A_10 = arith.constant 0 : i32
    %sign3A_11 = arith.cmpi slt, %jit3A, %sign3A_10 : i32
    %sign3A_12 = arith.extui %sign3A_11 : i1 to i32
    %sign3A_13 = arith.subi %sign3A_9, %sign3A_12 : i32
    %ne3A = arith.cmpi ne, %sign3A_6, %sign3A_13 : i32
    %rem3A = arith.remsi %add3A, %jit3A : i32
    %ne3A_14 = arith.constant 0 : i32
    %ne3A_15 = arith.cmpi ne, %rem3A, %ne3A_14 : i32
    %and3A = arith.andi %ne3A, %ne3A_15 : i1
    %sub3A = arith.constant 1 : i32
    %sub3A_16 = arith.subi %div3A, %sub3A : i32
    %select_n3A = arith.select %and3A, %sub3A_16, %div3A : i32
    %mul3A_17 = arith.constant 32 : i32
    %mul3A_18 = arith.muli %select_n3A, %mul3A_17 : i32
    %mul3A_19 = arith.constant 80 : i32
    %mul3A_20 = arith.muli %add3A, %mul3A_19 : i32
    %add3A_21 = arith.constant 2560 : i32
    %add3A_22 = arith.addi %add3A_21, %mul3A_20 : i32
    %jit3A_23 = arith.constant 8 : i32
    %eq3A = arith.constant 0 : i32
    %eq3A_24 = arith.cmpi eq, %jit3A_23, %eq3A : i32
    %jit3A_25 = arith.constant 1 : i32
    %select_n3A_26 = arith.select %eq3A_24, %jit3A_25, %jit3A_23 : i32
    %rem3A_27 = arith.remsi %add3A, %select_n3A_26 : i32
    %ne3A_28 = arith.constant 0 : i32
    %ne3A_29 = arith.cmpi ne, %rem3A_27, %ne3A_28 : i32
    %lt3A = arith.constant 0 : i32
    %lt3A_30 = arith.cmpi slt, %rem3A_27, %lt3A : i32
    %lt3A_31 = arith.constant 0 : i32
    %lt3A_32 = arith.cmpi slt, %select_n3A_26, %lt3A_31 : i32
    %ne3A_33 = arith.xori %lt3A_30, %lt3A_32 : i1
    %and3A_34 = arith.andi %ne3A_33, %ne3A_29 : i1
    %add3A_35 = arith.addi %rem3A_27, %select_n3A_26 : i32
    %select_n3A_36 = arith.select %and3A_34, %add3A_35, %rem3A_27 : i32
    %mul3A_37 = arith.constant 10000 : i32
    %mul3A_38 = arith.muli %select_n3A_36, %mul3A_37 : i32
    %scan3A = arith.constant 0 : i32
    %scan3A_39 = arith.constant 0 : i32
    %scan3A_40 = arith.constant 8 : i32
    %scan3A_41 = arith.addi %scan3A_39, %scan3A_40 : i32
    %scan3A_42 = arith.constant 1 : i32
    scf.for %scan3A_44 = %scan3A_39 to %scan3A_41 step %scan3A_42  : i32 {
      %mul3A_45 = arith.constant 10 : i32
      %mul3A_46 = arith.muli %scan3A_44, %mul3A_45 : i32
      %add3A_47 = arith.addi %add3A_22, %mul3A_46 : i32
      %mul3A_48 = arith.constant 1250 : i32
      %mul3A_49 = arith.muli %scan3A_44, %mul3A_48 : i32
      %add3A_50 = arith.addi %mul3A_38, %mul3A_49 : i32
      "tpu.region"() ({
        %run_scoped3A = tpu.sem_alloc : memref<!tpu.dma_semaphore, #tpu.memory_space<semaphore_mem>>
        %dma_start3A = arith.constant 0 : i32
        %dma_start3A_81 = tpu.memref_slice %arg4[%add3A_47, %dma_start3A] : memref<12800x125xi32, #tpu.memory_space<hbm>> -> memref<10x125xi32, #tpu.memory_space<hbm>>
        %dma_start3A_82 = arith.constant 0 : i32
        %dma_start3A_83 = tpu.memref_slice %arg4[%add3A_47, %dma_start3A_82] : memref<12800x125xi32, #tpu.memory_space<hbm>> -> memref<10x125xi32, #tpu.memory_space<hbm>>
        tpu.enqueue_dma source(%dma_start3A_83 : memref<10x125xi32, #tpu.memory_space<hbm>>) target(%arg7 : memref<10x125xi32, #tpu.memory_space<vmem>>) target_semaphore(%run_scoped3A : memref<!tpu.dma_semaphore, #tpu.memory_space<semaphore_mem>>)
        %dma_wait3A = arith.constant 0 : i32
        %dma_wait3A_84 = tpu.memref_slice %arg4[%add3A_47, %dma_wait3A] : memref<12800x125xi32, #tpu.memory_space<hbm>> -> memref<10x125xi32, #tpu.memory_space<hbm>>
        %dma_wait3A_85 = arith.constant 0 : i32
        %dma_wait3A_86 = tpu.memref_slice %arg4[%add3A_47, %dma_wait3A_85] : memref<12800x125xi32, #tpu.memory_space<hbm>> -> memref<10x125xi32, #tpu.memory_space<hbm>>
        tpu.wait_dma2 semaphore(%run_scoped3A : memref<!tpu.dma_semaphore, #tpu.memory_space<semaphore_mem>>) src(%dma_wait3A_86 : memref<10x125xi32, #tpu.memory_space<hbm>>) dst(%arg7 : memref<10x125xi32, #tpu.memory_space<vmem>>)
        tpu.yield
      }) : () -> ()
      "tpu.region"() ({
        %run_scoped3A = tpu.sem_alloc : memref<!tpu.dma_semaphore, #tpu.memory_space<semaphore_mem>>
        %dma_start3A = arith.constant 0 : i32
        %dma_start3A_81 = tpu.memref_slice %arg5[%add3A_47, %dma_start3A] : memref<12800x125xi32, #tpu.memory_space<hbm>> -> memref<10x125xi32, #tpu.memory_space<hbm>>
        %dma_start3A_82 = arith.constant 0 : i32
        %dma_start3A_83 = tpu.memref_slice %arg5[%add3A_47, %dma_start3A_82] : memref<12800x125xi32, #tpu.memory_space<hbm>> -> memref<10x125xi32, #tpu.memory_space<hbm>>
        tpu.enqueue_dma source(%dma_start3A_83 : memref<10x125xi32, #tpu.memory_space<hbm>>) target(%arg8 : memref<10x125xi32, #tpu.memory_space<vmem>>) target_semaphore(%run_scoped3A : memref<!tpu.dma_semaphore, #tpu.memory_space<semaphore_mem>>)
        %dma_wait3A = arith.constant 0 : i32
        %dma_wait3A_84 = tpu.memref_slice %arg5[%add3A_47, %dma_wait3A] : memref<12800x125xi32, #tpu.memory_space<hbm>> -> memref<10x125xi32, #tpu.memory_space<hbm>>
        %dma_wait3A_85 = arith.constant 0 : i32
        %dma_wait3A_86 = tpu.memref_slice %arg5[%add3A_47, %dma_wait3A_85] : memref<12800x125xi32, #tpu.memory_space<hbm>> -> memref<10x125xi32, #tpu.memory_space<hbm>>
        tpu.wait_dma2 semaphore(%run_scoped3A : memref<!tpu.dma_semaphore, #tpu.memory_space<semaphore_mem>>) src(%dma_wait3A_86 : memref<10x125xi32, #tpu.memory_space<hbm>>) dst(%arg8 : memref<10x125xi32, #tpu.memory_space<vmem>>)
        tpu.yield
      }) : () -> ()
      %scan3A_51 = arith.constant 0 : i32
      %scan3A_52 = arith.constant 0 : i32
      %scan3A_53 = arith.constant 10 : i32
      %scan3A_54 = arith.addi %scan3A_52, %scan3A_53 : i32
      %scan3A_55 = arith.constant 1 : i32
      scf.for %scan3A_81 = %scan3A_52 to %scan3A_54 step %scan3A_55  : i32 {
        %dma_start3A = arith.constant 0 : i32
        %dma_start3A_82 = arith.constant 0 : i32
        %dma_start3A_83 = tpu.memref_slice %arg9[%scan3A_81, %dma_start3A, %dma_start3A_82] : memref<10x125x32xf32, #tpu.memory_space<vmem>> -> memref<1x125x32xf32, #tpu.memory_space<vmem>>
        %dma_start3A_84 = tpu.memref_squeeze %dma_start3A_83 : memref<1x125x32xf32, #tpu.memory_space<vmem>> -> memref<125x32xf32, #tpu.memory_space<vmem>>
        %dma_start3A_85 = arith.constant 0 : i32
        %dma_start3A_86 = tpu.memref_slice %arg7[%scan3A_81, %dma_start3A_85] : memref<10x125xi32, #tpu.memory_space<vmem>> -> memref<1x125xi32, #tpu.memory_space<vmem>>
        %dma_start3A_87 = tpu.memref_squeeze %dma_start3A_86 : memref<1x125xi32, #tpu.memory_space<vmem>> -> memref<125xi32, #tpu.memory_space<vmem>>
        %dma_start3A_88 = arith.constant 0 : i32
        %dma_start3A_89 = arith.constant 0 : i32
        %dma_start3A_90 = tpu.memref_slice %arg2[%dma_start3A_88, %dma_start3A_89] : memref<100000x32xf32, #tpu.memory_space<hbm>> -> memref<100000x32xf32, #tpu.memory_space<hbm>>
        tpu.enqueue_indirect_dma source(%dma_start3A_90 : memref<100000x32xf32, #tpu.memory_space<hbm>>) target(%dma_start3A_84 : memref<125x32xf32, #tpu.memory_space<vmem>>) offsets(%dma_start3A_87 : memref<125xi32, #tpu.memory_space<vmem>>) semaphore(%arg10 : memref<!tpu.dma_semaphore, #tpu.memory_space<semaphore_mem>>)
      }
      %scan3A_56 = arith.constant 10 : i32
      %scan3A_57 = arith.constant 0 : i32
      %scan3A_58 = arith.constant 0 : i32
      %scan3A_59 = arith.constant 10 : i32
      %scan3A_60 = arith.addi %scan3A_58, %scan3A_59 : i32
      %scan3A_61 = arith.constant 1 : i32
      scf.for %scan3A_81 = %scan3A_58 to %scan3A_60 step %scan3A_61  : i32 {
        %dma_wait3A = arith.constant 0 : i32
        %dma_wait3A_82 = arith.constant 0 : i32
        %dma_wait3A_83 = tpu.memref_slice %arg9[%scan3A_81, %dma_wait3A, %dma_wait3A_82] : memref<10x125x32xf32, #tpu.memory_space<vmem>> -> memref<1x125x32xf32, #tpu.memory_space<vmem>>
        %dma_wait3A_84 = tpu.memref_squeeze %dma_wait3A_83 : memref<1x125x32xf32, #tpu.memory_space<vmem>> -> memref<125x32xf32, #tpu.memory_space<vmem>>
        %dma_wait3A_85 = arith.constant 0 : i32
        %dma_wait3A_86 = tpu.memref_slice %arg7[%scan3A_81, %dma_wait3A_85] : memref<10x125xi32, #tpu.memory_space<vmem>> -> memref<1x125xi32, #tpu.memory_space<vmem>>
        %dma_wait3A_87 = tpu.memref_squeeze %dma_wait3A_86 : memref<1x125xi32, #tpu.memory_space<vmem>> -> memref<125xi32, #tpu.memory_space<vmem>>
        %dma_wait3A_88 = arith.constant 0 : i32
        %dma_wait3A_89 = arith.constant 0 : i32
        %dma_wait3A_90 = tpu.memref_slice %arg2[%dma_wait3A_88, %dma_wait3A_89] : memref<100000x32xf32, #tpu.memory_space<hbm>> -> memref<100000x32xf32, #tpu.memory_space<hbm>>
        tpu.wait_indirect_dma semaphore(%arg10 : memref<!tpu.dma_semaphore, #tpu.memory_space<semaphore_mem>>) src(%dma_wait3A_90 : memref<100000x32xf32, #tpu.memory_space<hbm>>) dst(%dma_wait3A_84 : memref<125x32xf32, #tpu.memory_space<vmem>>)
      }
      %scan3A_62 = arith.constant 10 : i32
      %scan3A_63 = arith.constant 0 : i32
      %scan3A_64 = arith.constant 0 : i32
      %scan3A_65 = arith.constant 10 : i32
      %scan3A_66 = arith.addi %scan3A_64, %scan3A_65 : i32
      %scan3A_67 = arith.constant 1 : i32
      scf.for %scan3A_81 = %scan3A_64 to %scan3A_66 step %scan3A_67  : i32 {
        %dma_start3A = arith.constant 0 : i32
        %dma_start3A_82 = arith.constant 0 : i32
        %dma_start3A_83 = tpu.memref_slice %arg9[%scan3A_81, %dma_start3A, %dma_start3A_82] : memref<10x125x32xf32, #tpu.memory_space<vmem>> -> memref<1x125x32xf32, #tpu.memory_space<vmem>>
        %dma_start3A_84 = tpu.memref_squeeze %dma_start3A_83 : memref<1x125x32xf32, #tpu.memory_space<vmem>> -> memref<125x32xf32, #tpu.memory_space<vmem>>
        %dma_start3A_85 = arith.constant 0 : i32
        %dma_start3A_86 = tpu.memref_slice %arg8[%scan3A_81, %dma_start3A_85] : memref<10x125xi32, #tpu.memory_space<vmem>> -> memref<1x125xi32, #tpu.memory_space<vmem>>
        %dma_start3A_87 = tpu.memref_squeeze %dma_start3A_86 : memref<1x125xi32, #tpu.memory_space<vmem>> -> memref<125xi32, #tpu.memory_space<vmem>>
        %dma_start3A_88 = arith.constant 0 : i32
        %dma_start3A_89 = arith.constant 0 : i32
        %dma_start3A_90 = tpu.memref_slice %arg3[%dma_start3A_88, %dma_start3A_89] : memref<100000x32xf32, #tpu.memory_space<hbm>> -> memref<100000x32xf32, #tpu.memory_space<hbm>>
        tpu.enqueue_indirect_dma source(%dma_start3A_90 : memref<100000x32xf32, #tpu.memory_space<hbm>>) target(%dma_start3A_84 : memref<125x32xf32, #tpu.memory_space<vmem>>) offsets(%dma_start3A_87 : memref<125xi32, #tpu.memory_space<vmem>>) semaphore(%arg10 : memref<!tpu.dma_semaphore, #tpu.memory_space<semaphore_mem>>) {add = true}
      }
      %scan3A_68 = arith.constant 10 : i32
      %scan3A_69 = arith.constant 0 : i32
      %scan3A_70 = arith.constant 0 : i32
      %scan3A_71 = arith.constant 10 : i32
      %scan3A_72 = arith.addi %scan3A_70, %scan3A_71 : i32
      %scan3A_73 = arith.constant 1 : i32
      scf.for %scan3A_81 = %scan3A_70 to %scan3A_72 step %scan3A_73  : i32 {
        %dma_wait3A = arith.constant 0 : i32
        %dma_wait3A_82 = arith.constant 0 : i32
        %dma_wait3A_83 = tpu.memref_slice %arg9[%scan3A_81, %dma_wait3A, %dma_wait3A_82] : memref<10x125x32xf32, #tpu.memory_space<vmem>> -> memref<1x125x32xf32, #tpu.memory_space<vmem>>
        %dma_wait3A_84 = tpu.memref_squeeze %dma_wait3A_83 : memref<1x125x32xf32, #tpu.memory_space<vmem>> -> memref<125x32xf32, #tpu.memory_space<vmem>>
        %dma_wait3A_85 = arith.constant 0 : i32
        %dma_wait3A_86 = tpu.memref_slice %arg8[%scan3A_81, %dma_wait3A_85] : memref<10x125xi32, #tpu.memory_space<vmem>> -> memref<1x125xi32, #tpu.memory_space<vmem>>
        %dma_wait3A_87 = tpu.memref_squeeze %dma_wait3A_86 : memref<1x125xi32, #tpu.memory_space<vmem>> -> memref<125xi32, #tpu.memory_space<vmem>>
        %dma_wait3A_88 = arith.constant 0 : i32
        %dma_wait3A_89 = arith.constant 0 : i32
        %dma_wait3A_90 = tpu.memref_slice %arg3[%dma_wait3A_88, %dma_wait3A_89] : memref<100000x32xf32, #tpu.memory_space<hbm>> -> memref<100000x32xf32, #tpu.memory_space<hbm>>
        tpu.wait_indirect_dma semaphore(%arg10 : memref<!tpu.dma_semaphore, #tpu.memory_space<semaphore_mem>>) src(%dma_wait3A_90 : memref<100000x32xf32, #tpu.memory_space<hbm>>) dst(%dma_wait3A_84 : memref<125x32xf32, #tpu.memory_space<vmem>>)
      }
      %scan3A_74 = arith.constant 10 : i32
      %scan3A_75 = arith.constant 0 : i32
      %scan3A_76 = arith.constant 0 : i32
      %scan3A_77 = arith.constant 10 : i32
      %scan3A_78 = arith.addi %scan3A_76, %scan3A_77 : i32
      %scan3A_79 = arith.constant 1 : i32
      scf.for %scan3A_81 = %scan3A_76 to %scan3A_78 step %scan3A_79  : i32 {
        %mul3A_82 = arith.constant 125 : i32
        %mul3A_83 = arith.muli %scan3A_81, %mul3A_82 : i32
        %add3A_84 = arith.addi %add3A_50, %mul3A_83 : i32
        "tpu.region"() ({
          %run_scoped3A = tpu.sem_alloc : memref<!tpu.dma_semaphore, #tpu.memory_space<semaphore_mem>>
          %dma_start3A = arith.constant 0 : i32
          %dma_start3A_85 = arith.constant 0 : i32
          %dma_start3A_86 = tpu.memref_slice %arg9[%scan3A_81, %dma_start3A, %dma_start3A_85] : memref<10x125x32xf32, #tpu.memory_space<vmem>> -> memref<1x125x32xf32, #tpu.memory_space<vmem>>
          %dma_start3A_87 = tpu.memref_squeeze %dma_start3A_86 : memref<1x125x32xf32, #tpu.memory_space<vmem>> -> memref<125x32xf32, #tpu.memory_space<vmem>>
          %dma_start3A_88 = tpu.memref_slice %arg6[%add3A_84, %mul3A_18] : memref<80000x128xf32, #tpu.memory_space<hbm>> -> memref<125x32xf32, #tpu.memory_space<hbm>>
          %dma_start3A_89 = tpu.memref_slice %arg6[%add3A_84, %mul3A_18] : memref<80000x128xf32, #tpu.memory_space<hbm>> -> memref<125x32xf32, #tpu.memory_space<hbm>>
          %dma_start3A_90 = arith.constant 0 : i32
          %dma_start3A_91 = arith.constant 0 : i32
          %dma_start3A_92 = tpu.memref_slice %arg9[%scan3A_81, %dma_start3A_90, %dma_start3A_91] : memref<10x125x32xf32, #tpu.memory_space<vmem>> -> memref<1x125x32xf32, #tpu.memory_space<vmem>>
          %dma_start3A_93 = tpu.memref_squeeze %dma_start3A_92 : memref<1x125x32xf32, #tpu.memory_space<vmem>> -> memref<125x32xf32, #tpu.memory_space<vmem>>
          tpu.enqueue_dma source(%dma_start3A_93 : memref<125x32xf32, #tpu.memory_space<vmem>>) target(%dma_start3A_89 : memref<125x32xf32, #tpu.memory_space<hbm>>) target_semaphore(%run_scoped3A : memref<!tpu.dma_semaphore, #tpu.memory_space<semaphore_mem>>)
          %dma_wait3A = arith.constant 0 : i32
          %dma_wait3A_94 = arith.constant 0 : i32
          %dma_wait3A_95 = tpu.memref_slice %arg9[%scan3A_81, %dma_wait3A, %dma_wait3A_94] : memref<10x125x32xf32, #tpu.memory_space<vmem>> -> memref<1x125x32xf32, #tpu.memory_space<vmem>>
          %dma_wait3A_96 = tpu.memref_squeeze %dma_wait3A_95 : memref<1x125x32xf32, #tpu.memory_space<vmem>> -> memref<125x32xf32, #tpu.memory_space<vmem>>
          %dma_wait3A_97 = tpu.memref_slice %arg6[%add3A_84, %mul3A_18] : memref<80000x128xf32, #tpu.memory_space<hbm>> -> memref<125x32xf32, #tpu.memory_space<hbm>>
          %dma_wait3A_98 = tpu.memref_slice %arg6[%add3A_84, %mul3A_18] : memref<80000x128xf32, #tpu.memory_space<hbm>> -> memref<125x32xf32, #tpu.memory_space<hbm>>
          %dma_wait3A_99 = arith.constant 0 : i32
          %dma_wait3A_100 = arith.constant 0 : i32
          %dma_wait3A_101 = tpu.memref_slice %arg9[%scan3A_81, %dma_wait3A_99, %dma_wait3A_100] : memref<10x125x32xf32, #tpu.memory_space<vmem>> -> memref<1x125x32xf32, #tpu.memory_space<vmem>>
          %dma_wait3A_102 = tpu.memref_squeeze %dma_wait3A_101 : memref<1x125x32xf32, #tpu.memory_space<vmem>> -> memref<125x32xf32, #tpu.memory_space<vmem>>
          tpu.wait_dma2 semaphore(%run_scoped3A : memref<!tpu.dma_semaphore, #tpu.memory_space<semaphore_mem>>) src(%dma_wait3A_102 : memref<125x32xf32, #tpu.memory_space<vmem>>) dst(%dma_wait3A_98 : memref<125x32xf32, #tpu.memory_space<hbm>>)
          tpu.yield
        }) : () -> ()
      }
      %scan3A_80 = arith.constant 10 : i32
    }
    %scan3A_43 = arith.constant 8 : i32
    return
  }
}

#map = affine_map<(d0, d1) -> (0, 0)>
module attributes {stable_mosaic.version = 14 : i64} {
  func.func @_gather_body(%arg0: i32, %arg1: i32, %arg2: memref<100000x32xf32, #tpu.memory_space<hbm>>, %arg3: memref<100000x32xf32, #tpu.memory_space<hbm>>, %arg4: memref<12800x125xi32, #tpu.memory_space<hbm>>, %arg5: memref<12800x125xi32, #tpu.memory_space<hbm>>, %arg6: memref<80000x128xf32, #tpu.memory_space<hbm>>, %arg7: memref<10x125xi32, #tpu.memory_space<vmem>>, %arg8: memref<10x125xi32, #tpu.memory_space<vmem>>, %arg9: memref<10x125x32xf32, #tpu.memory_space<vmem>>, %arg10: memref<!tpu.dma_semaphore, #tpu.memory_space<semaphore_mem>>) attributes {dimension_semantics = [#tpu.dimension_semantics<core_parallel>, #tpu.dimension_semantics<subcore_parallel>], iteration_bounds = array<i64: 2, 16>, scalar_prefetch = 0 : i64, scratch_operands = 4 : i64, tpu.core_type = #tpu.core_type<sc_vector_subcore>, window_params = [{transform_indices = #map}, {transform_indices = #map}, {transform_indices = #map}, {transform_indices = #map}, {transform_indices = #map}]} {
    %mul3A = arith.constant 2 : i32
    %mul3A_0 = arith.muli %arg1, %mul3A : i32
    %add3A = arith.addi %mul3A_0, %arg0 : i32
    %jit3A = arith.constant 8 : i32
    %div3A = arith.divsi %add3A, %jit3A : i32
    %sign3A = arith.constant 0 : i32
    %sign3A_1 = arith.cmpi sgt, %add3A, %sign3A : i32
    %sign3A_2 = arith.extui %sign3A_1 : i1 to i32
    %sign3A_3 = arith.constant 0 : i32
    %sign3A_4 = arith.cmpi slt, %add3A, %sign3A_3 : i32
    %sign3A_5 = arith.extui %sign3A_4 : i1 to i32
    %sign3A_6 = arith.subi %sign3A_2, %sign3A_5 : i32
    %sign3A_7 = arith.constant 0 : i32
    %sign3A_8 = arith.cmpi sgt, %jit3A, %sign3A_7 : i32
    %sign3A_9 = arith.extui %sign3A_8 : i1 to i32
    %sign3A_10 = arith.constant 0 : i32
    %sign3A_11 = arith.cmpi slt, %jit3A, %sign3A_10 : i32
    %sign3A_12 = arith.extui %sign3A_11 : i1 to i32
    %sign3A_13 = arith.subi %sign3A_9, %sign3A_12 : i32
    %ne3A = arith.cmpi ne, %sign3A_6, %sign3A_13 : i32
    %rem3A = arith.remsi %add3A, %jit3A : i32
    %ne3A_14 = arith.constant 0 : i32
    %ne3A_15 = arith.cmpi ne, %rem3A, %ne3A_14 : i32
    %and3A = arith.andi %ne3A, %ne3A_15 : i1
    %sub3A = arith.constant 1 : i32
    %sub3A_16 = arith.subi %div3A, %sub3A : i32
    %select_n3A = arith.select %and3A, %sub3A_16, %div3A : i32
    %mul3A_17 = arith.constant 32 : i32
    %mul3A_18 = arith.muli %select_n3A, %mul3A_17 : i32
    %mul3A_19 = arith.constant 80 : i32
    %mul3A_20 = arith.muli %add3A, %mul3A_19 : i32
    %add3A_21 = arith.constant 10240 : i32
    %add3A_22 = arith.addi %add3A_21, %mul3A_20 : i32
    %jit3A_23 = arith.constant 8 : i32
    %eq3A = arith.constant 0 : i32
    %eq3A_24 = arith.cmpi eq, %jit3A_23, %eq3A : i32
    %jit3A_25 = arith.constant 1 : i32
    %select_n3A_26 = arith.select %eq3A_24, %jit3A_25, %jit3A_23 : i32
    %rem3A_27 = arith.remsi %add3A, %select_n3A_26 : i32
    %ne3A_28 = arith.constant 0 : i32
    %ne3A_29 = arith.cmpi ne, %rem3A_27, %ne3A_28 : i32
    %lt3A = arith.constant 0 : i32
    %lt3A_30 = arith.cmpi slt, %rem3A_27, %lt3A : i32
    %lt3A_31 = arith.constant 0 : i32
    %lt3A_32 = arith.cmpi slt, %select_n3A_26, %lt3A_31 : i32
    %ne3A_33 = arith.xori %lt3A_30, %lt3A_32 : i1
    %and3A_34 = arith.andi %ne3A_33, %ne3A_29 : i1
    %add3A_35 = arith.addi %rem3A_27, %select_n3A_26 : i32
    %select_n3A_36 = arith.select %and3A_34, %add3A_35, %rem3A_27 : i32
    %mul3A_37 = arith.constant 10000 : i32
    %mul3A_38 = arith.muli %select_n3A_36, %mul3A_37 : i32
    %scan3A = arith.constant 0 : i32
    %scan3A_39 = arith.constant 0 : i32
    %scan3A_40 = arith.constant 8 : i32
    %scan3A_41 = arith.addi %scan3A_39, %scan3A_40 : i32
    %scan3A_42 = arith.constant 1 : i32
    scf.for %scan3A_44 = %scan3A_39 to %scan3A_41 step %scan3A_42  : i32 {
      %mul3A_45 = arith.constant 10 : i32
      %mul3A_46 = arith.muli %scan3A_44, %mul3A_45 : i32
      %add3A_47 = arith.addi %add3A_22, %mul3A_46 : i32
      %mul3A_48 = arith.constant 1250 : i32
      %mul3A_49 = arith.muli %scan3A_44, %mul3A_48 : i32
      %add3A_50 = arith.addi %mul3A_38, %mul3A_49 : i32
      "tpu.region"() ({
        %run_scoped3A = tpu.sem_alloc : memref<!tpu.dma_semaphore, #tpu.memory_space<semaphore_mem>>
        %dma_start3A = arith.constant 0 : i32
        %dma_start3A_81 = tpu.memref_slice %arg4[%add3A_47, %dma_start3A] : memref<12800x125xi32, #tpu.memory_space<hbm>> -> memref<10x125xi32, #tpu.memory_space<hbm>>
        %dma_start3A_82 = arith.constant 0 : i32
        %dma_start3A_83 = tpu.memref_slice %arg4[%add3A_47, %dma_start3A_82] : memref<12800x125xi32, #tpu.memory_space<hbm>> -> memref<10x125xi32, #tpu.memory_space<hbm>>
        tpu.enqueue_dma source(%dma_start3A_83 : memref<10x125xi32, #tpu.memory_space<hbm>>) target(%arg7 : memref<10x125xi32, #tpu.memory_space<vmem>>) target_semaphore(%run_scoped3A : memref<!tpu.dma_semaphore, #tpu.memory_space<semaphore_mem>>)
        %dma_wait3A = arith.constant 0 : i32
        %dma_wait3A_84 = tpu.memref_slice %arg4[%add3A_47, %dma_wait3A] : memref<12800x125xi32, #tpu.memory_space<hbm>> -> memref<10x125xi32, #tpu.memory_space<hbm>>
        %dma_wait3A_85 = arith.constant 0 : i32
        %dma_wait3A_86 = tpu.memref_slice %arg4[%add3A_47, %dma_wait3A_85] : memref<12800x125xi32, #tpu.memory_space<hbm>> -> memref<10x125xi32, #tpu.memory_space<hbm>>
        tpu.wait_dma2 semaphore(%run_scoped3A : memref<!tpu.dma_semaphore, #tpu.memory_space<semaphore_mem>>) src(%dma_wait3A_86 : memref<10x125xi32, #tpu.memory_space<hbm>>) dst(%arg7 : memref<10x125xi32, #tpu.memory_space<vmem>>)
        tpu.yield
      }) : () -> ()
      "tpu.region"() ({
        %run_scoped3A = tpu.sem_alloc : memref<!tpu.dma_semaphore, #tpu.memory_space<semaphore_mem>>
        %dma_start3A = arith.constant 0 : i32
        %dma_start3A_81 = tpu.memref_slice %arg5[%add3A_47, %dma_start3A] : memref<12800x125xi32, #tpu.memory_space<hbm>> -> memref<10x125xi32, #tpu.memory_space<hbm>>
        %dma_start3A_82 = arith.constant 0 : i32
        %dma_start3A_83 = tpu.memref_slice %arg5[%add3A_47, %dma_start3A_82] : memref<12800x125xi32, #tpu.memory_space<hbm>> -> memref<10x125xi32, #tpu.memory_space<hbm>>
        tpu.enqueue_dma source(%dma_start3A_83 : memref<10x125xi32, #tpu.memory_space<hbm>>) target(%arg8 : memref<10x125xi32, #tpu.memory_space<vmem>>) target_semaphore(%run_scoped3A : memref<!tpu.dma_semaphore, #tpu.memory_space<semaphore_mem>>)
        %dma_wait3A = arith.constant 0 : i32
        %dma_wait3A_84 = tpu.memref_slice %arg5[%add3A_47, %dma_wait3A] : memref<12800x125xi32, #tpu.memory_space<hbm>> -> memref<10x125xi32, #tpu.memory_space<hbm>>
        %dma_wait3A_85 = arith.constant 0 : i32
        %dma_wait3A_86 = tpu.memref_slice %arg5[%add3A_47, %dma_wait3A_85] : memref<12800x125xi32, #tpu.memory_space<hbm>> -> memref<10x125xi32, #tpu.memory_space<hbm>>
        tpu.wait_dma2 semaphore(%run_scoped3A : memref<!tpu.dma_semaphore, #tpu.memory_space<semaphore_mem>>) src(%dma_wait3A_86 : memref<10x125xi32, #tpu.memory_space<hbm>>) dst(%arg8 : memref<10x125xi32, #tpu.memory_space<vmem>>)
        tpu.yield
      }) : () -> ()
      %scan3A_51 = arith.constant 0 : i32
      %scan3A_52 = arith.constant 0 : i32
      %scan3A_53 = arith.constant 10 : i32
      %scan3A_54 = arith.addi %scan3A_52, %scan3A_53 : i32
      %scan3A_55 = arith.constant 1 : i32
      scf.for %scan3A_81 = %scan3A_52 to %scan3A_54 step %scan3A_55  : i32 {
        %dma_start3A = arith.constant 0 : i32
        %dma_start3A_82 = arith.constant 0 : i32
        %dma_start3A_83 = tpu.memref_slice %arg9[%scan3A_81, %dma_start3A, %dma_start3A_82] : memref<10x125x32xf32, #tpu.memory_space<vmem>> -> memref<1x125x32xf32, #tpu.memory_space<vmem>>
        %dma_start3A_84 = tpu.memref_squeeze %dma_start3A_83 : memref<1x125x32xf32, #tpu.memory_space<vmem>> -> memref<125x32xf32, #tpu.memory_space<vmem>>
        %dma_start3A_85 = arith.constant 0 : i32
        %dma_start3A_86 = tpu.memref_slice %arg7[%scan3A_81, %dma_start3A_85] : memref<10x125xi32, #tpu.memory_space<vmem>> -> memref<1x125xi32, #tpu.memory_space<vmem>>
        %dma_start3A_87 = tpu.memref_squeeze %dma_start3A_86 : memref<1x125xi32, #tpu.memory_space<vmem>> -> memref<125xi32, #tpu.memory_space<vmem>>
        %dma_start3A_88 = arith.constant 0 : i32
        %dma_start3A_89 = arith.constant 0 : i32
        %dma_start3A_90 = tpu.memref_slice %arg2[%dma_start3A_88, %dma_start3A_89] : memref<100000x32xf32, #tpu.memory_space<hbm>> -> memref<100000x32xf32, #tpu.memory_space<hbm>>
        tpu.enqueue_indirect_dma source(%dma_start3A_90 : memref<100000x32xf32, #tpu.memory_space<hbm>>) target(%dma_start3A_84 : memref<125x32xf32, #tpu.memory_space<vmem>>) offsets(%dma_start3A_87 : memref<125xi32, #tpu.memory_space<vmem>>) semaphore(%arg10 : memref<!tpu.dma_semaphore, #tpu.memory_space<semaphore_mem>>)
      }
      %scan3A_56 = arith.constant 10 : i32
      %scan3A_57 = arith.constant 0 : i32
      %scan3A_58 = arith.constant 0 : i32
      %scan3A_59 = arith.constant 10 : i32
      %scan3A_60 = arith.addi %scan3A_58, %scan3A_59 : i32
      %scan3A_61 = arith.constant 1 : i32
      scf.for %scan3A_81 = %scan3A_58 to %scan3A_60 step %scan3A_61  : i32 {
        %dma_wait3A = arith.constant 0 : i32
        %dma_wait3A_82 = arith.constant 0 : i32
        %dma_wait3A_83 = tpu.memref_slice %arg9[%scan3A_81, %dma_wait3A, %dma_wait3A_82] : memref<10x125x32xf32, #tpu.memory_space<vmem>> -> memref<1x125x32xf32, #tpu.memory_space<vmem>>
        %dma_wait3A_84 = tpu.memref_squeeze %dma_wait3A_83 : memref<1x125x32xf32, #tpu.memory_space<vmem>> -> memref<125x32xf32, #tpu.memory_space<vmem>>
        %dma_wait3A_85 = arith.constant 0 : i32
        %dma_wait3A_86 = tpu.memref_slice %arg7[%scan3A_81, %dma_wait3A_85] : memref<10x125xi32, #tpu.memory_space<vmem>> -> memref<1x125xi32, #tpu.memory_space<vmem>>
        %dma_wait3A_87 = tpu.memref_squeeze %dma_wait3A_86 : memref<1x125xi32, #tpu.memory_space<vmem>> -> memref<125xi32, #tpu.memory_space<vmem>>
        %dma_wait3A_88 = arith.constant 0 : i32
        %dma_wait3A_89 = arith.constant 0 : i32
        %dma_wait3A_90 = tpu.memref_slice %arg2[%dma_wait3A_88, %dma_wait3A_89] : memref<100000x32xf32, #tpu.memory_space<hbm>> -> memref<100000x32xf32, #tpu.memory_space<hbm>>
        tpu.wait_indirect_dma semaphore(%arg10 : memref<!tpu.dma_semaphore, #tpu.memory_space<semaphore_mem>>) src(%dma_wait3A_90 : memref<100000x32xf32, #tpu.memory_space<hbm>>) dst(%dma_wait3A_84 : memref<125x32xf32, #tpu.memory_space<vmem>>)
      }
      %scan3A_62 = arith.constant 10 : i32
      %scan3A_63 = arith.constant 0 : i32
      %scan3A_64 = arith.constant 0 : i32
      %scan3A_65 = arith.constant 10 : i32
      %scan3A_66 = arith.addi %scan3A_64, %scan3A_65 : i32
      %scan3A_67 = arith.constant 1 : i32
      scf.for %scan3A_81 = %scan3A_64 to %scan3A_66 step %scan3A_67  : i32 {
        %dma_start3A = arith.constant 0 : i32
        %dma_start3A_82 = arith.constant 0 : i32
        %dma_start3A_83 = tpu.memref_slice %arg9[%scan3A_81, %dma_start3A, %dma_start3A_82] : memref<10x125x32xf32, #tpu.memory_space<vmem>> -> memref<1x125x32xf32, #tpu.memory_space<vmem>>
        %dma_start3A_84 = tpu.memref_squeeze %dma_start3A_83 : memref<1x125x32xf32, #tpu.memory_space<vmem>> -> memref<125x32xf32, #tpu.memory_space<vmem>>
        %dma_start3A_85 = arith.constant 0 : i32
        %dma_start3A_86 = tpu.memref_slice %arg8[%scan3A_81, %dma_start3A_85] : memref<10x125xi32, #tpu.memory_space<vmem>> -> memref<1x125xi32, #tpu.memory_space<vmem>>
        %dma_start3A_87 = tpu.memref_squeeze %dma_start3A_86 : memref<1x125xi32, #tpu.memory_space<vmem>> -> memref<125xi32, #tpu.memory_space<vmem>>
        %dma_start3A_88 = arith.constant 0 : i32
        %dma_start3A_89 = arith.constant 0 : i32
        %dma_start3A_90 = tpu.memref_slice %arg3[%dma_start3A_88, %dma_start3A_89] : memref<100000x32xf32, #tpu.memory_space<hbm>> -> memref<100000x32xf32, #tpu.memory_space<hbm>>
        tpu.enqueue_indirect_dma source(%dma_start3A_90 : memref<100000x32xf32, #tpu.memory_space<hbm>>) target(%dma_start3A_84 : memref<125x32xf32, #tpu.memory_space<vmem>>) offsets(%dma_start3A_87 : memref<125xi32, #tpu.memory_space<vmem>>) semaphore(%arg10 : memref<!tpu.dma_semaphore, #tpu.memory_space<semaphore_mem>>) {add = true}
      }
      %scan3A_68 = arith.constant 10 : i32
      %scan3A_69 = arith.constant 0 : i32
      %scan3A_70 = arith.constant 0 : i32
      %scan3A_71 = arith.constant 10 : i32
      %scan3A_72 = arith.addi %scan3A_70, %scan3A_71 : i32
      %scan3A_73 = arith.constant 1 : i32
      scf.for %scan3A_81 = %scan3A_70 to %scan3A_72 step %scan3A_73  : i32 {
        %dma_wait3A = arith.constant 0 : i32
        %dma_wait3A_82 = arith.constant 0 : i32
        %dma_wait3A_83 = tpu.memref_slice %arg9[%scan3A_81, %dma_wait3A, %dma_wait3A_82] : memref<10x125x32xf32, #tpu.memory_space<vmem>> -> memref<1x125x32xf32, #tpu.memory_space<vmem>>
        %dma_wait3A_84 = tpu.memref_squeeze %dma_wait3A_83 : memref<1x125x32xf32, #tpu.memory_space<vmem>> -> memref<125x32xf32, #tpu.memory_space<vmem>>
        %dma_wait3A_85 = arith.constant 0 : i32
        %dma_wait3A_86 = tpu.memref_slice %arg8[%scan3A_81, %dma_wait3A_85] : memref<10x125xi32, #tpu.memory_space<vmem>> -> memref<1x125xi32, #tpu.memory_space<vmem>>
        %dma_wait3A_87 = tpu.memref_squeeze %dma_wait3A_86 : memref<1x125xi32, #tpu.memory_space<vmem>> -> memref<125xi32, #tpu.memory_space<vmem>>
        %dma_wait3A_88 = arith.constant 0 : i32
        %dma_wait3A_89 = arith.constant 0 : i32
        %dma_wait3A_90 = tpu.memref_slice %arg3[%dma_wait3A_88, %dma_wait3A_89] : memref<100000x32xf32, #tpu.memory_space<hbm>> -> memref<100000x32xf32, #tpu.memory_space<hbm>>
        tpu.wait_indirect_dma semaphore(%arg10 : memref<!tpu.dma_semaphore, #tpu.memory_space<semaphore_mem>>) src(%dma_wait3A_90 : memref<100000x32xf32, #tpu.memory_space<hbm>>) dst(%dma_wait3A_84 : memref<125x32xf32, #tpu.memory_space<vmem>>)
      }
      %scan3A_74 = arith.constant 10 : i32
      %scan3A_75 = arith.constant 0 : i32
      %scan3A_76 = arith.constant 0 : i32
      %scan3A_77 = arith.constant 10 : i32
      %scan3A_78 = arith.addi %scan3A_76, %scan3A_77 : i32
      %scan3A_79 = arith.constant 1 : i32
      scf.for %scan3A_81 = %scan3A_76 to %scan3A_78 step %scan3A_79  : i32 {
        %mul3A_82 = arith.constant 125 : i32
        %mul3A_83 = arith.muli %scan3A_81, %mul3A_82 : i32
        %add3A_84 = arith.addi %add3A_50, %mul3A_83 : i32
        "tpu.region"() ({
          %run_scoped3A = tpu.sem_alloc : memref<!tpu.dma_semaphore, #tpu.memory_space<semaphore_mem>>
          %dma_start3A = arith.constant 0 : i32
          %dma_start3A_85 = arith.constant 0 : i32
          %dma_start3A_86 = tpu.memref_slice %arg9[%scan3A_81, %dma_start3A, %dma_start3A_85] : memref<10x125x32xf32, #tpu.memory_space<vmem>> -> memref<1x125x32xf32, #tpu.memory_space<vmem>>
          %dma_start3A_87 = tpu.memref_squeeze %dma_start3A_86 : memref<1x125x32xf32, #tpu.memory_space<vmem>> -> memref<125x32xf32, #tpu.memory_space<vmem>>
          %dma_start3A_88 = tpu.memref_slice %arg6[%add3A_84, %mul3A_18] : memref<80000x128xf32, #tpu.memory_space<hbm>> -> memref<125x32xf32, #tpu.memory_space<hbm>>
          %dma_start3A_89 = tpu.memref_slice %arg6[%add3A_84, %mul3A_18] : memref<80000x128xf32, #tpu.memory_space<hbm>> -> memref<125x32xf32, #tpu.memory_space<hbm>>
          %dma_start3A_90 = arith.constant 0 : i32
          %dma_start3A_91 = arith.constant 0 : i32
          %dma_start3A_92 = tpu.memref_slice %arg9[%scan3A_81, %dma_start3A_90, %dma_start3A_91] : memref<10x125x32xf32, #tpu.memory_space<vmem>> -> memref<1x125x32xf32, #tpu.memory_space<vmem>>
          %dma_start3A_93 = tpu.memref_squeeze %dma_start3A_92 : memref<1x125x32xf32, #tpu.memory_space<vmem>> -> memref<125x32xf32, #tpu.memory_space<vmem>>
          tpu.enqueue_dma source(%dma_start3A_93 : memref<125x32xf32, #tpu.memory_space<vmem>>) target(%dma_start3A_89 : memref<125x32xf32, #tpu.memory_space<hbm>>) target_semaphore(%run_scoped3A : memref<!tpu.dma_semaphore, #tpu.memory_space<semaphore_mem>>)
          %dma_wait3A = arith.constant 0 : i32
          %dma_wait3A_94 = arith.constant 0 : i32
          %dma_wait3A_95 = tpu.memref_slice %arg9[%scan3A_81, %dma_wait3A, %dma_wait3A_94] : memref<10x125x32xf32, #tpu.memory_space<vmem>> -> memref<1x125x32xf32, #tpu.memory_space<vmem>>
          %dma_wait3A_96 = tpu.memref_squeeze %dma_wait3A_95 : memref<1x125x32xf32, #tpu.memory_space<vmem>> -> memref<125x32xf32, #tpu.memory_space<vmem>>
          %dma_wait3A_97 = tpu.memref_slice %arg6[%add3A_84, %mul3A_18] : memref<80000x128xf32, #tpu.memory_space<hbm>> -> memref<125x32xf32, #tpu.memory_space<hbm>>
          %dma_wait3A_98 = tpu.memref_slice %arg6[%add3A_84, %mul3A_18] : memref<80000x128xf32, #tpu.memory_space<hbm>> -> memref<125x32xf32, #tpu.memory_space<hbm>>
          %dma_wait3A_99 = arith.constant 0 : i32
          %dma_wait3A_100 = arith.constant 0 : i32
          %dma_wait3A_101 = tpu.memref_slice %arg9[%scan3A_81, %dma_wait3A_99, %dma_wait3A_100] : memref<10x125x32xf32, #tpu.memory_space<vmem>> -> memref<1x125x32xf32, #tpu.memory_space<vmem>>
          %dma_wait3A_102 = tpu.memref_squeeze %dma_wait3A_101 : memref<1x125x32xf32, #tpu.memory_space<vmem>> -> memref<125x32xf32, #tpu.memory_space<vmem>>
          tpu.wait_dma2 semaphore(%run_scoped3A : memref<!tpu.dma_semaphore, #tpu.memory_space<semaphore_mem>>) src(%dma_wait3A_102 : memref<125x32xf32, #tpu.memory_space<vmem>>) dst(%dma_wait3A_98 : memref<125x32xf32, #tpu.memory_space<hbm>>)
          tpu.yield
        }) : () -> ()
      }
      %scan3A_80 = arith.constant 10 : i32
    }
    %scan3A_43 = arith.constant 8 : i32
    return
  }
}

module attributes {stable_mosaic.version = 14 : i64} {
  func.func @_node_tables_body(%arg0: i32, %arg1: memref<10000x2xf32, #tpu.memory_space<vmem>>, %arg2: memref<2x32xf32, #tpu.memory_space<vmem>>, %arg3: memref<2x32xf32, #tpu.memory_space<vmem>>, %arg4: memref<1x32xf32, #tpu.memory_space<vmem>>, %arg5: memref<1x32xf32, #tpu.memory_space<vmem>>, %arg6: memref<10000x32xf32, #tpu.memory_space<vmem>>, %arg7: memref<10000x32xf32, #tpu.memory_space<vmem>>) attributes {dimension_semantics = [#tpu.dimension_semantics<arbitrary>], iteration_bounds = array<i64: 10>, scalar_prefetch = 0 : i64, scratch_operands = 0 : i64, tpu.core_type = #tpu.core_type<tc>, window_params = [{transform_indices = @transform_0, window_bounds = array<i64: 10000, 2>}, {pipeline_mode = #tpu.pipeline_mode<synchronous>, transform_indices = @transform_1, window_bounds = array<i64: 2, 32>}, {pipeline_mode = #tpu.pipeline_mode<synchronous>, transform_indices = @transform_2, window_bounds = array<i64: 2, 32>}, {pipeline_mode = #tpu.pipeline_mode<synchronous>, transform_indices = @transform_3, window_bounds = array<i64: 1, 32>}, {pipeline_mode = #tpu.pipeline_mode<synchronous>, transform_indices = @transform_4, window_bounds = array<i64: 1, 32>}, {transform_indices = @transform_5, window_bounds = array<i64: 10000, 32>}, {transform_indices = @transform_6, window_bounds = array<i64: 10000, 32>}]} {
    %get3A = arith.constant 0 : index
    %get3A_0 = arith.constant 0 : index
    %get3A_1 = vector.load %arg1[%get3A, %get3A_0] : memref<10000x2xf32, #tpu.memory_space<vmem>>, vector<10000x2xf32>
    %get3A_2 = arith.constant 0 : index
    %get3A_3 = arith.constant 0 : index
    %get3A_4 = vector.load %arg2[%get3A_2, %get3A_3] : memref<2x32xf32, #tpu.memory_space<vmem>>, vector<2x32xf32>
    %dot_general3A = arith.constant dense<0.000000e+00> : vector<10000x32xf32>
    %dot_general3A_5 = tpu.matmul %get3A_1, %get3A_4, %dot_general3A {dimension_numbers = #tpu.dot_dimension_numbers<[1], [0], [0], [1], [0, 0, 1, 1], [], []>, transpose_lhs_hint = false} : vector<10000x2xf32>, vector<2x32xf32>, vector<10000x32xf32> -> vector<10000x32xf32>
    %get3A_6 = arith.constant 0 : index
    %get3A_7 = arith.constant 0 : index
    %get3A_8 = vector.load %arg4[%get3A_6, %get3A_7] : memref<1x32xf32, #tpu.memory_space<vmem>>, vector<1x32xf32>
    %add3A = vector.broadcast %get3A_8 : vector<1x32xf32> to vector<10000x32xf32>
    %add3A_9 = arith.addf %dot_general3A_5, %add3A : vector<10000x32xf32>
    %swap3A = arith.constant 0 : index
    %swap3A_10 = arith.constant 0 : index
    %swap3A_11 = vector.load %arg6[%swap3A, %swap3A_10] : memref<10000x32xf32, #tpu.memory_space<vmem>>, vector<10000x32xf32>
    tpu.vector_store %arg6[%swap3A, %swap3A_10], %add3A_9 {strides = array<i32>} : memref<10000x32xf32, #tpu.memory_space<vmem>>, vector<10000x32xf32>,
    %get3A_12 = arith.constant 0 : index
    %get3A_13 = arith.constant 0 : index
    %get3A_14 = vector.load %arg3[%get3A_12, %get3A_13] : memref<2x32xf32, #tpu.memory_space<vmem>>, vector<2x32xf32>
    %dot_general3A_15 = arith.constant dense<0.000000e+00> : vector<10000x32xf32>
    %dot_general3A_16 = tpu.matmul %get3A_1, %get3A_14, %dot_general3A_15 {dimension_numbers = #tpu.dot_dimension_numbers<[1], [0], [0], [1], [0, 0, 1, 1], [], []>, transpose_lhs_hint = false} : vector<10000x2xf32>, vector<2x32xf32>, vector<10000x32xf32> -> vector<10000x32xf32>
    %get3A_17 = arith.constant 0 : index
    %get3A_18 = arith.constant 0 : index
    %get3A_19 = vector.load %arg5[%get3A_17, %get3A_18] : memref<1x32xf32, #tpu.memory_space<vmem>>, vector<1x32xf32>
    %add3A_20 = vector.broadcast %get3A_19 : vector<1x32xf32> to vector<10000x32xf32>
    %add3A_21 = arith.addf %dot_general3A_16, %add3A_20 : vector<10000x32xf32>
    %swap3A_22 = arith.constant 0 : index
    %swap3A_23 = arith.constant 0 : index
    %swap3A_24 = vector.load %arg7[%swap3A_22, %swap3A_23] : memref<10000x32xf32, #tpu.memory_space<vmem>>, vector<10000x32xf32>
    tpu.vector_store %arg7[%swap3A_22, %swap3A_23], %add3A_21 {strides = array<i32>} : memref<10000x32xf32, #tpu.memory_space<vmem>>, vector<10000x32xf32>,
    return
  }
  func.func @transform_0(%arg0: i32) -> (i32, i32) {
    %c0_i32 = arith.constant 0 : i32
    %c0_i32_0 = arith.constant 0 : i32
    return %arg0, %c0_i32 : i32, i32
  }
  func.func @transform_1(%arg0: i32) -> (i32, i32) {
    %c0_i32 = arith.constant 0 : i32
    %c0_i32_0 = arith.constant 0 : i32
    %c0_i32_1 = arith.constant 0 : i32
    return %c0_i32, %c0_i32_0 : i32, i32
  }
  func.func @transform_2(%arg0: i32) -> (i32, i32) {
    %c0_i32 = arith.constant 0 : i32
    %c0_i32_0 = arith.constant 0 : i32
    %c0_i32_1 = arith.constant 0 : i32
    return %c0_i32, %c0_i32_0 : i32, i32
  }
  func.func @transform_3(%arg0: i32) -> (i32, i32) {
    %c0_i32 = arith.constant 0 : i32
    %c0_i32_0 = arith.constant 0 : i32
    %c0_i32_1 = arith.constant 0 : i32
    return %c0_i32, %c0_i32_0 : i32, i32
  }
  func.func @transform_4(%arg0: i32) -> (i32, i32) {
    %c0_i32 = arith.constant 0 : i32
    %c0_i32_0 = arith.constant 0 : i32
    %c0_i32_1 = arith.constant 0 : i32
    return %c0_i32, %c0_i32_0 : i32, i32
  }
  func.func @transform_5(%arg0: i32) -> (i32, i32) {
    %c0_i32 = arith.constant 0 : i32
    %c0_i32_0 = arith.constant 0 : i32
    return %arg0, %c0_i32 : i32, i32
  }
  func.func @transform_6(%arg0: i32) -> (i32, i32) {
    %c0_i32 = arith.constant 0 : i32
    %c0_i32_0 = arith.constant 0 : i32
    return %arg0, %c0_i32 : i32, i32
  }
}

module attributes {stable_mosaic.version = 14 : i64} {
  func.func @_mlp_body(%arg0: i32, %arg1: memref<3200x128xf32, #tpu.memory_space<vmem>>, %arg2: memref<2x3200xf32, #tpu.memory_space<vmem>>, %arg3: memref<2x3200xf32, #tpu.memory_space<vmem>>, %arg4: memref<2x3200xf32, #tpu.memory_space<vmem>>, %arg5: memref<2x3200xf32, #tpu.memory_space<vmem>>, %arg6: memref<32x3200xf32, #tpu.memory_space<vmem>>, %arg7: memref<32x3200xf32, #tpu.memory_space<vmem>>, %arg8: memref<32x3200xf32, #tpu.memory_space<vmem>>, %arg9: memref<32x3200xf32, #tpu.memory_space<vmem>>, %arg10: memref<32x34xf32, #tpu.memory_space<vmem>>, %arg11: memref<32x32xf32, #tpu.memory_space<vmem>>, %arg12: memref<32x1xf32, #tpu.memory_space<vmem>>, %arg13: memref<2x32xf32, #tpu.memory_space<vmem>>, %arg14: memref<2x1xf32, #tpu.memory_space<vmem>>, %arg15: memref<32x3200xf32, #tpu.memory_space<vmem>>, %arg16: memref<32x3200xf32, #tpu.memory_space<vmem>>, %arg17: memref<32x3200xf32, #tpu.memory_space<vmem>>, %arg18: memref<32x3200xf32, #tpu.memory_space<vmem>>, %arg19: memref<2x3200xf32, #tpu.memory_space<vmem>>, %arg20: memref<2x3200xf32, #tpu.memory_space<vmem>>, %arg21: memref<2x3200xf32, #tpu.memory_space<vmem>>, %arg22: memref<2x3200xf32, #tpu.memory_space<vmem>>) attributes {dimension_semantics = [#tpu.dimension_semantics<arbitrary>], iteration_bounds = array<i64: 25>, scalar_prefetch = 0 : i64, scratch_operands = 0 : i64, tpu.core_type = #tpu.core_type<tc>, window_params = [{transform_indices = @transform_0, window_bounds = array<i64: 3200, 128>}, {transform_indices = @transform_1, window_bounds = array<i64: 2, 3200>}, {transform_indices = @transform_2, window_bounds = array<i64: 2, 3200>}, {transform_indices = @transform_3, window_bounds = array<i64: 2, 3200>}, {transform_indices = @transform_4, window_bounds = array<i64: 2, 3200>}, {transform_indices = @transform_5, window_bounds = array<i64: 32, 3200>}, {transform_indices = @transform_6, window_bounds = array<i64: 32, 3200>}, {transform_indices = @transform_7, window_bounds = array<i64: 32, 3200>}, {transform_indices = @transform_8, window_bounds = array<i64: 32, 3200>}, {pipeline_mode = #tpu.pipeline_mode<synchronous>, transform_indices = @transform_9, window_bounds = array<i64: 32, 34>}, {pipeline_mode = #tpu.pipeline_mode<synchronous>, transform_indices = @transform_10, window_bounds = array<i64: 32, 32>}, {pipeline_mode = #tpu.pipeline_mode<synchronous>, transform_indices = @transform_11, window_bounds = array<i64: 32, 1>}, {pipeline_mode = #tpu.pipeline_mode<synchronous>, transform_indices = @transform_12, window_bounds = array<i64: 2, 32>}, {pipeline_mode = #tpu.pipeline_mode<synchronous>, transform_indices = @transform_13, window_bounds = array<i64: 2, 1>}, {transform_indices = @transform_14, window_bounds = array<i64: 32, 3200>}, {transform_indices = @transform_15, window_bounds = array<i64: 32, 3200>}, {transform_indices = @transform_16, window_bounds = array<i64: 32, 3200>}, {transform_indices = @transform_17, window_bounds = array<i64: 32, 3200>}, {transform_indices = @transform_18, window_bounds = array<i64: 2, 3200>}, {transform_indices = @transform_19, window_bounds = array<i64: 2, 3200>}, {transform_indices = @transform_20, window_bounds = array<i64: 2, 3200>}, {transform_indices = @transform_21, window_bounds = array<i64: 2, 3200>}]} {
    %get3A = arith.constant 0 : index
    %get3A_0 = arith.constant 0 : index
    %get3A_1 = vector.load %arg1[%get3A, %get3A_0] : memref<3200x128xf32, #tpu.memory_space<vmem>>, vector<3200x128xf32>
    %transpose3A = tpu.transpose %get3A_1, [1, 0] : vector<3200x128xf32> -> vector<128x3200xf32>
    %get3A_2 = arith.constant 0 : index
    %get3A_3 = arith.constant 0 : index
    %get3A_4 = vector.load %arg10[%get3A_2, %get3A_3] : memref<32x34xf32, #tpu.memory_space<vmem>>, vector<32x34xf32>
    %get3A_5 = arith.constant 0 : index
    %get3A_6 = arith.constant 0 : index
    %get3A_7 = vector.load %arg11[%get3A_5, %get3A_6] : memref<32x32xf32, #tpu.memory_space<vmem>>, vector<32x32xf32>
    %get3A_8 = arith.constant 0 : index
    %get3A_9 = arith.constant 0 : index
    %get3A_10 = vector.load %arg12[%get3A_8, %get3A_9] : memref<32x1xf32, #tpu.memory_space<vmem>>, vector<32x1xf32>
    %get3A_11 = arith.constant 0 : index
    %get3A_12 = arith.constant 0 : index
    %get3A_13 = vector.load %arg13[%get3A_11, %get3A_12] : memref<2x32xf32, #tpu.memory_space<vmem>>, vector<2x32xf32>
    %get3A_14 = arith.constant 0 : index
    %get3A_15 = arith.constant 0 : index
    %get3A_16 = vector.load %arg14[%get3A_14, %get3A_15] : memref<2x1xf32, #tpu.memory_space<vmem>>, vector<2x1xf32>
    %slice3A = vector.extract_strided_slice %transpose3A {offsets = [0, 0], sizes = [32, 3200], strides = [1, 1]} : vector<128x3200xf32> to vector<32x3200xf32>
    %get3A_17 = arith.constant 0 : index
    %get3A_18 = arith.constant 0 : index
    %get3A_19 = vector.load %arg2[%get3A_17, %get3A_18] : memref<2x3200xf32, #tpu.memory_space<vmem>>, vector<2x3200xf32>
    %get3A_20 = arith.constant 0 : index
    %get3A_21 = arith.constant 0 : index
    %get3A_22 = vector.load %arg6[%get3A_20, %get3A_21] : memref<32x3200xf32, #tpu.memory_space<vmem>>, vector<32x3200xf32>
    %concatenate3A = tpu.concatenate %get3A_19, %get3A_22 in 0 : vector<2x3200xf32>, vector<32x3200xf32> -> vector<34x3200xf32>
    %dot_general3A = arith.constant dense<0.000000e+00> : vector<32x3200xf32>
    %dot_general3A_23 = tpu.matmul %get3A_4, %concatenate3A, %dot_general3A {dimension_numbers = #tpu.dot_dimension_numbers<[1], [0], [0], [1], [0, 0, 1, 1], [], []>, transpose_lhs_hint = false} : vector<32x34xf32>, vector<34x3200xf32>, vector<32x3200xf32> -> vector<32x3200xf32>
    %add3A = arith.addf %slice3A, %dot_general3A_23 : vector<32x3200xf32>
    %gt3A = arith.constant 0.000000e+00 : f32
    %gt3A_24 = vector.broadcast %gt3A : f32 to vector<32x3200xf32>
    %gt3A_25 = arith.cmpf ogt, %add3A, %gt3A_24 : vector<32x3200xf32>
    %mul3A = arith.constant 0.00999999977 : f32
    %mul3A_26 = vector.broadcast %mul3A : f32 to vector<32x3200xf32>
    %mul3A_27 = arith.mulf %mul3A_26, %add3A : vector<32x3200xf32>
    %select_n3A = arith.select %gt3A_25, %add3A, %mul3A_27 : vector<32x3200xi1>, vector<32x3200xf32>
    %dot_general3A_28 = arith.constant dense<0.000000e+00> : vector<32x3200xf32>
    %dot_general3A_29 = tpu.matmul %get3A_7, %select_n3A, %dot_general3A_28 {dimension_numbers = #tpu.dot_dimension_numbers<[1], [0], [0], [1], [0, 0, 1, 1], [], []>, transpose_lhs_hint = false} : vector<32x32xf32>, vector<32x3200xf32>, vector<32x3200xf32> -> vector<32x3200xf32>
    %add3A_30 = vector.broadcast %get3A_10 : vector<32x1xf32> to vector<32x3200xf32>
    %add3A_31 = arith.addf %dot_general3A_29, %add3A_30 : vector<32x3200xf32>
    %gt3A_32 = arith.constant 0.000000e+00 : f32
    %gt3A_33 = vector.broadcast %gt3A_32 : f32 to vector<32x3200xf32>
    %gt3A_34 = arith.cmpf ogt, %add3A_31, %gt3A_33 : vector<32x3200xf32>
    %mul3A_35 = arith.constant 0.00999999977 : f32
    %mul3A_36 = vector.broadcast %mul3A_35 : f32 to vector<32x3200xf32>
    %mul3A_37 = arith.mulf %mul3A_36, %add3A_31 : vector<32x3200xf32>
    %select_n3A_38 = arith.select %gt3A_34, %add3A_31, %mul3A_37 : vector<32x3200xi1>, vector<32x3200xf32>
    %swap3A = arith.constant 0 : index
    %swap3A_39 = arith.constant 0 : index
    %swap3A_40 = vector.load %arg15[%swap3A, %swap3A_39] : memref<32x3200xf32, #tpu.memory_space<vmem>>, vector<32x3200xf32>
    tpu.vector_store %arg15[%swap3A, %swap3A_39], %select_n3A_38 {strides = array<i32>} : memref<32x3200xf32, #tpu.memory_space<vmem>>, vector<32x3200xf32>,
    %dot_general3A_41 = arith.constant dense<0.000000e+00> : vector<2x3200xf32>
    %dot_general3A_42 = tpu.matmul %get3A_13, %select_n3A_38, %dot_general3A_41 {dimension_numbers = #tpu.dot_dimension_numbers<[1], [0], [0], [1], [0, 0, 1, 1], [], []>, transpose_lhs_hint = false} : vector<2x32xf32>, vector<32x3200xf32>, vector<2x3200xf32> -> vector<2x3200xf32>
    %add3A_43 = vector.broadcast %get3A_16 : vector<2x1xf32> to vector<2x3200xf32>
    %add3A_44 = arith.addf %dot_general3A_42, %add3A_43 : vector<2x3200xf32>
    %reduce_max3A = arith.constant dense<0xFF800000> : vector<3200xf32>
    %reduce_max3A_45 = vector.multi_reduction <maximumf>, %add3A_44, %reduce_max3A [0] : vector<2x3200xf32> to vector<3200xf32>
    %broadcast_in_dim3A = vector.shape_cast %reduce_max3A_45 : vector<3200xf32> to vector<1x3200xf32>
    %sub3A = vector.broadcast %broadcast_in_dim3A : vector<1x3200xf32> to vector<2x3200xf32>
    %sub3A_46 = arith.subf %add3A_44, %sub3A : vector<2x3200xf32>
    %exp3A = math.exp %sub3A_46 : vector<2x3200xf32>
    %reduce_sum3A = arith.constant dense<0.000000e+00> : vector<3200xf32>
    %reduce_sum3A_47 = vector.multi_reduction <add>, %exp3A, %reduce_sum3A [0] : vector<2x3200xf32> to vector<3200xf32>
    %broadcast_in_dim3A_48 = vector.shape_cast %reduce_sum3A_47 : vector<3200xf32> to vector<1x3200xf32>
    %div3A = vector.broadcast %broadcast_in_dim3A_48 : vector<1x3200xf32> to vector<2x3200xf32>
    %div3A_49 = arith.divf %exp3A, %div3A : vector<2x3200xf32>
    %swap3A_50 = arith.constant 0 : index
    %swap3A_51 = arith.constant 0 : index
    %swap3A_52 = vector.load %arg19[%swap3A_50, %swap3A_51] : memref<2x3200xf32, #tpu.memory_space<vmem>>, vector<2x3200xf32>
    tpu.vector_store %arg19[%swap3A_50, %swap3A_51], %div3A_49 {strides = array<i32>} : memref<2x3200xf32, #tpu.memory_space<vmem>>, vector<2x3200xf32>,
    %slice3A_53 = vector.extract_strided_slice %transpose3A {offsets = [32, 0], sizes = [32, 3200], strides = [1, 1]} : vector<128x3200xf32> to vector<32x3200xf32>
    %get3A_54 = arith.constant 0 : index
    %get3A_55 = arith.constant 0 : index
    %get3A_56 = vector.load %arg3[%get3A_54, %get3A_55] : memref<2x3200xf32, #tpu.memory_space<vmem>>, vector<2x3200xf32>
    %get3A_57 = arith.constant 0 : index
    %get3A_58 = arith.constant 0 : index
    %get3A_59 = vector.load %arg7[%get3A_57, %get3A_58] : memref<32x3200xf32, #tpu.memory_space<vmem>>, vector<32x3200xf32>
    %concatenate3A_60 = tpu.concatenate %get3A_56, %get3A_59 in 0 : vector<2x3200xf32>, vector<32x3200xf32> -> vector<34x3200xf32>
    %dot_general3A_61 = arith.constant dense<0.000000e+00> : vector<32x3200xf32>
    %dot_general3A_62 = tpu.matmul %get3A_4, %concatenate3A_60, %dot_general3A_61 {dimension_numbers = #tpu.dot_dimension_numbers<[1], [0], [0], [1], [0, 0, 1, 1], [], []>, transpose_lhs_hint = false} : vector<32x34xf32>, vector<34x3200xf32>, vector<32x3200xf32> -> vector<32x3200xf32>
    %add3A_63 = arith.addf %slice3A_53, %dot_general3A_62 : vector<32x3200xf32>
    %gt3A_64 = arith.constant 0.000000e+00 : f32
    %gt3A_65 = vector.broadcast %gt3A_64 : f32 to vector<32x3200xf32>
    %gt3A_66 = arith.cmpf ogt, %add3A_63, %gt3A_65 : vector<32x3200xf32>
    %mul3A_67 = arith.constant 0.00999999977 : f32
    %mul3A_68 = vector.broadcast %mul3A_67 : f32 to vector<32x3200xf32>
    %mul3A_69 = arith.mulf %mul3A_68, %add3A_63 : vector<32x3200xf32>
    %select_n3A_70 = arith.select %gt3A_66, %add3A_63, %mul3A_69 : vector<32x3200xi1>, vector<32x3200xf32>
    %dot_general3A_71 = arith.constant dense<0.000000e+00> : vector<32x3200xf32>
    %dot_general3A_72 = tpu.matmul %get3A_7, %select_n3A_70, %dot_general3A_71 {dimension_numbers = #tpu.dot_dimension_numbers<[1], [0], [0], [1], [0, 0, 1, 1], [], []>, transpose_lhs_hint = false} : vector<32x32xf32>, vector<32x3200xf32>, vector<32x3200xf32> -> vector<32x3200xf32>
    %add3A_73 = vector.broadcast %get3A_10 : vector<32x1xf32> to vector<32x3200xf32>
    %add3A_74 = arith.addf %dot_general3A_72, %add3A_73 : vector<32x3200xf32>
    %gt3A_75 = arith.constant 0.000000e+00 : f32
    %gt3A_76 = vector.broadcast %gt3A_75 : f32 to vector<32x3200xf32>
    %gt3A_77 = arith.cmpf ogt, %add3A_74, %gt3A_76 : vector<32x3200xf32>
    %mul3A_78 = arith.constant 0.00999999977 : f32
    %mul3A_79 = vector.broadcast %mul3A_78 : f32 to vector<32x3200xf32>
    %mul3A_80 = arith.mulf %mul3A_79, %add3A_74 : vector<32x3200xf32>
    %select_n3A_81 = arith.select %gt3A_77, %add3A_74, %mul3A_80 : vector<32x3200xi1>, vector<32x3200xf32>
    %swap3A_82 = arith.constant 0 : index
    %swap3A_83 = arith.constant 0 : index
    %swap3A_84 = vector.load %arg16[%swap3A_82, %swap3A_83] : memref<32x3200xf32, #tpu.memory_space<vmem>>, vector<32x3200xf32>
    tpu.vector_store %arg16[%swap3A_82, %swap3A_83], %select_n3A_81 {strides = array<i32>} : memref<32x3200xf32, #tpu.memory_space<vmem>>, vector<32x3200xf32>,
    %dot_general3A_85 = arith.constant dense<0.000000e+00> : vector<2x3200xf32>
    %dot_general3A_86 = tpu.matmul %get3A_13, %select_n3A_81, %dot_general3A_85 {dimension_numbers = #tpu.dot_dimension_numbers<[1], [0], [0], [1], [0, 0, 1, 1], [], []>, transpose_lhs_hint = false} : vector<2x32xf32>, vector<32x3200xf32>, vector<2x3200xf32> -> vector<2x3200xf32>
    %add3A_87 = vector.broadcast %get3A_16 : vector<2x1xf32> to vector<2x3200xf32>
    %add3A_88 = arith.addf %dot_general3A_86, %add3A_87 : vector<2x3200xf32>
    %reduce_max3A_89 = arith.constant dense<0xFF800000> : vector<3200xf32>
    %reduce_max3A_90 = vector.multi_reduction <maximumf>, %add3A_88, %reduce_max3A_89 [0] : vector<2x3200xf32> to vector<3200xf32>
    %broadcast_in_dim3A_91 = vector.shape_cast %reduce_max3A_90 : vector<3200xf32> to vector<1x3200xf32>
    %sub3A_92 = vector.broadcast %broadcast_in_dim3A_91 : vector<1x3200xf32> to vector<2x3200xf32>
    %sub3A_93 = arith.subf %add3A_88, %sub3A_92 : vector<2x3200xf32>
    %exp3A_94 = math.exp %sub3A_93 : vector<2x3200xf32>
    %reduce_sum3A_95 = arith.constant dense<0.000000e+00> : vector<3200xf32>
    %reduce_sum3A_96 = vector.multi_reduction <add>, %exp3A_94, %reduce_sum3A_95 [0] : vector<2x3200xf32> to vector<3200xf32>
    %broadcast_in_dim3A_97 = vector.shape_cast %reduce_sum3A_96 : vector<3200xf32> to vector<1x3200xf32>
    %div3A_98 = vector.broadcast %broadcast_in_dim3A_97 : vector<1x3200xf32> to vector<2x3200xf32>
    %div3A_99 = arith.divf %exp3A_94, %div3A_98 : vector<2x3200xf32>
    %swap3A_100 = arith.constant 0 : index
    %swap3A_101 = arith.constant 0 : index
    %swap3A_102 = vector.load %arg20[%swap3A_100, %swap3A_101] : memref<2x3200xf32, #tpu.memory_space<vmem>>, vector<2x3200xf32>
    tpu.vector_store %arg20[%swap3A_100, %swap3A_101], %div3A_99 {strides = array<i32>} : memref<2x3200xf32, #tpu.memory_space<vmem>>, vector<2x3200xf32>,
    %slice3A_103 = vector.extract_strided_slice %transpose3A {offsets = [64, 0], sizes = [32, 3200], strides = [1, 1]} : vector<128x3200xf32> to vector<32x3200xf32>
    %get3A_104 = arith.constant 0 : index
    %get3A_105 = arith.constant 0 : index
    %get3A_106 = vector.load %arg4[%get3A_104, %get3A_105] : memref<2x3200xf32, #tpu.memory_space<vmem>>, vector<2x3200xf32>
    %get3A_107 = arith.constant 0 : index
    %get3A_108 = arith.constant 0 : index
    %get3A_109 = vector.load %arg8[%get3A_107, %get3A_108] : memref<32x3200xf32, #tpu.memory_space<vmem>>, vector<32x3200xf32>
    %concatenate3A_110 = tpu.concatenate %get3A_106, %get3A_109 in 0 : vector<2x3200xf32>, vector<32x3200xf32> -> vector<34x3200xf32>
    %dot_general3A_111 = arith.constant dense<0.000000e+00> : vector<32x3200xf32>
    %dot_general3A_112 = tpu.matmul %get3A_4, %concatenate3A_110, %dot_general3A_111 {dimension_numbers = #tpu.dot_dimension_numbers<[1], [0], [0], [1], [0, 0, 1, 1], [], []>, transpose_lhs_hint = false} : vector<32x34xf32>, vector<34x3200xf32>, vector<32x3200xf32> -> vector<32x3200xf32>
    %add3A_113 = arith.addf %slice3A_103, %dot_general3A_112 : vector<32x3200xf32>
    %gt3A_114 = arith.constant 0.000000e+00 : f32
    %gt3A_115 = vector.broadcast %gt3A_114 : f32 to vector<32x3200xf32>
    %gt3A_116 = arith.cmpf ogt, %add3A_113, %gt3A_115 : vector<32x3200xf32>
    %mul3A_117 = arith.constant 0.00999999977 : f32
    %mul3A_118 = vector.broadcast %mul3A_117 : f32 to vector<32x3200xf32>
    %mul3A_119 = arith.mulf %mul3A_118, %add3A_113 : vector<32x3200xf32>
    %select_n3A_120 = arith.select %gt3A_116, %add3A_113, %mul3A_119 : vector<32x3200xi1>, vector<32x3200xf32>
    %dot_general3A_121 = arith.constant dense<0.000000e+00> : vector<32x3200xf32>
    %dot_general3A_122 = tpu.matmul %get3A_7, %select_n3A_120, %dot_general3A_121 {dimension_numbers = #tpu.dot_dimension_numbers<[1], [0], [0], [1], [0, 0, 1, 1], [], []>, transpose_lhs_hint = false} : vector<32x32xf32>, vector<32x3200xf32>, vector<32x3200xf32> -> vector<32x3200xf32>
    %add3A_123 = vector.broadcast %get3A_10 : vector<32x1xf32> to vector<32x3200xf32>
    %add3A_124 = arith.addf %dot_general3A_122, %add3A_123 : vector<32x3200xf32>
    %gt3A_125 = arith.constant 0.000000e+00 : f32
    %gt3A_126 = vector.broadcast %gt3A_125 : f32 to vector<32x3200xf32>
    %gt3A_127 = arith.cmpf ogt, %add3A_124, %gt3A_126 : vector<32x3200xf32>
    %mul3A_128 = arith.constant 0.00999999977 : f32
    %mul3A_129 = vector.broadcast %mul3A_128 : f32 to vector<32x3200xf32>
    %mul3A_130 = arith.mulf %mul3A_129, %add3A_124 : vector<32x3200xf32>
    %select_n3A_131 = arith.select %gt3A_127, %add3A_124, %mul3A_130 : vector<32x3200xi1>, vector<32x3200xf32>
    %swap3A_132 = arith.constant 0 : index
    %swap3A_133 = arith.constant 0 : index
    %swap3A_134 = vector.load %arg17[%swap3A_132, %swap3A_133] : memref<32x3200xf32, #tpu.memory_space<vmem>>, vector<32x3200xf32>
    tpu.vector_store %arg17[%swap3A_132, %swap3A_133], %select_n3A_131 {strides = array<i32>} : memref<32x3200xf32, #tpu.memory_space<vmem>>, vector<32x3200xf32>,
    %dot_general3A_135 = arith.constant dense<0.000000e+00> : vector<2x3200xf32>
    %dot_general3A_136 = tpu.matmul %get3A_13, %select_n3A_131, %dot_general3A_135 {dimension_numbers = #tpu.dot_dimension_numbers<[1], [0], [0], [1], [0, 0, 1, 1], [], []>, transpose_lhs_hint = false} : vector<2x32xf32>, vector<32x3200xf32>, vector<2x3200xf32> -> vector<2x3200xf32>
    %add3A_137 = vector.broadcast %get3A_16 : vector<2x1xf32> to vector<2x3200xf32>
    %add3A_138 = arith.addf %dot_general3A_136, %add3A_137 : vector<2x3200xf32>
    %reduce_max3A_139 = arith.constant dense<0xFF800000> : vector<3200xf32>
    %reduce_max3A_140 = vector.multi_reduction <maximumf>, %add3A_138, %reduce_max3A_139 [0] : vector<2x3200xf32> to vector<3200xf32>
    %broadcast_in_dim3A_141 = vector.shape_cast %reduce_max3A_140 : vector<3200xf32> to vector<1x3200xf32>
    %sub3A_142 = vector.broadcast %broadcast_in_dim3A_141 : vector<1x3200xf32> to vector<2x3200xf32>
    %sub3A_143 = arith.subf %add3A_138, %sub3A_142 : vector<2x3200xf32>
    %exp3A_144 = math.exp %sub3A_143 : vector<2x3200xf32>
    %reduce_sum3A_145 = arith.constant dense<0.000000e+00> : vector<3200xf32>
    %reduce_sum3A_146 = vector.multi_reduction <add>, %exp3A_144, %reduce_sum3A_145 [0] : vector<2x3200xf32> to vector<3200xf32>
    %broadcast_in_dim3A_147 = vector.shape_cast %reduce_sum3A_146 : vector<3200xf32> to vector<1x3200xf32>
    %div3A_148 = vector.broadcast %broadcast_in_dim3A_147 : vector<1x3200xf32> to vector<2x3200xf32>
    %div3A_149 = arith.divf %exp3A_144, %div3A_148 : vector<2x3200xf32>
    %swap3A_150 = arith.constant 0 : index
    %swap3A_151 = arith.constant 0 : index
    %swap3A_152 = vector.load %arg21[%swap3A_150, %swap3A_151] : memref<2x3200xf32, #tpu.memory_space<vmem>>, vector<2x3200xf32>
    tpu.vector_store %arg21[%swap3A_150, %swap3A_151], %div3A_149 {strides = array<i32>} : memref<2x3200xf32, #tpu.memory_space<vmem>>, vector<2x3200xf32>,
    %slice3A_153 = vector.extract_strided_slice %transpose3A {offsets = [96, 0], sizes = [32, 3200], strides = [1, 1]} : vector<128x3200xf32> to vector<32x3200xf32>
    %get3A_154 = arith.constant 0 : index
    %get3A_155 = arith.constant 0 : index
    %get3A_156 = vector.load %arg5[%get3A_154, %get3A_155] : memref<2x3200xf32, #tpu.memory_space<vmem>>, vector<2x3200xf32>
    %get3A_157 = arith.constant 0 : index
    %get3A_158 = arith.constant 0 : index
    %get3A_159 = vector.load %arg9[%get3A_157, %get3A_158] : memref<32x3200xf32, #tpu.memory_space<vmem>>, vector<32x3200xf32>
    %concatenate3A_160 = tpu.concatenate %get3A_156, %get3A_159 in 0 : vector<2x3200xf32>, vector<32x3200xf32> -> vector<34x3200xf32>
    %dot_general3A_161 = arith.constant dense<0.000000e+00> : vector<32x3200xf32>
    %dot_general3A_162 = tpu.matmul %get3A_4, %concatenate3A_160, %dot_general3A_161 {dimension_numbers = #tpu.dot_dimension_numbers<[1], [0], [0], [1], [0, 0, 1, 1], [], []>, transpose_lhs_hint = false} : vector<32x34xf32>, vector<34x3200xf32>, vector<32x3200xf32> -> vector<32x3200xf32>
    %add3A_163 = arith.addf %slice3A_153, %dot_general3A_162 : vector<32x3200xf32>
    %gt3A_164 = arith.constant 0.000000e+00 : f32
    %gt3A_165 = vector.broadcast %gt3A_164 : f32 to vector<32x3200xf32>
    %gt3A_166 = arith.cmpf ogt, %add3A_163, %gt3A_165 : vector<32x3200xf32>
    %mul3A_167 = arith.constant 0.00999999977 : f32
    %mul3A_168 = vector.broadcast %mul3A_167 : f32 to vector<32x3200xf32>
    %mul3A_169 = arith.mulf %mul3A_168, %add3A_163 : vector<32x3200xf32>
    %select_n3A_170 = arith.select %gt3A_166, %add3A_163, %mul3A_169 : vector<32x3200xi1>, vector<32x3200xf32>
    %dot_general3A_171 = arith.constant dense<0.000000e+00> : vector<32x3200xf32>
    %dot_general3A_172 = tpu.matmul %get3A_7, %select_n3A_170, %dot_general3A_171 {dimension_numbers = #tpu.dot_dimension_numbers<[1], [0], [0], [1], [0, 0, 1, 1], [], []>, transpose_lhs_hint = false} : vector<32x32xf32>, vector<32x3200xf32>, vector<32x3200xf32> -> vector<32x3200xf32>
    %add3A_173 = vector.broadcast %get3A_10 : vector<32x1xf32> to vector<32x3200xf32>
    %add3A_174 = arith.addf %dot_general3A_172, %add3A_173 : vector<32x3200xf32>
    %gt3A_175 = arith.constant 0.000000e+00 : f32
    %gt3A_176 = vector.broadcast %gt3A_175 : f32 to vector<32x3200xf32>
    %gt3A_177 = arith.cmpf ogt, %add3A_174, %gt3A_176 : vector<32x3200xf32>
    %mul3A_178 = arith.constant 0.00999999977 : f32
    %mul3A_179 = vector.broadcast %mul3A_178 : f32 to vector<32x3200xf32>
    %mul3A_180 = arith.mulf %mul3A_179, %add3A_174 : vector<32x3200xf32>
    %select_n3A_181 = arith.select %gt3A_177, %add3A_174, %mul3A_180 : vector<32x3200xi1>, vector<32x3200xf32>
    %swap3A_182 = arith.constant 0 : index
    %swap3A_183 = arith.constant 0 : index
    %swap3A_184 = vector.load %arg18[%swap3A_182, %swap3A_183] : memref<32x3200xf32, #tpu.memory_space<vmem>>, vector<32x3200xf32>
    tpu.vector_store %arg18[%swap3A_182, %swap3A_183], %select_n3A_181 {strides = array<i32>} : memref<32x3200xf32, #tpu.memory_space<vmem>>, vector<32x3200xf32>,
    %dot_general3A_185 = arith.constant dense<0.000000e+00> : vector<2x3200xf32>
    %dot_general3A_186 = tpu.matmul %get3A_13, %select_n3A_181, %dot_general3A_185 {dimension_numbers = #tpu.dot_dimension_numbers<[1], [0], [0], [1], [0, 0, 1, 1], [], []>, transpose_lhs_hint = false} : vector<2x32xf32>, vector<32x3200xf32>, vector<2x3200xf32> -> vector<2x3200xf32>
    %add3A_187 = vector.broadcast %get3A_16 : vector<2x1xf32> to vector<2x3200xf32>
    %add3A_188 = arith.addf %dot_general3A_186, %add3A_187 : vector<2x3200xf32>
    %reduce_max3A_189 = arith.constant dense<0xFF800000> : vector<3200xf32>
    %reduce_max3A_190 = vector.multi_reduction <maximumf>, %add3A_188, %reduce_max3A_189 [0] : vector<2x3200xf32> to vector<3200xf32>
    %broadcast_in_dim3A_191 = vector.shape_cast %reduce_max3A_190 : vector<3200xf32> to vector<1x3200xf32>
    %sub3A_192 = vector.broadcast %broadcast_in_dim3A_191 : vector<1x3200xf32> to vector<2x3200xf32>
    %sub3A_193 = arith.subf %add3A_188, %sub3A_192 : vector<2x3200xf32>
    %exp3A_194 = math.exp %sub3A_193 : vector<2x3200xf32>
    %reduce_sum3A_195 = arith.constant dense<0.000000e+00> : vector<3200xf32>
    %reduce_sum3A_196 = vector.multi_reduction <add>, %exp3A_194, %reduce_sum3A_195 [0] : vector<2x3200xf32> to vector<3200xf32>
    %broadcast_in_dim3A_197 = vector.shape_cast %reduce_sum3A_196 : vector<3200xf32> to vector<1x3200xf32>
    %div3A_198 = vector.broadcast %broadcast_in_dim3A_197 : vector<1x3200xf32> to vector<2x3200xf32>
    %div3A_199 = arith.divf %exp3A_194, %div3A_198 : vector<2x3200xf32>
    %swap3A_200 = arith.constant 0 : index
    %swap3A_201 = arith.constant 0 : index
    %swap3A_202 = vector.load %arg22[%swap3A_200, %swap3A_201] : memref<2x3200xf32, #tpu.memory_space<vmem>>, vector<2x3200xf32>
    tpu.vector_store %arg22[%swap3A_200, %swap3A_201], %div3A_199 {strides = array<i32>} : memref<2x3200xf32, #tpu.memory_space<vmem>>, vector<2x3200xf32>,
    return
  }
  func.func @transform_0(%arg0: i32) -> (i32, i32) {
    %c0_i32 = arith.constant 0 : i32
    %c0_i32_0 = arith.constant 0 : i32
    return %arg0, %c0_i32 : i32, i32
  }
  func.func @transform_1(%arg0: i32) -> (i32, i32) {
    %add3A = arith.constant 0 : i32
    %add3A_0 = arith.addi %add3A, %arg0 : i32
    %c0_i32 = arith.constant 0 : i32
    %c0_i32_1 = arith.constant 0 : i32
    return %c0_i32, %add3A_0 : i32, i32
  }
  func.func @transform_2(%arg0: i32) -> (i32, i32) {
    %add3A = arith.constant 25 : i32
    %add3A_0 = arith.addi %add3A, %arg0 : i32
    %c0_i32 = arith.constant 0 : i32
    %c0_i32_1 = arith.constant 0 : i32
    return %c0_i32, %add3A_0 : i32, i32
  }
  func.func @transform_3(%arg0: i32) -> (i32, i32) {
    %add3A = arith.constant 50 : i32
    %add3A_0 = arith.addi %add3A, %arg0 : i32
    %c0_i32 = arith.constant 0 : i32
    %c0_i32_1 = arith.constant 0 : i32
    return %c0_i32, %add3A_0 : i32, i32
  }
  func.func @transform_4(%arg0: i32) -> (i32, i32) {
    %add3A = arith.constant 75 : i32
    %add3A_0 = arith.addi %add3A, %arg0 : i32
    %c0_i32 = arith.constant 0 : i32
    %c0_i32_1 = arith.constant 0 : i32
    return %c0_i32, %add3A_0 : i32, i32
  }
  func.func @transform_5(%arg0: i32) -> (i32, i32) {
    %add3A = arith.constant 0 : i32
    %add3A_0 = arith.addi %add3A, %arg0 : i32
    %c0_i32 = arith.constant 0 : i32
    %c0_i32_1 = arith.constant 0 : i32
    return %c0_i32, %add3A_0 : i32, i32
  }
  func.func @transform_6(%arg0: i32) -> (i32, i32) {
    %add3A = arith.constant 25 : i32
    %add3A_0 = arith.addi %add3A, %arg0 : i32
    %c0_i32 = arith.constant 0 : i32
    %c0_i32_1 = arith.constant 0 : i32
    return %c0_i32, %add3A_0 : i32, i32
  }
  func.func @transform_7(%arg0: i32) -> (i32, i32) {
    %add3A = arith.constant 50 : i32
    %add3A_0 = arith.addi %add3A, %arg0 : i32
    %c0_i32 = arith.constant 0 : i32
    %c0_i32_1 = arith.constant 0 : i32
    return %c0_i32, %add3A_0 : i32, i32
  }
  func.func @transform_8(%arg0: i32) -> (i32, i32) {
    %add3A = arith.constant 75 : i32
    %add3A_0 = arith.addi %add3A, %arg0 : i32
    %c0_i32 = arith.constant 0 : i32
    %c0_i32_1 = arith.constant 0 : i32
    return %c0_i32, %add3A_0 : i32, i32
  }
  func.func @transform_9(%arg0: i32) -> (i32, i32) {
    %c0_i32 = arith.constant 0 : i32
    %c0_i32_0 = arith.constant 0 : i32
    %c0_i32_1 = arith.constant 0 : i32
    return %c0_i32, %c0_i32_0 : i32, i32
  }
  func.func @transform_10(%arg0: i32) -> (i32, i32) {
    %c0_i32 = arith.constant 0 : i32
    %c0_i32_0 = arith.constant 0 : i32
    %c0_i32_1 = arith.constant 0 : i32
    return %c0_i32, %c0_i32_0 : i32, i32
  }
  func.func @transform_11(%arg0: i32) -> (i32, i32) {
    %c0_i32 = arith.constant 0 : i32
    %c0_i32_0 = arith.constant 0 : i32
    %c0_i32_1 = arith.constant 0 : i32
    return %c0_i32, %c0_i32_0 : i32, i32
  }
  func.func @transform_12(%arg0: i32) -> (i32, i32) {
    %c0_i32 = arith.constant 0 : i32
    %c0_i32_0 = arith.constant 0 : i32
    %c0_i32_1 = arith.constant 0 : i32
    return %c0_i32, %c0_i32_0 : i32, i32
  }
  func.func @transform_13(%arg0: i32) -> (i32, i32) {
    %c0_i32 = arith.constant 0 : i32
    %c0_i32_0 = arith.constant 0 : i32
    %c0_i32_1 = arith.constant 0 : i32
    return %c0_i32, %c0_i32_0 : i32, i32
  }
  func.func @transform_14(%arg0: i32) -> (i32, i32) {
    %c0_i32 = arith.constant 0 : i32
    %c0_i32_0 = arith.constant 0 : i32
    return %c0_i32, %arg0 : i32, i32
  }
  func.func @transform_15(%arg0: i32) -> (i32, i32) {
    %c0_i32 = arith.constant 0 : i32
    %c0_i32_0 = arith.constant 0 : i32
    return %c0_i32, %arg0 : i32, i32
  }
  func.func @transform_16(%arg0: i32) -> (i32, i32) {
    %c0_i32 = arith.constant 0 : i32
    %c0_i32_0 = arith.constant 0 : i32
    return %c0_i32, %arg0 : i32, i32
  }
  func.func @transform_17(%arg0: i32) -> (i32, i32) {
    %c0_i32 = arith.constant 0 : i32
    %c0_i32_0 = arith.constant 0 : i32
    return %c0_i32, %arg0 : i32, i32
  }
  func.func @transform_18(%arg0: i32) -> (i32, i32) {
    %c0_i32 = arith.constant 0 : i32
    %c0_i32_0 = arith.constant 0 : i32
    return %c0_i32, %arg0 : i32, i32
  }
  func.func @transform_19(%arg0: i32) -> (i32, i32) {
    %c0_i32 = arith.constant 0 : i32
    %c0_i32_0 = arith.constant 0 : i32
    return %c0_i32, %arg0 : i32, i32
  }
  func.func @transform_20(%arg0: i32) -> (i32, i32) {
    %c0_i32 = arith.constant 0 : i32
    %c0_i32_0 = arith.constant 0 : i32
    return %c0_i32, %arg0 : i32, i32
  }
  func.func @transform_21(%arg0: i32) -> (i32, i32) {
    %c0_i32 = arith.constant 0 : i32
    %c0_i32_0 = arith.constant 0 : i32
    return %c0_i32, %arg0 : i32, i32
  }
}

module attributes {stable_mosaic.version = 14 : i64} {
  func.func @_mlp_body(%arg0: i32, %arg1: memref<3200x128xf32, #tpu.memory_space<vmem>>, %arg2: memref<2x3200xf32, #tpu.memory_space<vmem>>, %arg3: memref<2x3200xf32, #tpu.memory_space<vmem>>, %arg4: memref<2x3200xf32, #tpu.memory_space<vmem>>, %arg5: memref<2x3200xf32, #tpu.memory_space<vmem>>, %arg6: memref<32x3200xf32, #tpu.memory_space<vmem>>, %arg7: memref<32x3200xf32, #tpu.memory_space<vmem>>, %arg8: memref<32x3200xf32, #tpu.memory_space<vmem>>, %arg9: memref<32x3200xf32, #tpu.memory_space<vmem>>, %arg10: memref<32x34xf32, #tpu.memory_space<vmem>>, %arg11: memref<32x32xf32, #tpu.memory_space<vmem>>, %arg12: memref<32x1xf32, #tpu.memory_space<vmem>>, %arg13: memref<2x32xf32, #tpu.memory_space<vmem>>, %arg14: memref<2x1xf32, #tpu.memory_space<vmem>>, %arg15: memref<32x3200xf32, #tpu.memory_space<vmem>>, %arg16: memref<32x3200xf32, #tpu.memory_space<vmem>>, %arg17: memref<32x3200xf32, #tpu.memory_space<vmem>>, %arg18: memref<32x3200xf32, #tpu.memory_space<vmem>>, %arg19: memref<2x3200xf32, #tpu.memory_space<vmem>>, %arg20: memref<2x3200xf32, #tpu.memory_space<vmem>>, %arg21: memref<2x3200xf32, #tpu.memory_space<vmem>>, %arg22: memref<2x3200xf32, #tpu.memory_space<vmem>>) attributes {dimension_semantics = [#tpu.dimension_semantics<arbitrary>], iteration_bounds = array<i64: 25>, scalar_prefetch = 0 : i64, scratch_operands = 0 : i64, tpu.core_type = #tpu.core_type<tc>, window_params = [{transform_indices = @transform_0, window_bounds = array<i64: 3200, 128>}, {transform_indices = @transform_1, window_bounds = array<i64: 2, 3200>}, {transform_indices = @transform_2, window_bounds = array<i64: 2, 3200>}, {transform_indices = @transform_3, window_bounds = array<i64: 2, 3200>}, {transform_indices = @transform_4, window_bounds = array<i64: 2, 3200>}, {transform_indices = @transform_5, window_bounds = array<i64: 32, 3200>}, {transform_indices = @transform_6, window_bounds = array<i64: 32, 3200>}, {transform_indices = @transform_7, window_bounds = array<i64: 32, 3200>}, {transform_indices = @transform_8, window_bounds = array<i64: 32, 3200>}, {pipeline_mode = #tpu.pipeline_mode<synchronous>, transform_indices = @transform_9, window_bounds = array<i64: 32, 34>}, {pipeline_mode = #tpu.pipeline_mode<synchronous>, transform_indices = @transform_10, window_bounds = array<i64: 32, 32>}, {pipeline_mode = #tpu.pipeline_mode<synchronous>, transform_indices = @transform_11, window_bounds = array<i64: 32, 1>}, {pipeline_mode = #tpu.pipeline_mode<synchronous>, transform_indices = @transform_12, window_bounds = array<i64: 2, 32>}, {pipeline_mode = #tpu.pipeline_mode<synchronous>, transform_indices = @transform_13, window_bounds = array<i64: 2, 1>}, {transform_indices = @transform_14, window_bounds = array<i64: 32, 3200>}, {transform_indices = @transform_15, window_bounds = array<i64: 32, 3200>}, {transform_indices = @transform_16, window_bounds = array<i64: 32, 3200>}, {transform_indices = @transform_17, window_bounds = array<i64: 32, 3200>}, {transform_indices = @transform_18, window_bounds = array<i64: 2, 3200>}, {transform_indices = @transform_19, window_bounds = array<i64: 2, 3200>}, {transform_indices = @transform_20, window_bounds = array<i64: 2, 3200>}, {transform_indices = @transform_21, window_bounds = array<i64: 2, 3200>}]} {
    %get3A = arith.constant 0 : index
    %get3A_0 = arith.constant 0 : index
    %get3A_1 = vector.load %arg1[%get3A, %get3A_0] : memref<3200x128xf32, #tpu.memory_space<vmem>>, vector<3200x128xf32>
    %transpose3A = tpu.transpose %get3A_1, [1, 0] : vector<3200x128xf32> -> vector<128x3200xf32>
    %get3A_2 = arith.constant 0 : index
    %get3A_3 = arith.constant 0 : index
    %get3A_4 = vector.load %arg10[%get3A_2, %get3A_3] : memref<32x34xf32, #tpu.memory_space<vmem>>, vector<32x34xf32>
    %get3A_5 = arith.constant 0 : index
    %get3A_6 = arith.constant 0 : index
    %get3A_7 = vector.load %arg11[%get3A_5, %get3A_6] : memref<32x32xf32, #tpu.memory_space<vmem>>, vector<32x32xf32>
    %get3A_8 = arith.constant 0 : index
    %get3A_9 = arith.constant 0 : index
    %get3A_10 = vector.load %arg12[%get3A_8, %get3A_9] : memref<32x1xf32, #tpu.memory_space<vmem>>, vector<32x1xf32>
    %get3A_11 = arith.constant 0 : index
    %get3A_12 = arith.constant 0 : index
    %get3A_13 = vector.load %arg13[%get3A_11, %get3A_12] : memref<2x32xf32, #tpu.memory_space<vmem>>, vector<2x32xf32>
    %get3A_14 = arith.constant 0 : index
    %get3A_15 = arith.constant 0 : index
    %get3A_16 = vector.load %arg14[%get3A_14, %get3A_15] : memref<2x1xf32, #tpu.memory_space<vmem>>, vector<2x1xf32>
    %slice3A = vector.extract_strided_slice %transpose3A {offsets = [0, 0], sizes = [32, 3200], strides = [1, 1]} : vector<128x3200xf32> to vector<32x3200xf32>
    %get3A_17 = arith.constant 0 : index
    %get3A_18 = arith.constant 0 : index
    %get3A_19 = vector.load %arg2[%get3A_17, %get3A_18] : memref<2x3200xf32, #tpu.memory_space<vmem>>, vector<2x3200xf32>
    %get3A_20 = arith.constant 0 : index
    %get3A_21 = arith.constant 0 : index
    %get3A_22 = vector.load %arg6[%get3A_20, %get3A_21] : memref<32x3200xf32, #tpu.memory_space<vmem>>, vector<32x3200xf32>
    %concatenate3A = tpu.concatenate %get3A_19, %get3A_22 in 0 : vector<2x3200xf32>, vector<32x3200xf32> -> vector<34x3200xf32>
    %dot_general3A = arith.constant dense<0.000000e+00> : vector<32x3200xf32>
    %dot_general3A_23 = tpu.matmul %get3A_4, %concatenate3A, %dot_general3A {dimension_numbers = #tpu.dot_dimension_numbers<[1], [0], [0], [1], [0, 0, 1, 1], [], []>, transpose_lhs_hint = false} : vector<32x34xf32>, vector<34x3200xf32>, vector<32x3200xf32> -> vector<32x3200xf32>
    %add3A = arith.addf %slice3A, %dot_general3A_23 : vector<32x3200xf32>
    %gt3A = arith.constant 0.000000e+00 : f32
    %gt3A_24 = vector.broadcast %gt3A : f32 to vector<32x3200xf32>
    %gt3A_25 = arith.cmpf ogt, %add3A, %gt3A_24 : vector<32x3200xf32>
    %mul3A = arith.constant 0.00999999977 : f32
    %mul3A_26 = vector.broadcast %mul3A : f32 to vector<32x3200xf32>
    %mul3A_27 = arith.mulf %mul3A_26, %add3A : vector<32x3200xf32>
    %select_n3A = arith.select %gt3A_25, %add3A, %mul3A_27 : vector<32x3200xi1>, vector<32x3200xf32>
    %dot_general3A_28 = arith.constant dense<0.000000e+00> : vector<32x3200xf32>
    %dot_general3A_29 = tpu.matmul %get3A_7, %select_n3A, %dot_general3A_28 {dimension_numbers = #tpu.dot_dimension_numbers<[1], [0], [0], [1], [0, 0, 1, 1], [], []>, transpose_lhs_hint = false} : vector<32x32xf32>, vector<32x3200xf32>, vector<32x3200xf32> -> vector<32x3200xf32>
    %add3A_30 = vector.broadcast %get3A_10 : vector<32x1xf32> to vector<32x3200xf32>
    %add3A_31 = arith.addf %dot_general3A_29, %add3A_30 : vector<32x3200xf32>
    %gt3A_32 = arith.constant 0.000000e+00 : f32
    %gt3A_33 = vector.broadcast %gt3A_32 : f32 to vector<32x3200xf32>
    %gt3A_34 = arith.cmpf ogt, %add3A_31, %gt3A_33 : vector<32x3200xf32>
    %mul3A_35 = arith.constant 0.00999999977 : f32
    %mul3A_36 = vector.broadcast %mul3A_35 : f32 to vector<32x3200xf32>
    %mul3A_37 = arith.mulf %mul3A_36, %add3A_31 : vector<32x3200xf32>
    %select_n3A_38 = arith.select %gt3A_34, %add3A_31, %mul3A_37 : vector<32x3200xi1>, vector<32x3200xf32>
    %swap3A = arith.constant 0 : index
    %swap3A_39 = arith.constant 0 : index
    %swap3A_40 = vector.load %arg15[%swap3A, %swap3A_39] : memref<32x3200xf32, #tpu.memory_space<vmem>>, vector<32x3200xf32>
    tpu.vector_store %arg15[%swap3A, %swap3A_39], %select_n3A_38 {strides = array<i32>} : memref<32x3200xf32, #tpu.memory_space<vmem>>, vector<32x3200xf32>,
    %dot_general3A_41 = arith.constant dense<0.000000e+00> : vector<2x3200xf32>
    %dot_general3A_42 = tpu.matmul %get3A_13, %select_n3A_38, %dot_general3A_41 {dimension_numbers = #tpu.dot_dimension_numbers<[1], [0], [0], [1], [0, 0, 1, 1], [], []>, transpose_lhs_hint = false} : vector<2x32xf32>, vector<32x3200xf32>, vector<2x3200xf32> -> vector<2x3200xf32>
    %add3A_43 = vector.broadcast %get3A_16 : vector<2x1xf32> to vector<2x3200xf32>
    %add3A_44 = arith.addf %dot_general3A_42, %add3A_43 : vector<2x3200xf32>
    %reduce_max3A = arith.constant dense<0xFF800000> : vector<3200xf32>
    %reduce_max3A_45 = vector.multi_reduction <maximumf>, %add3A_44, %reduce_max3A [0] : vector<2x3200xf32> to vector<3200xf32>
    %broadcast_in_dim3A = vector.shape_cast %reduce_max3A_45 : vector<3200xf32> to vector<1x3200xf32>
    %sub3A = vector.broadcast %broadcast_in_dim3A : vector<1x3200xf32> to vector<2x3200xf32>
    %sub3A_46 = arith.subf %add3A_44, %sub3A : vector<2x3200xf32>
    %exp3A = math.exp %sub3A_46 : vector<2x3200xf32>
    %reduce_sum3A = arith.constant dense<0.000000e+00> : vector<3200xf32>
    %reduce_sum3A_47 = vector.multi_reduction <add>, %exp3A, %reduce_sum3A [0] : vector<2x3200xf32> to vector<3200xf32>
    %broadcast_in_dim3A_48 = vector.shape_cast %reduce_sum3A_47 : vector<3200xf32> to vector<1x3200xf32>
    %div3A = vector.broadcast %broadcast_in_dim3A_48 : vector<1x3200xf32> to vector<2x3200xf32>
    %div3A_49 = arith.divf %exp3A, %div3A : vector<2x3200xf32>
    %swap3A_50 = arith.constant 0 : index
    %swap3A_51 = arith.constant 0 : index
    %swap3A_52 = vector.load %arg19[%swap3A_50, %swap3A_51] : memref<2x3200xf32, #tpu.memory_space<vmem>>, vector<2x3200xf32>
    tpu.vector_store %arg19[%swap3A_50, %swap3A_51], %div3A_49 {strides = array<i32>} : memref<2x3200xf32, #tpu.memory_space<vmem>>, vector<2x3200xf32>,
    %slice3A_53 = vector.extract_strided_slice %transpose3A {offsets = [32, 0], sizes = [32, 3200], strides = [1, 1]} : vector<128x3200xf32> to vector<32x3200xf32>
    %get3A_54 = arith.constant 0 : index
    %get3A_55 = arith.constant 0 : index
    %get3A_56 = vector.load %arg3[%get3A_54, %get3A_55] : memref<2x3200xf32, #tpu.memory_space<vmem>>, vector<2x3200xf32>
    %get3A_57 = arith.constant 0 : index
    %get3A_58 = arith.constant 0 : index
    %get3A_59 = vector.load %arg7[%get3A_57, %get3A_58] : memref<32x3200xf32, #tpu.memory_space<vmem>>, vector<32x3200xf32>
    %concatenate3A_60 = tpu.concatenate %get3A_56, %get3A_59 in 0 : vector<2x3200xf32>, vector<32x3200xf32> -> vector<34x3200xf32>
    %dot_general3A_61 = arith.constant dense<0.000000e+00> : vector<32x3200xf32>
    %dot_general3A_62 = tpu.matmul %get3A_4, %concatenate3A_60, %dot_general3A_61 {dimension_numbers = #tpu.dot_dimension_numbers<[1], [0], [0], [1], [0, 0, 1, 1], [], []>, transpose_lhs_hint = false} : vector<32x34xf32>, vector<34x3200xf32>, vector<32x3200xf32> -> vector<32x3200xf32>
    %add3A_63 = arith.addf %slice3A_53, %dot_general3A_62 : vector<32x3200xf32>
    %gt3A_64 = arith.constant 0.000000e+00 : f32
    %gt3A_65 = vector.broadcast %gt3A_64 : f32 to vector<32x3200xf32>
    %gt3A_66 = arith.cmpf ogt, %add3A_63, %gt3A_65 : vector<32x3200xf32>
    %mul3A_67 = arith.constant 0.00999999977 : f32
    %mul3A_68 = vector.broadcast %mul3A_67 : f32 to vector<32x3200xf32>
    %mul3A_69 = arith.mulf %mul3A_68, %add3A_63 : vector<32x3200xf32>
    %select_n3A_70 = arith.select %gt3A_66, %add3A_63, %mul3A_69 : vector<32x3200xi1>, vector<32x3200xf32>
    %dot_general3A_71 = arith.constant dense<0.000000e+00> : vector<32x3200xf32>
    %dot_general3A_72 = tpu.matmul %get3A_7, %select_n3A_70, %dot_general3A_71 {dimension_numbers = #tpu.dot_dimension_numbers<[1], [0], [0], [1], [0, 0, 1, 1], [], []>, transpose_lhs_hint = false} : vector<32x32xf32>, vector<32x3200xf32>, vector<32x3200xf32> -> vector<32x3200xf32>
    %add3A_73 = vector.broadcast %get3A_10 : vector<32x1xf32> to vector<32x3200xf32>
    %add3A_74 = arith.addf %dot_general3A_72, %add3A_73 : vector<32x3200xf32>
    %gt3A_75 = arith.constant 0.000000e+00 : f32
    %gt3A_76 = vector.broadcast %gt3A_75 : f32 to vector<32x3200xf32>
    %gt3A_77 = arith.cmpf ogt, %add3A_74, %gt3A_76 : vector<32x3200xf32>
    %mul3A_78 = arith.constant 0.00999999977 : f32
    %mul3A_79 = vector.broadcast %mul3A_78 : f32 to vector<32x3200xf32>
    %mul3A_80 = arith.mulf %mul3A_79, %add3A_74 : vector<32x3200xf32>
    %select_n3A_81 = arith.select %gt3A_77, %add3A_74, %mul3A_80 : vector<32x3200xi1>, vector<32x3200xf32>
    %swap3A_82 = arith.constant 0 : index
    %swap3A_83 = arith.constant 0 : index
    %swap3A_84 = vector.load %arg16[%swap3A_82, %swap3A_83] : memref<32x3200xf32, #tpu.memory_space<vmem>>, vector<32x3200xf32>
    tpu.vector_store %arg16[%swap3A_82, %swap3A_83], %select_n3A_81 {strides = array<i32>} : memref<32x3200xf32, #tpu.memory_space<vmem>>, vector<32x3200xf32>,
    %dot_general3A_85 = arith.constant dense<0.000000e+00> : vector<2x3200xf32>
    %dot_general3A_86 = tpu.matmul %get3A_13, %select_n3A_81, %dot_general3A_85 {dimension_numbers = #tpu.dot_dimension_numbers<[1], [0], [0], [1], [0, 0, 1, 1], [], []>, transpose_lhs_hint = false} : vector<2x32xf32>, vector<32x3200xf32>, vector<2x3200xf32> -> vector<2x3200xf32>
    %add3A_87 = vector.broadcast %get3A_16 : vector<2x1xf32> to vector<2x3200xf32>
    %add3A_88 = arith.addf %dot_general3A_86, %add3A_87 : vector<2x3200xf32>
    %reduce_max3A_89 = arith.constant dense<0xFF800000> : vector<3200xf32>
    %reduce_max3A_90 = vector.multi_reduction <maximumf>, %add3A_88, %reduce_max3A_89 [0] : vector<2x3200xf32> to vector<3200xf32>
    %broadcast_in_dim3A_91 = vector.shape_cast %reduce_max3A_90 : vector<3200xf32> to vector<1x3200xf32>
    %sub3A_92 = vector.broadcast %broadcast_in_dim3A_91 : vector<1x3200xf32> to vector<2x3200xf32>
    %sub3A_93 = arith.subf %add3A_88, %sub3A_92 : vector<2x3200xf32>
    %exp3A_94 = math.exp %sub3A_93 : vector<2x3200xf32>
    %reduce_sum3A_95 = arith.constant dense<0.000000e+00> : vector<3200xf32>
    %reduce_sum3A_96 = vector.multi_reduction <add>, %exp3A_94, %reduce_sum3A_95 [0] : vector<2x3200xf32> to vector<3200xf32>
    %broadcast_in_dim3A_97 = vector.shape_cast %reduce_sum3A_96 : vector<3200xf32> to vector<1x3200xf32>
    %div3A_98 = vector.broadcast %broadcast_in_dim3A_97 : vector<1x3200xf32> to vector<2x3200xf32>
    %div3A_99 = arith.divf %exp3A_94, %div3A_98 : vector<2x3200xf32>
    %swap3A_100 = arith.constant 0 : index
    %swap3A_101 = arith.constant 0 : index
    %swap3A_102 = vector.load %arg20[%swap3A_100, %swap3A_101] : memref<2x3200xf32, #tpu.memory_space<vmem>>, vector<2x3200xf32>
    tpu.vector_store %arg20[%swap3A_100, %swap3A_101], %div3A_99 {strides = array<i32>} : memref<2x3200xf32, #tpu.memory_space<vmem>>, vector<2x3200xf32>,
    %slice3A_103 = vector.extract_strided_slice %transpose3A {offsets = [64, 0], sizes = [32, 3200], strides = [1, 1]} : vector<128x3200xf32> to vector<32x3200xf32>
    %get3A_104 = arith.constant 0 : index
    %get3A_105 = arith.constant 0 : index
    %get3A_106 = vector.load %arg4[%get3A_104, %get3A_105] : memref<2x3200xf32, #tpu.memory_space<vmem>>, vector<2x3200xf32>
    %get3A_107 = arith.constant 0 : index
    %get3A_108 = arith.constant 0 : index
    %get3A_109 = vector.load %arg8[%get3A_107, %get3A_108] : memref<32x3200xf32, #tpu.memory_space<vmem>>, vector<32x3200xf32>
    %concatenate3A_110 = tpu.concatenate %get3A_106, %get3A_109 in 0 : vector<2x3200xf32>, vector<32x3200xf32> -> vector<34x3200xf32>
    %dot_general3A_111 = arith.constant dense<0.000000e+00> : vector<32x3200xf32>
    %dot_general3A_112 = tpu.matmul %get3A_4, %concatenate3A_110, %dot_general3A_111 {dimension_numbers = #tpu.dot_dimension_numbers<[1], [0], [0], [1], [0, 0, 1, 1], [], []>, transpose_lhs_hint = false} : vector<32x34xf32>, vector<34x3200xf32>, vector<32x3200xf32> -> vector<32x3200xf32>
    %add3A_113 = arith.addf %slice3A_103, %dot_general3A_112 : vector<32x3200xf32>
    %gt3A_114 = arith.constant 0.000000e+00 : f32
    %gt3A_115 = vector.broadcast %gt3A_114 : f32 to vector<32x3200xf32>
    %gt3A_116 = arith.cmpf ogt, %add3A_113, %gt3A_115 : vector<32x3200xf32>
    %mul3A_117 = arith.constant 0.00999999977 : f32
    %mul3A_118 = vector.broadcast %mul3A_117 : f32 to vector<32x3200xf32>
    %mul3A_119 = arith.mulf %mul3A_118, %add3A_113 : vector<32x3200xf32>
    %select_n3A_120 = arith.select %gt3A_116, %add3A_113, %mul3A_119 : vector<32x3200xi1>, vector<32x3200xf32>
    %dot_general3A_121 = arith.constant dense<0.000000e+00> : vector<32x3200xf32>
    %dot_general3A_122 = tpu.matmul %get3A_7, %select_n3A_120, %dot_general3A_121 {dimension_numbers = #tpu.dot_dimension_numbers<[1], [0], [0], [1], [0, 0, 1, 1], [], []>, transpose_lhs_hint = false} : vector<32x32xf32>, vector<32x3200xf32>, vector<32x3200xf32> -> vector<32x3200xf32>
    %add3A_123 = vector.broadcast %get3A_10 : vector<32x1xf32> to vector<32x3200xf32>
    %add3A_124 = arith.addf %dot_general3A_122, %add3A_123 : vector<32x3200xf32>
    %gt3A_125 = arith.constant 0.000000e+00 : f32
    %gt3A_126 = vector.broadcast %gt3A_125 : f32 to vector<32x3200xf32>
    %gt3A_127 = arith.cmpf ogt, %add3A_124, %gt3A_126 : vector<32x3200xf32>
    %mul3A_128 = arith.constant 0.00999999977 : f32
    %mul3A_129 = vector.broadcast %mul3A_128 : f32 to vector<32x3200xf32>
    %mul3A_130 = arith.mulf %mul3A_129, %add3A_124 : vector<32x3200xf32>
    %select_n3A_131 = arith.select %gt3A_127, %add3A_124, %mul3A_130 : vector<32x3200xi1>, vector<32x3200xf32>
    %swap3A_132 = arith.constant 0 : index
    %swap3A_133 = arith.constant 0 : index
    %swap3A_134 = vector.load %arg17[%swap3A_132, %swap3A_133] : memref<32x3200xf32, #tpu.memory_space<vmem>>, vector<32x3200xf32>
    tpu.vector_store %arg17[%swap3A_132, %swap3A_133], %select_n3A_131 {strides = array<i32>} : memref<32x3200xf32, #tpu.memory_space<vmem>>, vector<32x3200xf32>,
    %dot_general3A_135 = arith.constant dense<0.000000e+00> : vector<2x3200xf32>
    %dot_general3A_136 = tpu.matmul %get3A_13, %select_n3A_131, %dot_general3A_135 {dimension_numbers = #tpu.dot_dimension_numbers<[1], [0], [0], [1], [0, 0, 1, 1], [], []>, transpose_lhs_hint = false} : vector<2x32xf32>, vector<32x3200xf32>, vector<2x3200xf32> -> vector<2x3200xf32>
    %add3A_137 = vector.broadcast %get3A_16 : vector<2x1xf32> to vector<2x3200xf32>
    %add3A_138 = arith.addf %dot_general3A_136, %add3A_137 : vector<2x3200xf32>
    %reduce_max3A_139 = arith.constant dense<0xFF800000> : vector<3200xf32>
    %reduce_max3A_140 = vector.multi_reduction <maximumf>, %add3A_138, %reduce_max3A_139 [0] : vector<2x3200xf32> to vector<3200xf32>
    %broadcast_in_dim3A_141 = vector.shape_cast %reduce_max3A_140 : vector<3200xf32> to vector<1x3200xf32>
    %sub3A_142 = vector.broadcast %broadcast_in_dim3A_141 : vector<1x3200xf32> to vector<2x3200xf32>
    %sub3A_143 = arith.subf %add3A_138, %sub3A_142 : vector<2x3200xf32>
    %exp3A_144 = math.exp %sub3A_143 : vector<2x3200xf32>
    %reduce_sum3A_145 = arith.constant dense<0.000000e+00> : vector<3200xf32>
    %reduce_sum3A_146 = vector.multi_reduction <add>, %exp3A_144, %reduce_sum3A_145 [0] : vector<2x3200xf32> to vector<3200xf32>
    %broadcast_in_dim3A_147 = vector.shape_cast %reduce_sum3A_146 : vector<3200xf32> to vector<1x3200xf32>
    %div3A_148 = vector.broadcast %broadcast_in_dim3A_147 : vector<1x3200xf32> to vector<2x3200xf32>
    %div3A_149 = arith.divf %exp3A_144, %div3A_148 : vector<2x3200xf32>
    %swap3A_150 = arith.constant 0 : index
    %swap3A_151 = arith.constant 0 : index
    %swap3A_152 = vector.load %arg21[%swap3A_150, %swap3A_151] : memref<2x3200xf32, #tpu.memory_space<vmem>>, vector<2x3200xf32>
    tpu.vector_store %arg21[%swap3A_150, %swap3A_151], %div3A_149 {strides = array<i32>} : memref<2x3200xf32, #tpu.memory_space<vmem>>, vector<2x3200xf32>,
    %slice3A_153 = vector.extract_strided_slice %transpose3A {offsets = [96, 0], sizes = [32, 3200], strides = [1, 1]} : vector<128x3200xf32> to vector<32x3200xf32>
    %get3A_154 = arith.constant 0 : index
    %get3A_155 = arith.constant 0 : index
    %get3A_156 = vector.load %arg5[%get3A_154, %get3A_155] : memref<2x3200xf32, #tpu.memory_space<vmem>>, vector<2x3200xf32>
    %get3A_157 = arith.constant 0 : index
    %get3A_158 = arith.constant 0 : index
    %get3A_159 = vector.load %arg9[%get3A_157, %get3A_158] : memref<32x3200xf32, #tpu.memory_space<vmem>>, vector<32x3200xf32>
    %concatenate3A_160 = tpu.concatenate %get3A_156, %get3A_159 in 0 : vector<2x3200xf32>, vector<32x3200xf32> -> vector<34x3200xf32>
    %dot_general3A_161 = arith.constant dense<0.000000e+00> : vector<32x3200xf32>
    %dot_general3A_162 = tpu.matmul %get3A_4, %concatenate3A_160, %dot_general3A_161 {dimension_numbers = #tpu.dot_dimension_numbers<[1], [0], [0], [1], [0, 0, 1, 1], [], []>, transpose_lhs_hint = false} : vector<32x34xf32>, vector<34x3200xf32>, vector<32x3200xf32> -> vector<32x3200xf32>
    %add3A_163 = arith.addf %slice3A_153, %dot_general3A_162 : vector<32x3200xf32>
    %gt3A_164 = arith.constant 0.000000e+00 : f32
    %gt3A_165 = vector.broadcast %gt3A_164 : f32 to vector<32x3200xf32>
    %gt3A_166 = arith.cmpf ogt, %add3A_163, %gt3A_165 : vector<32x3200xf32>
    %mul3A_167 = arith.constant 0.00999999977 : f32
    %mul3A_168 = vector.broadcast %mul3A_167 : f32 to vector<32x3200xf32>
    %mul3A_169 = arith.mulf %mul3A_168, %add3A_163 : vector<32x3200xf32>
    %select_n3A_170 = arith.select %gt3A_166, %add3A_163, %mul3A_169 : vector<32x3200xi1>, vector<32x3200xf32>
    %dot_general3A_171 = arith.constant dense<0.000000e+00> : vector<32x3200xf32>
    %dot_general3A_172 = tpu.matmul %get3A_7, %select_n3A_170, %dot_general3A_171 {dimension_numbers = #tpu.dot_dimension_numbers<[1], [0], [0], [1], [0, 0, 1, 1], [], []>, transpose_lhs_hint = false} : vector<32x32xf32>, vector<32x3200xf32>, vector<32x3200xf32> -> vector<32x3200xf32>
    %add3A_173 = vector.broadcast %get3A_10 : vector<32x1xf32> to vector<32x3200xf32>
    %add3A_174 = arith.addf %dot_general3A_172, %add3A_173 : vector<32x3200xf32>
    %gt3A_175 = arith.constant 0.000000e+00 : f32
    %gt3A_176 = vector.broadcast %gt3A_175 : f32 to vector<32x3200xf32>
    %gt3A_177 = arith.cmpf ogt, %add3A_174, %gt3A_176 : vector<32x3200xf32>
    %mul3A_178 = arith.constant 0.00999999977 : f32
    %mul3A_179 = vector.broadcast %mul3A_178 : f32 to vector<32x3200xf32>
    %mul3A_180 = arith.mulf %mul3A_179, %add3A_174 : vector<32x3200xf32>
    %select_n3A_181 = arith.select %gt3A_177, %add3A_174, %mul3A_180 : vector<32x3200xi1>, vector<32x3200xf32>
    %swap3A_182 = arith.constant 0 : index
    %swap3A_183 = arith.constant 0 : index
    %swap3A_184 = vector.load %arg18[%swap3A_182, %swap3A_183] : memref<32x3200xf32, #tpu.memory_space<vmem>>, vector<32x3200xf32>
    tpu.vector_store %arg18[%swap3A_182, %swap3A_183], %select_n3A_181 {strides = array<i32>} : memref<32x3200xf32, #tpu.memory_space<vmem>>, vector<32x3200xf32>,
    %dot_general3A_185 = arith.constant dense<0.000000e+00> : vector<2x3200xf32>
    %dot_general3A_186 = tpu.matmul %get3A_13, %select_n3A_181, %dot_general3A_185 {dimension_numbers = #tpu.dot_dimension_numbers<[1], [0], [0], [1], [0, 0, 1, 1], [], []>, transpose_lhs_hint = false} : vector<2x32xf32>, vector<32x3200xf32>, vector<2x3200xf32> -> vector<2x3200xf32>
    %add3A_187 = vector.broadcast %get3A_16 : vector<2x1xf32> to vector<2x3200xf32>
    %add3A_188 = arith.addf %dot_general3A_186, %add3A_187 : vector<2x3200xf32>
    %reduce_max3A_189 = arith.constant dense<0xFF800000> : vector<3200xf32>
    %reduce_max3A_190 = vector.multi_reduction <maximumf>, %add3A_188, %reduce_max3A_189 [0] : vector<2x3200xf32> to vector<3200xf32>
    %broadcast_in_dim3A_191 = vector.shape_cast %reduce_max3A_190 : vector<3200xf32> to vector<1x3200xf32>
    %sub3A_192 = vector.broadcast %broadcast_in_dim3A_191 : vector<1x3200xf32> to vector<2x3200xf32>
    %sub3A_193 = arith.subf %add3A_188, %sub3A_192 : vector<2x3200xf32>
    %exp3A_194 = math.exp %sub3A_193 : vector<2x3200xf32>
    %reduce_sum3A_195 = arith.constant dense<0.000000e+00> : vector<3200xf32>
    %reduce_sum3A_196 = vector.multi_reduction <add>, %exp3A_194, %reduce_sum3A_195 [0] : vector<2x3200xf32> to vector<3200xf32>
    %broadcast_in_dim3A_197 = vector.shape_cast %reduce_sum3A_196 : vector<3200xf32> to vector<1x3200xf32>
    %div3A_198 = vector.broadcast %broadcast_in_dim3A_197 : vector<1x3200xf32> to vector<2x3200xf32>
    %div3A_199 = arith.divf %exp3A_194, %div3A_198 : vector<2x3200xf32>
    %swap3A_200 = arith.constant 0 : index
    %swap3A_201 = arith.constant 0 : index
    %swap3A_202 = vector.load %arg22[%swap3A_200, %swap3A_201] : memref<2x3200xf32, #tpu.memory_space<vmem>>, vector<2x3200xf32>
    tpu.vector_store %arg22[%swap3A_200, %swap3A_201], %div3A_199 {strides = array<i32>} : memref<2x3200xf32, #tpu.memory_space<vmem>>, vector<2x3200xf32>,
    return
  }
  func.func @transform_0(%arg0: i32) -> (i32, i32) {
    %c0_i32 = arith.constant 0 : i32
    %c0_i32_0 = arith.constant 0 : i32
    return %arg0, %c0_i32 : i32, i32
  }
  func.func @transform_1(%arg0: i32) -> (i32, i32) {
    %add3A = arith.constant 100 : i32
    %add3A_0 = arith.addi %add3A, %arg0 : i32
    %c0_i32 = arith.constant 0 : i32
    %c0_i32_1 = arith.constant 0 : i32
    return %c0_i32, %add3A_0 : i32, i32
  }
  func.func @transform_2(%arg0: i32) -> (i32, i32) {
    %add3A = arith.constant 125 : i32
    %add3A_0 = arith.addi %add3A, %arg0 : i32
    %c0_i32 = arith.constant 0 : i32
    %c0_i32_1 = arith.constant 0 : i32
    return %c0_i32, %add3A_0 : i32, i32
  }
  func.func @transform_3(%arg0: i32) -> (i32, i32) {
    %add3A = arith.constant 150 : i32
    %add3A_0 = arith.addi %add3A, %arg0 : i32
    %c0_i32 = arith.constant 0 : i32
    %c0_i32_1 = arith.constant 0 : i32
    return %c0_i32, %add3A_0 : i32, i32
  }
  func.func @transform_4(%arg0: i32) -> (i32, i32) {
    %add3A = arith.constant 175 : i32
    %add3A_0 = arith.addi %add3A, %arg0 : i32
    %c0_i32 = arith.constant 0 : i32
    %c0_i32_1 = arith.constant 0 : i32
    return %c0_i32, %add3A_0 : i32, i32
  }
  func.func @transform_5(%arg0: i32) -> (i32, i32) {
    %add3A = arith.constant 100 : i32
    %add3A_0 = arith.addi %add3A, %arg0 : i32
    %c0_i32 = arith.constant 0 : i32
    %c0_i32_1 = arith.constant 0 : i32
    return %c0_i32, %add3A_0 : i32, i32
  }
  func.func @transform_6(%arg0: i32) -> (i32, i32) {
    %add3A = arith.constant 125 : i32
    %add3A_0 = arith.addi %add3A, %arg0 : i32
    %c0_i32 = arith.constant 0 : i32
    %c0_i32_1 = arith.constant 0 : i32
    return %c0_i32, %add3A_0 : i32, i32
  }
  func.func @transform_7(%arg0: i32) -> (i32, i32) {
    %add3A = arith.constant 150 : i32
    %add3A_0 = arith.addi %add3A, %arg0 : i32
    %c0_i32 = arith.constant 0 : i32
    %c0_i32_1 = arith.constant 0 : i32
    return %c0_i32, %add3A_0 : i32, i32
  }
  func.func @transform_8(%arg0: i32) -> (i32, i32) {
    %add3A = arith.constant 175 : i32
    %add3A_0 = arith.addi %add3A, %arg0 : i32
    %c0_i32 = arith.constant 0 : i32
    %c0_i32_1 = arith.constant 0 : i32
    return %c0_i32, %add3A_0 : i32, i32
  }
  func.func @transform_9(%arg0: i32) -> (i32, i32) {
    %c0_i32 = arith.constant 0 : i32
    %c0_i32_0 = arith.constant 0 : i32
    %c0_i32_1 = arith.constant 0 : i32
    return %c0_i32, %c0_i32_0 : i32, i32
  }
  func.func @transform_10(%arg0: i32) -> (i32, i32) {
    %c0_i32 = arith.constant 0 : i32
    %c0_i32_0 = arith.constant 0 : i32
    %c0_i32_1 = arith.constant 0 : i32
    return %c0_i32, %c0_i32_0 : i32, i32
  }
  func.func @transform_11(%arg0: i32) -> (i32, i32) {
    %c0_i32 = arith.constant 0 : i32
    %c0_i32_0 = arith.constant 0 : i32
    %c0_i32_1 = arith.constant 0 : i32
    return %c0_i32, %c0_i32_0 : i32, i32
  }
  func.func @transform_12(%arg0: i32) -> (i32, i32) {
    %c0_i32 = arith.constant 0 : i32
    %c0_i32_0 = arith.constant 0 : i32
    %c0_i32_1 = arith.constant 0 : i32
    return %c0_i32, %c0_i32_0 : i32, i32
  }
  func.func @transform_13(%arg0: i32) -> (i32, i32) {
    %c0_i32 = arith.constant 0 : i32
    %c0_i32_0 = arith.constant 0 : i32
    %c0_i32_1 = arith.constant 0 : i32
    return %c0_i32, %c0_i32_0 : i32, i32
  }
  func.func @transform_14(%arg0: i32) -> (i32, i32) {
    %c0_i32 = arith.constant 0 : i32
    %c0_i32_0 = arith.constant 0 : i32
    return %c0_i32, %arg0 : i32, i32
  }
  func.func @transform_15(%arg0: i32) -> (i32, i32) {
    %c0_i32 = arith.constant 0 : i32
    %c0_i32_0 = arith.constant 0 : i32
    return %c0_i32, %arg0 : i32, i32
  }
  func.func @transform_16(%arg0: i32) -> (i32, i32) {
    %c0_i32 = arith.constant 0 : i32
    %c0_i32_0 = arith.constant 0 : i32
    return %c0_i32, %arg0 : i32, i32
  }
  func.func @transform_17(%arg0: i32) -> (i32, i32) {
    %c0_i32 = arith.constant 0 : i32
    %c0_i32_0 = arith.constant 0 : i32
    return %c0_i32, %arg0 : i32, i32
  }
  func.func @transform_18(%arg0: i32) -> (i32, i32) {
    %c0_i32 = arith.constant 0 : i32
    %c0_i32_0 = arith.constant 0 : i32
    return %c0_i32, %arg0 : i32, i32
  }
  func.func @transform_19(%arg0: i32) -> (i32, i32) {
    %c0_i32 = arith.constant 0 : i32
    %c0_i32_0 = arith.constant 0 : i32
    return %c0_i32, %arg0 : i32, i32
  }
  func.func @transform_20(%arg0: i32) -> (i32, i32) {
    %c0_i32 = arith.constant 0 : i32
    %c0_i32_0 = arith.constant 0 : i32
    return %c0_i32, %arg0 : i32, i32
  }
  func.func @transform_21(%arg0: i32) -> (i32, i32) {
    %c0_i32 = arith.constant 0 : i32
    %c0_i32_0 = arith.constant 0 : i32
    return %c0_i32, %arg0 : i32, i32
  }
}

module attributes {stable_mosaic.version = 14 : i64} {
  func.func @_mlp_body(%arg0: i32, %arg1: memref<3200x128xf32, #tpu.memory_space<vmem>>, %arg2: memref<2x3200xf32, #tpu.memory_space<vmem>>, %arg3: memref<2x3200xf32, #tpu.memory_space<vmem>>, %arg4: memref<2x3200xf32, #tpu.memory_space<vmem>>, %arg5: memref<2x3200xf32, #tpu.memory_space<vmem>>, %arg6: memref<32x3200xf32, #tpu.memory_space<vmem>>, %arg7: memref<32x3200xf32, #tpu.memory_space<vmem>>, %arg8: memref<32x3200xf32, #tpu.memory_space<vmem>>, %arg9: memref<32x3200xf32, #tpu.memory_space<vmem>>, %arg10: memref<32x34xf32, #tpu.memory_space<vmem>>, %arg11: memref<32x32xf32, #tpu.memory_space<vmem>>, %arg12: memref<32x1xf32, #tpu.memory_space<vmem>>, %arg13: memref<2x32xf32, #tpu.memory_space<vmem>>, %arg14: memref<2x1xf32, #tpu.memory_space<vmem>>, %arg15: memref<32x3200xf32, #tpu.memory_space<vmem>>, %arg16: memref<32x3200xf32, #tpu.memory_space<vmem>>, %arg17: memref<32x3200xf32, #tpu.memory_space<vmem>>, %arg18: memref<32x3200xf32, #tpu.memory_space<vmem>>, %arg19: memref<2x3200xf32, #tpu.memory_space<vmem>>, %arg20: memref<2x3200xf32, #tpu.memory_space<vmem>>, %arg21: memref<2x3200xf32, #tpu.memory_space<vmem>>, %arg22: memref<2x3200xf32, #tpu.memory_space<vmem>>) attributes {dimension_semantics = [#tpu.dimension_semantics<arbitrary>], iteration_bounds = array<i64: 25>, scalar_prefetch = 0 : i64, scratch_operands = 0 : i64, tpu.core_type = #tpu.core_type<tc>, window_params = [{transform_indices = @transform_0, window_bounds = array<i64: 3200, 128>}, {transform_indices = @transform_1, window_bounds = array<i64: 2, 3200>}, {transform_indices = @transform_2, window_bounds = array<i64: 2, 3200>}, {transform_indices = @transform_3, window_bounds = array<i64: 2, 3200>}, {transform_indices = @transform_4, window_bounds = array<i64: 2, 3200>}, {transform_indices = @transform_5, window_bounds = array<i64: 32, 3200>}, {transform_indices = @transform_6, window_bounds = array<i64: 32, 3200>}, {transform_indices = @transform_7, window_bounds = array<i64: 32, 3200>}, {transform_indices = @transform_8, window_bounds = array<i64: 32, 3200>}, {pipeline_mode = #tpu.pipeline_mode<synchronous>, transform_indices = @transform_9, window_bounds = array<i64: 32, 34>}, {pipeline_mode = #tpu.pipeline_mode<synchronous>, transform_indices = @transform_10, window_bounds = array<i64: 32, 32>}, {pipeline_mode = #tpu.pipeline_mode<synchronous>, transform_indices = @transform_11, window_bounds = array<i64: 32, 1>}, {pipeline_mode = #tpu.pipeline_mode<synchronous>, transform_indices = @transform_12, window_bounds = array<i64: 2, 32>}, {pipeline_mode = #tpu.pipeline_mode<synchronous>, transform_indices = @transform_13, window_bounds = array<i64: 2, 1>}, {transform_indices = @transform_14, window_bounds = array<i64: 32, 3200>}, {transform_indices = @transform_15, window_bounds = array<i64: 32, 3200>}, {transform_indices = @transform_16, window_bounds = array<i64: 32, 3200>}, {transform_indices = @transform_17, window_bounds = array<i64: 32, 3200>}, {transform_indices = @transform_18, window_bounds = array<i64: 2, 3200>}, {transform_indices = @transform_19, window_bounds = array<i64: 2, 3200>}, {transform_indices = @transform_20, window_bounds = array<i64: 2, 3200>}, {transform_indices = @transform_21, window_bounds = array<i64: 2, 3200>}]} {
    %get3A = arith.constant 0 : index
    %get3A_0 = arith.constant 0 : index
    %get3A_1 = vector.load %arg1[%get3A, %get3A_0] : memref<3200x128xf32, #tpu.memory_space<vmem>>, vector<3200x128xf32>
    %transpose3A = tpu.transpose %get3A_1, [1, 0] : vector<3200x128xf32> -> vector<128x3200xf32>
    %get3A_2 = arith.constant 0 : index
    %get3A_3 = arith.constant 0 : index
    %get3A_4 = vector.load %arg10[%get3A_2, %get3A_3] : memref<32x34xf32, #tpu.memory_space<vmem>>, vector<32x34xf32>
    %get3A_5 = arith.constant 0 : index
    %get3A_6 = arith.constant 0 : index
    %get3A_7 = vector.load %arg11[%get3A_5, %get3A_6] : memref<32x32xf32, #tpu.memory_space<vmem>>, vector<32x32xf32>
    %get3A_8 = arith.constant 0 : index
    %get3A_9 = arith.constant 0 : index
    %get3A_10 = vector.load %arg12[%get3A_8, %get3A_9] : memref<32x1xf32, #tpu.memory_space<vmem>>, vector<32x1xf32>
    %get3A_11 = arith.constant 0 : index
    %get3A_12 = arith.constant 0 : index
    %get3A_13 = vector.load %arg13[%get3A_11, %get3A_12] : memref<2x32xf32, #tpu.memory_space<vmem>>, vector<2x32xf32>
    %get3A_14 = arith.constant 0 : index
    %get3A_15 = arith.constant 0 : index
    %get3A_16 = vector.load %arg14[%get3A_14, %get3A_15] : memref<2x1xf32, #tpu.memory_space<vmem>>, vector<2x1xf32>
    %slice3A = vector.extract_strided_slice %transpose3A {offsets = [0, 0], sizes = [32, 3200], strides = [1, 1]} : vector<128x3200xf32> to vector<32x3200xf32>
    %get3A_17 = arith.constant 0 : index
    %get3A_18 = arith.constant 0 : index
    %get3A_19 = vector.load %arg2[%get3A_17, %get3A_18] : memref<2x3200xf32, #tpu.memory_space<vmem>>, vector<2x3200xf32>
    %get3A_20 = arith.constant 0 : index
    %get3A_21 = arith.constant 0 : index
    %get3A_22 = vector.load %arg6[%get3A_20, %get3A_21] : memref<32x3200xf32, #tpu.memory_space<vmem>>, vector<32x3200xf32>
    %concatenate3A = tpu.concatenate %get3A_19, %get3A_22 in 0 : vector<2x3200xf32>, vector<32x3200xf32> -> vector<34x3200xf32>
    %dot_general3A = arith.constant dense<0.000000e+00> : vector<32x3200xf32>
    %dot_general3A_23 = tpu.matmul %get3A_4, %concatenate3A, %dot_general3A {dimension_numbers = #tpu.dot_dimension_numbers<[1], [0], [0], [1], [0, 0, 1, 1], [], []>, transpose_lhs_hint = false} : vector<32x34xf32>, vector<34x3200xf32>, vector<32x3200xf32> -> vector<32x3200xf32>
    %add3A = arith.addf %slice3A, %dot_general3A_23 : vector<32x3200xf32>
    %gt3A = arith.constant 0.000000e+00 : f32
    %gt3A_24 = vector.broadcast %gt3A : f32 to vector<32x3200xf32>
    %gt3A_25 = arith.cmpf ogt, %add3A, %gt3A_24 : vector<32x3200xf32>
    %mul3A = arith.constant 0.00999999977 : f32
    %mul3A_26 = vector.broadcast %mul3A : f32 to vector<32x3200xf32>
    %mul3A_27 = arith.mulf %mul3A_26, %add3A : vector<32x3200xf32>
    %select_n3A = arith.select %gt3A_25, %add3A, %mul3A_27 : vector<32x3200xi1>, vector<32x3200xf32>
    %dot_general3A_28 = arith.constant dense<0.000000e+00> : vector<32x3200xf32>
    %dot_general3A_29 = tpu.matmul %get3A_7, %select_n3A, %dot_general3A_28 {dimension_numbers = #tpu.dot_dimension_numbers<[1], [0], [0], [1], [0, 0, 1, 1], [], []>, transpose_lhs_hint = false} : vector<32x32xf32>, vector<32x3200xf32>, vector<32x3200xf32> -> vector<32x3200xf32>
    %add3A_30 = vector.broadcast %get3A_10 : vector<32x1xf32> to vector<32x3200xf32>
    %add3A_31 = arith.addf %dot_general3A_29, %add3A_30 : vector<32x3200xf32>
    %gt3A_32 = arith.constant 0.000000e+00 : f32
    %gt3A_33 = vector.broadcast %gt3A_32 : f32 to vector<32x3200xf32>
    %gt3A_34 = arith.cmpf ogt, %add3A_31, %gt3A_33 : vector<32x3200xf32>
    %mul3A_35 = arith.constant 0.00999999977 : f32
    %mul3A_36 = vector.broadcast %mul3A_35 : f32 to vector<32x3200xf32>
    %mul3A_37 = arith.mulf %mul3A_36, %add3A_31 : vector<32x3200xf32>
    %select_n3A_38 = arith.select %gt3A_34, %add3A_31, %mul3A_37 : vector<32x3200xi1>, vector<32x3200xf32>
    %swap3A = arith.constant 0 : index
    %swap3A_39 = arith.constant 0 : index
    %swap3A_40 = vector.load %arg15[%swap3A, %swap3A_39] : memref<32x3200xf32, #tpu.memory_space<vmem>>, vector<32x3200xf32>
    tpu.vector_store %arg15[%swap3A, %swap3A_39], %select_n3A_38 {strides = array<i32>} : memref<32x3200xf32, #tpu.memory_space<vmem>>, vector<32x3200xf32>,
    %dot_general3A_41 = arith.constant dense<0.000000e+00> : vector<2x3200xf32>
    %dot_general3A_42 = tpu.matmul %get3A_13, %select_n3A_38, %dot_general3A_41 {dimension_numbers = #tpu.dot_dimension_numbers<[1], [0], [0], [1], [0, 0, 1, 1], [], []>, transpose_lhs_hint = false} : vector<2x32xf32>, vector<32x3200xf32>, vector<2x3200xf32> -> vector<2x3200xf32>
    %add3A_43 = vector.broadcast %get3A_16 : vector<2x1xf32> to vector<2x3200xf32>
    %add3A_44 = arith.addf %dot_general3A_42, %add3A_43 : vector<2x3200xf32>
    %reduce_max3A = arith.constant dense<0xFF800000> : vector<3200xf32>
    %reduce_max3A_45 = vector.multi_reduction <maximumf>, %add3A_44, %reduce_max3A [0] : vector<2x3200xf32> to vector<3200xf32>
    %broadcast_in_dim3A = vector.shape_cast %reduce_max3A_45 : vector<3200xf32> to vector<1x3200xf32>
    %sub3A = vector.broadcast %broadcast_in_dim3A : vector<1x3200xf32> to vector<2x3200xf32>
    %sub3A_46 = arith.subf %add3A_44, %sub3A : vector<2x3200xf32>
    %exp3A = math.exp %sub3A_46 : vector<2x3200xf32>
    %reduce_sum3A = arith.constant dense<0.000000e+00> : vector<3200xf32>
    %reduce_sum3A_47 = vector.multi_reduction <add>, %exp3A, %reduce_sum3A [0] : vector<2x3200xf32> to vector<3200xf32>
    %broadcast_in_dim3A_48 = vector.shape_cast %reduce_sum3A_47 : vector<3200xf32> to vector<1x3200xf32>
    %div3A = vector.broadcast %broadcast_in_dim3A_48 : vector<1x3200xf32> to vector<2x3200xf32>
    %div3A_49 = arith.divf %exp3A, %div3A : vector<2x3200xf32>
    %swap3A_50 = arith.constant 0 : index
    %swap3A_51 = arith.constant 0 : index
    %swap3A_52 = vector.load %arg19[%swap3A_50, %swap3A_51] : memref<2x3200xf32, #tpu.memory_space<vmem>>, vector<2x3200xf32>
    tpu.vector_store %arg19[%swap3A_50, %swap3A_51], %div3A_49 {strides = array<i32>} : memref<2x3200xf32, #tpu.memory_space<vmem>>, vector<2x3200xf32>,
    %slice3A_53 = vector.extract_strided_slice %transpose3A {offsets = [32, 0], sizes = [32, 3200], strides = [1, 1]} : vector<128x3200xf32> to vector<32x3200xf32>
    %get3A_54 = arith.constant 0 : index
    %get3A_55 = arith.constant 0 : index
    %get3A_56 = vector.load %arg3[%get3A_54, %get3A_55] : memref<2x3200xf32, #tpu.memory_space<vmem>>, vector<2x3200xf32>
    %get3A_57 = arith.constant 0 : index
    %get3A_58 = arith.constant 0 : index
    %get3A_59 = vector.load %arg7[%get3A_57, %get3A_58] : memref<32x3200xf32, #tpu.memory_space<vmem>>, vector<32x3200xf32>
    %concatenate3A_60 = tpu.concatenate %get3A_56, %get3A_59 in 0 : vector<2x3200xf32>, vector<32x3200xf32> -> vector<34x3200xf32>
    %dot_general3A_61 = arith.constant dense<0.000000e+00> : vector<32x3200xf32>
    %dot_general3A_62 = tpu.matmul %get3A_4, %concatenate3A_60, %dot_general3A_61 {dimension_numbers = #tpu.dot_dimension_numbers<[1], [0], [0], [1], [0, 0, 1, 1], [], []>, transpose_lhs_hint = false} : vector<32x34xf32>, vector<34x3200xf32>, vector<32x3200xf32> -> vector<32x3200xf32>
    %add3A_63 = arith.addf %slice3A_53, %dot_general3A_62 : vector<32x3200xf32>
    %gt3A_64 = arith.constant 0.000000e+00 : f32
    %gt3A_65 = vector.broadcast %gt3A_64 : f32 to vector<32x3200xf32>
    %gt3A_66 = arith.cmpf ogt, %add3A_63, %gt3A_65 : vector<32x3200xf32>
    %mul3A_67 = arith.constant 0.00999999977 : f32
    %mul3A_68 = vector.broadcast %mul3A_67 : f32 to vector<32x3200xf32>
    %mul3A_69 = arith.mulf %mul3A_68, %add3A_63 : vector<32x3200xf32>
    %select_n3A_70 = arith.select %gt3A_66, %add3A_63, %mul3A_69 : vector<32x3200xi1>, vector<32x3200xf32>
    %dot_general3A_71 = arith.constant dense<0.000000e+00> : vector<32x3200xf32>
    %dot_general3A_72 = tpu.matmul %get3A_7, %select_n3A_70, %dot_general3A_71 {dimension_numbers = #tpu.dot_dimension_numbers<[1], [0], [0], [1], [0, 0, 1, 1], [], []>, transpose_lhs_hint = false} : vector<32x32xf32>, vector<32x3200xf32>, vector<32x3200xf32> -> vector<32x3200xf32>
    %add3A_73 = vector.broadcast %get3A_10 : vector<32x1xf32> to vector<32x3200xf32>
    %add3A_74 = arith.addf %dot_general3A_72, %add3A_73 : vector<32x3200xf32>
    %gt3A_75 = arith.constant 0.000000e+00 : f32
    %gt3A_76 = vector.broadcast %gt3A_75 : f32 to vector<32x3200xf32>
    %gt3A_77 = arith.cmpf ogt, %add3A_74, %gt3A_76 : vector<32x3200xf32>
    %mul3A_78 = arith.constant 0.00999999977 : f32
    %mul3A_79 = vector.broadcast %mul3A_78 : f32 to vector<32x3200xf32>
    %mul3A_80 = arith.mulf %mul3A_79, %add3A_74 : vector<32x3200xf32>
    %select_n3A_81 = arith.select %gt3A_77, %add3A_74, %mul3A_80 : vector<32x3200xi1>, vector<32x3200xf32>
    %swap3A_82 = arith.constant 0 : index
    %swap3A_83 = arith.constant 0 : index
    %swap3A_84 = vector.load %arg16[%swap3A_82, %swap3A_83] : memref<32x3200xf32, #tpu.memory_space<vmem>>, vector<32x3200xf32>
    tpu.vector_store %arg16[%swap3A_82, %swap3A_83], %select_n3A_81 {strides = array<i32>} : memref<32x3200xf32, #tpu.memory_space<vmem>>, vector<32x3200xf32>,
    %dot_general3A_85 = arith.constant dense<0.000000e+00> : vector<2x3200xf32>
    %dot_general3A_86 = tpu.matmul %get3A_13, %select_n3A_81, %dot_general3A_85 {dimension_numbers = #tpu.dot_dimension_numbers<[1], [0], [0], [1], [0, 0, 1, 1], [], []>, transpose_lhs_hint = false} : vector<2x32xf32>, vector<32x3200xf32>, vector<2x3200xf32> -> vector<2x3200xf32>
    %add3A_87 = vector.broadcast %get3A_16 : vector<2x1xf32> to vector<2x3200xf32>
    %add3A_88 = arith.addf %dot_general3A_86, %add3A_87 : vector<2x3200xf32>
    %reduce_max3A_89 = arith.constant dense<0xFF800000> : vector<3200xf32>
    %reduce_max3A_90 = vector.multi_reduction <maximumf>, %add3A_88, %reduce_max3A_89 [0] : vector<2x3200xf32> to vector<3200xf32>
    %broadcast_in_dim3A_91 = vector.shape_cast %reduce_max3A_90 : vector<3200xf32> to vector<1x3200xf32>
    %sub3A_92 = vector.broadcast %broadcast_in_dim3A_91 : vector<1x3200xf32> to vector<2x3200xf32>
    %sub3A_93 = arith.subf %add3A_88, %sub3A_92 : vector<2x3200xf32>
    %exp3A_94 = math.exp %sub3A_93 : vector<2x3200xf32>
    %reduce_sum3A_95 = arith.constant dense<0.000000e+00> : vector<3200xf32>
    %reduce_sum3A_96 = vector.multi_reduction <add>, %exp3A_94, %reduce_sum3A_95 [0] : vector<2x3200xf32> to vector<3200xf32>
    %broadcast_in_dim3A_97 = vector.shape_cast %reduce_sum3A_96 : vector<3200xf32> to vector<1x3200xf32>
    %div3A_98 = vector.broadcast %broadcast_in_dim3A_97 : vector<1x3200xf32> to vector<2x3200xf32>
    %div3A_99 = arith.divf %exp3A_94, %div3A_98 : vector<2x3200xf32>
    %swap3A_100 = arith.constant 0 : index
    %swap3A_101 = arith.constant 0 : index
    %swap3A_102 = vector.load %arg20[%swap3A_100, %swap3A_101] : memref<2x3200xf32, #tpu.memory_space<vmem>>, vector<2x3200xf32>
    tpu.vector_store %arg20[%swap3A_100, %swap3A_101], %div3A_99 {strides = array<i32>} : memref<2x3200xf32, #tpu.memory_space<vmem>>, vector<2x3200xf32>,
    %slice3A_103 = vector.extract_strided_slice %transpose3A {offsets = [64, 0], sizes = [32, 3200], strides = [1, 1]} : vector<128x3200xf32> to vector<32x3200xf32>
    %get3A_104 = arith.constant 0 : index
    %get3A_105 = arith.constant 0 : index
    %get3A_106 = vector.load %arg4[%get3A_104, %get3A_105] : memref<2x3200xf32, #tpu.memory_space<vmem>>, vector<2x3200xf32>
    %get3A_107 = arith.constant 0 : index
    %get3A_108 = arith.constant 0 : index
    %get3A_109 = vector.load %arg8[%get3A_107, %get3A_108] : memref<32x3200xf32, #tpu.memory_space<vmem>>, vector<32x3200xf32>
    %concatenate3A_110 = tpu.concatenate %get3A_106, %get3A_109 in 0 : vector<2x3200xf32>, vector<32x3200xf32> -> vector<34x3200xf32>
    %dot_general3A_111 = arith.constant dense<0.000000e+00> : vector<32x3200xf32>
    %dot_general3A_112 = tpu.matmul %get3A_4, %concatenate3A_110, %dot_general3A_111 {dimension_numbers = #tpu.dot_dimension_numbers<[1], [0], [0], [1], [0, 0, 1, 1], [], []>, transpose_lhs_hint = false} : vector<32x34xf32>, vector<34x3200xf32>, vector<32x3200xf32> -> vector<32x3200xf32>
    %add3A_113 = arith.addf %slice3A_103, %dot_general3A_112 : vector<32x3200xf32>
    %gt3A_114 = arith.constant 0.000000e+00 : f32
    %gt3A_115 = vector.broadcast %gt3A_114 : f32 to vector<32x3200xf32>
    %gt3A_116 = arith.cmpf ogt, %add3A_113, %gt3A_115 : vector<32x3200xf32>
    %mul3A_117 = arith.constant 0.00999999977 : f32
    %mul3A_118 = vector.broadcast %mul3A_117 : f32 to vector<32x3200xf32>
    %mul3A_119 = arith.mulf %mul3A_118, %add3A_113 : vector<32x3200xf32>
    %select_n3A_120 = arith.select %gt3A_116, %add3A_113, %mul3A_119 : vector<32x3200xi1>, vector<32x3200xf32>
    %dot_general3A_121 = arith.constant dense<0.000000e+00> : vector<32x3200xf32>
    %dot_general3A_122 = tpu.matmul %get3A_7, %select_n3A_120, %dot_general3A_121 {dimension_numbers = #tpu.dot_dimension_numbers<[1], [0], [0], [1], [0, 0, 1, 1], [], []>, transpose_lhs_hint = false} : vector<32x32xf32>, vector<32x3200xf32>, vector<32x3200xf32> -> vector<32x3200xf32>
    %add3A_123 = vector.broadcast %get3A_10 : vector<32x1xf32> to vector<32x3200xf32>
    %add3A_124 = arith.addf %dot_general3A_122, %add3A_123 : vector<32x3200xf32>
    %gt3A_125 = arith.constant 0.000000e+00 : f32
    %gt3A_126 = vector.broadcast %gt3A_125 : f32 to vector<32x3200xf32>
    %gt3A_127 = arith.cmpf ogt, %add3A_124, %gt3A_126 : vector<32x3200xf32>
    %mul3A_128 = arith.constant 0.00999999977 : f32
    %mul3A_129 = vector.broadcast %mul3A_128 : f32 to vector<32x3200xf32>
    %mul3A_130 = arith.mulf %mul3A_129, %add3A_124 : vector<32x3200xf32>
    %select_n3A_131 = arith.select %gt3A_127, %add3A_124, %mul3A_130 : vector<32x3200xi1>, vector<32x3200xf32>
    %swap3A_132 = arith.constant 0 : index
    %swap3A_133 = arith.constant 0 : index
    %swap3A_134 = vector.load %arg17[%swap3A_132, %swap3A_133] : memref<32x3200xf32, #tpu.memory_space<vmem>>, vector<32x3200xf32>
    tpu.vector_store %arg17[%swap3A_132, %swap3A_133], %select_n3A_131 {strides = array<i32>} : memref<32x3200xf32, #tpu.memory_space<vmem>>, vector<32x3200xf32>,
    %dot_general3A_135 = arith.constant dense<0.000000e+00> : vector<2x3200xf32>
    %dot_general3A_136 = tpu.matmul %get3A_13, %select_n3A_131, %dot_general3A_135 {dimension_numbers = #tpu.dot_dimension_numbers<[1], [0], [0], [1], [0, 0, 1, 1], [], []>, transpose_lhs_hint = false} : vector<2x32xf32>, vector<32x3200xf32>, vector<2x3200xf32> -> vector<2x3200xf32>
    %add3A_137 = vector.broadcast %get3A_16 : vector<2x1xf32> to vector<2x3200xf32>
    %add3A_138 = arith.addf %dot_general3A_136, %add3A_137 : vector<2x3200xf32>
    %reduce_max3A_139 = arith.constant dense<0xFF800000> : vector<3200xf32>
    %reduce_max3A_140 = vector.multi_reduction <maximumf>, %add3A_138, %reduce_max3A_139 [0] : vector<2x3200xf32> to vector<3200xf32>
    %broadcast_in_dim3A_141 = vector.shape_cast %reduce_max3A_140 : vector<3200xf32> to vector<1x3200xf32>
    %sub3A_142 = vector.broadcast %broadcast_in_dim3A_141 : vector<1x3200xf32> to vector<2x3200xf32>
    %sub3A_143 = arith.subf %add3A_138, %sub3A_142 : vector<2x3200xf32>
    %exp3A_144 = math.exp %sub3A_143 : vector<2x3200xf32>
    %reduce_sum3A_145 = arith.constant dense<0.000000e+00> : vector<3200xf32>
    %reduce_sum3A_146 = vector.multi_reduction <add>, %exp3A_144, %reduce_sum3A_145 [0] : vector<2x3200xf32> to vector<3200xf32>
    %broadcast_in_dim3A_147 = vector.shape_cast %reduce_sum3A_146 : vector<3200xf32> to vector<1x3200xf32>
    %div3A_148 = vector.broadcast %broadcast_in_dim3A_147 : vector<1x3200xf32> to vector<2x3200xf32>
    %div3A_149 = arith.divf %exp3A_144, %div3A_148 : vector<2x3200xf32>
    %swap3A_150 = arith.constant 0 : index
    %swap3A_151 = arith.constant 0 : index
    %swap3A_152 = vector.load %arg21[%swap3A_150, %swap3A_151] : memref<2x3200xf32, #tpu.memory_space<vmem>>, vector<2x3200xf32>
    tpu.vector_store %arg21[%swap3A_150, %swap3A_151], %div3A_149 {strides = array<i32>} : memref<2x3200xf32, #tpu.memory_space<vmem>>, vector<2x3200xf32>,
    %slice3A_153 = vector.extract_strided_slice %transpose3A {offsets = [96, 0], sizes = [32, 3200], strides = [1, 1]} : vector<128x3200xf32> to vector<32x3200xf32>
    %get3A_154 = arith.constant 0 : index
    %get3A_155 = arith.constant 0 : index
    %get3A_156 = vector.load %arg5[%get3A_154, %get3A_155] : memref<2x3200xf32, #tpu.memory_space<vmem>>, vector<2x3200xf32>
    %get3A_157 = arith.constant 0 : index
    %get3A_158 = arith.constant 0 : index
    %get3A_159 = vector.load %arg9[%get3A_157, %get3A_158] : memref<32x3200xf32, #tpu.memory_space<vmem>>, vector<32x3200xf32>
    %concatenate3A_160 = tpu.concatenate %get3A_156, %get3A_159 in 0 : vector<2x3200xf32>, vector<32x3200xf32> -> vector<34x3200xf32>
    %dot_general3A_161 = arith.constant dense<0.000000e+00> : vector<32x3200xf32>
    %dot_general3A_162 = tpu.matmul %get3A_4, %concatenate3A_160, %dot_general3A_161 {dimension_numbers = #tpu.dot_dimension_numbers<[1], [0], [0], [1], [0, 0, 1, 1], [], []>, transpose_lhs_hint = false} : vector<32x34xf32>, vector<34x3200xf32>, vector<32x3200xf32> -> vector<32x3200xf32>
    %add3A_163 = arith.addf %slice3A_153, %dot_general3A_162 : vector<32x3200xf32>
    %gt3A_164 = arith.constant 0.000000e+00 : f32
    %gt3A_165 = vector.broadcast %gt3A_164 : f32 to vector<32x3200xf32>
    %gt3A_166 = arith.cmpf ogt, %add3A_163, %gt3A_165 : vector<32x3200xf32>
    %mul3A_167 = arith.constant 0.00999999977 : f32
    %mul3A_168 = vector.broadcast %mul3A_167 : f32 to vector<32x3200xf32>
    %mul3A_169 = arith.mulf %mul3A_168, %add3A_163 : vector<32x3200xf32>
    %select_n3A_170 = arith.select %gt3A_166, %add3A_163, %mul3A_169 : vector<32x3200xi1>, vector<32x3200xf32>
    %dot_general3A_171 = arith.constant dense<0.000000e+00> : vector<32x3200xf32>
    %dot_general3A_172 = tpu.matmul %get3A_7, %select_n3A_170, %dot_general3A_171 {dimension_numbers = #tpu.dot_dimension_numbers<[1], [0], [0], [1], [0, 0, 1, 1], [], []>, transpose_lhs_hint = false} : vector<32x32xf32>, vector<32x3200xf32>, vector<32x3200xf32> -> vector<32x3200xf32>
    %add3A_173 = vector.broadcast %get3A_10 : vector<32x1xf32> to vector<32x3200xf32>
    %add3A_174 = arith.addf %dot_general3A_172, %add3A_173 : vector<32x3200xf32>
    %gt3A_175 = arith.constant 0.000000e+00 : f32
    %gt3A_176 = vector.broadcast %gt3A_175 : f32 to vector<32x3200xf32>
    %gt3A_177 = arith.cmpf ogt, %add3A_174, %gt3A_176 : vector<32x3200xf32>
    %mul3A_178 = arith.constant 0.00999999977 : f32
    %mul3A_179 = vector.broadcast %mul3A_178 : f32 to vector<32x3200xf32>
    %mul3A_180 = arith.mulf %mul3A_179, %add3A_174 : vector<32x3200xf32>
    %select_n3A_181 = arith.select %gt3A_177, %add3A_174, %mul3A_180 : vector<32x3200xi1>, vector<32x3200xf32>
    %swap3A_182 = arith.constant 0 : index
    %swap3A_183 = arith.constant 0 : index
    %swap3A_184 = vector.load %arg18[%swap3A_182, %swap3A_183] : memref<32x3200xf32, #tpu.memory_space<vmem>>, vector<32x3200xf32>
    tpu.vector_store %arg18[%swap3A_182, %swap3A_183], %select_n3A_181 {strides = array<i32>} : memref<32x3200xf32, #tpu.memory_space<vmem>>, vector<32x3200xf32>,
    %dot_general3A_185 = arith.constant dense<0.000000e+00> : vector<2x3200xf32>
    %dot_general3A_186 = tpu.matmul %get3A_13, %select_n3A_181, %dot_general3A_185 {dimension_numbers = #tpu.dot_dimension_numbers<[1], [0], [0], [1], [0, 0, 1, 1], [], []>, transpose_lhs_hint = false} : vector<2x32xf32>, vector<32x3200xf32>, vector<2x3200xf32> -> vector<2x3200xf32>
    %add3A_187 = vector.broadcast %get3A_16 : vector<2x1xf32> to vector<2x3200xf32>
    %add3A_188 = arith.addf %dot_general3A_186, %add3A_187 : vector<2x3200xf32>
    %reduce_max3A_189 = arith.constant dense<0xFF800000> : vector<3200xf32>
    %reduce_max3A_190 = vector.multi_reduction <maximumf>, %add3A_188, %reduce_max3A_189 [0] : vector<2x3200xf32> to vector<3200xf32>
    %broadcast_in_dim3A_191 = vector.shape_cast %reduce_max3A_190 : vector<3200xf32> to vector<1x3200xf32>
    %sub3A_192 = vector.broadcast %broadcast_in_dim3A_191 : vector<1x3200xf32> to vector<2x3200xf32>
    %sub3A_193 = arith.subf %add3A_188, %sub3A_192 : vector<2x3200xf32>
    %exp3A_194 = math.exp %sub3A_193 : vector<2x3200xf32>
    %reduce_sum3A_195 = arith.constant dense<0.000000e+00> : vector<3200xf32>
    %reduce_sum3A_196 = vector.multi_reduction <add>, %exp3A_194, %reduce_sum3A_195 [0] : vector<2x3200xf32> to vector<3200xf32>
    %broadcast_in_dim3A_197 = vector.shape_cast %reduce_sum3A_196 : vector<3200xf32> to vector<1x3200xf32>
    %div3A_198 = vector.broadcast %broadcast_in_dim3A_197 : vector<1x3200xf32> to vector<2x3200xf32>
    %div3A_199 = arith.divf %exp3A_194, %div3A_198 : vector<2x3200xf32>
    %swap3A_200 = arith.constant 0 : index
    %swap3A_201 = arith.constant 0 : index
    %swap3A_202 = vector.load %arg22[%swap3A_200, %swap3A_201] : memref<2x3200xf32, #tpu.memory_space<vmem>>, vector<2x3200xf32>
    tpu.vector_store %arg22[%swap3A_200, %swap3A_201], %div3A_199 {strides = array<i32>} : memref<2x3200xf32, #tpu.memory_space<vmem>>, vector<2x3200xf32>,
    return
  }
  func.func @transform_0(%arg0: i32) -> (i32, i32) {
    %c0_i32 = arith.constant 0 : i32
    %c0_i32_0 = arith.constant 0 : i32
    return %arg0, %c0_i32 : i32, i32
  }
  func.func @transform_1(%arg0: i32) -> (i32, i32) {
    %add3A = arith.constant 200 : i32
    %add3A_0 = arith.addi %add3A, %arg0 : i32
    %c0_i32 = arith.constant 0 : i32
    %c0_i32_1 = arith.constant 0 : i32
    return %c0_i32, %add3A_0 : i32, i32
  }
  func.func @transform_2(%arg0: i32) -> (i32, i32) {
    %add3A = arith.constant 225 : i32
    %add3A_0 = arith.addi %add3A, %arg0 : i32
    %c0_i32 = arith.constant 0 : i32
    %c0_i32_1 = arith.constant 0 : i32
    return %c0_i32, %add3A_0 : i32, i32
  }
  func.func @transform_3(%arg0: i32) -> (i32, i32) {
    %add3A = arith.constant 250 : i32
    %add3A_0 = arith.addi %add3A, %arg0 : i32
    %c0_i32 = arith.constant 0 : i32
    %c0_i32_1 = arith.constant 0 : i32
    return %c0_i32, %add3A_0 : i32, i32
  }
  func.func @transform_4(%arg0: i32) -> (i32, i32) {
    %add3A = arith.constant 275 : i32
    %add3A_0 = arith.addi %add3A, %arg0 : i32
    %c0_i32 = arith.constant 0 : i32
    %c0_i32_1 = arith.constant 0 : i32
    return %c0_i32, %add3A_0 : i32, i32
  }
  func.func @transform_5(%arg0: i32) -> (i32, i32) {
    %add3A = arith.constant 200 : i32
    %add3A_0 = arith.addi %add3A, %arg0 : i32
    %c0_i32 = arith.constant 0 : i32
    %c0_i32_1 = arith.constant 0 : i32
    return %c0_i32, %add3A_0 : i32, i32
  }
  func.func @transform_6(%arg0: i32) -> (i32, i32) {
    %add3A = arith.constant 225 : i32
    %add3A_0 = arith.addi %add3A, %arg0 : i32
    %c0_i32 = arith.constant 0 : i32
    %c0_i32_1 = arith.constant 0 : i32
    return %c0_i32, %add3A_0 : i32, i32
  }
  func.func @transform_7(%arg0: i32) -> (i32, i32) {
    %add3A = arith.constant 250 : i32
    %add3A_0 = arith.addi %add3A, %arg0 : i32
    %c0_i32 = arith.constant 0 : i32
    %c0_i32_1 = arith.constant 0 : i32
    return %c0_i32, %add3A_0 : i32, i32
  }
  func.func @transform_8(%arg0: i32) -> (i32, i32) {
    %add3A = arith.constant 275 : i32
    %add3A_0 = arith.addi %add3A, %arg0 : i32
    %c0_i32 = arith.constant 0 : i32
    %c0_i32_1 = arith.constant 0 : i32
    return %c0_i32, %add3A_0 : i32, i32
  }
  func.func @transform_9(%arg0: i32) -> (i32, i32) {
    %c0_i32 = arith.constant 0 : i32
    %c0_i32_0 = arith.constant 0 : i32
    %c0_i32_1 = arith.constant 0 : i32
    return %c0_i32, %c0_i32_0 : i32, i32
  }
  func.func @transform_10(%arg0: i32) -> (i32, i32) {
    %c0_i32 = arith.constant 0 : i32
    %c0_i32_0 = arith.constant 0 : i32
    %c0_i32_1 = arith.constant 0 : i32
    return %c0_i32, %c0_i32_0 : i32, i32
  }
  func.func @transform_11(%arg0: i32) -> (i32, i32) {
    %c0_i32 = arith.constant 0 : i32
    %c0_i32_0 = arith.constant 0 : i32
    %c0_i32_1 = arith.constant 0 : i32
    return %c0_i32, %c0_i32_0 : i32, i32
  }
  func.func @transform_12(%arg0: i32) -> (i32, i32) {
    %c0_i32 = arith.constant 0 : i32
    %c0_i32_0 = arith.constant 0 : i32
    %c0_i32_1 = arith.constant 0 : i32
    return %c0_i32, %c0_i32_0 : i32, i32
  }
  func.func @transform_13(%arg0: i32) -> (i32, i32) {
    %c0_i32 = arith.constant 0 : i32
    %c0_i32_0 = arith.constant 0 : i32
    %c0_i32_1 = arith.constant 0 : i32
    return %c0_i32, %c0_i32_0 : i32, i32
  }
  func.func @transform_14(%arg0: i32) -> (i32, i32) {
    %c0_i32 = arith.constant 0 : i32
    %c0_i32_0 = arith.constant 0 : i32
    return %c0_i32, %arg0 : i32, i32
  }
  func.func @transform_15(%arg0: i32) -> (i32, i32) {
    %c0_i32 = arith.constant 0 : i32
    %c0_i32_0 = arith.constant 0 : i32
    return %c0_i32, %arg0 : i32, i32
  }
  func.func @transform_16(%arg0: i32) -> (i32, i32) {
    %c0_i32 = arith.constant 0 : i32
    %c0_i32_0 = arith.constant 0 : i32
    return %c0_i32, %arg0 : i32, i32
  }
  func.func @transform_17(%arg0: i32) -> (i32, i32) {
    %c0_i32 = arith.constant 0 : i32
    %c0_i32_0 = arith.constant 0 : i32
    return %c0_i32, %arg0 : i32, i32
  }
  func.func @transform_18(%arg0: i32) -> (i32, i32) {
    %c0_i32 = arith.constant 0 : i32
    %c0_i32_0 = arith.constant 0 : i32
    return %c0_i32, %arg0 : i32, i32
  }
  func.func @transform_19(%arg0: i32) -> (i32, i32) {
    %c0_i32 = arith.constant 0 : i32
    %c0_i32_0 = arith.constant 0 : i32
    return %c0_i32, %arg0 : i32, i32
  }
  func.func @transform_20(%arg0: i32) -> (i32, i32) {
    %c0_i32 = arith.constant 0 : i32
    %c0_i32_0 = arith.constant 0 : i32
    return %c0_i32, %arg0 : i32, i32
  }
  func.func @transform_21(%arg0: i32) -> (i32, i32) {
    %c0_i32 = arith.constant 0 : i32
    %c0_i32_0 = arith.constant 0 : i32
    return %c0_i32, %arg0 : i32, i32
  }
}

module attributes {stable_mosaic.version = 14 : i64} {
  func.func @_mlp_body(%arg0: i32, %arg1: memref<3200x128xf32, #tpu.memory_space<vmem>>, %arg2: memref<2x3200xf32, #tpu.memory_space<vmem>>, %arg3: memref<2x3200xf32, #tpu.memory_space<vmem>>, %arg4: memref<2x3200xf32, #tpu.memory_space<vmem>>, %arg5: memref<2x3200xf32, #tpu.memory_space<vmem>>, %arg6: memref<32x3200xf32, #tpu.memory_space<vmem>>, %arg7: memref<32x3200xf32, #tpu.memory_space<vmem>>, %arg8: memref<32x3200xf32, #tpu.memory_space<vmem>>, %arg9: memref<32x3200xf32, #tpu.memory_space<vmem>>, %arg10: memref<32x34xf32, #tpu.memory_space<vmem>>, %arg11: memref<32x32xf32, #tpu.memory_space<vmem>>, %arg12: memref<32x1xf32, #tpu.memory_space<vmem>>, %arg13: memref<2x32xf32, #tpu.memory_space<vmem>>, %arg14: memref<2x1xf32, #tpu.memory_space<vmem>>, %arg15: memref<32x3200xf32, #tpu.memory_space<vmem>>, %arg16: memref<32x3200xf32, #tpu.memory_space<vmem>>, %arg17: memref<32x3200xf32, #tpu.memory_space<vmem>>, %arg18: memref<32x3200xf32, #tpu.memory_space<vmem>>, %arg19: memref<2x3200xf32, #tpu.memory_space<vmem>>, %arg20: memref<2x3200xf32, #tpu.memory_space<vmem>>, %arg21: memref<2x3200xf32, #tpu.memory_space<vmem>>, %arg22: memref<2x3200xf32, #tpu.memory_space<vmem>>) attributes {dimension_semantics = [#tpu.dimension_semantics<arbitrary>], iteration_bounds = array<i64: 25>, scalar_prefetch = 0 : i64, scratch_operands = 0 : i64, tpu.core_type = #tpu.core_type<tc>, window_params = [{transform_indices = @transform_0, window_bounds = array<i64: 3200, 128>}, {transform_indices = @transform_1, window_bounds = array<i64: 2, 3200>}, {transform_indices = @transform_2, window_bounds = array<i64: 2, 3200>}, {transform_indices = @transform_3, window_bounds = array<i64: 2, 3200>}, {transform_indices = @transform_4, window_bounds = array<i64: 2, 3200>}, {transform_indices = @transform_5, window_bounds = array<i64: 32, 3200>}, {transform_indices = @transform_6, window_bounds = array<i64: 32, 3200>}, {transform_indices = @transform_7, window_bounds = array<i64: 32, 3200>}, {transform_indices = @transform_8, window_bounds = array<i64: 32, 3200>}, {pipeline_mode = #tpu.pipeline_mode<synchronous>, transform_indices = @transform_9, window_bounds = array<i64: 32, 34>}, {pipeline_mode = #tpu.pipeline_mode<synchronous>, transform_indices = @transform_10, window_bounds = array<i64: 32, 32>}, {pipeline_mode = #tpu.pipeline_mode<synchronous>, transform_indices = @transform_11, window_bounds = array<i64: 32, 1>}, {pipeline_mode = #tpu.pipeline_mode<synchronous>, transform_indices = @transform_12, window_bounds = array<i64: 2, 32>}, {pipeline_mode = #tpu.pipeline_mode<synchronous>, transform_indices = @transform_13, window_bounds = array<i64: 2, 1>}, {transform_indices = @transform_14, window_bounds = array<i64: 32, 3200>}, {transform_indices = @transform_15, window_bounds = array<i64: 32, 3200>}, {transform_indices = @transform_16, window_bounds = array<i64: 32, 3200>}, {transform_indices = @transform_17, window_bounds = array<i64: 32, 3200>}, {transform_indices = @transform_18, window_bounds = array<i64: 2, 3200>}, {transform_indices = @transform_19, window_bounds = array<i64: 2, 3200>}, {transform_indices = @transform_20, window_bounds = array<i64: 2, 3200>}, {transform_indices = @transform_21, window_bounds = array<i64: 2, 3200>}]} {
    %get3A = arith.constant 0 : index
    %get3A_0 = arith.constant 0 : index
    %get3A_1 = vector.load %arg1[%get3A, %get3A_0] : memref<3200x128xf32, #tpu.memory_space<vmem>>, vector<3200x128xf32>
    %transpose3A = tpu.transpose %get3A_1, [1, 0] : vector<3200x128xf32> -> vector<128x3200xf32>
    %get3A_2 = arith.constant 0 : index
    %get3A_3 = arith.constant 0 : index
    %get3A_4 = vector.load %arg10[%get3A_2, %get3A_3] : memref<32x34xf32, #tpu.memory_space<vmem>>, vector<32x34xf32>
    %get3A_5 = arith.constant 0 : index
    %get3A_6 = arith.constant 0 : index
    %get3A_7 = vector.load %arg11[%get3A_5, %get3A_6] : memref<32x32xf32, #tpu.memory_space<vmem>>, vector<32x32xf32>
    %get3A_8 = arith.constant 0 : index
    %get3A_9 = arith.constant 0 : index
    %get3A_10 = vector.load %arg12[%get3A_8, %get3A_9] : memref<32x1xf32, #tpu.memory_space<vmem>>, vector<32x1xf32>
    %get3A_11 = arith.constant 0 : index
    %get3A_12 = arith.constant 0 : index
    %get3A_13 = vector.load %arg13[%get3A_11, %get3A_12] : memref<2x32xf32, #tpu.memory_space<vmem>>, vector<2x32xf32>
    %get3A_14 = arith.constant 0 : index
    %get3A_15 = arith.constant 0 : index
    %get3A_16 = vector.load %arg14[%get3A_14, %get3A_15] : memref<2x1xf32, #tpu.memory_space<vmem>>, vector<2x1xf32>
    %slice3A = vector.extract_strided_slice %transpose3A {offsets = [0, 0], sizes = [32, 3200], strides = [1, 1]} : vector<128x3200xf32> to vector<32x3200xf32>
    %get3A_17 = arith.constant 0 : index
    %get3A_18 = arith.constant 0 : index
    %get3A_19 = vector.load %arg2[%get3A_17, %get3A_18] : memref<2x3200xf32, #tpu.memory_space<vmem>>, vector<2x3200xf32>
    %get3A_20 = arith.constant 0 : index
    %get3A_21 = arith.constant 0 : index
    %get3A_22 = vector.load %arg6[%get3A_20, %get3A_21] : memref<32x3200xf32, #tpu.memory_space<vmem>>, vector<32x3200xf32>
    %concatenate3A = tpu.concatenate %get3A_19, %get3A_22 in 0 : vector<2x3200xf32>, vector<32x3200xf32> -> vector<34x3200xf32>
    %dot_general3A = arith.constant dense<0.000000e+00> : vector<32x3200xf32>
    %dot_general3A_23 = tpu.matmul %get3A_4, %concatenate3A, %dot_general3A {dimension_numbers = #tpu.dot_dimension_numbers<[1], [0], [0], [1], [0, 0, 1, 1], [], []>, transpose_lhs_hint = false} : vector<32x34xf32>, vector<34x3200xf32>, vector<32x3200xf32> -> vector<32x3200xf32>
    %add3A = arith.addf %slice3A, %dot_general3A_23 : vector<32x3200xf32>
    %gt3A = arith.constant 0.000000e+00 : f32
    %gt3A_24 = vector.broadcast %gt3A : f32 to vector<32x3200xf32>
    %gt3A_25 = arith.cmpf ogt, %add3A, %gt3A_24 : vector<32x3200xf32>
    %mul3A = arith.constant 0.00999999977 : f32
    %mul3A_26 = vector.broadcast %mul3A : f32 to vector<32x3200xf32>
    %mul3A_27 = arith.mulf %mul3A_26, %add3A : vector<32x3200xf32>
    %select_n3A = arith.select %gt3A_25, %add3A, %mul3A_27 : vector<32x3200xi1>, vector<32x3200xf32>
    %dot_general3A_28 = arith.constant dense<0.000000e+00> : vector<32x3200xf32>
    %dot_general3A_29 = tpu.matmul %get3A_7, %select_n3A, %dot_general3A_28 {dimension_numbers = #tpu.dot_dimension_numbers<[1], [0], [0], [1], [0, 0, 1, 1], [], []>, transpose_lhs_hint = false} : vector<32x32xf32>, vector<32x3200xf32>, vector<32x3200xf32> -> vector<32x3200xf32>
    %add3A_30 = vector.broadcast %get3A_10 : vector<32x1xf32> to vector<32x3200xf32>
    %add3A_31 = arith.addf %dot_general3A_29, %add3A_30 : vector<32x3200xf32>
    %gt3A_32 = arith.constant 0.000000e+00 : f32
    %gt3A_33 = vector.broadcast %gt3A_32 : f32 to vector<32x3200xf32>
    %gt3A_34 = arith.cmpf ogt, %add3A_31, %gt3A_33 : vector<32x3200xf32>
    %mul3A_35 = arith.constant 0.00999999977 : f32
    %mul3A_36 = vector.broadcast %mul3A_35 : f32 to vector<32x3200xf32>
    %mul3A_37 = arith.mulf %mul3A_36, %add3A_31 : vector<32x3200xf32>
    %select_n3A_38 = arith.select %gt3A_34, %add3A_31, %mul3A_37 : vector<32x3200xi1>, vector<32x3200xf32>
    %swap3A = arith.constant 0 : index
    %swap3A_39 = arith.constant 0 : index
    %swap3A_40 = vector.load %arg15[%swap3A, %swap3A_39] : memref<32x3200xf32, #tpu.memory_space<vmem>>, vector<32x3200xf32>
    tpu.vector_store %arg15[%swap3A, %swap3A_39], %select_n3A_38 {strides = array<i32>} : memref<32x3200xf32, #tpu.memory_space<vmem>>, vector<32x3200xf32>,
    %dot_general3A_41 = arith.constant dense<0.000000e+00> : vector<2x3200xf32>
    %dot_general3A_42 = tpu.matmul %get3A_13, %select_n3A_38, %dot_general3A_41 {dimension_numbers = #tpu.dot_dimension_numbers<[1], [0], [0], [1], [0, 0, 1, 1], [], []>, transpose_lhs_hint = false} : vector<2x32xf32>, vector<32x3200xf32>, vector<2x3200xf32> -> vector<2x3200xf32>
    %add3A_43 = vector.broadcast %get3A_16 : vector<2x1xf32> to vector<2x3200xf32>
    %add3A_44 = arith.addf %dot_general3A_42, %add3A_43 : vector<2x3200xf32>
    %reduce_max3A = arith.constant dense<0xFF800000> : vector<3200xf32>
    %reduce_max3A_45 = vector.multi_reduction <maximumf>, %add3A_44, %reduce_max3A [0] : vector<2x3200xf32> to vector<3200xf32>
    %broadcast_in_dim3A = vector.shape_cast %reduce_max3A_45 : vector<3200xf32> to vector<1x3200xf32>
    %sub3A = vector.broadcast %broadcast_in_dim3A : vector<1x3200xf32> to vector<2x3200xf32>
    %sub3A_46 = arith.subf %add3A_44, %sub3A : vector<2x3200xf32>
    %exp3A = math.exp %sub3A_46 : vector<2x3200xf32>
    %reduce_sum3A = arith.constant dense<0.000000e+00> : vector<3200xf32>
    %reduce_sum3A_47 = vector.multi_reduction <add>, %exp3A, %reduce_sum3A [0] : vector<2x3200xf32> to vector<3200xf32>
    %broadcast_in_dim3A_48 = vector.shape_cast %reduce_sum3A_47 : vector<3200xf32> to vector<1x3200xf32>
    %div3A = vector.broadcast %broadcast_in_dim3A_48 : vector<1x3200xf32> to vector<2x3200xf32>
    %div3A_49 = arith.divf %exp3A, %div3A : vector<2x3200xf32>
    %swap3A_50 = arith.constant 0 : index
    %swap3A_51 = arith.constant 0 : index
    %swap3A_52 = vector.load %arg19[%swap3A_50, %swap3A_51] : memref<2x3200xf32, #tpu.memory_space<vmem>>, vector<2x3200xf32>
    tpu.vector_store %arg19[%swap3A_50, %swap3A_51], %div3A_49 {strides = array<i32>} : memref<2x3200xf32, #tpu.memory_space<vmem>>, vector<2x3200xf32>,
    %slice3A_53 = vector.extract_strided_slice %transpose3A {offsets = [32, 0], sizes = [32, 3200], strides = [1, 1]} : vector<128x3200xf32> to vector<32x3200xf32>
    %get3A_54 = arith.constant 0 : index
    %get3A_55 = arith.constant 0 : index
    %get3A_56 = vector.load %arg3[%get3A_54, %get3A_55] : memref<2x3200xf32, #tpu.memory_space<vmem>>, vector<2x3200xf32>
    %get3A_57 = arith.constant 0 : index
    %get3A_58 = arith.constant 0 : index
    %get3A_59 = vector.load %arg7[%get3A_57, %get3A_58] : memref<32x3200xf32, #tpu.memory_space<vmem>>, vector<32x3200xf32>
    %concatenate3A_60 = tpu.concatenate %get3A_56, %get3A_59 in 0 : vector<2x3200xf32>, vector<32x3200xf32> -> vector<34x3200xf32>
    %dot_general3A_61 = arith.constant dense<0.000000e+00> : vector<32x3200xf32>
    %dot_general3A_62 = tpu.matmul %get3A_4, %concatenate3A_60, %dot_general3A_61 {dimension_numbers = #tpu.dot_dimension_numbers<[1], [0], [0], [1], [0, 0, 1, 1], [], []>, transpose_lhs_hint = false} : vector<32x34xf32>, vector<34x3200xf32>, vector<32x3200xf32> -> vector<32x3200xf32>
    %add3A_63 = arith.addf %slice3A_53, %dot_general3A_62 : vector<32x3200xf32>
    %gt3A_64 = arith.constant 0.000000e+00 : f32
    %gt3A_65 = vector.broadcast %gt3A_64 : f32 to vector<32x3200xf32>
    %gt3A_66 = arith.cmpf ogt, %add3A_63, %gt3A_65 : vector<32x3200xf32>
    %mul3A_67 = arith.constant 0.00999999977 : f32
    %mul3A_68 = vector.broadcast %mul3A_67 : f32 to vector<32x3200xf32>
    %mul3A_69 = arith.mulf %mul3A_68, %add3A_63 : vector<32x3200xf32>
    %select_n3A_70 = arith.select %gt3A_66, %add3A_63, %mul3A_69 : vector<32x3200xi1>, vector<32x3200xf32>
    %dot_general3A_71 = arith.constant dense<0.000000e+00> : vector<32x3200xf32>
    %dot_general3A_72 = tpu.matmul %get3A_7, %select_n3A_70, %dot_general3A_71 {dimension_numbers = #tpu.dot_dimension_numbers<[1], [0], [0], [1], [0, 0, 1, 1], [], []>, transpose_lhs_hint = false} : vector<32x32xf32>, vector<32x3200xf32>, vector<32x3200xf32> -> vector<32x3200xf32>
    %add3A_73 = vector.broadcast %get3A_10 : vector<32x1xf32> to vector<32x3200xf32>
    %add3A_74 = arith.addf %dot_general3A_72, %add3A_73 : vector<32x3200xf32>
    %gt3A_75 = arith.constant 0.000000e+00 : f32
    %gt3A_76 = vector.broadcast %gt3A_75 : f32 to vector<32x3200xf32>
    %gt3A_77 = arith.cmpf ogt, %add3A_74, %gt3A_76 : vector<32x3200xf32>
    %mul3A_78 = arith.constant 0.00999999977 : f32
    %mul3A_79 = vector.broadcast %mul3A_78 : f32 to vector<32x3200xf32>
    %mul3A_80 = arith.mulf %mul3A_79, %add3A_74 : vector<32x3200xf32>
    %select_n3A_81 = arith.select %gt3A_77, %add3A_74, %mul3A_80 : vector<32x3200xi1>, vector<32x3200xf32>
    %swap3A_82 = arith.constant 0 : index
    %swap3A_83 = arith.constant 0 : index
    %swap3A_84 = vector.load %arg16[%swap3A_82, %swap3A_83] : memref<32x3200xf32, #tpu.memory_space<vmem>>, vector<32x3200xf32>
    tpu.vector_store %arg16[%swap3A_82, %swap3A_83], %select_n3A_81 {strides = array<i32>} : memref<32x3200xf32, #tpu.memory_space<vmem>>, vector<32x3200xf32>,
    %dot_general3A_85 = arith.constant dense<0.000000e+00> : vector<2x3200xf32>
    %dot_general3A_86 = tpu.matmul %get3A_13, %select_n3A_81, %dot_general3A_85 {dimension_numbers = #tpu.dot_dimension_numbers<[1], [0], [0], [1], [0, 0, 1, 1], [], []>, transpose_lhs_hint = false} : vector<2x32xf32>, vector<32x3200xf32>, vector<2x3200xf32> -> vector<2x3200xf32>
    %add3A_87 = vector.broadcast %get3A_16 : vector<2x1xf32> to vector<2x3200xf32>
    %add3A_88 = arith.addf %dot_general3A_86, %add3A_87 : vector<2x3200xf32>
    %reduce_max3A_89 = arith.constant dense<0xFF800000> : vector<3200xf32>
    %reduce_max3A_90 = vector.multi_reduction <maximumf>, %add3A_88, %reduce_max3A_89 [0] : vector<2x3200xf32> to vector<3200xf32>
    %broadcast_in_dim3A_91 = vector.shape_cast %reduce_max3A_90 : vector<3200xf32> to vector<1x3200xf32>
    %sub3A_92 = vector.broadcast %broadcast_in_dim3A_91 : vector<1x3200xf32> to vector<2x3200xf32>
    %sub3A_93 = arith.subf %add3A_88, %sub3A_92 : vector<2x3200xf32>
    %exp3A_94 = math.exp %sub3A_93 : vector<2x3200xf32>
    %reduce_sum3A_95 = arith.constant dense<0.000000e+00> : vector<3200xf32>
    %reduce_sum3A_96 = vector.multi_reduction <add>, %exp3A_94, %reduce_sum3A_95 [0] : vector<2x3200xf32> to vector<3200xf32>
    %broadcast_in_dim3A_97 = vector.shape_cast %reduce_sum3A_96 : vector<3200xf32> to vector<1x3200xf32>
    %div3A_98 = vector.broadcast %broadcast_in_dim3A_97 : vector<1x3200xf32> to vector<2x3200xf32>
    %div3A_99 = arith.divf %exp3A_94, %div3A_98 : vector<2x3200xf32>
    %swap3A_100 = arith.constant 0 : index
    %swap3A_101 = arith.constant 0 : index
    %swap3A_102 = vector.load %arg20[%swap3A_100, %swap3A_101] : memref<2x3200xf32, #tpu.memory_space<vmem>>, vector<2x3200xf32>
    tpu.vector_store %arg20[%swap3A_100, %swap3A_101], %div3A_99 {strides = array<i32>} : memref<2x3200xf32, #tpu.memory_space<vmem>>, vector<2x3200xf32>,
    %slice3A_103 = vector.extract_strided_slice %transpose3A {offsets = [64, 0], sizes = [32, 3200], strides = [1, 1]} : vector<128x3200xf32> to vector<32x3200xf32>
    %get3A_104 = arith.constant 0 : index
    %get3A_105 = arith.constant 0 : index
    %get3A_106 = vector.load %arg4[%get3A_104, %get3A_105] : memref<2x3200xf32, #tpu.memory_space<vmem>>, vector<2x3200xf32>
    %get3A_107 = arith.constant 0 : index
    %get3A_108 = arith.constant 0 : index
    %get3A_109 = vector.load %arg8[%get3A_107, %get3A_108] : memref<32x3200xf32, #tpu.memory_space<vmem>>, vector<32x3200xf32>
    %concatenate3A_110 = tpu.concatenate %get3A_106, %get3A_109 in 0 : vector<2x3200xf32>, vector<32x3200xf32> -> vector<34x3200xf32>
    %dot_general3A_111 = arith.constant dense<0.000000e+00> : vector<32x3200xf32>
    %dot_general3A_112 = tpu.matmul %get3A_4, %concatenate3A_110, %dot_general3A_111 {dimension_numbers = #tpu.dot_dimension_numbers<[1], [0], [0], [1], [0, 0, 1, 1], [], []>, transpose_lhs_hint = false} : vector<32x34xf32>, vector<34x3200xf32>, vector<32x3200xf32> -> vector<32x3200xf32>
    %add3A_113 = arith.addf %slice3A_103, %dot_general3A_112 : vector<32x3200xf32>
    %gt3A_114 = arith.constant 0.000000e+00 : f32
    %gt3A_115 = vector.broadcast %gt3A_114 : f32 to vector<32x3200xf32>
    %gt3A_116 = arith.cmpf ogt, %add3A_113, %gt3A_115 : vector<32x3200xf32>
    %mul3A_117 = arith.constant 0.00999999977 : f32
    %mul3A_118 = vector.broadcast %mul3A_117 : f32 to vector<32x3200xf32>
    %mul3A_119 = arith.mulf %mul3A_118, %add3A_113 : vector<32x3200xf32>
    %select_n3A_120 = arith.select %gt3A_116, %add3A_113, %mul3A_119 : vector<32x3200xi1>, vector<32x3200xf32>
    %dot_general3A_121 = arith.constant dense<0.000000e+00> : vector<32x3200xf32>
    %dot_general3A_122 = tpu.matmul %get3A_7, %select_n3A_120, %dot_general3A_121 {dimension_numbers = #tpu.dot_dimension_numbers<[1], [0], [0], [1], [0, 0, 1, 1], [], []>, transpose_lhs_hint = false} : vector<32x32xf32>, vector<32x3200xf32>, vector<32x3200xf32> -> vector<32x3200xf32>
    %add3A_123 = vector.broadcast %get3A_10 : vector<32x1xf32> to vector<32x3200xf32>
    %add3A_124 = arith.addf %dot_general3A_122, %add3A_123 : vector<32x3200xf32>
    %gt3A_125 = arith.constant 0.000000e+00 : f32
    %gt3A_126 = vector.broadcast %gt3A_125 : f32 to vector<32x3200xf32>
    %gt3A_127 = arith.cmpf ogt, %add3A_124, %gt3A_126 : vector<32x3200xf32>
    %mul3A_128 = arith.constant 0.00999999977 : f32
    %mul3A_129 = vector.broadcast %mul3A_128 : f32 to vector<32x3200xf32>
    %mul3A_130 = arith.mulf %mul3A_129, %add3A_124 : vector<32x3200xf32>
    %select_n3A_131 = arith.select %gt3A_127, %add3A_124, %mul3A_130 : vector<32x3200xi1>, vector<32x3200xf32>
    %swap3A_132 = arith.constant 0 : index
    %swap3A_133 = arith.constant 0 : index
    %swap3A_134 = vector.load %arg17[%swap3A_132, %swap3A_133] : memref<32x3200xf32, #tpu.memory_space<vmem>>, vector<32x3200xf32>
    tpu.vector_store %arg17[%swap3A_132, %swap3A_133], %select_n3A_131 {strides = array<i32>} : memref<32x3200xf32, #tpu.memory_space<vmem>>, vector<32x3200xf32>,
    %dot_general3A_135 = arith.constant dense<0.000000e+00> : vector<2x3200xf32>
    %dot_general3A_136 = tpu.matmul %get3A_13, %select_n3A_131, %dot_general3A_135 {dimension_numbers = #tpu.dot_dimension_numbers<[1], [0], [0], [1], [0, 0, 1, 1], [], []>, transpose_lhs_hint = false} : vector<2x32xf32>, vector<32x3200xf32>, vector<2x3200xf32> -> vector<2x3200xf32>
    %add3A_137 = vector.broadcast %get3A_16 : vector<2x1xf32> to vector<2x3200xf32>
    %add3A_138 = arith.addf %dot_general3A_136, %add3A_137 : vector<2x3200xf32>
    %reduce_max3A_139 = arith.constant dense<0xFF800000> : vector<3200xf32>
    %reduce_max3A_140 = vector.multi_reduction <maximumf>, %add3A_138, %reduce_max3A_139 [0] : vector<2x3200xf32> to vector<3200xf32>
    %broadcast_in_dim3A_141 = vector.shape_cast %reduce_max3A_140 : vector<3200xf32> to vector<1x3200xf32>
    %sub3A_142 = vector.broadcast %broadcast_in_dim3A_141 : vector<1x3200xf32> to vector<2x3200xf32>
    %sub3A_143 = arith.subf %add3A_138, %sub3A_142 : vector<2x3200xf32>
    %exp3A_144 = math.exp %sub3A_143 : vector<2x3200xf32>
    %reduce_sum3A_145 = arith.constant dense<0.000000e+00> : vector<3200xf32>
    %reduce_sum3A_146 = vector.multi_reduction <add>, %exp3A_144, %reduce_sum3A_145 [0] : vector<2x3200xf32> to vector<3200xf32>
    %broadcast_in_dim3A_147 = vector.shape_cast %reduce_sum3A_146 : vector<3200xf32> to vector<1x3200xf32>
    %div3A_148 = vector.broadcast %broadcast_in_dim3A_147 : vector<1x3200xf32> to vector<2x3200xf32>
    %div3A_149 = arith.divf %exp3A_144, %div3A_148 : vector<2x3200xf32>
    %swap3A_150 = arith.constant 0 : index
    %swap3A_151 = arith.constant 0 : index
    %swap3A_152 = vector.load %arg21[%swap3A_150, %swap3A_151] : memref<2x3200xf32, #tpu.memory_space<vmem>>, vector<2x3200xf32>
    tpu.vector_store %arg21[%swap3A_150, %swap3A_151], %div3A_149 {strides = array<i32>} : memref<2x3200xf32, #tpu.memory_space<vmem>>, vector<2x3200xf32>,
    %slice3A_153 = vector.extract_strided_slice %transpose3A {offsets = [96, 0], sizes = [32, 3200], strides = [1, 1]} : vector<128x3200xf32> to vector<32x3200xf32>
    %get3A_154 = arith.constant 0 : index
    %get3A_155 = arith.constant 0 : index
    %get3A_156 = vector.load %arg5[%get3A_154, %get3A_155] : memref<2x3200xf32, #tpu.memory_space<vmem>>, vector<2x3200xf32>
    %get3A_157 = arith.constant 0 : index
    %get3A_158 = arith.constant 0 : index
    %get3A_159 = vector.load %arg9[%get3A_157, %get3A_158] : memref<32x3200xf32, #tpu.memory_space<vmem>>, vector<32x3200xf32>
    %concatenate3A_160 = tpu.concatenate %get3A_156, %get3A_159 in 0 : vector<2x3200xf32>, vector<32x3200xf32> -> vector<34x3200xf32>
    %dot_general3A_161 = arith.constant dense<0.000000e+00> : vector<32x3200xf32>
    %dot_general3A_162 = tpu.matmul %get3A_4, %concatenate3A_160, %dot_general3A_161 {dimension_numbers = #tpu.dot_dimension_numbers<[1], [0], [0], [1], [0, 0, 1, 1], [], []>, transpose_lhs_hint = false} : vector<32x34xf32>, vector<34x3200xf32>, vector<32x3200xf32> -> vector<32x3200xf32>
    %add3A_163 = arith.addf %slice3A_153, %dot_general3A_162 : vector<32x3200xf32>
    %gt3A_164 = arith.constant 0.000000e+00 : f32
    %gt3A_165 = vector.broadcast %gt3A_164 : f32 to vector<32x3200xf32>
    %gt3A_166 = arith.cmpf ogt, %add3A_163, %gt3A_165 : vector<32x3200xf32>
    %mul3A_167 = arith.constant 0.00999999977 : f32
    %mul3A_168 = vector.broadcast %mul3A_167 : f32 to vector<32x3200xf32>
    %mul3A_169 = arith.mulf %mul3A_168, %add3A_163 : vector<32x3200xf32>
    %select_n3A_170 = arith.select %gt3A_166, %add3A_163, %mul3A_169 : vector<32x3200xi1>, vector<32x3200xf32>
    %dot_general3A_171 = arith.constant dense<0.000000e+00> : vector<32x3200xf32>
    %dot_general3A_172 = tpu.matmul %get3A_7, %select_n3A_170, %dot_general3A_171 {dimension_numbers = #tpu.dot_dimension_numbers<[1], [0], [0], [1], [0, 0, 1, 1], [], []>, transpose_lhs_hint = false} : vector<32x32xf32>, vector<32x3200xf32>, vector<32x3200xf32> -> vector<32x3200xf32>
    %add3A_173 = vector.broadcast %get3A_10 : vector<32x1xf32> to vector<32x3200xf32>
    %add3A_174 = arith.addf %dot_general3A_172, %add3A_173 : vector<32x3200xf32>
    %gt3A_175 = arith.constant 0.000000e+00 : f32
    %gt3A_176 = vector.broadcast %gt3A_175 : f32 to vector<32x3200xf32>
    %gt3A_177 = arith.cmpf ogt, %add3A_174, %gt3A_176 : vector<32x3200xf32>
    %mul3A_178 = arith.constant 0.00999999977 : f32
    %mul3A_179 = vector.broadcast %mul3A_178 : f32 to vector<32x3200xf32>
    %mul3A_180 = arith.mulf %mul3A_179, %add3A_174 : vector<32x3200xf32>
    %select_n3A_181 = arith.select %gt3A_177, %add3A_174, %mul3A_180 : vector<32x3200xi1>, vector<32x3200xf32>
    %swap3A_182 = arith.constant 0 : index
    %swap3A_183 = arith.constant 0 : index
    %swap3A_184 = vector.load %arg18[%swap3A_182, %swap3A_183] : memref<32x3200xf32, #tpu.memory_space<vmem>>, vector<32x3200xf32>
    tpu.vector_store %arg18[%swap3A_182, %swap3A_183], %select_n3A_181 {strides = array<i32>} : memref<32x3200xf32, #tpu.memory_space<vmem>>, vector<32x3200xf32>,
    %dot_general3A_185 = arith.constant dense<0.000000e+00> : vector<2x3200xf32>
    %dot_general3A_186 = tpu.matmul %get3A_13, %select_n3A_181, %dot_general3A_185 {dimension_numbers = #tpu.dot_dimension_numbers<[1], [0], [0], [1], [0, 0, 1, 1], [], []>, transpose_lhs_hint = false} : vector<2x32xf32>, vector<32x3200xf32>, vector<2x3200xf32> -> vector<2x3200xf32>
    %add3A_187 = vector.broadcast %get3A_16 : vector<2x1xf32> to vector<2x3200xf32>
    %add3A_188 = arith.addf %dot_general3A_186, %add3A_187 : vector<2x3200xf32>
    %reduce_max3A_189 = arith.constant dense<0xFF800000> : vector<3200xf32>
    %reduce_max3A_190 = vector.multi_reduction <maximumf>, %add3A_188, %reduce_max3A_189 [0] : vector<2x3200xf32> to vector<3200xf32>
    %broadcast_in_dim3A_191 = vector.shape_cast %reduce_max3A_190 : vector<3200xf32> to vector<1x3200xf32>
    %sub3A_192 = vector.broadcast %broadcast_in_dim3A_191 : vector<1x3200xf32> to vector<2x3200xf32>
    %sub3A_193 = arith.subf %add3A_188, %sub3A_192 : vector<2x3200xf32>
    %exp3A_194 = math.exp %sub3A_193 : vector<2x3200xf32>
    %reduce_sum3A_195 = arith.constant dense<0.000000e+00> : vector<3200xf32>
    %reduce_sum3A_196 = vector.multi_reduction <add>, %exp3A_194, %reduce_sum3A_195 [0] : vector<2x3200xf32> to vector<3200xf32>
    %broadcast_in_dim3A_197 = vector.shape_cast %reduce_sum3A_196 : vector<3200xf32> to vector<1x3200xf32>
    %div3A_198 = vector.broadcast %broadcast_in_dim3A_197 : vector<1x3200xf32> to vector<2x3200xf32>
    %div3A_199 = arith.divf %exp3A_194, %div3A_198 : vector<2x3200xf32>
    %swap3A_200 = arith.constant 0 : index
    %swap3A_201 = arith.constant 0 : index
    %swap3A_202 = vector.load %arg22[%swap3A_200, %swap3A_201] : memref<2x3200xf32, #tpu.memory_space<vmem>>, vector<2x3200xf32>
    tpu.vector_store %arg22[%swap3A_200, %swap3A_201], %div3A_199 {strides = array<i32>} : memref<2x3200xf32, #tpu.memory_space<vmem>>, vector<2x3200xf32>,
    return
  }
  func.func @transform_0(%arg0: i32) -> (i32, i32) {
    %c0_i32 = arith.constant 0 : i32
    %c0_i32_0 = arith.constant 0 : i32
    return %arg0, %c0_i32 : i32, i32
  }
  func.func @transform_1(%arg0: i32) -> (i32, i32) {
    %add3A = arith.constant 300 : i32
    %add3A_0 = arith.addi %add3A, %arg0 : i32
    %c0_i32 = arith.constant 0 : i32
    %c0_i32_1 = arith.constant 0 : i32
    return %c0_i32, %add3A_0 : i32, i32
  }
  func.func @transform_2(%arg0: i32) -> (i32, i32) {
    %add3A = arith.constant 325 : i32
    %add3A_0 = arith.addi %add3A, %arg0 : i32
    %c0_i32 = arith.constant 0 : i32
    %c0_i32_1 = arith.constant 0 : i32
    return %c0_i32, %add3A_0 : i32, i32
  }
  func.func @transform_3(%arg0: i32) -> (i32, i32) {
    %add3A = arith.constant 350 : i32
    %add3A_0 = arith.addi %add3A, %arg0 : i32
    %c0_i32 = arith.constant 0 : i32
    %c0_i32_1 = arith.constant 0 : i32
    return %c0_i32, %add3A_0 : i32, i32
  }
  func.func @transform_4(%arg0: i32) -> (i32, i32) {
    %add3A = arith.constant 375 : i32
    %add3A_0 = arith.addi %add3A, %arg0 : i32
    %c0_i32 = arith.constant 0 : i32
    %c0_i32_1 = arith.constant 0 : i32
    return %c0_i32, %add3A_0 : i32, i32
  }
  func.func @transform_5(%arg0: i32) -> (i32, i32) {
    %add3A = arith.constant 300 : i32
    %add3A_0 = arith.addi %add3A, %arg0 : i32
    %c0_i32 = arith.constant 0 : i32
    %c0_i32_1 = arith.constant 0 : i32
    return %c0_i32, %add3A_0 : i32, i32
  }
  func.func @transform_6(%arg0: i32) -> (i32, i32) {
    %add3A = arith.constant 325 : i32
    %add3A_0 = arith.addi %add3A, %arg0 : i32
    %c0_i32 = arith.constant 0 : i32
    %c0_i32_1 = arith.constant 0 : i32
    return %c0_i32, %add3A_0 : i32, i32
  }
  func.func @transform_7(%arg0: i32) -> (i32, i32) {
    %add3A = arith.constant 350 : i32
    %add3A_0 = arith.addi %add3A, %arg0 : i32
    %c0_i32 = arith.constant 0 : i32
    %c0_i32_1 = arith.constant 0 : i32
    return %c0_i32, %add3A_0 : i32, i32
  }
  func.func @transform_8(%arg0: i32) -> (i32, i32) {
    %add3A = arith.constant 375 : i32
    %add3A_0 = arith.addi %add3A, %arg0 : i32
    %c0_i32 = arith.constant 0 : i32
    %c0_i32_1 = arith.constant 0 : i32
    return %c0_i32, %add3A_0 : i32, i32
  }
  func.func @transform_9(%arg0: i32) -> (i32, i32) {
    %c0_i32 = arith.constant 0 : i32
    %c0_i32_0 = arith.constant 0 : i32
    %c0_i32_1 = arith.constant 0 : i32
    return %c0_i32, %c0_i32_0 : i32, i32
  }
  func.func @transform_10(%arg0: i32) -> (i32, i32) {
    %c0_i32 = arith.constant 0 : i32
    %c0_i32_0 = arith.constant 0 : i32
    %c0_i32_1 = arith.constant 0 : i32
    return %c0_i32, %c0_i32_0 : i32, i32
  }
  func.func @transform_11(%arg0: i32) -> (i32, i32) {
    %c0_i32 = arith.constant 0 : i32
    %c0_i32_0 = arith.constant 0 : i32
    %c0_i32_1 = arith.constant 0 : i32
    return %c0_i32, %c0_i32_0 : i32, i32
  }
  func.func @transform_12(%arg0: i32) -> (i32, i32) {
    %c0_i32 = arith.constant 0 : i32
    %c0_i32_0 = arith.constant 0 : i32
    %c0_i32_1 = arith.constant 0 : i32
    return %c0_i32, %c0_i32_0 : i32, i32
  }
  func.func @transform_13(%arg0: i32) -> (i32, i32) {
    %c0_i32 = arith.constant 0 : i32
    %c0_i32_0 = arith.constant 0 : i32
    %c0_i32_1 = arith.constant 0 : i32
    return %c0_i32, %c0_i32_0 : i32, i32
  }
  func.func @transform_14(%arg0: i32) -> (i32, i32) {
    %c0_i32 = arith.constant 0 : i32
    %c0_i32_0 = arith.constant 0 : i32
    return %c0_i32, %arg0 : i32, i32
  }
  func.func @transform_15(%arg0: i32) -> (i32, i32) {
    %c0_i32 = arith.constant 0 : i32
    %c0_i32_0 = arith.constant 0 : i32
    return %c0_i32, %arg0 : i32, i32
  }
  func.func @transform_16(%arg0: i32) -> (i32, i32) {
    %c0_i32 = arith.constant 0 : i32
    %c0_i32_0 = arith.constant 0 : i32
    return %c0_i32, %arg0 : i32, i32
  }
  func.func @transform_17(%arg0: i32) -> (i32, i32) {
    %c0_i32 = arith.constant 0 : i32
    %c0_i32_0 = arith.constant 0 : i32
    return %c0_i32, %arg0 : i32, i32
  }
  func.func @transform_18(%arg0: i32) -> (i32, i32) {
    %c0_i32 = arith.constant 0 : i32
    %c0_i32_0 = arith.constant 0 : i32
    return %c0_i32, %arg0 : i32, i32
  }
  func.func @transform_19(%arg0: i32) -> (i32, i32) {
    %c0_i32 = arith.constant 0 : i32
    %c0_i32_0 = arith.constant 0 : i32
    return %c0_i32, %arg0 : i32, i32
  }
  func.func @transform_20(%arg0: i32) -> (i32, i32) {
    %c0_i32 = arith.constant 0 : i32
    %c0_i32_0 = arith.constant 0 : i32
    return %c0_i32, %arg0 : i32, i32
  }
  func.func @transform_21(%arg0: i32) -> (i32, i32) {
    %c0_i32 = arith.constant 0 : i32
    %c0_i32_0 = arith.constant 0 : i32
    return %c0_i32, %arg0 : i32, i32
  }
}

module attributes {stable_mosaic.version = 14 : i64} {
  func.func @_mlp_body(%arg0: i32, %arg1: memref<3200x128xf32, #tpu.memory_space<vmem>>, %arg2: memref<2x3200xf32, #tpu.memory_space<vmem>>, %arg3: memref<2x3200xf32, #tpu.memory_space<vmem>>, %arg4: memref<2x3200xf32, #tpu.memory_space<vmem>>, %arg5: memref<2x3200xf32, #tpu.memory_space<vmem>>, %arg6: memref<32x3200xf32, #tpu.memory_space<vmem>>, %arg7: memref<32x3200xf32, #tpu.memory_space<vmem>>, %arg8: memref<32x3200xf32, #tpu.memory_space<vmem>>, %arg9: memref<32x3200xf32, #tpu.memory_space<vmem>>, %arg10: memref<32x34xf32, #tpu.memory_space<vmem>>, %arg11: memref<32x32xf32, #tpu.memory_space<vmem>>, %arg12: memref<32x1xf32, #tpu.memory_space<vmem>>, %arg13: memref<2x32xf32, #tpu.memory_space<vmem>>, %arg14: memref<2x1xf32, #tpu.memory_space<vmem>>, %arg15: memref<32x3200xf32, #tpu.memory_space<vmem>>, %arg16: memref<32x3200xf32, #tpu.memory_space<vmem>>, %arg17: memref<32x3200xf32, #tpu.memory_space<vmem>>, %arg18: memref<32x3200xf32, #tpu.memory_space<vmem>>, %arg19: memref<2x3200xf32, #tpu.memory_space<vmem>>, %arg20: memref<2x3200xf32, #tpu.memory_space<vmem>>, %arg21: memref<2x3200xf32, #tpu.memory_space<vmem>>, %arg22: memref<2x3200xf32, #tpu.memory_space<vmem>>) attributes {dimension_semantics = [#tpu.dimension_semantics<arbitrary>], iteration_bounds = array<i64: 25>, scalar_prefetch = 0 : i64, scratch_operands = 0 : i64, tpu.core_type = #tpu.core_type<tc>, window_params = [{transform_indices = @transform_0, window_bounds = array<i64: 3200, 128>}, {transform_indices = @transform_1, window_bounds = array<i64: 2, 3200>}, {transform_indices = @transform_2, window_bounds = array<i64: 2, 3200>}, {transform_indices = @transform_3, window_bounds = array<i64: 2, 3200>}, {transform_indices = @transform_4, window_bounds = array<i64: 2, 3200>}, {transform_indices = @transform_5, window_bounds = array<i64: 32, 3200>}, {transform_indices = @transform_6, window_bounds = array<i64: 32, 3200>}, {transform_indices = @transform_7, window_bounds = array<i64: 32, 3200>}, {transform_indices = @transform_8, window_bounds = array<i64: 32, 3200>}, {pipeline_mode = #tpu.pipeline_mode<synchronous>, transform_indices = @transform_9, window_bounds = array<i64: 32, 34>}, {pipeline_mode = #tpu.pipeline_mode<synchronous>, transform_indices = @transform_10, window_bounds = array<i64: 32, 32>}, {pipeline_mode = #tpu.pipeline_mode<synchronous>, transform_indices = @transform_11, window_bounds = array<i64: 32, 1>}, {pipeline_mode = #tpu.pipeline_mode<synchronous>, transform_indices = @transform_12, window_bounds = array<i64: 2, 32>}, {pipeline_mode = #tpu.pipeline_mode<synchronous>, transform_indices = @transform_13, window_bounds = array<i64: 2, 1>}, {transform_indices = @transform_14, window_bounds = array<i64: 32, 3200>}, {transform_indices = @transform_15, window_bounds = array<i64: 32, 3200>}, {transform_indices = @transform_16, window_bounds = array<i64: 32, 3200>}, {transform_indices = @transform_17, window_bounds = array<i64: 32, 3200>}, {transform_indices = @transform_18, window_bounds = array<i64: 2, 3200>}, {transform_indices = @transform_19, window_bounds = array<i64: 2, 3200>}, {transform_indices = @transform_20, window_bounds = array<i64: 2, 3200>}, {transform_indices = @transform_21, window_bounds = array<i64: 2, 3200>}]} {
    %get3A = arith.constant 0 : index
    %get3A_0 = arith.constant 0 : index
    %get3A_1 = vector.load %arg1[%get3A, %get3A_0] : memref<3200x128xf32, #tpu.memory_space<vmem>>, vector<3200x128xf32>
    %transpose3A = tpu.transpose %get3A_1, [1, 0] : vector<3200x128xf32> -> vector<128x3200xf32>
    %get3A_2 = arith.constant 0 : index
    %get3A_3 = arith.constant 0 : index
    %get3A_4 = vector.load %arg10[%get3A_2, %get3A_3] : memref<32x34xf32, #tpu.memory_space<vmem>>, vector<32x34xf32>
    %get3A_5 = arith.constant 0 : index
    %get3A_6 = arith.constant 0 : index
    %get3A_7 = vector.load %arg11[%get3A_5, %get3A_6] : memref<32x32xf32, #tpu.memory_space<vmem>>, vector<32x32xf32>
    %get3A_8 = arith.constant 0 : index
    %get3A_9 = arith.constant 0 : index
    %get3A_10 = vector.load %arg12[%get3A_8, %get3A_9] : memref<32x1xf32, #tpu.memory_space<vmem>>, vector<32x1xf32>
    %get3A_11 = arith.constant 0 : index
    %get3A_12 = arith.constant 0 : index
    %get3A_13 = vector.load %arg13[%get3A_11, %get3A_12] : memref<2x32xf32, #tpu.memory_space<vmem>>, vector<2x32xf32>
    %get3A_14 = arith.constant 0 : index
    %get3A_15 = arith.constant 0 : index
    %get3A_16 = vector.load %arg14[%get3A_14, %get3A_15] : memref<2x1xf32, #tpu.memory_space<vmem>>, vector<2x1xf32>
    %slice3A = vector.extract_strided_slice %transpose3A {offsets = [0, 0], sizes = [32, 3200], strides = [1, 1]} : vector<128x3200xf32> to vector<32x3200xf32>
    %get3A_17 = arith.constant 0 : index
    %get3A_18 = arith.constant 0 : index
    %get3A_19 = vector.load %arg2[%get3A_17, %get3A_18] : memref<2x3200xf32, #tpu.memory_space<vmem>>, vector<2x3200xf32>
    %get3A_20 = arith.constant 0 : index
    %get3A_21 = arith.constant 0 : index
    %get3A_22 = vector.load %arg6[%get3A_20, %get3A_21] : memref<32x3200xf32, #tpu.memory_space<vmem>>, vector<32x3200xf32>
    %concatenate3A = tpu.concatenate %get3A_19, %get3A_22 in 0 : vector<2x3200xf32>, vector<32x3200xf32> -> vector<34x3200xf32>
    %dot_general3A = arith.constant dense<0.000000e+00> : vector<32x3200xf32>
    %dot_general3A_23 = tpu.matmul %get3A_4, %concatenate3A, %dot_general3A {dimension_numbers = #tpu.dot_dimension_numbers<[1], [0], [0], [1], [0, 0, 1, 1], [], []>, transpose_lhs_hint = false} : vector<32x34xf32>, vector<34x3200xf32>, vector<32x3200xf32> -> vector<32x3200xf32>
    %add3A = arith.addf %slice3A, %dot_general3A_23 : vector<32x3200xf32>
    %gt3A = arith.constant 0.000000e+00 : f32
    %gt3A_24 = vector.broadcast %gt3A : f32 to vector<32x3200xf32>
    %gt3A_25 = arith.cmpf ogt, %add3A, %gt3A_24 : vector<32x3200xf32>
    %mul3A = arith.constant 0.00999999977 : f32
    %mul3A_26 = vector.broadcast %mul3A : f32 to vector<32x3200xf32>
    %mul3A_27 = arith.mulf %mul3A_26, %add3A : vector<32x3200xf32>
    %select_n3A = arith.select %gt3A_25, %add3A, %mul3A_27 : vector<32x3200xi1>, vector<32x3200xf32>
    %dot_general3A_28 = arith.constant dense<0.000000e+00> : vector<32x3200xf32>
    %dot_general3A_29 = tpu.matmul %get3A_7, %select_n3A, %dot_general3A_28 {dimension_numbers = #tpu.dot_dimension_numbers<[1], [0], [0], [1], [0, 0, 1, 1], [], []>, transpose_lhs_hint = false} : vector<32x32xf32>, vector<32x3200xf32>, vector<32x3200xf32> -> vector<32x3200xf32>
    %add3A_30 = vector.broadcast %get3A_10 : vector<32x1xf32> to vector<32x3200xf32>
    %add3A_31 = arith.addf %dot_general3A_29, %add3A_30 : vector<32x3200xf32>
    %gt3A_32 = arith.constant 0.000000e+00 : f32
    %gt3A_33 = vector.broadcast %gt3A_32 : f32 to vector<32x3200xf32>
    %gt3A_34 = arith.cmpf ogt, %add3A_31, %gt3A_33 : vector<32x3200xf32>
    %mul3A_35 = arith.constant 0.00999999977 : f32
    %mul3A_36 = vector.broadcast %mul3A_35 : f32 to vector<32x3200xf32>
    %mul3A_37 = arith.mulf %mul3A_36, %add3A_31 : vector<32x3200xf32>
    %select_n3A_38 = arith.select %gt3A_34, %add3A_31, %mul3A_37 : vector<32x3200xi1>, vector<32x3200xf32>
    %swap3A = arith.constant 0 : index
    %swap3A_39 = arith.constant 0 : index
    %swap3A_40 = vector.load %arg15[%swap3A, %swap3A_39] : memref<32x3200xf32, #tpu.memory_space<vmem>>, vector<32x3200xf32>
    tpu.vector_store %arg15[%swap3A, %swap3A_39], %select_n3A_38 {strides = array<i32>} : memref<32x3200xf32, #tpu.memory_space<vmem>>, vector<32x3200xf32>,
    %dot_general3A_41 = arith.constant dense<0.000000e+00> : vector<2x3200xf32>
    %dot_general3A_42 = tpu.matmul %get3A_13, %select_n3A_38, %dot_general3A_41 {dimension_numbers = #tpu.dot_dimension_numbers<[1], [0], [0], [1], [0, 0, 1, 1], [], []>, transpose_lhs_hint = false} : vector<2x32xf32>, vector<32x3200xf32>, vector<2x3200xf32> -> vector<2x3200xf32>
    %add3A_43 = vector.broadcast %get3A_16 : vector<2x1xf32> to vector<2x3200xf32>
    %add3A_44 = arith.addf %dot_general3A_42, %add3A_43 : vector<2x3200xf32>
    %reduce_max3A = arith.constant dense<0xFF800000> : vector<3200xf32>
    %reduce_max3A_45 = vector.multi_reduction <maximumf>, %add3A_44, %reduce_max3A [0] : vector<2x3200xf32> to vector<3200xf32>
    %broadcast_in_dim3A = vector.shape_cast %reduce_max3A_45 : vector<3200xf32> to vector<1x3200xf32>
    %sub3A = vector.broadcast %broadcast_in_dim3A : vector<1x3200xf32> to vector<2x3200xf32>
    %sub3A_46 = arith.subf %add3A_44, %sub3A : vector<2x3200xf32>
    %exp3A = math.exp %sub3A_46 : vector<2x3200xf32>
    %reduce_sum3A = arith.constant dense<0.000000e+00> : vector<3200xf32>
    %reduce_sum3A_47 = vector.multi_reduction <add>, %exp3A, %reduce_sum3A [0] : vector<2x3200xf32> to vector<3200xf32>
    %broadcast_in_dim3A_48 = vector.shape_cast %reduce_sum3A_47 : vector<3200xf32> to vector<1x3200xf32>
    %div3A = vector.broadcast %broadcast_in_dim3A_48 : vector<1x3200xf32> to vector<2x3200xf32>
    %div3A_49 = arith.divf %exp3A, %div3A : vector<2x3200xf32>
    %swap3A_50 = arith.constant 0 : index
    %swap3A_51 = arith.constant 0 : index
    %swap3A_52 = vector.load %arg19[%swap3A_50, %swap3A_51] : memref<2x3200xf32, #tpu.memory_space<vmem>>, vector<2x3200xf32>
    tpu.vector_store %arg19[%swap3A_50, %swap3A_51], %div3A_49 {strides = array<i32>} : memref<2x3200xf32, #tpu.memory_space<vmem>>, vector<2x3200xf32>,
    %slice3A_53 = vector.extract_strided_slice %transpose3A {offsets = [32, 0], sizes = [32, 3200], strides = [1, 1]} : vector<128x3200xf32> to vector<32x3200xf32>
    %get3A_54 = arith.constant 0 : index
    %get3A_55 = arith.constant 0 : index
    %get3A_56 = vector.load %arg3[%get3A_54, %get3A_55] : memref<2x3200xf32, #tpu.memory_space<vmem>>, vector<2x3200xf32>
    %get3A_57 = arith.constant 0 : index
    %get3A_58 = arith.constant 0 : index
    %get3A_59 = vector.load %arg7[%get3A_57, %get3A_58] : memref<32x3200xf32, #tpu.memory_space<vmem>>, vector<32x3200xf32>
    %concatenate3A_60 = tpu.concatenate %get3A_56, %get3A_59 in 0 : vector<2x3200xf32>, vector<32x3200xf32> -> vector<34x3200xf32>
    %dot_general3A_61 = arith.constant dense<0.000000e+00> : vector<32x3200xf32>
    %dot_general3A_62 = tpu.matmul %get3A_4, %concatenate3A_60, %dot_general3A_61 {dimension_numbers = #tpu.dot_dimension_numbers<[1], [0], [0], [1], [0, 0, 1, 1], [], []>, transpose_lhs_hint = false} : vector<32x34xf32>, vector<34x3200xf32>, vector<32x3200xf32> -> vector<32x3200xf32>
    %add3A_63 = arith.addf %slice3A_53, %dot_general3A_62 : vector<32x3200xf32>
    %gt3A_64 = arith.constant 0.000000e+00 : f32
    %gt3A_65 = vector.broadcast %gt3A_64 : f32 to vector<32x3200xf32>
    %gt3A_66 = arith.cmpf ogt, %add3A_63, %gt3A_65 : vector<32x3200xf32>
    %mul3A_67 = arith.constant 0.00999999977 : f32
    %mul3A_68 = vector.broadcast %mul3A_67 : f32 to vector<32x3200xf32>
    %mul3A_69 = arith.mulf %mul3A_68, %add3A_63 : vector<32x3200xf32>
    %select_n3A_70 = arith.select %gt3A_66, %add3A_63, %mul3A_69 : vector<32x3200xi1>, vector<32x3200xf32>
    %dot_general3A_71 = arith.constant dense<0.000000e+00> : vector<32x3200xf32>
    %dot_general3A_72 = tpu.matmul %get3A_7, %select_n3A_70, %dot_general3A_71 {dimension_numbers = #tpu.dot_dimension_numbers<[1], [0], [0], [1], [0, 0, 1, 1], [], []>, transpose_lhs_hint = false} : vector<32x32xf32>, vector<32x3200xf32>, vector<32x3200xf32> -> vector<32x3200xf32>
    %add3A_73 = vector.broadcast %get3A_10 : vector<32x1xf32> to vector<32x3200xf32>
    %add3A_74 = arith.addf %dot_general3A_72, %add3A_73 : vector<32x3200xf32>
    %gt3A_75 = arith.constant 0.000000e+00 : f32
    %gt3A_76 = vector.broadcast %gt3A_75 : f32 to vector<32x3200xf32>
    %gt3A_77 = arith.cmpf ogt, %add3A_74, %gt3A_76 : vector<32x3200xf32>
    %mul3A_78 = arith.constant 0.00999999977 : f32
    %mul3A_79 = vector.broadcast %mul3A_78 : f32 to vector<32x3200xf32>
    %mul3A_80 = arith.mulf %mul3A_79, %add3A_74 : vector<32x3200xf32>
    %select_n3A_81 = arith.select %gt3A_77, %add3A_74, %mul3A_80 : vector<32x3200xi1>, vector<32x3200xf32>
    %swap3A_82 = arith.constant 0 : index
    %swap3A_83 = arith.constant 0 : index
    %swap3A_84 = vector.load %arg16[%swap3A_82, %swap3A_83] : memref<32x3200xf32, #tpu.memory_space<vmem>>, vector<32x3200xf32>
    tpu.vector_store %arg16[%swap3A_82, %swap3A_83], %select_n3A_81 {strides = array<i32>} : memref<32x3200xf32, #tpu.memory_space<vmem>>, vector<32x3200xf32>,
    %dot_general3A_85 = arith.constant dense<0.000000e+00> : vector<2x3200xf32>
    %dot_general3A_86 = tpu.matmul %get3A_13, %select_n3A_81, %dot_general3A_85 {dimension_numbers = #tpu.dot_dimension_numbers<[1], [0], [0], [1], [0, 0, 1, 1], [], []>, transpose_lhs_hint = false} : vector<2x32xf32>, vector<32x3200xf32>, vector<2x3200xf32> -> vector<2x3200xf32>
    %add3A_87 = vector.broadcast %get3A_16 : vector<2x1xf32> to vector<2x3200xf32>
    %add3A_88 = arith.addf %dot_general3A_86, %add3A_87 : vector<2x3200xf32>
    %reduce_max3A_89 = arith.constant dense<0xFF800000> : vector<3200xf32>
    %reduce_max3A_90 = vector.multi_reduction <maximumf>, %add3A_88, %reduce_max3A_89 [0] : vector<2x3200xf32> to vector<3200xf32>
    %broadcast_in_dim3A_91 = vector.shape_cast %reduce_max3A_90 : vector<3200xf32> to vector<1x3200xf32>
    %sub3A_92 = vector.broadcast %broadcast_in_dim3A_91 : vector<1x3200xf32> to vector<2x3200xf32>
    %sub3A_93 = arith.subf %add3A_88, %sub3A_92 : vector<2x3200xf32>
    %exp3A_94 = math.exp %sub3A_93 : vector<2x3200xf32>
    %reduce_sum3A_95 = arith.constant dense<0.000000e+00> : vector<3200xf32>
    %reduce_sum3A_96 = vector.multi_reduction <add>, %exp3A_94, %reduce_sum3A_95 [0] : vector<2x3200xf32> to vector<3200xf32>
    %broadcast_in_dim3A_97 = vector.shape_cast %reduce_sum3A_96 : vector<3200xf32> to vector<1x3200xf32>
    %div3A_98 = vector.broadcast %broadcast_in_dim3A_97 : vector<1x3200xf32> to vector<2x3200xf32>
    %div3A_99 = arith.divf %exp3A_94, %div3A_98 : vector<2x3200xf32>
    %swap3A_100 = arith.constant 0 : index
    %swap3A_101 = arith.constant 0 : index
    %swap3A_102 = vector.load %arg20[%swap3A_100, %swap3A_101] : memref<2x3200xf32, #tpu.memory_space<vmem>>, vector<2x3200xf32>
    tpu.vector_store %arg20[%swap3A_100, %swap3A_101], %div3A_99 {strides = array<i32>} : memref<2x3200xf32, #tpu.memory_space<vmem>>, vector<2x3200xf32>,
    %slice3A_103 = vector.extract_strided_slice %transpose3A {offsets = [64, 0], sizes = [32, 3200], strides = [1, 1]} : vector<128x3200xf32> to vector<32x3200xf32>
    %get3A_104 = arith.constant 0 : index
    %get3A_105 = arith.constant 0 : index
    %get3A_106 = vector.load %arg4[%get3A_104, %get3A_105] : memref<2x3200xf32, #tpu.memory_space<vmem>>, vector<2x3200xf32>
    %get3A_107 = arith.constant 0 : index
    %get3A_108 = arith.constant 0 : index
    %get3A_109 = vector.load %arg8[%get3A_107, %get3A_108] : memref<32x3200xf32, #tpu.memory_space<vmem>>, vector<32x3200xf32>
    %concatenate3A_110 = tpu.concatenate %get3A_106, %get3A_109 in 0 : vector<2x3200xf32>, vector<32x3200xf32> -> vector<34x3200xf32>
    %dot_general3A_111 = arith.constant dense<0.000000e+00> : vector<32x3200xf32>
    %dot_general3A_112 = tpu.matmul %get3A_4, %concatenate3A_110, %dot_general3A_111 {dimension_numbers = #tpu.dot_dimension_numbers<[1], [0], [0], [1], [0, 0, 1, 1], [], []>, transpose_lhs_hint = false} : vector<32x34xf32>, vector<34x3200xf32>, vector<32x3200xf32> -> vector<32x3200xf32>
    %add3A_113 = arith.addf %slice3A_103, %dot_general3A_112 : vector<32x3200xf32>
    %gt3A_114 = arith.constant 0.000000e+00 : f32
    %gt3A_115 = vector.broadcast %gt3A_114 : f32 to vector<32x3200xf32>
    %gt3A_116 = arith.cmpf ogt, %add3A_113, %gt3A_115 : vector<32x3200xf32>
    %mul3A_117 = arith.constant 0.00999999977 : f32
    %mul3A_118 = vector.broadcast %mul3A_117 : f32 to vector<32x3200xf32>
    %mul3A_119 = arith.mulf %mul3A_118, %add3A_113 : vector<32x3200xf32>
    %select_n3A_120 = arith.select %gt3A_116, %add3A_113, %mul3A_119 : vector<32x3200xi1>, vector<32x3200xf32>
    %dot_general3A_121 = arith.constant dense<0.000000e+00> : vector<32x3200xf32>
    %dot_general3A_122 = tpu.matmul %get3A_7, %select_n3A_120, %dot_general3A_121 {dimension_numbers = #tpu.dot_dimension_numbers<[1], [0], [0], [1], [0, 0, 1, 1], [], []>, transpose_lhs_hint = false} : vector<32x32xf32>, vector<32x3200xf32>, vector<32x3200xf32> -> vector<32x3200xf32>
    %add3A_123 = vector.broadcast %get3A_10 : vector<32x1xf32> to vector<32x3200xf32>
    %add3A_124 = arith.addf %dot_general3A_122, %add3A_123 : vector<32x3200xf32>
    %gt3A_125 = arith.constant 0.000000e+00 : f32
    %gt3A_126 = vector.broadcast %gt3A_125 : f32 to vector<32x3200xf32>
    %gt3A_127 = arith.cmpf ogt, %add3A_124, %gt3A_126 : vector<32x3200xf32>
    %mul3A_128 = arith.constant 0.00999999977 : f32
    %mul3A_129 = vector.broadcast %mul3A_128 : f32 to vector<32x3200xf32>
    %mul3A_130 = arith.mulf %mul3A_129, %add3A_124 : vector<32x3200xf32>
    %select_n3A_131 = arith.select %gt3A_127, %add3A_124, %mul3A_130 : vector<32x3200xi1>, vector<32x3200xf32>
    %swap3A_132 = arith.constant 0 : index
    %swap3A_133 = arith.constant 0 : index
    %swap3A_134 = vector.load %arg17[%swap3A_132, %swap3A_133] : memref<32x3200xf32, #tpu.memory_space<vmem>>, vector<32x3200xf32>
    tpu.vector_store %arg17[%swap3A_132, %swap3A_133], %select_n3A_131 {strides = array<i32>} : memref<32x3200xf32, #tpu.memory_space<vmem>>, vector<32x3200xf32>,
    %dot_general3A_135 = arith.constant dense<0.000000e+00> : vector<2x3200xf32>
    %dot_general3A_136 = tpu.matmul %get3A_13, %select_n3A_131, %dot_general3A_135 {dimension_numbers = #tpu.dot_dimension_numbers<[1], [0], [0], [1], [0, 0, 1, 1], [], []>, transpose_lhs_hint = false} : vector<2x32xf32>, vector<32x3200xf32>, vector<2x3200xf32> -> vector<2x3200xf32>
    %add3A_137 = vector.broadcast %get3A_16 : vector<2x1xf32> to vector<2x3200xf32>
    %add3A_138 = arith.addf %dot_general3A_136, %add3A_137 : vector<2x3200xf32>
    %reduce_max3A_139 = arith.constant dense<0xFF800000> : vector<3200xf32>
    %reduce_max3A_140 = vector.multi_reduction <maximumf>, %add3A_138, %reduce_max3A_139 [0] : vector<2x3200xf32> to vector<3200xf32>
    %broadcast_in_dim3A_141 = vector.shape_cast %reduce_max3A_140 : vector<3200xf32> to vector<1x3200xf32>
    %sub3A_142 = vector.broadcast %broadcast_in_dim3A_141 : vector<1x3200xf32> to vector<2x3200xf32>
    %sub3A_143 = arith.subf %add3A_138, %sub3A_142 : vector<2x3200xf32>
    %exp3A_144 = math.exp %sub3A_143 : vector<2x3200xf32>
    %reduce_sum3A_145 = arith.constant dense<0.000000e+00> : vector<3200xf32>
    %reduce_sum3A_146 = vector.multi_reduction <add>, %exp3A_144, %reduce_sum3A_145 [0] : vector<2x3200xf32> to vector<3200xf32>
    %broadcast_in_dim3A_147 = vector.shape_cast %reduce_sum3A_146 : vector<3200xf32> to vector<1x3200xf32>
    %div3A_148 = vector.broadcast %broadcast_in_dim3A_147 : vector<1x3200xf32> to vector<2x3200xf32>
    %div3A_149 = arith.divf %exp3A_144, %div3A_148 : vector<2x3200xf32>
    %swap3A_150 = arith.constant 0 : index
    %swap3A_151 = arith.constant 0 : index
    %swap3A_152 = vector.load %arg21[%swap3A_150, %swap3A_151] : memref<2x3200xf32, #tpu.memory_space<vmem>>, vector<2x3200xf32>
    tpu.vector_store %arg21[%swap3A_150, %swap3A_151], %div3A_149 {strides = array<i32>} : memref<2x3200xf32, #tpu.memory_space<vmem>>, vector<2x3200xf32>,
    %slice3A_153 = vector.extract_strided_slice %transpose3A {offsets = [96, 0], sizes = [32, 3200], strides = [1, 1]} : vector<128x3200xf32> to vector<32x3200xf32>
    %get3A_154 = arith.constant 0 : index
    %get3A_155 = arith.constant 0 : index
    %get3A_156 = vector.load %arg5[%get3A_154, %get3A_155] : memref<2x3200xf32, #tpu.memory_space<vmem>>, vector<2x3200xf32>
    %get3A_157 = arith.constant 0 : index
    %get3A_158 = arith.constant 0 : index
    %get3A_159 = vector.load %arg9[%get3A_157, %get3A_158] : memref<32x3200xf32, #tpu.memory_space<vmem>>, vector<32x3200xf32>
    %concatenate3A_160 = tpu.concatenate %get3A_156, %get3A_159 in 0 : vector<2x3200xf32>, vector<32x3200xf32> -> vector<34x3200xf32>
    %dot_general3A_161 = arith.constant dense<0.000000e+00> : vector<32x3200xf32>
    %dot_general3A_162 = tpu.matmul %get3A_4, %concatenate3A_160, %dot_general3A_161 {dimension_numbers = #tpu.dot_dimension_numbers<[1], [0], [0], [1], [0, 0, 1, 1], [], []>, transpose_lhs_hint = false} : vector<32x34xf32>, vector<34x3200xf32>, vector<32x3200xf32> -> vector<32x3200xf32>
    %add3A_163 = arith.addf %slice3A_153, %dot_general3A_162 : vector<32x3200xf32>
    %gt3A_164 = arith.constant 0.000000e+00 : f32
    %gt3A_165 = vector.broadcast %gt3A_164 : f32 to vector<32x3200xf32>
    %gt3A_166 = arith.cmpf ogt, %add3A_163, %gt3A_165 : vector<32x3200xf32>
    %mul3A_167 = arith.constant 0.00999999977 : f32
    %mul3A_168 = vector.broadcast %mul3A_167 : f32 to vector<32x3200xf32>
    %mul3A_169 = arith.mulf %mul3A_168, %add3A_163 : vector<32x3200xf32>
    %select_n3A_170 = arith.select %gt3A_166, %add3A_163, %mul3A_169 : vector<32x3200xi1>, vector<32x3200xf32>
    %dot_general3A_171 = arith.constant dense<0.000000e+00> : vector<32x3200xf32>
    %dot_general3A_172 = tpu.matmul %get3A_7, %select_n3A_170, %dot_general3A_171 {dimension_numbers = #tpu.dot_dimension_numbers<[1], [0], [0], [1], [0, 0, 1, 1], [], []>, transpose_lhs_hint = false} : vector<32x32xf32>, vector<32x3200xf32>, vector<32x3200xf32> -> vector<32x3200xf32>
    %add3A_173 = vector.broadcast %get3A_10 : vector<32x1xf32> to vector<32x3200xf32>
    %add3A_174 = arith.addf %dot_general3A_172, %add3A_173 : vector<32x3200xf32>
    %gt3A_175 = arith.constant 0.000000e+00 : f32
    %gt3A_176 = vector.broadcast %gt3A_175 : f32 to vector<32x3200xf32>
    %gt3A_177 = arith.cmpf ogt, %add3A_174, %gt3A_176 : vector<32x3200xf32>
    %mul3A_178 = arith.constant 0.00999999977 : f32
    %mul3A_179 = vector.broadcast %mul3A_178 : f32 to vector<32x3200xf32>
    %mul3A_180 = arith.mulf %mul3A_179, %add3A_174 : vector<32x3200xf32>
    %select_n3A_181 = arith.select %gt3A_177, %add3A_174, %mul3A_180 : vector<32x3200xi1>, vector<32x3200xf32>
    %swap3A_182 = arith.constant 0 : index
    %swap3A_183 = arith.constant 0 : index
    %swap3A_184 = vector.load %arg18[%swap3A_182, %swap3A_183] : memref<32x3200xf32, #tpu.memory_space<vmem>>, vector<32x3200xf32>
    tpu.vector_store %arg18[%swap3A_182, %swap3A_183], %select_n3A_181 {strides = array<i32>} : memref<32x3200xf32, #tpu.memory_space<vmem>>, vector<32x3200xf32>,
    %dot_general3A_185 = arith.constant dense<0.000000e+00> : vector<2x3200xf32>
    %dot_general3A_186 = tpu.matmul %get3A_13, %select_n3A_181, %dot_general3A_185 {dimension_numbers = #tpu.dot_dimension_numbers<[1], [0], [0], [1], [0, 0, 1, 1], [], []>, transpose_lhs_hint = false} : vector<2x32xf32>, vector<32x3200xf32>, vector<2x3200xf32> -> vector<2x3200xf32>
    %add3A_187 = vector.broadcast %get3A_16 : vector<2x1xf32> to vector<2x3200xf32>
    %add3A_188 = arith.addf %dot_general3A_186, %add3A_187 : vector<2x3200xf32>
    %reduce_max3A_189 = arith.constant dense<0xFF800000> : vector<3200xf32>
    %reduce_max3A_190 = vector.multi_reduction <maximumf>, %add3A_188, %reduce_max3A_189 [0] : vector<2x3200xf32> to vector<3200xf32>
    %broadcast_in_dim3A_191 = vector.shape_cast %reduce_max3A_190 : vector<3200xf32> to vector<1x3200xf32>
    %sub3A_192 = vector.broadcast %broadcast_in_dim3A_191 : vector<1x3200xf32> to vector<2x3200xf32>
    %sub3A_193 = arith.subf %add3A_188, %sub3A_192 : vector<2x3200xf32>
    %exp3A_194 = math.exp %sub3A_193 : vector<2x3200xf32>
    %reduce_sum3A_195 = arith.constant dense<0.000000e+00> : vector<3200xf32>
    %reduce_sum3A_196 = vector.multi_reduction <add>, %exp3A_194, %reduce_sum3A_195 [0] : vector<2x3200xf32> to vector<3200xf32>
    %broadcast_in_dim3A_197 = vector.shape_cast %reduce_sum3A_196 : vector<3200xf32> to vector<1x3200xf32>
    %div3A_198 = vector.broadcast %broadcast_in_dim3A_197 : vector<1x3200xf32> to vector<2x3200xf32>
    %div3A_199 = arith.divf %exp3A_194, %div3A_198 : vector<2x3200xf32>
    %swap3A_200 = arith.constant 0 : index
    %swap3A_201 = arith.constant 0 : index
    %swap3A_202 = vector.load %arg22[%swap3A_200, %swap3A_201] : memref<2x3200xf32, #tpu.memory_space<vmem>>, vector<2x3200xf32>
    tpu.vector_store %arg22[%swap3A_200, %swap3A_201], %div3A_199 {strides = array<i32>} : memref<2x3200xf32, #tpu.memory_space<vmem>>, vector<2x3200xf32>,
    return
  }
  func.func @transform_0(%arg0: i32) -> (i32, i32) {
    %c0_i32 = arith.constant 0 : i32
    %c0_i32_0 = arith.constant 0 : i32
    return %arg0, %c0_i32 : i32, i32
  }
  func.func @transform_1(%arg0: i32) -> (i32, i32) {
    %add3A = arith.constant 400 : i32
    %add3A_0 = arith.addi %add3A, %arg0 : i32
    %c0_i32 = arith.constant 0 : i32
    %c0_i32_1 = arith.constant 0 : i32
    return %c0_i32, %add3A_0 : i32, i32
  }
  func.func @transform_2(%arg0: i32) -> (i32, i32) {
    %add3A = arith.constant 425 : i32
    %add3A_0 = arith.addi %add3A, %arg0 : i32
    %c0_i32 = arith.constant 0 : i32
    %c0_i32_1 = arith.constant 0 : i32
    return %c0_i32, %add3A_0 : i32, i32
  }
  func.func @transform_3(%arg0: i32) -> (i32, i32) {
    %add3A = arith.constant 450 : i32
    %add3A_0 = arith.addi %add3A, %arg0 : i32
    %c0_i32 = arith.constant 0 : i32
    %c0_i32_1 = arith.constant 0 : i32
    return %c0_i32, %add3A_0 : i32, i32
  }
  func.func @transform_4(%arg0: i32) -> (i32, i32) {
    %add3A = arith.constant 475 : i32
    %add3A_0 = arith.addi %add3A, %arg0 : i32
    %c0_i32 = arith.constant 0 : i32
    %c0_i32_1 = arith.constant 0 : i32
    return %c0_i32, %add3A_0 : i32, i32
  }
  func.func @transform_5(%arg0: i32) -> (i32, i32) {
    %add3A = arith.constant 400 : i32
    %add3A_0 = arith.addi %add3A, %arg0 : i32
    %c0_i32 = arith.constant 0 : i32
    %c0_i32_1 = arith.constant 0 : i32
    return %c0_i32, %add3A_0 : i32, i32
  }
  func.func @transform_6(%arg0: i32) -> (i32, i32) {
    %add3A = arith.constant 425 : i32
    %add3A_0 = arith.addi %add3A, %arg0 : i32
    %c0_i32 = arith.constant 0 : i32
    %c0_i32_1 = arith.constant 0 : i32
    return %c0_i32, %add3A_0 : i32, i32
  }
  func.func @transform_7(%arg0: i32) -> (i32, i32) {
    %add3A = arith.constant 450 : i32
    %add3A_0 = arith.addi %add3A, %arg0 : i32
    %c0_i32 = arith.constant 0 : i32
    %c0_i32_1 = arith.constant 0 : i32
    return %c0_i32, %add3A_0 : i32, i32
  }
  func.func @transform_8(%arg0: i32) -> (i32, i32) {
    %add3A = arith.constant 475 : i32
    %add3A_0 = arith.addi %add3A, %arg0 : i32
    %c0_i32 = arith.constant 0 : i32
    %c0_i32_1 = arith.constant 0 : i32
    return %c0_i32, %add3A_0 : i32, i32
  }
  func.func @transform_9(%arg0: i32) -> (i32, i32) {
    %c0_i32 = arith.constant 0 : i32
    %c0_i32_0 = arith.constant 0 : i32
    %c0_i32_1 = arith.constant 0 : i32
    return %c0_i32, %c0_i32_0 : i32, i32
  }
  func.func @transform_10(%arg0: i32) -> (i32, i32) {
    %c0_i32 = arith.constant 0 : i32
    %c0_i32_0 = arith.constant 0 : i32
    %c0_i32_1 = arith.constant 0 : i32
    return %c0_i32, %c0_i32_0 : i32, i32
  }
  func.func @transform_11(%arg0: i32) -> (i32, i32) {
    %c0_i32 = arith.constant 0 : i32
    %c0_i32_0 = arith.constant 0 : i32
    %c0_i32_1 = arith.constant 0 : i32
    return %c0_i32, %c0_i32_0 : i32, i32
  }
  func.func @transform_12(%arg0: i32) -> (i32, i32) {
    %c0_i32 = arith.constant 0 : i32
    %c0_i32_0 = arith.constant 0 : i32
    %c0_i32_1 = arith.constant 0 : i32
    return %c0_i32, %c0_i32_0 : i32, i32
  }
  func.func @transform_13(%arg0: i32) -> (i32, i32) {
    %c0_i32 = arith.constant 0 : i32
    %c0_i32_0 = arith.constant 0 : i32
    %c0_i32_1 = arith.constant 0 : i32
    return %c0_i32, %c0_i32_0 : i32, i32
  }
  func.func @transform_14(%arg0: i32) -> (i32, i32) {
    %c0_i32 = arith.constant 0 : i32
    %c0_i32_0 = arith.constant 0 : i32
    return %c0_i32, %arg0 : i32, i32
  }
  func.func @transform_15(%arg0: i32) -> (i32, i32) {
    %c0_i32 = arith.constant 0 : i32
    %c0_i32_0 = arith.constant 0 : i32
    return %c0_i32, %arg0 : i32, i32
  }
  func.func @transform_16(%arg0: i32) -> (i32, i32) {
    %c0_i32 = arith.constant 0 : i32
    %c0_i32_0 = arith.constant 0 : i32
    return %c0_i32, %arg0 : i32, i32
  }
  func.func @transform_17(%arg0: i32) -> (i32, i32) {
    %c0_i32 = arith.constant 0 : i32
    %c0_i32_0 = arith.constant 0 : i32
    return %c0_i32, %arg0 : i32, i32
  }
  func.func @transform_18(%arg0: i32) -> (i32, i32) {
    %c0_i32 = arith.constant 0 : i32
    %c0_i32_0 = arith.constant 0 : i32
    return %c0_i32, %arg0 : i32, i32
  }
  func.func @transform_19(%arg0: i32) -> (i32, i32) {
    %c0_i32 = arith.constant 0 : i32
    %c0_i32_0 = arith.constant 0 : i32
    return %c0_i32, %arg0 : i32, i32
  }
  func.func @transform_20(%arg0: i32) -> (i32, i32) {
    %c0_i32 = arith.constant 0 : i32
    %c0_i32_0 = arith.constant 0 : i32
    return %c0_i32, %arg0 : i32, i32
  }
  func.func @transform_21(%arg0: i32) -> (i32, i32) {
    %c0_i32 = arith.constant 0 : i32
    %c0_i32_0 = arith.constant 0 : i32
    return %c0_i32, %arg0 : i32, i32
  }
}

</mosaic_0001>

<sc_bundles>
// kernel: kernel.17.cloned.1.call-start
scs
__scs_entry_jumppad:
0x0: {  	(pc) =	sbr.rel $0x88, $3  }
0x1: {  	(tag) =	ssettag $0x0;
	lr =	simm.s32 $0x1  }
0x2: {  	[smem:$0x3F93] =	sst lr;
	_ =	strace $0xD0000000  }
0x3: {  	_ = 	snop  }
0x4: {  	_ = 	snop  }
0x5: {  	_ = 	snop  }
0x6: {  	_ = 	snop  }
0x7: {  	_ = 	snop  }
__scs_overlays_trampoline_lowered:
0x8: {  	[smem:$0x3FA2] =	sst s0  }
0x9: {  	[smem:$0x3FA3] =	sst s1  }
0xa: {  	[smem:$0x3FA4] =	sst s2  }
0xb: {  	[smem:$0x3FA5] =	sst s3  }
0xc: {  	[smem:$0x3FA6] =	sst s4  }
0xd: {  	[smem:$0x3FA7] =	sst s5  }
0xe: {  	[smem:$0x3FA8] =	sst s6  }
0xf: {  	[smem:$0x3FA9] =	sst s7  }
0x10: {  	[smem:$0x3FAA] =	sst s8  }
0x11: {  	[smem:$0x3FAB] =	sst s9;
	s0 =	simm.s32 @!p0 $0x0  }
0x12: {  	s1 =	sld [smem:$0x3F91];
	s0 =	simm.s32 @p0 $0x1  }
0x13: {  	[smem:$0x3FAC] =	sst s0;
	s0 =	simm.s32 @!p1 $0x0  }
0x14: {  	s2 =	sld [smem:$0x3F90];
	s0 =	simm.s32 @p1 $0x1  }
0x15: {  	[smem:$0x3FAD] =	sst s0;
	s0 =	simm.s32 @!p2 $0x0  }
0x16: {  	s3 =	sld [smem:$0x3FDB];
	s0 =	simm.s32 @p2 $0x1  }
0x17: {  	s4 =	simm.s32 $0x1BF5;
	[smem:$0x3FAF] =	sst s0  }
0x18: {  	s0 =	sld [smem:$0x3F92];
	_ =	swait.ge [sflag:s4], $0x0  }
0x19: {  	s7 =	sld [smem:$0x3F93]  }
0x1a: {  	s8 =	sadd.s32 $0xFFFFE003, lr  }
0x1b: {  	s9 =	sadd.s32 $0xFFFFFEF7, lr;
	s5 =	simm.s32 $0xFFFFFFFF;
	p2 =	slt.u32 s8, $0xFFFFF086  }
0x1c: {  	p1 =	slt.u32 s9, $0xF7A;
	s5 =	simm.s32 @!p2 $0x0  }
0x1d: {  	s5 =	simm.s32 @p1 $0x1;
	p0 =	seq.s32 s7, s2  }
0x1e: {  	s7 =	smul.u32 @!p0 $0xF7A, s2;
	p2 =	seq.s32 @!p0 s5, $0x0  }
0x1f: {  	s9 =	smul.u32 $0xF7A, s1;
	s8 =	simm.s32 @!p0 $0x1BF5;
	p2 =	por !p2, p0  }
0x20: {  	[sflag:s8] =	ssyncset.s32 @!p0 $0xFFFFF086;
	s6 =	sadd.s32 @!p0 s3, s7;
	s7 =	simm.s32 @!p0 $0x108  }
0x21: {  	s3 =	sadd.s32 s3, s9;
	s6 =	sadd.s32 @!p0 $0x88, s6;
	s7 =	simm.s32 @p2 $0x1082  }
0x22: {  	[simem:s7], [sflag:s8] =	dma.local @!p0 [hbm:s6], $0xF7A  }
0x23: {  	s9 =	sor.u32 $0xD0000000, s2;
	s6 =	simm.s32 $0x108;
	_ =	swait.ge @!p0 [sflag:s8], $0x0  }
0x24: {  	s3 =	sadd.s32 $0x88, s3;
	s6 =	simm.s32 @!p1 $0x1082;
	[sflag:s4] =	ssyncset.s32 $0xFFFFF086  }
0x25: {  	[simem:s6], [sflag:s4] =	dma.local [hbm:s3], $0xF7A  }
0x26: {  	[smem:$0x3F93] =	sst s1;
	(tag) =	ssettag s2;
	_ =	strace s9  }
0x27: {  	s1 =	sld [smem:$0x3FA3]  }
0x28: {  	s2 =	sld [smem:$0x3FA4]  }
0x29: {  	s4 =	sld [smem:$0x3FA6]  }
0x2a: {  	p0 =	seq.s32 s5, $0x0;
	s5 =	sld [smem:$0x3FA7]  }
0x2b: {  	s6 =	sld [smem:$0x3FA8]  }
0x2c: {  	s7 =	sld [smem:$0x3FA9]  }
0x2d: {  	s3 =	simm.s32 $0x108;
	s8 =	sld [smem:$0x3FAA]  }
0x2e: {  	s3 =	simm.s32 @!p0 $0x1082;
	s9 =	sld [smem:$0x3FAB]  }
0x2f: {  	lr =	sadd.s32 s0, s3;
	s0 =	sld [smem:$0x3FA2]  }
0x30: {  	s3 =	sld [smem:$0x3FA5]  }
0x31: {  	[smem:$0x3FAE] =	sst s10  }
0x32: {  	s10 =	sld [smem:$0x3FAC];
	_ =	sdelay $0x3  }
0x33: {  	p0 =	seq.s32 s10, $0x1;
	s10 =	sld [smem:$0x3FAE];
	_ =	sdelay $0x3  }
0x34: {  	[smem:$0x3FAE] =	sst s10  }
0x35: {  	s10 =	sld [smem:$0x3FAD];
	_ =	sdelay $0x3  }
0x36: {  	p1 =	seq.s32 s10, $0x1;
	s10 =	sld [smem:$0x3FAE];
	_ =	sdelay $0x3  }
0x37: {  	[smem:$0x3FAE] =	sst s10  }
0x38: {  	s10 =	sld [smem:$0x3FAF]  }
0x39: {  	_ = 	snop;
	(pc) =	sbr.ind lr, $3  }
0x3a: {  	_ = 	snop  }
0x3b: {  	_ = 	snop  }
0x3c: {  	p2 =	seq.s32 s10, $0x1;
	s10 =	sld [smem:$0x3FAE]  }
0x3d: {  	_ =	shalt  }
0x3e: {  	_ =	shalt  }
0x3f: {  	_ =	shalt  }
0x40: {  	_ =	shalt  }
0x41: {  	_ =	shalt  }
0x42: {  	_ =	shalt  }
0x43: {  	_ =	shalt  }
0x44: {  	_ =	shalt  }
0x45: {  	_ =	shalt  }
0x46: {  	_ =	shalt  }
0x47: {  	_ =	shalt  }
0x48: {  	_ =	shalt  }
0x49: {  	_ =	shalt  }
0x4a: {  	_ =	shalt  }
0x4b: {  	_ =	shalt  }
0x4c: {  	_ =	shalt  }
0x4d: {  	_ =	shalt  }
0x4e: {  	_ =	shalt  }
0x4f: {  	_ =	shalt  }
0x50: {  	_ =	shalt  }
0x51: {  	_ =	shalt  }
0x52: {  	_ =	shalt  }
0x53: {  	_ =	shalt  }
0x54: {  	_ =	shalt  }
0x55: {  	_ =	shalt  }
0x56: {  	_ =	shalt  }
0x57: {  	_ =	shalt  }
0x58: {  	_ =	shalt  }
0x59: {  	_ =	shalt  }
0x5a: {  	_ =	shalt  }
0x5b: {  	_ =	shalt  }
0x5c: {  	_ =	shalt  }
0x5d: {  	_ =	shalt  }
0x5e: {  	_ =	shalt  }
0x5f: {  	_ =	shalt  }
0x60: {  	_ =	shalt  }
0x61: {  	_ =	shalt  }
0x62: {  	_ =	shalt  }
0x63: {  	_ =	shalt  }
0x64: {  	_ =	shalt  }
0x65: {  	_ =	shalt  }
0x66: {  	_ =	shalt  }
0x67: {  	_ =	shalt  }
0x68: {  	_ =	shalt  }
0x69: {  	_ =	shalt  }
0x6a: {  	_ =	shalt  }
0x6b: {  	_ =	shalt  }
0x6c: {  	_ =	shalt  }
0x6d: {  	_ =	shalt  }
0x6e: {  	_ =	shalt  }
0x6f: {  	_ =	shalt  }
0x70: {  	_ =	shalt  }
0x71: {  	_ =	shalt  }
0x72: {  	_ =	shalt  }
0x73: {  	_ =	shalt  }
0x74: {  	_ =	shalt  }
0x75: {  	_ =	shalt  }
0x76: {  	_ =	shalt  }
0x77: {  	_ =	shalt  }
0x78: {  	_ =	shalt  }
0x79: {  	_ =	shalt  }
0x7a: {  	_ =	shalt  }
0x7b: {  	_ =	shalt  }
0x7c: {  	_ =	shalt  }
0x7d: {  	_ =	shalt  }
0x7e: {  	_ =	shalt  }
0x7f: {  	_ =	shalt  }
0x80: {  	_ =	shalt  }
0x81: {  	_ =	shalt  }
0x82: {  	_ =	shalt  }
0x83: {  	_ =	shalt  }
0x84: {  	_ =	shalt  }
0x85: {  	_ =	shalt  }
0x86: {  	_ =	shalt  }
0x87: {  	_ =	shalt  }
.Lfunc_end0:
.L_simem_size_0:
called_computation.1_lowered:
.L_overlay_start_0:
0x88: {  	s2 =	sld [smem:$0x3FD9]  }
0x89: {  	s3 =	sld [smem:$0x3FFE];
	_ =	sdelay $0x1  }
0x8a: {  	s1 =	srdreg.scid  }
0x8b: {  	s0 =	sand.u32 $0x1, s1  }
0x8c: {  	s14 =	sshll.u32 s0, $0xA;
	s2 =	sadd.s32 s3, s2  }
0x8d: {  	s2 =	sadd.s32 s2, s14  }
0x8e: {  	[smem:$0x3FBA] =	sst s2  }
0x8f: {  	_ = 	snop  }
0x90: {  	s2 =	sld [smem:$0x3FD0];
	_ =	sdelay $0x2  }
0x91: {  	s15 =	simm.s32 $0xE;
	s4 =	simm.s32 $0x10  }
0x92: {  	[smem:s4], [sflag:s15] =	dma.local [hbm:s2], $0x1  }
0x93: {  	_ =	swait.eq [sflag:s15], $0x1  }
0x94: {  	[sflag:s15] =	ssyncset.done $0x0  }
0x95: {  	[sflag:s15] =	ssyncadd.s32 $0xFFFFFFFF  }
0x96: {  	s16 =	sld [smem:$0x11];
	(tm) =	ssettm $0x1  }
0x97: {  	s17 =	sld [smem:$0x3FFB];
	_ =	sdelay $0x3  }
0x98: {  	_ =	strace s17  }
0x99: {  	s3 =	sld [smem:$0x3FFC];
	_ =	sdelay $0x3  }
0x9a: {  	_ =	strace s3  }
0x9b: {  	s3 =	sld [smem:$0x3FFD];
	_ =	sdelay $0x3  }
0x9c: {  	_ =	strace s3  }
0x9d: {  	_ =	strace $0x8FFFFFFF  }
0x9e: {  	s18 =	sld [smem:$0x3FDB];
	_ =	sdelay $0x1  }
0x9f: {  	s19 =	simm.s32 $_scs_section_size  }
0xa0: {  	s5 =	simm.s32 $_size__tile_overlayer_lowered;
	s6 =	simm.s32 $_tile_overlayer_lowered  }
0xa1: {  	s22 =	simm.s32 $0x1BFF;
	s21 =	sshll.u32 s6, $0x1;
	s3 =	sadd.s32 s19, s18  }
0xa2: {  	s7 =	simm.s32 $0x0;
	s20 =	sshll.u32 s5, $0x1;
	s5 =	sadd.s32 s21, s3  }
0xa3: {  	[timem:s7], [sflag:s22] =	dma.local [hbm:s5], s20  }
0xa4: {  	_ =	swait.ge [sflag:s22], s20  }
0xa5: {  	s4 =	ssub.s32 $0x0, s20;
	[sflag:s22] =	ssyncset.done $0x0  }
0xa6: {  	[sflag:s22] =	ssyncadd.s32 s4;
	_ =	sdelay $0x1  }
0xa7: {  	s23 =	simm.s32 $0x1B8B  }
0xa8: {  	_ =	swait.ge [sflag:s23], $0x1  }
0xa9: {  	[sflag:s23] =	ssyncset.done $0x0  }
0xaa: {  	s25 =	simm.s32 $0x1B8E;
	s24 =	sld [smem:$0x3FFE];
	[sflag:s23] =	ssyncadd.s32 $0xFFFFFFFF  }
0xab: {  	s26 =	simm.s32 $execute0_lowered;
	[smem:$0x3FD2] =	sst s25  }
0xac: {  	s5 =	sshll.u32 s26, $0x1;
	_ =	strace $0x80000046;
	[dreg:$0x1] =	wrdreg $0xFFFFFFFF  }
0xad: {  	s28 =	simm.s32 $_size_execute0_lowered;
	s3 =	sadd.s32 s3, s5;
	[dreg:$0x0] =	wrdreg $0x0  }
0xae: {  	s5 =	sshll.u32 s28, $0x1;
	[dreg:$0x2] =	wrdreg s3  }
0xaf: {  	[dreg:$0x3] =	wrdreg s5  }
0xb0: {  	[dreg:$0x4] =	wrdreg $0xC0  }
0xb1: {  	_ =	task [dreg:s7], $0x5FFFF  }
0xb2: {  	[dreg:$0x1] =	wrdreg $0xFFFFFFFF  }
0xb3: {  	[dreg:$0x0] =	wrdreg $0x60  }
0xb4: {  	[dreg:$0x2] =	wrdreg s16  }
0xb5: {  	[dreg:$0x3] =	wrdreg s24  }
0xb6: {  	[dreg:$0x4] =	wrdreg $0x9  }
0xb7: {  	_ =	task.clear_ibuf [dreg:s7], $0x5FFFF;
	_ =	strace $0x90000046  }
0xb8: {  	s29 =	simm.s32 $0x9;
	_ =	strace $0x80000048  }
0xb9: {  	_ =	swait.ge [sflag:s29], $0x1  }
0xba: {  	[sflag:s29] =	ssyncadd.s32 $0xFFFFFFFF  }
0xbb: {  	_ =	strace $0x90000048  }
0xbc: {  	_ =	sfence  }
0xbd: {  	s30 =	sld [smem:$0x0];
	_ =	sdelay $0x2  }
0xbe: {  	s31 =	sshll.u32 s1, $0xD;
	s1 =	sshrl.u32 s1, $0x2  }
0xbf: {  	s3 =	sand.u32 $0x4000, s31;
	s1 =	sadd.s32 s1, s30  }
0xc0: {  	s0 =	sor.u32 s3, s0;
	s1 =	sshll.u32 s1, $0x11  }
0xc1: {  	s0 =	sor.u32 s1, s0  }
0xc2: {  	s0 =	sadd.s32 $0x8F2B, s0  }
0xc3: {  	[sflag:s0] =	ssyncadd.remote.s32 $0x1  }
0xc4: {  	_ =	sfence.sel $0xFFFF  }
0xc5: {  	[dreg:$0x0] =	wrdreg $0xFFFFFFFF;
	(pc) =	sbr.abs _section_cstart, $3  }
0xc6: {  	[dreg:$0x1] =	wrdreg $0xFFFFFFFF  }
0xc7: {  	_ =	task.clear_ibuf [dreg:s7], $0x2FFFF;
	_ =	strace $0x9FFFFFFF  }
0xc8: {  	(tm) =	ssettm $0x7FFFFFFF  }
0xc9: {  	_ =	shalt  }
tec
execute0_lowered:
.L_overlay_start_1:
0x0: {  	(tag) =	ssettag $0x1  }
0x1: {  	s0 =	stileid.u32;
	s2 =	rddreg [dreg:$0x0]  }
0x2: {  	s1 =	srdreg.scid;
	s6 =	rddreg [dreg:$0x1];
	s3 =	simm.s32 $0x0  }
0x3: {  	s25 =	simm.s32 $0x100;
	s5 =	sand.u32 $0x1, s1;
	s1 =	rddreg [dreg:$0x2]  }
0x4: {  	s26 =	simm.s32 $0x180;
	s28 =	simm.s32 $0x200;
	[smem:$0x7FF] =	sst s3  }
0x5: {  	s29 =	simm.s32 $0x280;
	_ =	strace $0x80000047;
	[dreg:$0x4] =	wrdreg s25  }
0x6: {  	s30 =	simm.s32 $0x300;
	s13 =	simm.s32 $0x380;
	[dreg:$0x5] =	wrdreg s26  }
0x7: {  	s14 =	simm.s32 $0x400;
	s15 =	simm.s32 $0x480;
	[dreg:$0x6] =	wrdreg s28  }
0x8: {  	s16 =	simm.s32 $0x580;
	s17 =	simm.s32 $0x600;
	[dreg:$0x7] =	wrdreg s29  }
0x9: {  	s18 =	simm.s32 $0x680;
	s19 =	simm.s32 $0x700;
	[dreg:$0x8] =	wrdreg s30  }
0xa: {  	s20 =	simm.s32 $0x780;
	s21 =	simm.s32 $0x800;
	[dreg:$0x9] =	wrdreg s13  }
0xb: {  	s22 =	simm.s32 $0x880;
	s31 =	simm.s32 $0x980;
	[dreg:$0xa] =	wrdreg s14  }
0xc: {  	s23 =	sshll.u32 s0, $0x1;
	s8 =	smul.u32 $0xA00, s0;
	[dreg:$0xb] =	wrdreg s15  }
0xd: {  	s11 =	sand.u32 $0xC, s0;
	s4 =	sor.u32 s5, s23;
	[dreg:$0xc] =	wrdreg s16  }
0xe: {  	s9 =	ssub.s32 $0x2, s5;
	s12 =	smul.u32 $0x500, s5;
	[dreg:$0xd] =	wrdreg s17  }
0xf: {  	s13 =	simm.s32 $0x19A0;
	s14 =	simm.s32 $0x2940;
	[dreg:$0xe] =	wrdreg s18  }
0x10: {  	s15 =	simm.s32 $0x38E0;
	s16 =	simm.s32 $0x4880;
	[dreg:$0xf] =	wrdreg s19  }
0x11: {  	s17 =	simm.s32 $0x5820;
	s18 =	simm.s32 $0x67C0;
	[dreg:$0x10] =	wrdreg s20  }
0x12: {  	s19 =	simm.s32 $0x7760;
	s20 =	simm.s32 $0x8700;
	[dreg:$0x11] =	wrdreg s21  }
0x13: {  	s21 =	simm.s32 $0x96A0;
	[dreg:$0x12] =	wrdreg s22;
	s23 =	simm.s32 $0x900  }
0x14: {  	s22 =	simm.s32 $0x1;
	[dreg:$0x14] =	wrdreg s31;
	s4 =	sand.u32 $0x7, s4  }
0x15: {  	s10 =	sshrl.u32 s9, $0x1;
	[dreg:$0x13] =	wrdreg s23;
	s23 =	simm.s32 $0x20  }
0x16: {  	s7 =	smul.u32 $0x27100, s4;
	s4 =	sadd.s32 $0x9A00, s6;
	s24 =	ssub.s32 s9, s10  }
0x17: {  	s9 =	simm.s32 $0x500;
	s10 =	simm.s32 $0x7D;
	s5 =	smax.u32 s24, $0x1  }
0x18: {  	s24 =	simm.s32 $0x0;
	s7 =	sadd.s32 s7, s6;
	s6 =	sadd.s32 s8, s6  }
0x19: {  	s7 =	sadd.s32 s11, s7;
	s8 =	sadd.s32 s12, s6;
	s11 =	simm.s32 $0xA00  }
0x1a: {  	s12 =	simm.s32 $0x80;
	s7 =	sadd.s32 $0xCF600, s7;
	s6 =	sadd.s32 $0x9D600, s8  }
0x1b: {  	[dreg:$0x3] =	wrdreg s7;
	s7 =	sadd.s32 $0x6B600, s8;
	s8 =	simm.s32 $0x2  }
.LBB2_1:
0x1c: {  	[tilespmem:s3], [sflag:$0x2] =	stream.linear.gather [hbm4b:s7+s3], $0x500, $0x38;
	[tilespmem:$0xA640] =	vst v63  }
0x1d: {  	_ =	swait.ge [sflag:s8], $0x500  }
0x1e: {  	[sflag:s8] =	ssyncset.done $0x0  }
0x1f: {  	[sflag:s8] =	ssyncadd.s32 $0xFFFFFB00  }
0x20: {  	[tilespmem:s9], [sflag:$0x2] =	stream.linear.gather [hbm4b:s6+s3], $0x500, $0x38;
	[tilespmem:$0xA640] =	vst v63  }
0x21: {  	_ =	swait.ge [sflag:s8], $0x500  }
0x22: {  	[sflag:s8] =	ssyncset.done $0x0  }
0x23: {  	[sflag:s8] =	ssyncadd.s32 $0xFFFFFB00  }
0x24: {  	[tilespmem:s11], [sflag:$0x1] =	stream.indirect.gather [hbm4b:s2+s10], $0x20, s3, s10, $0xb8;
	[tilespmem:$0xA640] =	vst v63  }
0x25: {  	_ = 	snop  }
0x26: {  	[tilespmem:s13], [sflag:$0x1] =	stream.indirect.gather [hbm4b:s2+s10], $0x20, s12, s10, $0xb8;
	[tilespmem:$0xA640] =	vst v63  }
0x27: {  	s25 =	rddreg [dreg:$0x4]  }
0x28: {  	[tilespmem:s14], [sflag:$0x1] =	stream.indirect.gather [hbm4b:s2+s10], $0x20, s25, s10, $0xb8;
	[tilespmem:$0xA640] =	vst v63  }
0x29: {  	s26 =	rddreg [dreg:$0x5]  }
0x2a: {  	[tilespmem:s15], [sflag:$0x1] =	stream.indirect.gather [hbm4b:s2+s10], $0x20, s26, s10, $0xb8;
	[tilespmem:$0xA640] =	vst v63  }
0x2b: {  	s29 =	rddreg [dreg:$0x6]  }
0x2c: {  	[tilespmem:s16], [sflag:$0x1] =	stream.indirect.gather [hbm4b:s2+s10], $0x20, s29, s10, $0xb8;
	[tilespmem:$0xA640] =	vst v63  }
0x2d: {  	s30 =	rddreg [dreg:$0x7]  }
0x2e: {  	[tilespmem:s17], [sflag:$0x1] =	stream.indirect.gather [hbm4b:s2+s10], $0x20, s30, s10, $0xb8;
	[tilespmem:$0xA640] =	vst v63  }
0x2f: {  	s31 =	rddreg [dreg:$0x8]  }
0x30: {  	[tilespmem:s18], [sflag:$0x1] =	stream.indirect.gather [hbm4b:s2+s10], $0x20, s31, s10, $0xb8;
	[tilespmem:$0xA640] =	vst v63  }
0x31: {  	s29 =	rddreg [dreg:$0x9]  }
0x32: {  	[tilespmem:s19], [sflag:$0x1] =	stream.indirect.gather [hbm4b:s2+s10], $0x20, s29, s10, $0xb8;
	[tilespmem:$0xA640] =	vst v63  }
0x33: {  	s30 =	rddreg [dreg:$0xa]  }
0x34: {  	[tilespmem:s20], [sflag:$0x1] =	stream.indirect.gather [hbm4b:s2+s10], $0x20, s30, s10, $0xb8;
	[tilespmem:$0xA640] =	vst v63  }
0x35: {  	s31 =	rddreg [dreg:$0xb]  }
0x36: {  	[tilespmem:s21], [sflag:$0x1] =	stream.indirect.gather [hbm4b:s2+s10], $0x20, s31, s10, $0xb8;
	[tilespmem:$0xA640] =	vst v63  }
0x37: {  	_ =	swait.ge [sflag:s22], $0xFA0  }
0x38: {  	[sflag:s22] =	ssyncset.done $0x0  }
0x39: {  	[sflag:s22] =	ssyncadd.s32 $0xFFFFF060  }
0x3a: {  	_ =	swait.ge [sflag:s22], $0xFA0  }
0x3b: {  	[sflag:s22] =	ssyncset.done $0x0  }
0x3c: {  	[sflag:s22] =	ssyncadd.s32 $0xFFFFF060  }
0x3d: {  	_ =	swait.ge [sflag:s22], $0xFA0  }
0x3e: {  	[sflag:s22] =	ssyncset.done $0x0  }
0x3f: {  	[sflag:s22] =	ssyncadd.s32 $0xFFFFF060  }
0x40: {  	_ =	swait.ge [sflag:s22], $0xFA0  }
0x41: {  	[sflag:s22] =	ssyncset.done $0x0  }
0x42: {  	[sflag:s22] =	ssyncadd.s32 $0xFFFFF060  }
0x43: {  	_ =	swait.ge [sflag:s22], $0xFA0  }
0x44: {  	[sflag:s22] =	ssyncset.done $0x0  }
0x45: {  	[sflag:s22] =	ssyncadd.s32 $0xFFFFF060  }
0x46: {  	_ =	swait.ge [sflag:s22], $0xFA0  }
0x47: {  	[sflag:s22] =	ssyncset.done $0x0  }
0x48: {  	[sflag:s22] =	ssyncadd.s32 $0xFFFFF060  }
0x49: {  	_ =	swait.ge [sflag:s22], $0xFA0  }
0x4a: {  	[sflag:s22] =	ssyncset.done $0x0  }
0x4b: {  	[sflag:s22] =	ssyncadd.s32 $0xFFFFF060  }
0x4c: {  	_ =	swait.ge [sflag:s22], $0xFA0  }
0x4d: {  	[sflag:s22] =	ssyncset.done $0x0  }
0x4e: {  	[sflag:s22] =	ssyncadd.s32 $0xFFFFF060  }
0x4f: {  	_ =	swait.ge [sflag:s22], $0xFA0  }
0x50: {  	[sflag:s22] =	ssyncset.done $0x0  }
0x51: {  	[sflag:s22] =	ssyncadd.s32 $0xFFFFF060  }
0x52: {  	_ =	swait.ge [sflag:s22], $0xFA0  }
0x53: {  	[sflag:s22] =	ssyncset.done $0x0  }
0x54: {  	[sflag:s22] =	ssyncadd.s32 $0xFFFFF060  }
0x55: {  	[tilespmem:s11], [sflag:$0x1] =	stream.indirect.gather.add.f32 [hbm:s4], $0x20, s9, s10, $0xb8;
	[tilespmem:$0xA640] =	vst v63  }
0x56: {  	s29 =	rddreg [dreg:$0xc]  }
0x57: {  	[tilespmem:s13], [sflag:$0x1] =	stream.indirect.gather.add.f32 [hbm:s4], $0x20, s29, s10, $0xb8;
	[tilespmem:$0xA640] =	vst v63  }
0x58: {  	s30 =	rddreg [dreg:$0xd]  }
0x59: {  	[tilespmem:s14], [sflag:$0x1] =	stream.indirect.gather.add.f32 [hbm:s4], $0x20, s30, s10, $0xb8;
	[tilespmem:$0xA640] =	vst v63  }
0x5a: {  	s31 =	rddreg [dreg:$0xe]  }
0x5b: {  	[tilespmem:s15], [sflag:$0x1] =	stream.indirect.gather.add.f32 [hbm:s4], $0x20, s31, s10, $0xb8;
	[tilespmem:$0xA640] =	vst v63  }
0x5c: {  	s29 =	rddreg [dreg:$0xf]  }
0x5d: {  	[tilespmem:s16], [sflag:$0x1] =	stream.indirect.gather.add.f32 [hbm:s4], $0x20, s29, s10, $0xb8;
	[tilespmem:$0xA640] =	vst v63  }
0x5e: {  	s30 =	rddreg [dreg:$0x10]  }
0x5f: {  	[tilespmem:s17], [sflag:$0x1] =	stream.indirect.gather.add.f32 [hbm:s4], $0x20, s30, s10, $0xb8;
	[tilespmem:$0xA640] =	vst v63  }
0x60: {  	s31 =	rddreg [dreg:$0x11]  }
0x61: {  	[tilespmem:s18], [sflag:$0x1] =	stream.indirect.gather.add.f32 [hbm:s4], $0x20, s31, s10, $0xb8;
	[tilespmem:$0xA640] =	vst v63  }
0x62: {  	s29 =	rddreg [dreg:$0x12]  }
0x63: {  	[tilespmem:s19], [sflag:$0x1] =	stream.indirect.gather.add.f32 [hbm:s4], $0x20, s29, s10, $0xb8;
	[tilespmem:$0xA640] =	vst v63  }
0x64: {  	s30 =	rddreg [dreg:$0x13]  }
0x65: {  	[tilespmem:s20], [sflag:$0x1] =	stream.indirect.gather.add.f32 [hbm:s4], $0x20, s30, s10, $0xb8;
	[tilespmem:$0xA640] =	vst v63  }
0x66: {  	s31 =	rddreg [dreg:$0x14]  }
0x67: {  	[tilespmem:s21], [sflag:$0x1] =	stream.indirect.gather.add.f32 [hbm:s4], $0x20, s31, s10, $0xb8;
	[tilespmem:$0xA640] =	vst v63  }
0x68: {  	_ =	swait.ge [sflag:s22], $0xFA0  }
0x69: {  	[sflag:s22] =	ssyncset.done $0x0  }
0x6a: {  	[sflag:s22] =	ssyncadd.s32 $0xFFFFF060  }
0x6b: {  	_ =	swait.ge [sflag:s22], $0xFA0  }
0x6c: {  	[sflag:s22] =	ssyncset.done $0x0  }
0x6d: {  	[sflag:s22] =	ssyncadd.s32 $0xFFFFF060  }
0x6e: {  	_ =	swait.ge [sflag:s22], $0xFA0  }
0x6f: {  	[sflag:s22] =	ssyncset.done $0x0  }
0x70: {  	[sflag:s22] =	ssyncadd.s32 $0xFFFFF060  }
0x71: {  	_ =	swait.ge [sflag:s22], $0xFA0  }
0x72: {  	[sflag:s22] =	ssyncset.done $0x0  }
0x73: {  	[sflag:s22] =	ssyncadd.s32 $0xFFFFF060  }
0x74: {  	_ =	swait.ge [sflag:s22], $0xFA0  }
0x75: {  	[sflag:s22] =	ssyncset.done $0x0  }
0x76: {  	[sflag:s22] =	ssyncadd.s32 $0xFFFFF060  }
0x77: {  	_ =	swait.ge [sflag:s22], $0xFA0  }
0x78: {  	[sflag:s22] =	ssyncset.done $0x0  }
0x79: {  	[sflag:s22] =	ssyncadd.s32 $0xFFFFF060  }
0x7a: {  	_ =	swait.ge [sflag:s22], $0xFA0  }
0x7b: {  	[sflag:s22] =	ssyncset.done $0x0  }
0x7c: {  	[sflag:s22] =	ssyncadd.s32 $0xFFFFF060  }
0x7d: {  	_ =	swait.ge [sflag:s22], $0xFA0  }
0x7e: {  	[sflag:s22] =	ssyncset.done $0x0  }
0x7f: {  	[sflag:s22] =	ssyncadd.s32 $0xFFFFF060  }
0x80: {  	_ =	swait.ge [sflag:s22], $0xFA0  }
0x81: {  	[sflag:s22] =	ssyncset.done $0x0  }
0x82: {  	[sflag:s22] =	ssyncadd.s32 $0xFFFFF060  }
0x83: {  	_ =	swait.ge [sflag:s22], $0xFA0  }
0x84: {  	s29 =	rddreg [dreg:$0x3];
	[sflag:s22] =	ssyncset.done $0x0  }
0x85: {  	[sflag:s22] =	ssyncadd.s32 $0xFFFFF060;
	s25 =	sadd.s32 $0x0, s29  }
0x86: {  	[hbm4b:s25+s23] =	stream.strided.scatter [tilespmem:s11], [sflag:$0x2], $0xFA0, s12, s23, $0x38;
	[tilespmem:$0xA640] =	vst v63  }
0x87: {  	_ =	swait.ge [sflag:s8], $0xFA0  }
0x88: {  	[sflag:s8] =	ssyncset.done $0x0  }
0x89: {  	s30 =	sadd.s32 $0x7D0, s25;
	[sflag:s8] =	ssyncadd.s32 $0xFFFFF060  }
0x8a: {  	[hbm4b:s30+s23] =	stream.strided.scatter [tilespmem:s13], [sflag:$0x2], $0xFA0, s12, s23, $0x38;
	[tilespmem:$0xA640] =	vst v63  }
0x8b: {  	_ =	swait.ge [sflag:s8], $0xFA0  }
0x8c: {  	[sflag:s8] =	ssyncset.done $0x0  }
0x8d: {  	s31 =	sadd.s32 $0xFA0, s25;
	[sflag:s8] =	ssyncadd.s32 $0xFFFFF060  }
0x8e: {  	[hbm4b:s31+s23] =	stream.strided.scatter [tilespmem:s14], [sflag:$0x2], $0xFA0, s12, s23, $0x38;
	[tilespmem:$0xA640] =	vst v63  }
0x8f: {  	_ =	swait.ge [sflag:s8], $0xFA0  }
0x90: {  	[sflag:s8] =	ssyncset.done $0x0  }
0x91: {  	s29 =	sadd.s32 $0x1770, s25;
	[sflag:s8] =	ssyncadd.s32 $0xFFFFF060  }
0x92: {  	[hbm4b:s29+s23] =	stream.strided.scatter [tilespmem:s15], [sflag:$0x2], $0xFA0, s12, s23, $0x38;
	[tilespmem:$0xA640] =	vst v63  }
0x93: {  	_ =	swait.ge [sflag:s8], $0xFA0  }
0x94: {  	[sflag:s8] =	ssyncset.done $0x0  }
0x95: {  	s30 =	sadd.s32 $0x1F40, s25;
	[sflag:s8] =	ssyncadd.s32 $0xFFFFF060  }
0x96: {  	[hbm4b:s30+s23] =	stream.strided.scatter [tilespmem:s16], [sflag:$0x2], $0xFA0, s12, s23, $0x38;
	[tilespmem:$0xA640] =	vst v63  }
0x97: {  	_ =	swait.ge [sflag:s8], $0xFA0  }
0x98: {  	[sflag:s8] =	ssyncset.done $0x0  }
0x99: {  	s31 =	sadd.s32 $0x2710, s25;
	[sflag:s8] =	ssyncadd.s32 $0xFFFFF060  }
0x9a: {  	[hbm4b:s31+s23] =	stream.strided.scatter [tilespmem:s17], [sflag:$0x2], $0xFA0, s12, s23, $0x38;
	[tilespmem:$0xA640] =	vst v63  }
0x9b: {  	_ =	swait.ge [sflag:s8], $0xFA0  }
0x9c: {  	[sflag:s8] =	ssyncset.done $0x0  }
0x9d: {  	s29 =	sadd.s32 $0x2EE0, s25;
	[sflag:s8] =	ssyncadd.s32 $0xFFFFF060  }
0x9e: {  	[hbm4b:s29+s23] =	stream.strided.scatter [tilespmem:s18], [sflag:$0x2], $0xFA0, s12, s23, $0x38;
	[tilespmem:$0xA640] =	vst v63  }
0x9f: {  	_ =	swait.ge [sflag:s8], $0xFA0  }
0xa0: {  	[sflag:s8] =	ssyncset.done $0x0  }
0xa1: {  	s30 =	sadd.s32 $0x36B0, s25;
	[sflag:s8] =	ssyncadd.s32 $0xFFFFF060  }
0xa2: {  	[hbm4b:s30+s23] =	stream.strided.scatter [tilespmem:s19], [sflag:$0x2], $0xFA0, s12, s23, $0x38;
	[tilespmem:$0xA640] =	vst v63  }
0xa3: {  	_ =	swait.ge [sflag:s8], $0xFA0  }
0xa4: {  	[sflag:s8] =	ssyncset.done $0x0  }
0xa5: {  	s31 =	sadd.s32 $0x3E80, s25;
	[sflag:s8] =	ssyncadd.s32 $0xFFFFF060  }
0xa6: {  	[hbm4b:s31+s23] =	stream.strided.scatter [tilespmem:s20], [sflag:$0x2], $0xFA0, s12, s23, $0x38;
	[tilespmem:$0xA640] =	vst v63  }
0xa7: {  	_ =	swait.ge [sflag:s8], $0xFA0  }
0xa8: {  	[sflag:s8] =	ssyncset.done $0x0  }
0xa9: {  	s25 =	sadd.s32 $0x4650, s25;
	[sflag:s8] =	ssyncadd.s32 $0xFFFFF060  }
0xaa: {  	[hbm4b:s25+s23] =	stream.strided.scatter [tilespmem:s21], [sflag:$0x2], $0xFA0, s12, s23, $0x38;
	[tilespmem:$0xA640] =	vst v63  }
0xab: {  	s28 =	smov.u32 s7;
	_ =	swait.ge [sflag:s8], $0xFA0  }
0xac: {  	s26 =	smov.u32 s6;
	s25 =	simm.s32 $0x4E20;
	[sflag:s8] =	ssyncset.done $0x0  }
.LBB2_2:
0xad: {  	[sflag:s8] =	ssyncadd.s32 $0xFFFFF060;
	s28 =	sadd.s32 $0xA0, s28  }
0xae: {  	[tilespmem:s3], [sflag:$0x2] =	stream.linear.gather [hbm4b:s28+s3], $0x500, $0x38;
	[tilespmem:$0xA640] =	vst v63  }
0xaf: {  	_ =	swait.ge [sflag:s8], $0x500  }
0xb0: {  	[sflag:s8] =	ssyncset.done $0x0  }
0xb1: {  	s26 =	sadd.s32 $0xA0, s26;
	[sflag:s8] =	ssyncadd.s32 $0xFFFFFB00  }
0xb2: {  	[tilespmem:s9], [sflag:$0x2] =	stream.linear.gather [hbm4b:s26+s3], $0x500, $0x38;
	[tilespmem:$0xA640] =	vst v63  }
0xb3: {  	_ =	swait.ge [sflag:s8], $0x500  }
0xb4: {  	[sflag:s8] =	ssyncset.done $0x0  }
0xb5: {  	[sflag:s8] =	ssyncadd.s32 $0xFFFFFB00  }
0xb6: {  	[tilespmem:s11], [sflag:$0x1] =	stream.indirect.gather [hbm4b:s2+s10], $0x20, s3, s10, $0xb8;
	[tilespmem:$0xA640] =	vst v63  }
0xb7: {  	_ = 	snop  }
0xb8: {  	[tilespmem:s13], [sflag:$0x1] =	stream.indirect.gather [hbm4b:s2+s10], $0x20, s12, s10, $0xb8;
	[tilespmem:$0xA640] =	vst v63  }
0xb9: {  	s30 =	rddreg [dreg:$0x4]  }
0xba: {  	[tilespmem:s14], [sflag:$0x1] =	stream.indirect.gather [hbm4b:s2+s10], $0x20, s30, s10, $0xb8;
	[tilespmem:$0xA640] =	vst v63  }
0xbb: {  	s31 =	rddreg [dreg:$0x5]  }
0xbc: {  	[tilespmem:s15], [sflag:$0x1] =	stream.indirect.gather [hbm4b:s2+s10], $0x20, s31, s10, $0xb8;
	[tilespmem:$0xA640] =	vst v63  }
0xbd: {  	s30 =	rddreg [dreg:$0x6]  }
0xbe: {  	[tilespmem:s16], [sflag:$0x1] =	stream.indirect.gather [hbm4b:s2+s10], $0x20, s30, s10, $0xb8;
	[tilespmem:$0xA640] =	vst v63  }
0xbf: {  	s31 =	rddreg [dreg:$0x7]  }
0xc0: {  	[tilespmem:s17], [sflag:$0x1] =	stream.indirect.gather [hbm4b:s2+s10], $0x20, s31, s10, $0xb8;
	[tilespmem:$0xA640] =	vst v63  }
0xc1: {  	s30 =	rddreg [dreg:$0x8]  }
0xc2: {  	[tilespmem:s18], [sflag:$0x1] =	stream.indirect.gather [hbm4b:s2+s10], $0x20, s30, s10, $0xb8;
	[tilespmem:$0xA640] =	vst v63  }
0xc3: {  	s31 =	rddreg [dreg:$0x9]  }
0xc4: {  	[tilespmem:s19], [sflag:$0x1] =	stream.indirect.gather [hbm4b:s2+s10], $0x20, s31, s10, $0xb8;
	[tilespmem:$0xA640] =	vst v63  }
0xc5: {  	s30 =	rddreg [dreg:$0xa]  }
0xc6: {  	[tilespmem:s20], [sflag:$0x1] =	stream.indirect.gather [hbm4b:s2+s10], $0x20, s30, s10, $0xb8;
	[tilespmem:$0xA640] =	vst v63  }
0xc7: {  	s31 =	rddreg [dreg:$0xb]  }
0xc8: {  	[tilespmem:s21], [sflag:$0x1] =	stream.indirect.gather [hbm4b:s2+s10], $0x20, s31, s10, $0xb8;
	[tilespmem:$0xA640] =	vst v63  }
0xc9: {  	_ =	swait.ge [sflag:s22], $0xFA0  }
0xca: {  	[sflag:s22] =	ssyncset.done $0x0  }
0xcb: {  	[sflag:s22] =	ssyncadd.s32 $0xFFFFF060  }
0xcc: {  	_ =	swait.ge [sflag:s22], $0xFA0  }
0xcd: {  	[sflag:s22] =	ssyncset.done $0x0  }
0xce: {  	[sflag:s22] =	ssyncadd.s32 $0xFFFFF060  }
0xcf: {  	_ =	swait.ge [sflag:s22], $0xFA0  }
0xd0: {  	[sflag:s22] =	ssyncset.done $0x0  }
0xd1: {  	[sflag:s22] =	ssyncadd.s32 $0xFFFFF060  }
0xd2: {  	_ =	swait.ge [sflag:s22], $0xFA0  }
0xd3: {  	[sflag:s22] =	ssyncset.done $0x0  }
0xd4: {  	[sflag:s22] =	ssyncadd.s32 $0xFFFFF060  }
0xd5: {  	_ =	swait.ge [sflag:s22], $0xFA0  }
0xd6: {  	[sflag:s22] =	ssyncset.done $0x0  }
0xd7: {  	[sflag:s22] =	ssyncadd.s32 $0xFFFFF060  }
0xd8: {  	_ =	swait.ge [sflag:s22], $0xFA0  }
0xd9: {  	[sflag:s22] =	ssyncset.done $0x0  }
0xda: {  	[sflag:s22] =	ssyncadd.s32 $0xFFFFF060  }
0xdb: {  	_ =	swait.ge [sflag:s22], $0xFA0  }
0xdc: {  	[sflag:s22] =	ssyncset.done $0x0  }
0xdd: {  	[sflag:s22] =	ssyncadd.s32 $0xFFFFF060  }
0xde: {  	_ =	swait.ge [sflag:s22], $0xFA0  }
0xdf: {  	[sflag:s22] =	ssyncset.done $0x0  }
0xe0: {  	[sflag:s22] =	ssyncadd.s32 $0xFFFFF060  }
0xe1: {  	_ =	swait.ge [sflag:s22], $0xFA0  }
0xe2: {  	[sflag:s22] =	ssyncset.done $0x0  }
0xe3: {  	[sflag:s22] =	ssyncadd.s32 $0xFFFFF060  }
0xe4: {  	_ =	swait.ge [sflag:s22], $0xFA0  }
0xe5: {  	[sflag:s22] =	ssyncset.done $0x0  }
0xe6: {  	[sflag:s22] =	ssyncadd.s32 $0xFFFFF060  }
0xe7: {  	[tilespmem:s11], [sflag:$0x1] =	stream.indirect.gather.add.f32 [hbm:s4], $0x20, s9, s10, $0xb8;
	[tilespmem:$0xA640] =	vst v63  }
0xe8: {  	s30 =	rddreg [dreg:$0xc]  }
0xe9: {  	[tilespmem:s13], [sflag:$0x1] =	stream.indirect.gather.add.f32 [hbm:s4], $0x20, s30, s10, $0xb8;
	[tilespmem:$0xA640] =	vst v63  }
0xea: {  	s31 =	rddreg [dreg:$0xd]  }
0xeb: {  	[tilespmem:s14], [sflag:$0x1] =	stream.indirect.gather.add.f32 [hbm:s4], $0x20, s31, s10, $0xb8;
	[tilespmem:$0xA640] =	vst v63  }
0xec: {  	s30 =	rddreg [dreg:$0xe]  }
0xed: {  	[tilespmem:s15], [sflag:$0x1] =	stream.indirect.gather.add.f32 [hbm:s4], $0x20, s30, s10, $0xb8;
	[tilespmem:$0xA640] =	vst v63  }
0xee: {  	s31 =	rddreg [dreg:$0xf]  }
0xef: {  	[tilespmem:s16], [sflag:$0x1] =	stream.indirect.gather.add.f32 [hbm:s4], $0x20, s31, s10, $0xb8;
	[tilespmem:$0xA640] =	vst v63  }
0xf0: {  	s30 =	rddreg [dreg:$0x10]  }
0xf1: {  	[tilespmem:s17], [sflag:$0x1] =	stream.indirect.gather.add.f32 [hbm:s4], $0x20, s30, s10, $0xb8;
	[tilespmem:$0xA640] =	vst v63  }
0xf2: {  	s31 =	rddreg [dreg:$0x11]  }
0xf3: {  	[tilespmem:s18], [sflag:$0x1] =	stream.indirect.gather.add.f32 [hbm:s4], $0x20, s31, s10, $0xb8;
	[tilespmem:$0xA640] =	vst v63  }
0xf4: {  	s30 =	rddreg [dreg:$0x12]  }
0xf5: {  	[tilespmem:s19], [sflag:$0x1] =	stream.indirect.gather.add.f32 [hbm:s4], $0x20, s30, s10, $0xb8;
	[tilespmem:$0xA640] =	vst v63  }
0xf6: {  	s31 =	rddreg [dreg:$0x13]  }
0xf7: {  	[tilespmem:s20], [sflag:$0x1] =	stream.indirect.gather.add.f32 [hbm:s4], $0x20, s31, s10, $0xb8;
	[tilespmem:$0xA640] =	vst v63  }
0xf8: {  	s30 =	rddreg [dreg:$0x14]  }
0xf9: {  	[tilespmem:s21], [sflag:$0x1] =	stream.indirect.gather.add.f32 [hbm:s4], $0x20, s30, s10, $0xb8;
	[tilespmem:$0xA640] =	vst v63  }
0xfa: {  	_ =	swait.ge [sflag:s22], $0xFA0  }
0xfb: {  	[sflag:s22] =	ssyncset.done $0x0  }
0xfc: {  	[sflag:s22] =	ssyncadd.s32 $0xFFFFF060  }
0xfd: {  	_ =	swait.ge [sflag:s22], $0xFA0  }
0xfe: {  	[sflag:s22] =	ssyncset.done $0x0  }
0xff: {  	[sflag:s22] =	ssyncadd.s32 $0xFFFFF060  }
0x100: {  	_ =	swait.ge [sflag:s22], $0xFA0  }
0x101: {  	[sflag:s22] =	ssyncset.done $0x0  }
0x102: {  	[sflag:s22] =	ssyncadd.s32 $0xFFFFF060  }
0x103: {  	_ =	swait.ge [sflag:s22], $0xFA0  }
0x104: {  	[sflag:s22] =	ssyncset.done $0x0  }
0x105: {  	[sflag:s22] =	ssyncadd.s32 $0xFFFFF060  }
0x106: {  	_ =	swait.ge [sflag:s22], $0xFA0  }
0x107: {  	[sflag:s22] =	ssyncset.done $0x0  }
0x108: {  	[sflag:s22] =	ssyncadd.s32 $0xFFFFF060  }
0x109: {  	_ =	swait.ge [sflag:s22], $0xFA0  }
0x10a: {  	[sflag:s22] =	ssyncset.done $0x0  }
0x10b: {  	[sflag:s22] =	ssyncadd.s32 $0xFFFFF060  }
0x10c: {  	_ =	swait.ge [sflag:s22], $0xFA0  }
0x10d: {  	[sflag:s22] =	ssyncset.done $0x0  }
0x10e: {  	[sflag:s22] =	ssyncadd.s32 $0xFFFFF060  }
0x10f: {  	_ =	swait.ge [sflag:s22], $0xFA0  }
0x110: {  	[sflag:s22] =	ssyncset.done $0x0  }
0x111: {  	[sflag:s22] =	ssyncadd.s32 $0xFFFFF060  }
0x112: {  	_ =	swait.ge [sflag:s22], $0xFA0  }
0x113: {  	[sflag:s22] =	ssyncset.done $0x0  }
0x114: {  	[sflag:s22] =	ssyncadd.s32 $0xFFFFF060  }
0x115: {  	_ =	swait.ge [sflag:s22], $0xFA0  }
0x116: {  	s29 =	smov.u32 s25;
	s31 =	rddreg [dreg:$0x3];
	[sflag:s22] =	ssyncset.done $0x0  }
0x117: {  	[sflag:s22] =	ssyncadd.s32 $0xFFFFF060;
	s29 =	sadd.s32 s29, s31  }
0x118: {  	[hbm4b:s29+s23] =	stream.strided.scatter [tilespmem:s11], [sflag:$0x2], $0xFA0, s12, s23, $0x38;
	[tilespmem:$0xA640] =	vst v63  }
0x119: {  	_ =	swait.ge [sflag:s8], $0xFA0  }
0x11a: {  	[sflag:s8] =	ssyncset.done $0x0  }
0x11b: {  	s30 =	sadd.s32 $0x7D0, s29;
	[sflag:s8] =	ssyncadd.s32 $0xFFFFF060  }
0x11c: {  	[hbm4b:s30+s23] =	stream.strided.scatter [tilespmem:s13], [sflag:$0x2], $0xFA0, s12, s23, $0x38;
	[tilespmem:$0xA640] =	vst v63  }
0x11d: {  	_ =	swait.ge [sflag:s8], $0xFA0  }
0x11e: {  	[sflag:s8] =	ssyncset.done $0x0  }
0x11f: {  	s31 =	sadd.s32 $0xFA0, s29;
	[sflag:s8] =	ssyncadd.s32 $0xFFFFF060  }
0x120: {  	[hbm4b:s31+s23] =	stream.strided.scatter [tilespmem:s14], [sflag:$0x2], $0xFA0, s12, s23, $0x38;
	[tilespmem:$0xA640] =	vst v63  }
0x121: {  	_ =	swait.ge [sflag:s8], $0xFA0  }
0x122: {  	[sflag:s8] =	ssyncset.done $0x0  }
0x123: {  	s31 =	sadd.s32 $0x1770, s29;
	[sflag:s8] =	ssyncadd.s32 $0xFFFFF060  }
0x124: {  	[hbm4b:s31+s23] =	stream.strided.scatter [tilespmem:s15], [sflag:$0x2], $0xFA0, s12, s23, $0x38;
	[tilespmem:$0xA640] =	vst v63  }
0x125: {  	_ =	swait.ge [sflag:s8], $0xFA0  }
0x126: {  	[sflag:s8] =	ssyncset.done $0x0  }
0x127: {  	s31 =	sadd.s32 $0x1F40, s29;
	[sflag:s8] =	ssyncadd.s32 $0xFFFFF060  }
0x128: {  	[hbm4b:s31+s23] =	stream.strided.scatter [tilespmem:s16], [sflag:$0x2], $0xFA0, s12, s23, $0x38;
	[tilespmem:$0xA640] =	vst v63  }
0x129: {  	_ =	swait.ge [sflag:s8], $0xFA0  }
0x12a: {  	[sflag:s8] =	ssyncset.done $0x0  }
0x12b: {  	s31 =	sadd.s32 $0x2710, s29;
	[sflag:s8] =	ssyncadd.s32 $0xFFFFF060  }
0x12c: {  	[hbm4b:s31+s23] =	stream.strided.scatter [tilespmem:s17], [sflag:$0x2], $0xFA0, s12, s23, $0x38;
	[tilespmem:$0xA640] =	vst v63  }
0x12d: {  	_ =	swait.ge [sflag:s8], $0xFA0  }
0x12e: {  	[sflag:s8] =	ssyncset.done $0x0  }
0x12f: {  	s31 =	sadd.s32 $0x2EE0, s29;
	[sflag:s8] =	ssyncadd.s32 $0xFFFFF060  }
0x130: {  	[hbm4b:s31+s23] =	stream.strided.scatter [tilespmem:s18], [sflag:$0x2], $0xFA0, s12, s23, $0x38;
	[tilespmem:$0xA640] =	vst v63  }
0x131: {  	_ =	swait.ge [sflag:s8], $0xFA0  }
0x132: {  	[sflag:s8] =	ssyncset.done $0x0  }
0x133: {  	s31 =	sadd.s32 $0x36B0, s29;
	[sflag:s8] =	ssyncadd.s32 $0xFFFFF060  }
0x134: {  	[hbm4b:s31+s23] =	stream.strided.scatter [tilespmem:s19], [sflag:$0x2], $0xFA0, s12, s23, $0x38;
	[tilespmem:$0xA640] =	vst v63  }
0x135: {  	_ =	swait.ge [sflag:s8], $0xFA0  }
0x136: {  	[sflag:s8] =	ssyncset.done $0x0  }
0x137: {  	s31 =	sadd.s32 $0x3E80, s29;
	[sflag:s8] =	ssyncadd.s32 $0xFFFFF060  }
0x138: {  	[hbm4b:s31+s23] =	stream.strided.scatter [tilespmem:s20], [sflag:$0x2], $0xFA0, s12, s23, $0x38;
	[tilespmem:$0xA640] =	vst v63  }
0x139: {  	p0 =	sne.s32 s25, $0x222E0;
	_ =	swait.ge [sflag:s8], $0xFA0  }
.Ltmp0:
0x13a: {  	[sflag:s8] =	ssyncset.done $0x0;
	(pc) =	sbr.rel @p0 .LBB2_2-.Ltmp0, $4  }
0x13b: {  	s29 =	sadd.s32 $0x4650, s29;
	[sflag:s8] =	ssyncadd.s32 $0xFFFFF060  }
0x13c: {  	[hbm4b:s29+s23] =	stream.strided.scatter [tilespmem:s21], [sflag:$0x2], $0xFA0, s12, s23, $0x38;
	[tilespmem:$0xA640] =	vst v63  }
0x13d: {  	_ =	swait.ge [sflag:s8], $0xFA0  }
0x13e: {  	s25 =	sadd.s32 $0x4E20, s25;
	[sflag:s8] =	ssyncset.done $0x0  }
0x13f: {  	s24 =	sadd.s32 $0x1, s24  }
0x140: {  	p0 =	sne.s32 s24, s5  }
.Ltmp1:
0x141: {  	_ = 	snop;
	(pc) =	sbr.rel @p0 .LBB2_1-.Ltmp1, $2  }
0x142: {  	_ =	sdelay $0x2  }
0x143: {  	[sflag:s8] =	ssyncadd.s32 $0xFFFFF060  }
0x144: {  	_ =	sfence.sel $0x180000  }
0x145: {  	[bflag:$0x0] =	sbarrier.arrive $0xFFFF  }
0x146: {  	p0 =	sne.s32 s0, $0x0;
	_ =	strace $0x90000047  }
0x147: {  	s0 =	sadd.s32 @!p0 $0x100000, s1;
	[bflag:$0x2] =	sbarrier.arrive $0xFFFF  }
0x148: {  	[sflag:s0] =	ssyncadd.tile.s32 @!p0 $0x1;
	_ =	shalt  }
.Lfunc_end2:
_tile_overlayer_lowered:
.L_overlay_start_2:
0x149: {  	(tag) =	ssettag $0x2  }
0x14a: {  	s0 =	rddreg [dreg:$0x0];
	s2 =	stileid.u32  }
0x14b: {  	s1 =	rddreg [dreg:$0x1];
	p0 =	sne.s32 s2, $0x0  }
0x14c: {  	s3 =	rddreg [dreg:$0x2];
	[bflag:$0x3] =	sbarrier.arrive $0xFFFF;
	s2 =	simm.s32 @!p0 $0x1C02  }
0x14d: {  	[timem:s3], [sflag:s2] =	dma.local @!p0 [hbm:s0], s1  }
0x14e: {  	s0 =	simm.s32 @!p0 $0x2  }
0x14f: {  	_ =	swait.ge @!p0 [sflag:s0], s1  }
0x150: {  	s1 =	ssub.s32 @!p0 $0x0, s1;
	[sflag:s0] =	ssyncset.done @!p0 $0x0  }
0x151: {  	[sflag:s0] =	ssyncadd.s32 @!p0 s1  }
0x152: {  	[bflag:$0x3] =	sbarrier.arrive $0xFFFF  }
0x153: {  	_ =	shalt  }

// kernel: kernel.20.cloned.1.call-start
scs
__scs_entry_jumppad:
0x0: {  	(pc) =	sbr.rel $0x88, $3  }
0x1: {  	(tag) =	ssettag $0x0;
	lr =	simm.s32 $0x1  }
0x2: {  	[smem:$0x3F93] =	sst lr;
	_ =	strace $0xD0000000  }
0x3: {  	_ = 	snop  }
0x4: {  	_ = 	snop  }
0x5: {  	_ = 	snop  }
0x6: {  	_ = 	snop  }
0x7: {  	_ = 	snop  }
__scs_overlays_trampoline_lowered:
0x8: {  	[smem:$0x3FA2] =	sst s0  }
0x9: {  	[smem:$0x3FA3] =	sst s1  }
0xa: {  	[smem:$0x3FA4] =	sst s2  }
0xb: {  	[smem:$0x3FA5] =	sst s3  }
0xc: {  	[smem:$0x3FA6] =	sst s4  }
0xd: {  	[smem:$0x3FA7] =	sst s5  }
0xe: {  	[smem:$0x3FA8] =	sst s6  }
0xf: {  	[smem:$0x3FA9] =	sst s7  }
0x10: {  	[smem:$0x3FAA] =	sst s8  }
0x11: {  	[smem:$0x3FAB] =	sst s9;
	s0 =	simm.s32 @!p0 $0x0  }
0x12: {  	s1 =	sld [smem:$0x3F91];
	s0 =	simm.s32 @p0 $0x1  }
0x13: {  	[smem:$0x3FAC] =	sst s0;
	s0 =	simm.s32 @!p1 $0x0  }
0x14: {  	s2 =	sld [smem:$0x3F90];
	s0 =	simm.s32 @p1 $0x1  }
0x15: {  	[smem:$0x3FAD] =	sst s0;
	s0 =	simm.s32 @!p2 $0x0  }
0x16: {  	s3 =	sld [smem:$0x3FDB];
	s0 =	simm.s32 @p2 $0x1  }
0x17: {  	s4 =	simm.s32 $0x1BF5;
	[smem:$0x3FAF] =	sst s0  }
0x18: {  	s0 =	sld [smem:$0x3F92];
	_ =	swait.ge [sflag:s4], $0x0  }
0x19: {  	s7 =	sld [smem:$0x3F93]  }
0x1a: {  	s8 =	sadd.s32 $0xFFFFE003, lr  }
0x1b: {  	s9 =	sadd.s32 $0xFFFFFEF7, lr;
	s5 =	simm.s32 $0xFFFFFFFF;
	p2 =	slt.u32 s8, $0xFFFFF086  }
0x1c: {  	p1 =	slt.u32 s9, $0xF7A;
	s5 =	simm.s32 @!p2 $0x0  }
0x1d: {  	s5 =	simm.s32 @p1 $0x1;
	p0 =	seq.s32 s7, s2  }
0x1e: {  	s7 =	smul.u32 @!p0 $0xF7A, s2;
	p2 =	seq.s32 @!p0 s5, $0x0  }
0x1f: {  	s9 =	smul.u32 $0xF7A, s1;
	s8 =	simm.s32 @!p0 $0x1BF5;
	p2 =	por !p2, p0  }
0x20: {  	[sflag:s8] =	ssyncset.s32 @!p0 $0xFFFFF086;
	s6 =	sadd.s32 @!p0 s3, s7;
	s7 =	simm.s32 @!p0 $0x108  }
0x21: {  	s3 =	sadd.s32 s3, s9;
	s6 =	sadd.s32 @!p0 $0x88, s6;
	s7 =	simm.s32 @p2 $0x1082  }
0x22: {  	[simem:s7], [sflag:s8] =	dma.local @!p0 [hbm:s6], $0xF7A  }
0x23: {  	s9 =	sor.u32 $0xD0000000, s2;
	s6 =	simm.s32 $0x108;
	_ =	swait.ge @!p0 [sflag:s8], $0x0  }
0x24: {  	s3 =	sadd.s32 $0x88, s3;
	s6 =	simm.s32 @!p1 $0x1082;
	[sflag:s4] =	ssyncset.s32 $0xFFFFF086  }
0x25: {  	[simem:s6], [sflag:s4] =	dma.local [hbm:s3], $0xF7A  }
0x26: {  	[smem:$0x3F93] =	sst s1;
	(tag) =	ssettag s2;
	_ =	strace s9  }
0x27: {  	s1 =	sld [smem:$0x3FA3]  }
0x28: {  	s2 =	sld [smem:$0x3FA4]  }
0x29: {  	s4 =	sld [smem:$0x3FA6]  }
0x2a: {  	p0 =	seq.s32 s5, $0x0;
	s5 =	sld [smem:$0x3FA7]  }
0x2b: {  	s6 =	sld [smem:$0x3FA8]  }
0x2c: {  	s7 =	sld [smem:$0x3FA9]  }
0x2d: {  	s3 =	simm.s32 $0x108;
	s8 =	sld [smem:$0x3FAA]  }
0x2e: {  	s3 =	simm.s32 @!p0 $0x1082;
	s9 =	sld [smem:$0x3FAB]  }
0x2f: {  	lr =	sadd.s32 s0, s3;
	s0 =	sld [smem:$0x3FA2]  }
0x30: {  	s3 =	sld [smem:$0x3FA5]  }
0x31: {  	[smem:$0x3FAE] =	sst s10  }
0x32: {  	s10 =	sld [smem:$0x3FAC];
	_ =	sdelay $0x3  }
0x33: {  	p0 =	seq.s32 s10, $0x1;
	s10 =	sld [smem:$0x3FAE];
	_ =	sdelay $0x3  }
0x34: {  	[smem:$0x3FAE] =	sst s10  }
0x35: {  	s10 =	sld [smem:$0x3FAD];
	_ =	sdelay $0x3  }
0x36: {  	p1 =	seq.s32 s10, $0x1;
	s10 =	sld [smem:$0x3FAE];
	_ =	sdelay $0x3  }
0x37: {  	[smem:$0x3FAE] =	sst s10  }
0x38: {  	s10 =	sld [smem:$0x3FAF]  }
0x39: {  	_ = 	snop;
	(pc) =	sbr.ind lr, $3  }
0x3a: {  	_ = 	snop  }
0x3b: {  	_ = 	snop  }
0x3c: {  	p2 =	seq.s32 s10, $0x1;
	s10 =	sld [smem:$0x3FAE]  }
0x3d: {  	_ =	shalt  }
0x3e: {  	_ =	shalt  }
0x3f: {  	_ =	shalt  }
0x40: {  	_ =	shalt  }
0x41: {  	_ =	shalt  }
0x42: {  	_ =	shalt  }
0x43: {  	_ =	shalt  }
0x44: {  	_ =	shalt  }
0x45: {  	_ =	shalt  }
0x46: {  	_ =	shalt  }
0x47: {  	_ =	shalt  }
0x48: {  	_ =	shalt  }
0x49: {  	_ =	shalt  }
0x4a: {  	_ =	shalt  }
0x4b: {  	_ =	shalt  }
0x4c: {  	_ =	shalt  }
0x4d: {  	_ =	shalt  }
0x4e: {  	_ =	shalt  }
0x4f: {  	_ =	shalt  }
0x50: {  	_ =	shalt  }
0x51: {  	_ =	shalt  }
0x52: {  	_ =	shalt  }
0x53: {  	_ =	shalt  }
0x54: {  	_ =	shalt  }
0x55: {  	_ =	shalt  }
0x56: {  	_ =	shalt  }
0x57: {  	_ =	shalt  }
0x58: {  	_ =	shalt  }
0x59: {  	_ =	shalt  }
0x5a: {  	_ =	shalt  }
0x5b: {  	_ =	shalt  }
0x5c: {  	_ =	shalt  }
0x5d: {  	_ =	shalt  }
0x5e: {  	_ =	shalt  }
0x5f: {  	_ =	shalt  }
0x60: {  	_ =	shalt  }
0x61: {  	_ =	shalt  }
0x62: {  	_ =	shalt  }
0x63: {  	_ =	shalt  }
0x64: {  	_ =	shalt  }
0x65: {  	_ =	shalt  }
0x66: {  	_ =	shalt  }
0x67: {  	_ =	shalt  }
0x68: {  	_ =	shalt  }
0x69: {  	_ =	shalt  }
0x6a: {  	_ =	shalt  }
0x6b: {  	_ =	shalt  }
0x6c: {  	_ =	shalt  }
0x6d: {  	_ =	shalt  }
0x6e: {  	_ =	shalt  }
0x6f: {  	_ =	shalt  }
0x70: {  	_ =	shalt  }
0x71: {  	_ =	shalt  }
0x72: {  	_ =	shalt  }
0x73: {  	_ =	shalt  }
0x74: {  	_ =	shalt  }
0x75: {  	_ =	shalt  }
0x76: {  	_ =	shalt  }
0x77: {  	_ =	shalt  }
0x78: {  	_ =	shalt  }
0x79: {  	_ =	shalt  }
0x7a: {  	_ =	shalt  }
0x7b: {  	_ =	shalt  }
0x7c: {  	_ =	shalt  }
0x7d: {  	_ =	shalt  }
0x7e: {  	_ =	shalt  }
0x7f: {  	_ =	shalt  }
0x80: {  	_ =	shalt  }
0x81: {  	_ =	shalt  }
0x82: {  	_ =	shalt  }
0x83: {  	_ =	shalt  }
0x84: {  	_ =	shalt  }
0x85: {  	_ =	shalt  }
0x86: {  	_ =	shalt  }
0x87: {  	_ =	shalt  }
.Lfunc_end0:
.L_simem_size_0:
called_computation.2_lowered:
.L_overlay_start_0:
0x88: {  	s2 =	sld [smem:$0x3FD9]  }
0x89: {  	s3 =	sld [smem:$0x3FFE];
	_ =	sdelay $0x1  }
0x8a: {  	s1 =	srdreg.scid  }
0x8b: {  	s0 =	sand.u32 $0x1, s1  }
0x8c: {  	s15 =	sshll.u32 s0, $0xA;
	s2 =	sadd.s32 s3, s2  }
0x8d: {  	s2 =	sadd.s32 s2, s15  }
0x8e: {  	[smem:$0x3FBA] =	sst s2  }
0x8f: {  	_ = 	snop  }
0x90: {  	s2 =	sld [smem:$0x3FD0];
	_ =	sdelay $0x2  }
0x91: {  	s16 =	simm.s32 $0xE;
	s4 =	simm.s32 $0x10  }
0x92: {  	[smem:s4], [sflag:s16] =	dma.local [hbm:s2], $0x1  }
0x93: {  	_ =	swait.eq [sflag:s16], $0x1  }
0x94: {  	[sflag:s16] =	ssyncset.done $0x0  }
0x95: {  	[sflag:s16] =	ssyncadd.s32 $0xFFFFFFFF  }
0x96: {  	s17 =	sld [smem:$0x11];
	(tm) =	ssettm $0x1  }
0x97: {  	s18 =	sld [smem:$0x3FFB];
	_ =	sdelay $0x3  }
0x98: {  	_ =	strace s18  }
0x99: {  	s2 =	sld [smem:$0x3FFC];
	_ =	sdelay $0x3  }
0x9a: {  	_ =	strace s2  }
0x9b: {  	s2 =	sld [smem:$0x3FFD];
	_ =	sdelay $0x3  }
0x9c: {  	_ =	strace s2  }
0x9d: {  	_ =	strace $0x8FFFFFFF  }
0x9e: {  	s19 =	sld [smem:$0x3FDB];
	_ =	sdelay $0x1  }
0x9f: {  	s20 =	simm.s32 $_scs_section_size  }
0xa0: {  	s5 =	simm.s32 $_size__tile_overlayer_lowered;
	s6 =	simm.s32 $_tile_overlayer_lowered  }
0xa1: {  	s7 =	simm.s32 $0x1BFF;
	s21 =	sshll.u32 s6, $0x1;
	s4 =	sadd.s32 s20, s19  }
0xa2: {  	s22 =	simm.s32 $0x0;
	s5 =	sshll.u32 s5, $0x1;
	s6 =	sadd.s32 s21, s4  }
0xa3: {  	[timem:s22], [sflag:s7] =	dma.local [hbm:s6], s5  }
0xa4: {  	_ =	swait.ge [sflag:s7], s5  }
0xa5: {  	s5 =	ssub.s32 $0x0, s5;
	[sflag:s7] =	ssyncset.done $0x0  }
0xa6: {  	[sflag:s7] =	ssyncadd.s32 s5;
	_ =	sdelay $0x1  }
0xa7: {  	s23 =	simm.s32 $0x1B8B  }
0xa8: {  	_ =	swait.ge [sflag:s23], $0x1  }
0xa9: {  	[sflag:s23] =	ssyncset.done $0x0  }
0xaa: {  	[sflag:s23] =	ssyncadd.s32 $0xFFFFFFFF  }
0xab: {  	s5 =	sld [smem:$0x0]  }
0xac: {  	s6 =	sand.u32 $0xFFFFFFFE, s1  }
0xad: {  	p0 =	sne.s32 s1, s6  }
0xae: {  	s6 =	sshll.u32 @p0 s6, $0xE  }
0xaf: {  	s6 =	sadd.s32 @p0 $0x11B8D, s6;
	s7 =	sshll.u32 @p0 s5, $0x11  }
0xb0: {  	s6 =	sor.u32 @p0 s7, s6  }
0xb1: {  	[sflag:s6] =	ssyncadd.remote.s32 @p0 $0x1;
	_ =	sdelay $0x1  }
0xb2: {  	s6 =	simm.s32 @p0 $0x1B8D  }
0xb3: {  	_ =	swait.eq @p0 [sflag:s6], $0x1  }
0xb4: {  	[sflag:s6] =	ssyncadd.s32 @p0 $0xFFFFFFFF  }
0xb5: {  	s7 =	sshll.u32 @!p0 s1, $0xE  }
0xb6: {  	s7 =	sor.u32 @!p0 $0x4000, s7;
	s6 =	simm.s32 @!p0 $0x1B8D  }
0xb7: {  	s5 =	sshll.u32 @!p0 s5, $0x11;
	s7 =	sadd.s32 @!p0 $0x11B8D, s7;
	_ =	swait.eq @!p0 [sflag:s6], $0x1  }
0xb8: {  	s5 =	sor.u32 @!p0 s5, s7;
	[sflag:s6] =	ssyncadd.s32 @!p0 $0xFFFFFFFF  }
0xb9: {  	s25 =	simm.s32 $0x1B8E;
	s24 =	sld [smem:$0x3FFE];
	[sflag:s5] =	ssyncadd.remote.s32 @!p0 $0x1  }
0xba: {  	s26 =	simm.s32 $execute0_lowered;
	[smem:$0x3FD2] =	sst s25  }
0xbb: {  	s6 =	sshll.u32 s26, $0x1;
	_ =	strace $0x80000049;
	[dreg:$0x1] =	wrdreg $0xFFFFFFFF  }
0xbc: {  	s28 =	simm.s32 $_size_execute0_lowered;
	s4 =	sadd.s32 s4, s6;
	[dreg:$0x0] =	wrdreg $0x0  }
0xbd: {  	s6 =	sshll.u32 s28, $0x1;
	[dreg:$0x2] =	wrdreg s4  }
0xbe: {  	[dreg:$0x3] =	wrdreg s6  }
0xbf: {  	[dreg:$0x4] =	wrdreg $0xC0  }
0xc0: {  	_ =	task [dreg:s22], $0x5FFFF  }
0xc1: {  	[dreg:$0x1] =	wrdreg $0xFFFFFFFF  }
0xc2: {  	[dreg:$0x0] =	wrdreg $0x60  }
0xc3: {  	[dreg:$0x2] =	wrdreg s17  }
0xc4: {  	[dreg:$0x3] =	wrdreg s24  }
0xc5: {  	[dreg:$0x4] =	wrdreg $0xA  }
0xc6: {  	_ =	task.clear_ibuf [dreg:s22], $0x5FFFF;
	_ =	strace $0x90000049  }
0xc7: {  	s29 =	simm.s32 $0xA;
	_ =	strace $0x8000004B  }
0xc8: {  	_ =	swait.ge [sflag:s29], $0x1  }
0xc9: {  	[sflag:s29] =	ssyncadd.s32 $0xFFFFFFFF  }
0xca: {  	_ =	strace $0x9000004B  }
0xcb: {  	_ =	sfence  }
0xcc: {  	s30 =	sld [smem:$0x0];
	_ =	sdelay $0x2  }
0xcd: {  	s31 =	sshll.u32 s1, $0xD;
	s1 =	sshrl.u32 s1, $0x2  }
0xce: {  	s4 =	sand.u32 $0x4000, s31;
	s1 =	sadd.s32 s1, s30  }
0xcf: {  	s0 =	sor.u32 s4, s0;
	s1 =	sshll.u32 s1, $0x11  }
0xd0: {  	s0 =	sor.u32 s1, s0  }
0xd1: {  	s0 =	sadd.s32 $0x8F2B, s0  }
0xd2: {  	[sflag:s0] =	ssyncadd.remote.s32 $0x1  }
0xd3: {  	_ =	sfence.sel $0xFFFF  }
0xd4: {  	[dreg:$0x0] =	wrdreg $0xFFFFFFFF;
	(pc) =	sbr.abs _section_cstart, $3  }
0xd5: {  	[dreg:$0x1] =	wrdreg $0xFFFFFFFF  }
0xd6: {  	_ =	task.clear_ibuf [dreg:s22], $0x2FFFF;
	_ =	strace $0x9FFFFFFF  }
0xd7: {  	(tm) =	ssettm $0x7FFFFFFF  }
tec
execute0_lowered:
.L_overlay_start_1:
0x0: {  	(tag) =	ssettag $0x1  }
0x1: {  	s1 =	srdreg.scid;
	s2 =	rddreg [dreg:$0x0]  }
0x2: {  	s0 =	stileid.u32;
	s6 =	rddreg [dreg:$0x1]  }
0x3: {  	s3 =	simm.s32 $0x0;
	s5 =	sand.u32 $0x1, s1;
	s25 =	sshll.u32 s0, $0x1  }
0x4: {  	[smem:$0x7FF] =	sst s3;
	s1 =	sor.u32 s5, s25  }
0x5: {  	s26 =	simm.s32 $0x100;
	s4 =	sand.u32 $0x7, s1;
	s1 =	rddreg [dreg:$0x2]  }
0x6: {  	s28 =	simm.s32 $0x180;
	_ =	strace $0x8000004A;
	[dreg:$0x4] =	wrdreg s26  }
0x7: {  	s29 =	simm.s32 $0x200;
	s30 =	simm.s32 $0x280;
	[dreg:$0x5] =	wrdreg s28  }
0x8: {  	s12 =	simm.s32 $0x300;
	s13 =	simm.s32 $0x380;
	[dreg:$0x6] =	wrdreg s29  }
0x9: {  	s14 =	simm.s32 $0x400;
	s15 =	simm.s32 $0x480;
	[dreg:$0x7] =	wrdreg s30  }
0xa: {  	s16 =	simm.s32 $0x580;
	s17 =	simm.s32 $0x600;
	[dreg:$0x8] =	wrdreg s12  }
0xb: {  	s18 =	simm.s32 $0x680;
	s19 =	simm.s32 $0x700;
	[dreg:$0x9] =	wrdreg s13  }
0xc: {  	s20 =	simm.s32 $0x780;
	s21 =	simm.s32 $0x800;
	[dreg:$0xa] =	wrdreg s14  }
0xd: {  	s22 =	simm.s32 $0x880;
	s23 =	simm.s32 $0x900;
	[dreg:$0xb] =	wrdreg s15  }
0xe: {  	s31 =	simm.s32 $0x980;
	s24 =	simm.s32 $0x0;
	[dreg:$0xc] =	wrdreg s16  }
0xf: {  	s8 =	smul.u32 $0xA0, s0;
	s11 =	sand.u32 $0xC, s0;
	[dreg:$0xd] =	wrdreg s17  }
0x10: {  	s9 =	smul.u32 $0x50, s5;
	s5 =	ssub.s32 $0x2, s5;
	[dreg:$0xe] =	wrdreg s18  }
0x11: {  	s10 =	sshrl.u32 s5, $0x1;
	s12 =	simm.s32 $0x80;
	[dreg:$0xf] =	wrdreg s19  }
0x12: {  	s13 =	simm.s32 $0x19A0;
	s14 =	simm.s32 $0x2940;
	[dreg:$0x10] =	wrdreg s20  }
0x13: {  	s15 =	simm.s32 $0x38E0;
	s16 =	simm.s32 $0x4880;
	[dreg:$0x11] =	wrdreg s21  }
0x14: {  	s17 =	simm.s32 $0x5820;
	s18 =	simm.s32 $0x67C0;
	[dreg:$0x12] =	wrdreg s22  }
0x15: {  	s19 =	simm.s32 $0x7760;
	s20 =	simm.s32 $0x8700;
	[dreg:$0x13] =	wrdreg s23  }
0x16: {  	s21 =	simm.s32 $0x96A0;
	s22 =	simm.s32 $0x1;
	[dreg:$0x14] =	wrdreg s31  }
0x17: {  	s23 =	simm.s32 $0x20;
	s7 =	smul.u32 $0x27100, s4;
	s4 =	sadd.s32 $0x9A00, s6  }
0x18: {  	s8 =	sadd.s32 s9, s8;
	s5 =	ssub.s32 s5, s10;
	s9 =	simm.s32 $0x500  }
0x19: {  	s10 =	simm.s32 $0x7D;
	s8 =	sshll.u32 s8, $0x4;
	s7 =	sadd.s32 s7, s6  }
0x1a: {  	s5 =	smax.u32 s5, $0x1;
	s8 =	sadd.s32 s6, s8;
	s7 =	sadd.s32 s11, s7  }
0x1b: {  	s6 =	sadd.s32 $0x75600, s8;
	s11 =	simm.s32 $0xA00;
	s7 =	sadd.s32 $0x207E00, s7  }
0x1c: {  	[dreg:$0x3] =	wrdreg s7;
	s7 =	sadd.s32 $0xA7600, s8;
	s8 =	simm.s32 $0x2  }
.LBB2_1:
0x1d: {  	[tilespmem:s3], [sflag:$0x2] =	stream.linear.gather [hbm4b:s6+s3], $0x500, $0x38;
	[tilespmem:$0xA640] =	vst v63  }
0x1e: {  	_ =	swait.ge [sflag:s8], $0x500  }
0x1f: {  	[sflag:s8] =	ssyncset.done $0x0  }
0x20: {  	[sflag:s8] =	ssyncadd.s32 $0xFFFFFB00  }
0x21: {  	[tilespmem:s9], [sflag:$0x2] =	stream.linear.gather [hbm4b:s7+s3], $0x500, $0x38;
	[tilespmem:$0xA640] =	vst v63  }
0x22: {  	_ =	swait.ge [sflag:s8], $0x500  }
0x23: {  	[sflag:s8] =	ssyncset.done $0x0  }
0x24: {  	[sflag:s8] =	ssyncadd.s32 $0xFFFFFB00  }
0x25: {  	[tilespmem:s11], [sflag:$0x1] =	stream.indirect.gather [hbm4b:s2+s10], $0x20, s3, s10, $0xb8;
	[tilespmem:$0xA640] =	vst v63  }
0x26: {  	_ = 	snop  }
0x27: {  	[tilespmem:s13], [sflag:$0x1] =	stream.indirect.gather [hbm4b:s2+s10], $0x20, s12, s10, $0xb8;
	[tilespmem:$0xA640] =	vst v63  }
0x28: {  	s25 =	rddreg [dreg:$0x4]  }
0x29: {  	[tilespmem:s14], [sflag:$0x1] =	stream.indirect.gather [hbm4b:s2+s10], $0x20, s25, s10, $0xb8;
	[tilespmem:$0xA640] =	vst v63  }
0x2a: {  	s26 =	rddreg [dreg:$0x5]  }
0x2b: {  	[tilespmem:s15], [sflag:$0x1] =	stream.indirect.gather [hbm4b:s2+s10], $0x20, s26, s10, $0xb8;
	[tilespmem:$0xA640] =	vst v63  }
0x2c: {  	s29 =	rddreg [dreg:$0x6]  }
0x2d: {  	[tilespmem:s16], [sflag:$0x1] =	stream.indirect.gather [hbm4b:s2+s10], $0x20, s29, s10, $0xb8;
	[tilespmem:$0xA640] =	vst v63  }
0x2e: {  	s30 =	rddreg [dreg:$0x7]  }
0x2f: {  	[tilespmem:s17], [sflag:$0x1] =	stream.indirect.gather [hbm4b:s2+s10], $0x20, s30, s10, $0xb8;
	[tilespmem:$0xA640] =	vst v63  }
0x30: {  	s31 =	rddreg [dreg:$0x8]  }
0x31: {  	[tilespmem:s18], [sflag:$0x1] =	stream.indirect.gather [hbm4b:s2+s10], $0x20, s31, s10, $0xb8;
	[tilespmem:$0xA640] =	vst v63  }
0x32: {  	s29 =	rddreg [dreg:$0x9]  }
0x33: {  	[tilespmem:s19], [sflag:$0x1] =	stream.indirect.gather [hbm4b:s2+s10], $0x20, s29, s10, $0xb8;
	[tilespmem:$0xA640] =	vst v63  }
0x34: {  	s30 =	rddreg [dreg:$0xa]  }
0x35: {  	[tilespmem:s20], [sflag:$0x1] =	stream.indirect.gather [hbm4b:s2+s10], $0x20, s30, s10, $0xb8;
	[tilespmem:$0xA640] =	vst v63  }
0x36: {  	s31 =	rddreg [dreg:$0xb]  }
0x37: {  	[tilespmem:s21], [sflag:$0x1] =	stream.indirect.gather [hbm4b:s2+s10], $0x20, s31, s10, $0xb8;
	[tilespmem:$0xA640] =	vst v63  }
0x38: {  	_ =	swait.ge [sflag:s22], $0xFA0  }
0x39: {  	[sflag:s22] =	ssyncset.done $0x0  }
0x3a: {  	[sflag:s22] =	ssyncadd.s32 $0xFFFFF060  }
0x3b: {  	_ =	swait.ge [sflag:s22], $0xFA0  }
0x3c: {  	[sflag:s22] =	ssyncset.done $0x0  }
0x3d: {  	[sflag:s22] =	ssyncadd.s32 $0xFFFFF060  }
0x3e: {  	_ =	swait.ge [sflag:s22], $0xFA0  }
0x3f: {  	[sflag:s22] =	ssyncset.done $0x0  }
0x40: {  	[sflag:s22] =	ssyncadd.s32 $0xFFFFF060  }
0x41: {  	_ =	swait.ge [sflag:s22], $0xFA0  }
0x42: {  	[sflag:s22] =	ssyncset.done $0x0  }
0x43: {  	[sflag:s22] =	ssyncadd.s32 $0xFFFFF060  }
0x44: {  	_ =	swait.ge [sflag:s22], $0xFA0  }
0x45: {  	[sflag:s22] =	ssyncset.done $0x0  }
0x46: {  	[sflag:s22] =	ssyncadd.s32 $0xFFFFF060  }
0x47: {  	_ =	swait.ge [sflag:s22], $0xFA0  }
0x48: {  	[sflag:s22] =	ssyncset.done $0x0  }
0x49: {  	[sflag:s22] =	ssyncadd.s32 $0xFFFFF060  }
0x4a: {  	_ =	swait.ge [sflag:s22], $0xFA0  }
0x4b: {  	[sflag:s22] =	ssyncset.done $0x0  }
0x4c: {  	[sflag:s22] =	ssyncadd.s32 $0xFFFFF060  }
0x4d: {  	_ =	swait.ge [sflag:s22], $0xFA0  }
0x4e: {  	[sflag:s22] =	ssyncset.done $0x0  }
0x4f: {  	[sflag:s22] =	ssyncadd.s32 $0xFFFFF060  }
0x50: {  	_ =	swait.ge [sflag:s22], $0xFA0  }
0x51: {  	[sflag:s22] =	ssyncset.done $0x0  }
0x52: {  	[sflag:s22] =	ssyncadd.s32 $0xFFFFF060  }
0x53: {  	_ =	swait.ge [sflag:s22], $0xFA0  }
0x54: {  	[sflag:s22] =	ssyncset.done $0x0  }
0x55: {  	[sflag:s22] =	ssyncadd.s32 $0xFFFFF060  }
0x56: {  	[tilespmem:s11], [sflag:$0x1] =	stream.indirect.gather.add.f32 [hbm:s4], $0x20, s9, s10, $0xb8;
	[tilespmem:$0xA640] =	vst v63  }
0x57: {  	s29 =	rddreg [dreg:$0xc]  }
0x58: {  	[tilespmem:s13], [sflag:$0x1] =	stream.indirect.gather.add.f32 [hbm:s4], $0x20, s29, s10, $0xb8;
	[tilespmem:$0xA640] =	vst v63  }
0x59: {  	s30 =	rddreg [dreg:$0xd]  }
0x5a: {  	[tilespmem:s14], [sflag:$0x1] =	stream.indirect.gather.add.f32 [hbm:s4], $0x20, s30, s10, $0xb8;
	[tilespmem:$0xA640] =	vst v63  }
0x5b: {  	s31 =	rddreg [dreg:$0xe]  }
0x5c: {  	[tilespmem:s15], [sflag:$0x1] =	stream.indirect.gather.add.f32 [hbm:s4], $0x20, s31, s10, $0xb8;
	[tilespmem:$0xA640] =	vst v63  }
0x5d: {  	s29 =	rddreg [dreg:$0xf]  }
0x5e: {  	[tilespmem:s16], [sflag:$0x1] =	stream.indirect.gather.add.f32 [hbm:s4], $0x20, s29, s10, $0xb8;
	[tilespmem:$0xA640] =	vst v63  }
0x5f: {  	s30 =	rddreg [dreg:$0x10]  }
0x60: {  	[tilespmem:s17], [sflag:$0x1] =	stream.indirect.gather.add.f32 [hbm:s4], $0x20, s30, s10, $0xb8;
	[tilespmem:$0xA640] =	vst v63  }
0x61: {  	s31 =	rddreg [dreg:$0x11]  }
0x62: {  	[tilespmem:s18], [sflag:$0x1] =	stream.indirect.gather.add.f32 [hbm:s4], $0x20, s31, s10, $0xb8;
	[tilespmem:$0xA640] =	vst v63  }
0x63: {  	s29 =	rddreg [dreg:$0x12]  }
0x64: {  	[tilespmem:s19], [sflag:$0x1] =	stream.indirect.gather.add.f32 [hbm:s4], $0x20, s29, s10, $0xb8;
	[tilespmem:$0xA640] =	vst v63  }
0x65: {  	s30 =	rddreg [dreg:$0x13]  }
0x66: {  	[tilespmem:s20], [sflag:$0x1] =	stream.indirect.gather.add.f32 [hbm:s4], $0x20, s30, s10, $0xb8;
	[tilespmem:$0xA640] =	vst v63  }
0x67: {  	s31 =	rddreg [dreg:$0x14]  }
0x68: {  	[tilespmem:s21], [sflag:$0x1] =	stream.indirect.gather.add.f32 [hbm:s4], $0x20, s31, s10, $0xb8;
	[tilespmem:$0xA640] =	vst v63  }
0x69: {  	_ =	swait.ge [sflag:s22], $0xFA0  }
0x6a: {  	[sflag:s22] =	ssyncset.done $0x0  }
0x6b: {  	[sflag:s22] =	ssyncadd.s32 $0xFFFFF060  }
0x6c: {  	_ =	swait.ge [sflag:s22], $0xFA0  }
0x6d: {  	[sflag:s22] =	ssyncset.done $0x0  }
0x6e: {  	[sflag:s22] =	ssyncadd.s32 $0xFFFFF060  }
0x6f: {  	_ =	swait.ge [sflag:s22], $0xFA0  }
0x70: {  	[sflag:s22] =	ssyncset.done $0x0  }
0x71: {  	[sflag:s22] =	ssyncadd.s32 $0xFFFFF060  }
0x72: {  	_ =	swait.ge [sflag:s22], $0xFA0  }
0x73: {  	[sflag:s22] =	ssyncset.done $0x0  }
0x74: {  	[sflag:s22] =	ssyncadd.s32 $0xFFFFF060  }
0x75: {  	_ =	swait.ge [sflag:s22], $0xFA0  }
0x76: {  	[sflag:s22] =	ssyncset.done $0x0  }
0x77: {  	[sflag:s22] =	ssyncadd.s32 $0xFFFFF060  }
0x78: {  	_ =	swait.ge [sflag:s22], $0xFA0  }
0x79: {  	[sflag:s22] =	ssyncset.done $0x0  }
0x7a: {  	[sflag:s22] =	ssyncadd.s32 $0xFFFFF060  }
0x7b: {  	_ =	swait.ge [sflag:s22], $0xFA0  }
0x7c: {  	[sflag:s22] =	ssyncset.done $0x0  }
0x7d: {  	[sflag:s22] =	ssyncadd.s32 $0xFFFFF060  }
0x7e: {  	_ =	swait.ge [sflag:s22], $0xFA0  }
0x7f: {  	[sflag:s22] =	ssyncset.done $0x0  }
0x80: {  	[sflag:s22] =	ssyncadd.s32 $0xFFFFF060  }
0x81: {  	_ =	swait.ge [sflag:s22], $0xFA0  }
0x82: {  	[sflag:s22] =	ssyncset.done $0x0  }
0x83: {  	[sflag:s22] =	ssyncadd.s32 $0xFFFFF060  }
0x84: {  	_ =	swait.ge [sflag:s22], $0xFA0  }
0x85: {  	s29 =	rddreg [dreg:$0x3];
	[sflag:s22] =	ssyncset.done $0x0  }
0x86: {  	[sflag:s22] =	ssyncadd.s32 $0xFFFFF060;
	s25 =	sadd.s32 $0x0, s29  }
0x87: {  	[hbm4b:s25+s23] =	stream.strided.scatter [tilespmem:s11], [sflag:$0x2], $0xFA0, s12, s23, $0x38;
	[tilespmem:$0xA640] =	vst v63  }
0x88: {  	_ =	swait.ge [sflag:s8], $0xFA0  }
0x89: {  	[sflag:s8] =	ssyncset.done $0x0  }
0x8a: {  	s30 =	sadd.s32 $0x7D0, s25;
	[sflag:s8] =	ssyncadd.s32 $0xFFFFF060  }
0x8b: {  	[hbm4b:s30+s23] =	stream.strided.scatter [tilespmem:s13], [sflag:$0x2], $0xFA0, s12, s23, $0x38;
	[tilespmem:$0xA640] =	vst v63  }
0x8c: {  	_ =	swait.ge [sflag:s8], $0xFA0  }
0x8d: {  	[sflag:s8] =	ssyncset.done $0x0  }
0x8e: {  	s31 =	sadd.s32 $0xFA0, s25;
	[sflag:s8] =	ssyncadd.s32 $0xFFFFF060  }
0x8f: {  	[hbm4b:s31+s23] =	stream.strided.scatter [tilespmem:s14], [sflag:$0x2], $0xFA0, s12, s23, $0x38;
	[tilespmem:$0xA640] =	vst v63  }
0x90: {  	_ =	swait.ge [sflag:s8], $0xFA0  }
0x91: {  	[sflag:s8] =	ssyncset.done $0x0  }
0x92: {  	s29 =	sadd.s32 $0x1770, s25;
	[sflag:s8] =	ssyncadd.s32 $0xFFFFF060  }
0x93: {  	[hbm4b:s29+s23] =	stream.strided.scatter [tilespmem:s15], [sflag:$0x2], $0xFA0, s12, s23, $0x38;
	[tilespmem:$0xA640] =	vst v63  }
0x94: {  	_ =	swait.ge [sflag:s8], $0xFA0  }
0x95: {  	[sflag:s8] =	ssyncset.done $0x0  }
0x96: {  	s30 =	sadd.s32 $0x1F40, s25;
	[sflag:s8] =	ssyncadd.s32 $0xFFFFF060  }
0x97: {  	[hbm4b:s30+s23] =	stream.strided.scatter [tilespmem:s16], [sflag:$0x2], $0xFA0, s12, s23, $0x38;
	[tilespmem:$0xA640] =	vst v63  }
0x98: {  	_ =	swait.ge [sflag:s8], $0xFA0  }
0x99: {  	[sflag:s8] =	ssyncset.done $0x0  }
0x9a: {  	s31 =	sadd.s32 $0x2710, s25;
	[sflag:s8] =	ssyncadd.s32 $0xFFFFF060  }
0x9b: {  	[hbm4b:s31+s23] =	stream.strided.scatter [tilespmem:s17], [sflag:$0x2], $0xFA0, s12, s23, $0x38;
	[tilespmem:$0xA640] =	vst v63  }
0x9c: {  	_ =	swait.ge [sflag:s8], $0xFA0  }
0x9d: {  	[sflag:s8] =	ssyncset.done $0x0  }
0x9e: {  	s29 =	sadd.s32 $0x2EE0, s25;
	[sflag:s8] =	ssyncadd.s32 $0xFFFFF060  }
0x9f: {  	[hbm4b:s29+s23] =	stream.strided.scatter [tilespmem:s18], [sflag:$0x2], $0xFA0, s12, s23, $0x38;
	[tilespmem:$0xA640] =	vst v63  }
0xa0: {  	_ =	swait.ge [sflag:s8], $0xFA0  }
0xa1: {  	[sflag:s8] =	ssyncset.done $0x0  }
0xa2: {  	s30 =	sadd.s32 $0x36B0, s25;
	[sflag:s8] =	ssyncadd.s32 $0xFFFFF060  }
0xa3: {  	[hbm4b:s30+s23] =	stream.strided.scatter [tilespmem:s19], [sflag:$0x2], $0xFA0, s12, s23, $0x38;
	[tilespmem:$0xA640] =	vst v63  }
0xa4: {  	_ =	swait.ge [sflag:s8], $0xFA0  }
0xa5: {  	[sflag:s8] =	ssyncset.done $0x0  }
0xa6: {  	s31 =	sadd.s32 $0x3E80, s25;
	[sflag:s8] =	ssyncadd.s32 $0xFFFFF060  }
0xa7: {  	[hbm4b:s31+s23] =	stream.strided.scatter [tilespmem:s20], [sflag:$0x2], $0xFA0, s12, s23, $0x38;
	[tilespmem:$0xA640] =	vst v63  }
0xa8: {  	_ =	swait.ge [sflag:s8], $0xFA0  }
0xa9: {  	[sflag:s8] =	ssyncset.done $0x0  }
0xaa: {  	s25 =	sadd.s32 $0x4650, s25;
	[sflag:s8] =	ssyncadd.s32 $0xFFFFF060  }
0xab: {  	[hbm4b:s25+s23] =	stream.strided.scatter [tilespmem:s21], [sflag:$0x2], $0xFA0, s12, s23, $0x38;
	[tilespmem:$0xA640] =	vst v63  }
0xac: {  	s28 =	smov.u32 s7;
	_ =	swait.ge [sflag:s8], $0xFA0  }
0xad: {  	s26 =	smov.u32 s6;
	s25 =	simm.s32 $0x4E20;
	[sflag:s8] =	ssyncset.done $0x0  }
.LBB2_2:
0xae: {  	[sflag:s8] =	ssyncadd.s32 $0xFFFFF060;
	s26 =	sadd.s32 $0xA0, s26  }
0xaf: {  	[tilespmem:s3], [sflag:$0x2] =	stream.linear.gather [hbm4b:s26+s3], $0x500, $0x38;
	[tilespmem:$0xA640] =	vst v63  }
0xb0: {  	_ =	swait.ge [sflag:s8], $0x500  }
0xb1: {  	[sflag:s8] =	ssyncset.done $0x0  }
0xb2: {  	s28 =	sadd.s32 $0xA0, s28;
	[sflag:s8] =	ssyncadd.s32 $0xFFFFFB00  }
0xb3: {  	[tilespmem:s9], [sflag:$0x2] =	stream.linear.gather [hbm4b:s28+s3], $0x500, $0x38;
	[tilespmem:$0xA640] =	vst v63  }
0xb4: {  	_ =	swait.ge [sflag:s8], $0x500  }
0xb5: {  	[sflag:s8] =	ssyncset.done $0x0  }
0xb6: {  	[sflag:s8] =	ssyncadd.s32 $0xFFFFFB00  }
0xb7: {  	[tilespmem:s11], [sflag:$0x1] =	stream.indirect.gather [hbm4b:s2+s10], $0x20, s3, s10, $0xb8;
	[tilespmem:$0xA640] =	vst v63  }
0xb8: {  	_ = 	snop  }
0xb9: {  	[tilespmem:s13], [sflag:$0x1] =	stream.indirect.gather [hbm4b:s2+s10], $0x20, s12, s10, $0xb8;
	[tilespmem:$0xA640] =	vst v63  }
0xba: {  	s30 =	rddreg [dreg:$0x4]  }
0xbb: {  	[tilespmem:s14], [sflag:$0x1] =	stream.indirect.gather [hbm4b:s2+s10], $0x20, s30, s10, $0xb8;
	[tilespmem:$0xA640] =	vst v63  }
0xbc: {  	s31 =	rddreg [dreg:$0x5]  }
0xbd: {  	[tilespmem:s15], [sflag:$0x1] =	stream.indirect.gather [hbm4b:s2+s10], $0x20, s31, s10, $0xb8;
	[tilespmem:$0xA640] =	vst v63  }
0xbe: {  	s30 =	rddreg [dreg:$0x6]  }
0xbf: {  	[tilespmem:s16], [sflag:$0x1] =	stream.indirect.gather [hbm4b:s2+s10], $0x20, s30, s10, $0xb8;
	[tilespmem:$0xA640] =	vst v63  }
0xc0: {  	s31 =	rddreg [dreg:$0x7]  }
0xc1: {  	[tilespmem:s17], [sflag:$0x1] =	stream.indirect.gather [hbm4b:s2+s10], $0x20, s31, s10, $0xb8;
	[tilespmem:$0xA640] =	vst v63  }
0xc2: {  	s30 =	rddreg [dreg:$0x8]  }
0xc3: {  	[tilespmem:s18], [sflag:$0x1] =	stream.indirect.gather [hbm4b:s2+s10], $0x20, s30, s10, $0xb8;
	[tilespmem:$0xA640] =	vst v63  }
0xc4: {  	s31 =	rddreg [dreg:$0x9]  }
0xc5: {  	[tilespmem:s19], [sflag:$0x1] =	stream.indirect.gather [hbm4b:s2+s10], $0x20, s31, s10, $0xb8;
	[tilespmem:$0xA640] =	vst v63  }
0xc6: {  	s30 =	rddreg [dreg:$0xa]  }
0xc7: {  	[tilespmem:s20], [sflag:$0x1] =	stream.indirect.gather [hbm4b:s2+s10], $0x20, s30, s10, $0xb8;
	[tilespmem:$0xA640] =	vst v63  }
0xc8: {  	s31 =	rddreg [dreg:$0xb]  }
0xc9: {  	[tilespmem:s21], [sflag:$0x1] =	stream.indirect.gather [hbm4b:s2+s10], $0x20, s31, s10, $0xb8;
	[tilespmem:$0xA640] =	vst v63  }
0xca: {  	_ =	swait.ge [sflag:s22], $0xFA0  }
0xcb: {  	[sflag:s22] =	ssyncset.done $0x0  }
0xcc: {  	[sflag:s22] =	ssyncadd.s32 $0xFFFFF060  }
0xcd: {  	_ =	swait.ge [sflag:s22], $0xFA0  }
0xce: {  	[sflag:s22] =	ssyncset.done $0x0  }
0xcf: {  	[sflag:s22] =	ssyncadd.s32 $0xFFFFF060  }
0xd0: {  	_ =	swait.ge [sflag:s22], $0xFA0  }
0xd1: {  	[sflag:s22] =	ssyncset.done $0x0  }
0xd2: {  	[sflag:s22] =	ssyncadd.s32 $0xFFFFF060  }
0xd3: {  	_ =	swait.ge [sflag:s22], $0xFA0  }
0xd4: {  	[sflag:s22] =	ssyncset.done $0x0  }
0xd5: {  	[sflag:s22] =	ssyncadd.s32 $0xFFFFF060  }
0xd6: {  	_ =	swait.ge [sflag:s22], $0xFA0  }
0xd7: {  	[sflag:s22] =	ssyncset.done $0x0  }
0xd8: {  	[sflag:s22] =	ssyncadd.s32 $0xFFFFF060  }
0xd9: {  	_ =	swait.ge [sflag:s22], $0xFA0  }
0xda: {  	[sflag:s22] =	ssyncset.done $0x0  }
0xdb: {  	[sflag:s22] =	ssyncadd.s32 $0xFFFFF060  }
0xdc: {  	_ =	swait.ge [sflag:s22], $0xFA0  }
0xdd: {  	[sflag:s22] =	ssyncset.done $0x0  }
0xde: {  	[sflag:s22] =	ssyncadd.s32 $0xFFFFF060  }
0xdf: {  	_ =	swait.ge [sflag:s22], $0xFA0  }
0xe0: {  	[sflag:s22] =	ssyncset.done $0x0  }
0xe1: {  	[sflag:s22] =	ssyncadd.s32 $0xFFFFF060  }
0xe2: {  	_ =	swait.ge [sflag:s22], $0xFA0  }
0xe3: {  	[sflag:s22] =	ssyncset.done $0x0  }
0xe4: {  	[sflag:s22] =	ssyncadd.s32 $0xFFFFF060  }
0xe5: {  	_ =	swait.ge [sflag:s22], $0xFA0  }
0xe6: {  	[sflag:s22] =	ssyncset.done $0x0  }
0xe7: {  	[sflag:s22] =	ssyncadd.s32 $0xFFFFF060  }
0xe8: {  	[tilespmem:s11], [sflag:$0x1] =	stream.indirect.gather.add.f32 [hbm:s4], $0x20, s9, s10, $0xb8;
	[tilespmem:$0xA640] =	vst v63  }
0xe9: {  	s30 =	rddreg [dreg:$0xc]  }
0xea: {  	[tilespmem:s13], [sflag:$0x1] =	stream.indirect.gather.add.f32 [hbm:s4], $0x20, s30, s10, $0xb8;
	[tilespmem:$0xA640] =	vst v63  }
0xeb: {  	s31 =	rddreg [dreg:$0xd]  }
0xec: {  	[tilespmem:s14], [sflag:$0x1] =	stream.indirect.gather.add.f32 [hbm:s4], $0x20, s31, s10, $0xb8;
	[tilespmem:$0xA640] =	vst v63  }
0xed: {  	s30 =	rddreg [dreg:$0xe]  }
0xee: {  	[tilespmem:s15], [sflag:$0x1] =	stream.indirect.gather.add.f32 [hbm:s4], $0x20, s30, s10, $0xb8;
	[tilespmem:$0xA640] =	vst v63  }
0xef: {  	s31 =	rddreg [dreg:$0xf]  }
0xf0: {  	[tilespmem:s16], [sflag:$0x1] =	stream.indirect.gather.add.f32 [hbm:s4], $0x20, s31, s10, $0xb8;
	[tilespmem:$0xA640] =	vst v63  }
0xf1: {  	s30 =	rddreg [dreg:$0x10]  }
0xf2: {  	[tilespmem:s17], [sflag:$0x1] =	stream.indirect.gather.add.f32 [hbm:s4], $0x20, s30, s10, $0xb8;
	[tilespmem:$0xA640] =	vst v63  }
0xf3: {  	s31 =	rddreg [dreg:$0x11]  }
0xf4: {  	[tilespmem:s18], [sflag:$0x1] =	stream.indirect.gather.add.f32 [hbm:s4], $0x20, s31, s10, $0xb8;
	[tilespmem:$0xA640] =	vst v63  }
0xf5: {  	s30 =	rddreg [dreg:$0x12]  }
0xf6: {  	[tilespmem:s19], [sflag:$0x1] =	stream.indirect.gather.add.f32 [hbm:s4], $0x20, s30, s10, $0xb8;
	[tilespmem:$0xA640] =	vst v63  }
0xf7: {  	s31 =	rddreg [dreg:$0x13]  }
0xf8: {  	[tilespmem:s20], [sflag:$0x1] =	stream.indirect.gather.add.f32 [hbm:s4], $0x20, s31, s10, $0xb8;
	[tilespmem:$0xA640] =	vst v63  }
0xf9: {  	s30 =	rddreg [dreg:$0x14]  }
0xfa: {  	[tilespmem:s21], [sflag:$0x1] =	stream.indirect.gather.add.f32 [hbm:s4], $0x20, s30, s10, $0xb8;
	[tilespmem:$0xA640] =	vst v63  }
0xfb: {  	_ =	swait.ge [sflag:s22], $0xFA0  }
0xfc: {  	[sflag:s22] =	ssyncset.done $0x0  }
0xfd: {  	[sflag:s22] =	ssyncadd.s32 $0xFFFFF060  }
0xfe: {  	_ =	swait.ge [sflag:s22], $0xFA0  }
0xff: {  	[sflag:s22] =	ssyncset.done $0x0  }
0x100: {  	[sflag:s22] =	ssyncadd.s32 $0xFFFFF060  }
0x101: {  	_ =	swait.ge [sflag:s22], $0xFA0  }
0x102: {  	[sflag:s22] =	ssyncset.done $0x0  }
0x103: {  	[sflag:s22] =	ssyncadd.s32 $0xFFFFF060  }
0x104: {  	_ =	swait.ge [sflag:s22], $0xFA0  }
0x105: {  	[sflag:s22] =	ssyncset.done $0x0  }
0x106: {  	[sflag:s22] =	ssyncadd.s32 $0xFFFFF060  }
0x107: {  	_ =	swait.ge [sflag:s22], $0xFA0  }
0x108: {  	[sflag:s22] =	ssyncset.done $0x0  }
0x109: {  	[sflag:s22] =	ssyncadd.s32 $0xFFFFF060  }
0x10a: {  	_ =	swait.ge [sflag:s22], $0xFA0  }
0x10b: {  	[sflag:s22] =	ssyncset.done $0x0  }
0x10c: {  	[sflag:s22] =	ssyncadd.s32 $0xFFFFF060  }
0x10d: {  	_ =	swait.ge [sflag:s22], $0xFA0  }
0x10e: {  	[sflag:s22] =	ssyncset.done $0x0  }
0x10f: {  	[sflag:s22] =	ssyncadd.s32 $0xFFFFF060  }
0x110: {  	_ =	swait.ge [sflag:s22], $0xFA0  }
0x111: {  	[sflag:s22] =	ssyncset.done $0x0  }
0x112: {  	[sflag:s22] =	ssyncadd.s32 $0xFFFFF060  }
0x113: {  	_ =	swait.ge [sflag:s22], $0xFA0  }
0x114: {  	[sflag:s22] =	ssyncset.done $0x0  }
0x115: {  	[sflag:s22] =	ssyncadd.s32 $0xFFFFF060  }
0x116: {  	_ =	swait.ge [sflag:s22], $0xFA0  }
0x117: {  	s29 =	smov.u32 s25;
	s31 =	rddreg [dreg:$0x3];
	[sflag:s22] =	ssyncset.done $0x0  }
0x118: {  	[sflag:s22] =	ssyncadd.s32 $0xFFFFF060;
	s29 =	sadd.s32 s29, s31  }
0x119: {  	[hbm4b:s29+s23] =	stream.strided.scatter [tilespmem:s11], [sflag:$0x2], $0xFA0, s12, s23, $0x38;
	[tilespmem:$0xA640] =	vst v63  }
0x11a: {  	_ =	swait.ge [sflag:s8], $0xFA0  }
0x11b: {  	[sflag:s8] =	ssyncset.done $0x0  }
0x11c: {  	s30 =	sadd.s32 $0x7D0, s29;
	[sflag:s8] =	ssyncadd.s32 $0xFFFFF060  }
0x11d: {  	[hbm4b:s30+s23] =	stream.strided.scatter [tilespmem:s13], [sflag:$0x2], $0xFA0, s12, s23, $0x38;
	[tilespmem:$0xA640] =	vst v63  }
0x11e: {  	_ =	swait.ge [sflag:s8], $0xFA0  }
0x11f: {  	[sflag:s8] =	ssyncset.done $0x0  }
0x120: {  	s31 =	sadd.s32 $0xFA0, s29;
	[sflag:s8] =	ssyncadd.s32 $0xFFFFF060  }
0x121: {  	[hbm4b:s31+s23] =	stream.strided.scatter [tilespmem:s14], [sflag:$0x2], $0xFA0, s12, s23, $0x38;
	[tilespmem:$0xA640] =	vst v63  }
0x122: {  	_ =	swait.ge [sflag:s8], $0xFA0  }
0x123: {  	[sflag:s8] =	ssyncset.done $0x0  }
0x124: {  	s31 =	sadd.s32 $0x1770, s29;
	[sflag:s8] =	ssyncadd.s32 $0xFFFFF060  }
0x125: {  	[hbm4b:s31+s23] =	stream.strided.scatter [tilespmem:s15], [sflag:$0x2], $0xFA0, s12, s23, $0x38;
	[tilespmem:$0xA640] =	vst v63  }
0x126: {  	_ =	swait.ge [sflag:s8], $0xFA0  }
0x127: {  	[sflag:s8] =	ssyncset.done $0x0  }
0x128: {  	s31 =	sadd.s32 $0x1F40, s29;
	[sflag:s8] =	ssyncadd.s32 $0xFFFFF060  }
0x129: {  	[hbm4b:s31+s23] =	stream.strided.scatter [tilespmem:s16], [sflag:$0x2], $0xFA0, s12, s23, $0x38;
	[tilespmem:$0xA640] =	vst v63  }
0x12a: {  	_ =	swait.ge [sflag:s8], $0xFA0  }
0x12b: {  	[sflag:s8] =	ssyncset.done $0x0  }
0x12c: {  	s31 =	sadd.s32 $0x2710, s29;
	[sflag:s8] =	ssyncadd.s32 $0xFFFFF060  }
0x12d: {  	[hbm4b:s31+s23] =	stream.strided.scatter [tilespmem:s17], [sflag:$0x2], $0xFA0, s12, s23, $0x38;
	[tilespmem:$0xA640] =	vst v63  }
0x12e: {  	_ =	swait.ge [sflag:s8], $0xFA0  }
0x12f: {  	[sflag:s8] =	ssyncset.done $0x0  }
0x130: {  	s31 =	sadd.s32 $0x2EE0, s29;
	[sflag:s8] =	ssyncadd.s32 $0xFFFFF060  }
0x131: {  	[hbm4b:s31+s23] =	stream.strided.scatter [tilespmem:s18], [sflag:$0x2], $0xFA0, s12, s23, $0x38;
	[tilespmem:$0xA640] =	vst v63  }
0x132: {  	_ =	swait.ge [sflag:s8], $0xFA0  }
0x133: {  	[sflag:s8] =	ssyncset.done $0x0  }
0x134: {  	s31 =	sadd.s32 $0x36B0, s29;
	[sflag:s8] =	ssyncadd.s32 $0xFFFFF060  }
0x135: {  	[hbm4b:s31+s23] =	stream.strided.scatter [tilespmem:s19], [sflag:$0x2], $0xFA0, s12, s23, $0x38;
	[tilespmem:$0xA640] =	vst v63  }
0x136: {  	_ =	swait.ge [sflag:s8], $0xFA0  }
0x137: {  	[sflag:s8] =	ssyncset.done $0x0  }
0x138: {  	s31 =	sadd.s32 $0x3E80, s29;
	[sflag:s8] =	ssyncadd.s32 $0xFFFFF060  }
0x139: {  	[hbm4b:s31+s23] =	stream.strided.scatter [tilespmem:s20], [sflag:$0x2], $0xFA0, s12, s23, $0x38;
	[tilespmem:$0xA640] =	vst v63  }
0x13a: {  	p0 =	sne.s32 s25, $0x222E0;
	_ =	swait.ge [sflag:s8], $0xFA0  }
.Ltmp0:
0x13b: {  	[sflag:s8] =	ssyncset.done $0x0;
	(pc) =	sbr.rel @p0 .LBB2_2-.Ltmp0, $4  }
0x13c: {  	s29 =	sadd.s32 $0x4650, s29;
	[sflag:s8] =	ssyncadd.s32 $0xFFFFF060  }
0x13d: {  	[hbm4b:s29+s23] =	stream.strided.scatter [tilespmem:s21], [sflag:$0x2], $0xFA0, s12, s23, $0x38;
	[tilespmem:$0xA640] =	vst v63  }
0x13e: {  	_ =	swait.ge [sflag:s8], $0xFA0  }
0x13f: {  	s25 =	sadd.s32 $0x4E20, s25;
	[sflag:s8] =	ssyncset.done $0x0  }
0x140: {  	s24 =	sadd.s32 $0x1, s24  }
0x141: {  	p0 =	sne.s32 s24, s5  }
.Ltmp1:
0x142: {  	_ = 	snop;
	(pc) =	sbr.rel @p0 .LBB2_1-.Ltmp1, $2  }
0x143: {  	_ =	sdelay $0x2  }
0x144: {  	[sflag:s8] =	ssyncadd.s32 $0xFFFFF060  }
0x145: {  	_ =	sfence.sel $0x180000  }
0x146: {  	[bflag:$0x0] =	sbarrier.arrive $0xFFFF  }
0x147: {  	p0 =	sne.s32 s0, $0x0;
	_ =	strace $0x9000004A  }
0x148: {  	s0 =	sadd.s32 @!p0 $0x100000, s1;
	[bflag:$0x2] =	sbarrier.arrive $0xFFFF  }
0x149: {  	[sflag:s0] =	ssyncadd.tile.s32 @!p0 $0x1;
	_ =	shalt  }
.Lfunc_end2:
_tile_overlayer_lowered:
.L_overlay_start_2:
0x14a: {  	(tag) =	ssettag $0x2  }
0x14b: {  	s0 =	rddreg [dreg:$0x0];
	s2 =	stileid.u32  }
0x14c: {  	s1 =	rddreg [dreg:$0x1];
	p0 =	sne.s32 s2, $0x0  }
0x14d: {  	s3 =	rddreg [dreg:$0x2];
	[bflag:$0x3] =	sbarrier.arrive $0xFFFF;
	s2 =	simm.s32 @!p0 $0x1C02  }
0x14e: {  	[timem:s3], [sflag:s2] =	dma.local @!p0 [hbm:s0], s1  }
0x14f: {  	s0 =	simm.s32 @!p0 $0x2  }
0x150: {  	_ =	swait.ge @!p0 [sflag:s0], s1  }
0x151: {  	s1 =	ssub.s32 @!p0 $0x0, s1;
	[sflag:s0] =	ssyncset.done @!p0 $0x0  }
0x152: {  	[sflag:s0] =	ssyncadd.s32 @!p0 s1  }
0x153: {  	[bflag:$0x3] =	sbarrier.arrive $0xFFFF  }
0x154: {  	_ =	shalt  }

// kernel: kernel.23.cloned.1.call-start
scs
__scs_entry_jumppad:
0x0: {  	(pc) =	sbr.rel $0x88, $3  }
0x1: {  	(tag) =	ssettag $0x0;
	lr =	simm.s32 $0x1  }
0x2: {  	[smem:$0x3F93] =	sst lr;
	_ =	strace $0xD0000000  }
0x3: {  	_ = 	snop  }
0x4: {  	_ = 	snop  }
0x5: {  	_ = 	snop  }
0x6: {  	_ = 	snop  }
0x7: {  	_ = 	snop  }
__scs_overlays_trampoline_lowered:
0x8: {  	[smem:$0x3FA2] =	sst s0  }
0x9: {  	[smem:$0x3FA3] =	sst s1  }
0xa: {  	[smem:$0x3FA4] =	sst s2  }
0xb: {  	[smem:$0x3FA5] =	sst s3  }
0xc: {  	[smem:$0x3FA6] =	sst s4  }
0xd: {  	[smem:$0x3FA7] =	sst s5  }
0xe: {  	[smem:$0x3FA8] =	sst s6  }
0xf: {  	[smem:$0x3FA9] =	sst s7  }
0x10: {  	[smem:$0x3FAA] =	sst s8  }
0x11: {  	[smem:$0x3FAB] =	sst s9;
	s0 =	simm.s32 @!p0 $0x0  }
0x12: {  	s1 =	sld [smem:$0x3F91];
	s0 =	simm.s32 @p0 $0x1  }
0x13: {  	[smem:$0x3FAC] =	sst s0;
	s0 =	simm.s32 @!p1 $0x0  }
0x14: {  	s2 =	sld [smem:$0x3F90];
	s0 =	simm.s32 @p1 $0x1  }
0x15: {  	[smem:$0x3FAD] =	sst s0;
	s0 =	simm.s32 @!p2 $0x0  }
0x16: {  	s3 =	sld [smem:$0x3FDB];
	s0 =	simm.s32 @p2 $0x1  }
0x17: {  	s4 =	simm.s32 $0x1BF5;
	[smem:$0x3FAF] =	sst s0  }
0x18: {  	s0 =	sld [smem:$0x3F92];
	_ =	swait.ge [sflag:s4], $0x0  }
0x19: {  	s7 =	sld [smem:$0x3F93]  }
0x1a: {  	s8 =	sadd.s32 $0xFFFFE003, lr  }
0x1b: {  	s9 =	sadd.s32 $0xFFFFFEF7, lr;
	s5 =	simm.s32 $0xFFFFFFFF;
	p2 =	slt.u32 s8, $0xFFFFF086  }
0x1c: {  	p1 =	slt.u32 s9, $0xF7A;
	s5 =	simm.s32 @!p2 $0x0  }
0x1d: {  	s5 =	simm.s32 @p1 $0x1;
	p0 =	seq.s32 s7, s2  }
0x1e: {  	s7 =	smul.u32 @!p0 $0xF7A, s2;
	p2 =	seq.s32 @!p0 s5, $0x0  }
0x1f: {  	s9 =	smul.u32 $0xF7A, s1;
	s8 =	simm.s32 @!p0 $0x1BF5;
	p2 =	por !p2, p0  }
0x20: {  	[sflag:s8] =	ssyncset.s32 @!p0 $0xFFFFF086;
	s6 =	sadd.s32 @!p0 s3, s7;
	s7 =	simm.s32 @!p0 $0x108  }
0x21: {  	s3 =	sadd.s32 s3, s9;
	s6 =	sadd.s32 @!p0 $0x88, s6;
	s7 =	simm.s32 @p2 $0x1082  }
0x22: {  	[simem:s7], [sflag:s8] =	dma.local @!p0 [hbm:s6], $0xF7A  }
0x23: {  	s9 =	sor.u32 $0xD0000000, s2;
	s6 =	simm.s32 $0x108;
	_ =	swait.ge @!p0 [sflag:s8], $0x0  }
0x24: {  	s3 =	sadd.s32 $0x88, s3;
	s6 =	simm.s32 @!p1 $0x1082;
	[sflag:s4] =	ssyncset.s32 $0xFFFFF086  }
0x25: {  	[simem:s6], [sflag:s4] =	dma.local [hbm:s3], $0xF7A  }
0x26: {  	[smem:$0x3F93] =	sst s1;
	(tag) =	ssettag s2;
	_ =	strace s9  }
0x27: {  	s1 =	sld [smem:$0x3FA3]  }
0x28: {  	s2 =	sld [smem:$0x3FA4]  }
0x29: {  	s4 =	sld [smem:$0x3FA6]  }
0x2a: {  	p0 =	seq.s32 s5, $0x0;
	s5 =	sld [smem:$0x3FA7]  }
0x2b: {  	s6 =	sld [smem:$0x3FA8]  }
0x2c: {  	s7 =	sld [smem:$0x3FA9]  }
0x2d: {  	s3 =	simm.s32 $0x108;
	s8 =	sld [smem:$0x3FAA]  }
0x2e: {  	s3 =	simm.s32 @!p0 $0x1082;
	s9 =	sld [smem:$0x3FAB]  }
0x2f: {  	lr =	sadd.s32 s0, s3;
	s0 =	sld [smem:$0x3FA2]  }
0x30: {  	s3 =	sld [smem:$0x3FA5]  }
0x31: {  	[smem:$0x3FAE] =	sst s10  }
0x32: {  	s10 =	sld [smem:$0x3FAC];
	_ =	sdelay $0x3  }
0x33: {  	p0 =	seq.s32 s10, $0x1;
	s10 =	sld [smem:$0x3FAE];
	_ =	sdelay $0x3  }
0x34: {  	[smem:$0x3FAE] =	sst s10  }
0x35: {  	s10 =	sld [smem:$0x3FAD];
	_ =	sdelay $0x3  }
0x36: {  	p1 =	seq.s32 s10, $0x1;
	s10 =	sld [smem:$0x3FAE];
	_ =	sdelay $0x3  }
0x37: {  	[smem:$0x3FAE] =	sst s10  }
0x38: {  	s10 =	sld [smem:$0x3FAF]  }
0x39: {  	_ = 	snop;
	(pc) =	sbr.ind lr, $3  }
0x3a: {  	_ = 	snop  }
0x3b: {  	_ = 	snop  }
0x3c: {  	p2 =	seq.s32 s10, $0x1;
	s10 =	sld [smem:$0x3FAE]  }
0x3d: {  	_ =	shalt  }
0x3e: {  	_ =	shalt  }
0x3f: {  	_ =	shalt  }
0x40: {  	_ =	shalt  }
0x41: {  	_ =	shalt  }
0x42: {  	_ =	shalt  }
0x43: {  	_ =	shalt  }
0x44: {  	_ =	shalt  }
0x45: {  	_ =	shalt  }
0x46: {  	_ =	shalt  }
0x47: {  	_ =	shalt  }
0x48: {  	_ =	shalt  }
0x49: {  	_ =	shalt  }
0x4a: {  	_ =	shalt  }
0x4b: {  	_ =	shalt  }
0x4c: {  	_ =	shalt  }
0x4d: {  	_ =	shalt  }
0x4e: {  	_ =	shalt  }
0x4f: {  	_ =	shalt  }
0x50: {  	_ =	shalt  }
0x51: {  	_ =	shalt  }
0x52: {  	_ =	shalt  }
0x53: {  	_ =	shalt  }
0x54: {  	_ =	shalt  }
0x55: {  	_ =	shalt  }
0x56: {  	_ =	shalt  }
0x57: {  	_ =	shalt  }
0x58: {  	_ =	shalt  }
0x59: {  	_ =	shalt  }
0x5a: {  	_ =	shalt  }
0x5b: {  	_ =	shalt  }
0x5c: {  	_ =	shalt  }
0x5d: {  	_ =	shalt  }
0x5e: {  	_ =	shalt  }
0x5f: {  	_ =	shalt  }
0x60: {  	_ =	shalt  }
0x61: {  	_ =	shalt  }
0x62: {  	_ =	shalt  }
0x63: {  	_ =	shalt  }
0x64: {  	_ =	shalt  }
0x65: {  	_ =	shalt  }
0x66: {  	_ =	shalt  }
0x67: {  	_ =	shalt  }
0x68: {  	_ =	shalt  }
0x69: {  	_ =	shalt  }
0x6a: {  	_ =	shalt  }
0x6b: {  	_ =	shalt  }
0x6c: {  	_ =	shalt  }
0x6d: {  	_ =	shalt  }
0x6e: {  	_ =	shalt  }
0x6f: {  	_ =	shalt  }
0x70: {  	_ =	shalt  }
0x71: {  	_ =	shalt  }
0x72: {  	_ =	shalt  }
0x73: {  	_ =	shalt  }
0x74: {  	_ =	shalt  }
0x75: {  	_ =	shalt  }
0x76: {  	_ =	shalt  }
0x77: {  	_ =	shalt  }
0x78: {  	_ =	shalt  }
0x79: {  	_ =	shalt  }
0x7a: {  	_ =	shalt  }
0x7b: {  	_ =	shalt  }
0x7c: {  	_ =	shalt  }
0x7d: {  	_ =	shalt  }
0x7e: {  	_ =	shalt  }
0x7f: {  	_ =	shalt  }
0x80: {  	_ =	shalt  }
0x81: {  	_ =	shalt  }
0x82: {  	_ =	shalt  }
0x83: {  	_ =	shalt  }
0x84: {  	_ =	shalt  }
0x85: {  	_ =	shalt  }
0x86: {  	_ =	shalt  }
0x87: {  	_ =	shalt  }
.Lfunc_end0:
.L_simem_size_0:
called_computation.3_lowered:
.L_overlay_start_0:
0x88: {  	s2 =	sld [smem:$0x3FD9]  }
0x89: {  	s3 =	sld [smem:$0x3FFE];
	_ =	sdelay $0x1  }
0x8a: {  	s1 =	srdreg.scid  }
0x8b: {  	s0 =	sand.u32 $0x1, s1  }
0x8c: {  	s15 =	sshll.u32 s0, $0xA;
	s2 =	sadd.s32 s3, s2  }
0x8d: {  	s2 =	sadd.s32 s2, s15  }
0x8e: {  	[smem:$0x3FBA] =	sst s2  }
0x8f: {  	_ = 	snop  }
0x90: {  	s2 =	sld [smem:$0x3FD0];
	_ =	sdelay $0x2  }
0x91: {  	s16 =	simm.s32 $0xE;
	s4 =	simm.s32 $0x10  }
0x92: {  	[smem:s4], [sflag:s16] =	dma.local [hbm:s2], $0x1  }
0x93: {  	_ =	swait.eq [sflag:s16], $0x1  }
0x94: {  	[sflag:s16] =	ssyncset.done $0x0  }
0x95: {  	[sflag:s16] =	ssyncadd.s32 $0xFFFFFFFF  }
0x96: {  	s17 =	sld [smem:$0x11];
	(tm) =	ssettm $0x1  }
0x97: {  	s18 =	sld [smem:$0x3FFB];
	_ =	sdelay $0x3  }
0x98: {  	_ =	strace s18  }
0x99: {  	s2 =	sld [smem:$0x3FFC];
	_ =	sdelay $0x3  }
0x9a: {  	_ =	strace s2  }
0x9b: {  	s2 =	sld [smem:$0x3FFD];
	_ =	sdelay $0x3  }
0x9c: {  	_ =	strace s2  }
0x9d: {  	_ =	strace $0x8FFFFFFF  }
0x9e: {  	s19 =	sld [smem:$0x3FDB];
	_ =	sdelay $0x1  }
0x9f: {  	s20 =	simm.s32 $_scs_section_size  }
0xa0: {  	s5 =	simm.s32 $_size__tile_overlayer_lowered;
	s6 =	simm.s32 $_tile_overlayer_lowered  }
0xa1: {  	s7 =	simm.s32 $0x1BFF;
	s21 =	sshll.u32 s6, $0x1;
	s4 =	sadd.s32 s20, s19  }
0xa2: {  	s22 =	simm.s32 $0x0;
	s5 =	sshll.u32 s5, $0x1;
	s6 =	sadd.s32 s21, s4  }
0xa3: {  	[timem:s22], [sflag:s7] =	dma.local [hbm:s6], s5  }
0xa4: {  	_ =	swait.ge [sflag:s7], s5  }
0xa5: {  	s5 =	ssub.s32 $0x0, s5;
	[sflag:s7] =	ssyncset.done $0x0  }
0xa6: {  	[sflag:s7] =	ssyncadd.s32 s5;
	_ =	sdelay $0x1  }
0xa7: {  	s23 =	simm.s32 $0x1B8B  }
0xa8: {  	_ =	swait.ge [sflag:s23], $0x1  }
0xa9: {  	[sflag:s23] =	ssyncset.done $0x0  }
0xaa: {  	[sflag:s23] =	ssyncadd.s32 $0xFFFFFFFF  }
0xab: {  	s5 =	sld [smem:$0x0]  }
0xac: {  	s6 =	sand.u32 $0xFFFFFFFE, s1  }
0xad: {  	p0 =	sne.s32 s1, s6  }
0xae: {  	s6 =	sshll.u32 @p0 s6, $0xE  }
0xaf: {  	s6 =	sadd.s32 @p0 $0x11B8D, s6;
	s7 =	sshll.u32 @p0 s5, $0x11  }
0xb0: {  	s6 =	sor.u32 @p0 s7, s6  }
0xb1: {  	[sflag:s6] =	ssyncadd.remote.s32 @p0 $0x1;
	_ =	sdelay $0x1  }
0xb2: {  	s6 =	simm.s32 @p0 $0x1B8D  }
0xb3: {  	_ =	swait.eq @p0 [sflag:s6], $0x1  }
0xb4: {  	[sflag:s6] =	ssyncadd.s32 @p0 $0xFFFFFFFF  }
0xb5: {  	s7 =	sshll.u32 @!p0 s1, $0xE  }
0xb6: {  	s7 =	sor.u32 @!p0 $0x4000, s7;
	s6 =	simm.s32 @!p0 $0x1B8D  }
0xb7: {  	s5 =	sshll.u32 @!p0 s5, $0x11;
	s7 =	sadd.s32 @!p0 $0x11B8D, s7;
	_ =	swait.eq @!p0 [sflag:s6], $0x1  }
0xb8: {  	s5 =	sor.u32 @!p0 s5, s7;
	[sflag:s6] =	ssyncadd.s32 @!p0 $0xFFFFFFFF  }
0xb9: {  	s25 =	simm.s32 $0x1B8E;
	s24 =	sld [smem:$0x3FFE];
	[sflag:s5] =	ssyncadd.remote.s32 @!p0 $0x1  }
0xba: {  	s26 =	simm.s32 $execute0_lowered;
	[smem:$0x3FD2] =	sst s25  }
0xbb: {  	s6 =	sshll.u32 s26, $0x1;
	_ =	strace $0x8000004C;
	[dreg:$0x1] =	wrdreg $0xFFFFFFFF  }
0xbc: {  	s28 =	simm.s32 $_size_execute0_lowered;
	s4 =	sadd.s32 s4, s6;
	[dreg:$0x0] =	wrdreg $0x0  }
0xbd: {  	s6 =	sshll.u32 s28, $0x1;
	[dreg:$0x2] =	wrdreg s4  }
0xbe: {  	[dreg:$0x3] =	wrdreg s6  }
0xbf: {  	[dreg:$0x4] =	wrdreg $0xC0  }
0xc0: {  	_ =	task [dreg:s22], $0x5FFFF  }
0xc1: {  	[dreg:$0x1] =	wrdreg $0xFFFFFFFF  }
0xc2: {  	[dreg:$0x0] =	wrdreg $0x60  }
0xc3: {  	[dreg:$0x2] =	wrdreg s17  }
0xc4: {  	[dreg:$0x3] =	wrdreg s24  }
0xc5: {  	[dreg:$0x4] =	wrdreg $0xB  }
0xc6: {  	_ =	task.clear_ibuf [dreg:s22], $0x5FFFF;
	_ =	strace $0x9000004C  }
0xc7: {  	s29 =	simm.s32 $0xB;
	_ =	strace $0x8000004E  }
0xc8: {  	_ =	swait.ge [sflag:s29], $0x1  }
0xc9: {  	[sflag:s29] =	ssyncadd.s32 $0xFFFFFFFF  }
0xca: {  	_ =	strace $0x9000004E  }
0xcb: {  	_ =	sfence  }
0xcc: {  	s30 =	sld [smem:$0x0];
	_ =	sdelay $0x2  }
0xcd: {  	s31 =	sshll.u32 s1, $0xD;
	s1 =	sshrl.u32 s1, $0x2  }
0xce: {  	s4 =	sand.u32 $0x4000, s31;
	s1 =	sadd.s32 s1, s30  }
0xcf: {  	s0 =	sor.u32 s4, s0;
	s1 =	sshll.u32 s1, $0x11  }
0xd0: {  	s0 =	sor.u32 s1, s0  }
0xd1: {  	s0 =	sadd.s32 $0x8F2B, s0  }
0xd2: {  	[sflag:s0] =	ssyncadd.remote.s32 $0x1  }
0xd3: {  	_ =	sfence.sel $0xFFFF  }
0xd4: {  	[dreg:$0x0] =	wrdreg $0xFFFFFFFF;
	(pc) =	sbr.abs _section_cstart, $3  }
0xd5: {  	[dreg:$0x1] =	wrdreg $0xFFFFFFFF  }
0xd6: {  	_ =	task.clear_ibuf [dreg:s22], $0x2FFFF;
	_ =	strace $0x9FFFFFFF  }
0xd7: {  	(tm) =	ssettm $0x7FFFFFFF  }
tec
execute0_lowered:
.L_overlay_start_1:
0x0: {  	(tag) =	ssettag $0x1  }
0x1: {  	s1 =	srdreg.scid;
	s2 =	rddreg [dreg:$0x0]  }
0x2: {  	s0 =	stileid.u32;
	s6 =	rddreg [dreg:$0x1]  }
0x3: {  	s3 =	simm.s32 $0x0;
	s5 =	sand.u32 $0x1, s1;
	s25 =	sshll.u32 s0, $0x1  }
0x4: {  	[smem:$0x7FF] =	sst s3;
	s1 =	sor.u32 s5, s25  }
0x5: {  	s26 =	simm.s32 $0x100;
	s4 =	sand.u32 $0x7, s1;
	s1 =	rddreg [dreg:$0x2]  }
0x6: {  	s28 =	simm.s32 $0x180;
	_ =	strace $0x8000004D;
	[dreg:$0x4] =	wrdreg s26  }
0x7: {  	s29 =	simm.s32 $0x200;
	s30 =	simm.s32 $0x280;
	[dreg:$0x5] =	wrdreg s28  }
0x8: {  	s12 =	simm.s32 $0x300;
	s13 =	simm.s32 $0x380;
	[dreg:$0x6] =	wrdreg s29  }
0x9: {  	s14 =	simm.s32 $0x400;
	s15 =	simm.s32 $0x480;
	[dreg:$0x7] =	wrdreg s30  }
0xa: {  	s16 =	simm.s32 $0x580;
	s17 =	simm.s32 $0x600;
	[dreg:$0x8] =	wrdreg s12  }
0xb: {  	s18 =	simm.s32 $0x680;
	s19 =	simm.s32 $0x700;
	[dreg:$0x9] =	wrdreg s13  }
0xc: {  	s20 =	simm.s32 $0x780;
	s21 =	simm.s32 $0x800;
	[dreg:$0xa] =	wrdreg s14  }
0xd: {  	s22 =	simm.s32 $0x880;
	s23 =	simm.s32 $0x900;
	[dreg:$0xb] =	wrdreg s15  }
0xe: {  	s31 =	simm.s32 $0x980;
	s24 =	simm.s32 $0x0;
	[dreg:$0xc] =	wrdreg s16  }
0xf: {  	s8 =	smul.u32 $0xA0, s0;
	s11 =	sand.u32 $0xC, s0;
	[dreg:$0xd] =	wrdreg s17  }
0x10: {  	s9 =	smul.u32 $0x50, s5;
	s5 =	ssub.s32 $0x2, s5;
	[dreg:$0xe] =	wrdreg s18  }
0x11: {  	s10 =	sshrl.u32 s5, $0x1;
	s12 =	simm.s32 $0x80;
	[dreg:$0xf] =	wrdreg s19  }
0x12: {  	s13 =	simm.s32 $0x19A0;
	s14 =	simm.s32 $0x2940;
	[dreg:$0x10] =	wrdreg s20  }
0x13: {  	s15 =	simm.s32 $0x38E0;
	s16 =	simm.s32 $0x4880;
	[dreg:$0x11] =	wrdreg s21  }
0x14: {  	s17 =	simm.s32 $0x5820;
	s18 =	simm.s32 $0x67C0;
	[dreg:$0x12] =	wrdreg s22  }
0x15: {  	s19 =	simm.s32 $0x7760;
	s20 =	simm.s32 $0x8700;
	[dreg:$0x13] =	wrdreg s23  }
0x16: {  	s21 =	simm.s32 $0x96A0;
	s22 =	simm.s32 $0x1;
	[dreg:$0x14] =	wrdreg s31  }
0x17: {  	s23 =	simm.s32 $0x20;
	s7 =	smul.u32 $0x27100, s4;
	s4 =	sadd.s32 $0x9A00, s6  }
0x18: {  	s8 =	sadd.s32 s9, s8;
	s5 =	ssub.s32 s5, s10;
	s9 =	simm.s32 $0x500  }
0x19: {  	s10 =	simm.s32 $0x7D;
	s8 =	sshll.u32 s8, $0x4;
	s7 =	sadd.s32 s7, s6  }
0x1a: {  	s5 =	smax.u32 s5, $0x1;
	s8 =	sadd.s32 s6, s8;
	s7 =	sadd.s32 s11, s7  }
0x1b: {  	s6 =	sadd.s32 $0x7F600, s8;
	s11 =	simm.s32 $0xA00;
	s7 =	sadd.s32 $0x340600, s7  }
0x1c: {  	[dreg:$0x3] =	wrdreg s7;
	s7 =	sadd.s32 $0xB1600, s8;
	s8 =	simm.s32 $0x2  }
.LBB2_1:
0x1d: {  	[tilespmem:s3], [sflag:$0x2] =	stream.linear.gather [hbm4b:s6+s3], $0x500, $0x38;
	[tilespmem:$0xA640] =	vst v63  }
0x1e: {  	_ =	swait.ge [sflag:s8], $0x500  }
0x1f: {  	[sflag:s8] =	ssyncset.done $0x0  }
0x20: {  	[sflag:s8] =	ssyncadd.s32 $0xFFFFFB00  }
0x21: {  	[tilespmem:s9], [sflag:$0x2] =	stream.linear.gather [hbm4b:s7+s3], $0x500, $0x38;
	[tilespmem:$0xA640] =	vst v63  }
0x22: {  	_ =	swait.ge [sflag:s8], $0x500  }
0x23: {  	[sflag:s8] =	ssyncset.done $0x0  }
0x24: {  	[sflag:s8] =	ssyncadd.s32 $0xFFFFFB00  }
0x25: {  	[tilespmem:s11], [sflag:$0x1] =	stream.indirect.gather [hbm4b:s2+s10], $0x20, s3, s10, $0xb8;
	[tilespmem:$0xA640] =	vst v63  }
0x26: {  	_ = 	snop  }
0x27: {  	[tilespmem:s13], [sflag:$0x1] =	stream.indirect.gather [hbm4b:s2+s10], $0x20, s12, s10, $0xb8;
	[tilespmem:$0xA640] =	vst v63  }
0x28: {  	s25 =	rddreg [dreg:$0x4]  }
0x29: {  	[tilespmem:s14], [sflag:$0x1] =	stream.indirect.gather [hbm4b:s2+s10], $0x20, s25, s10, $0xb8;
	[tilespmem:$0xA640] =	vst v63  }
0x2a: {  	s26 =	rddreg [dreg:$0x5]  }
0x2b: {  	[tilespmem:s15], [sflag:$0x1] =	stream.indirect.gather [hbm4b:s2+s10], $0x20, s26, s10, $0xb8;
	[tilespmem:$0xA640] =	vst v63  }
0x2c: {  	s29 =	rddreg [dreg:$0x6]  }
0x2d: {  	[tilespmem:s16], [sflag:$0x1] =	stream.indirect.gather [hbm4b:s2+s10], $0x20, s29, s10, $0xb8;
	[tilespmem:$0xA640] =	vst v63  }
0x2e: {  	s30 =	rddreg [dreg:$0x7]  }
0x2f: {  	[tilespmem:s17], [sflag:$0x1] =	stream.indirect.gather [hbm4b:s2+s10], $0x20, s30, s10, $0xb8;
	[tilespmem:$0xA640] =	vst v63  }
0x30: {  	s31 =	rddreg [dreg:$0x8]  }
0x31: {  	[tilespmem:s18], [sflag:$0x1] =	stream.indirect.gather [hbm4b:s2+s10], $0x20, s31, s10, $0xb8;
	[tilespmem:$0xA640] =	vst v63  }
0x32: {  	s29 =	rddreg [dreg:$0x9]  }
0x33: {  	[tilespmem:s19], [sflag:$0x1] =	stream.indirect.gather [hbm4b:s2+s10], $0x20, s29, s10, $0xb8;
	[tilespmem:$0xA640] =	vst v63  }
0x34: {  	s30 =	rddreg [dreg:$0xa]  }
0x35: {  	[tilespmem:s20], [sflag:$0x1] =	stream.indirect.gather [hbm4b:s2+s10], $0x20, s30, s10, $0xb8;
	[tilespmem:$0xA640] =	vst v63  }
0x36: {  	s31 =	rddreg [dreg:$0xb]  }
0x37: {  	[tilespmem:s21], [sflag:$0x1] =	stream.indirect.gather [hbm4b:s2+s10], $0x20, s31, s10, $0xb8;
	[tilespmem:$0xA640] =	vst v63  }
0x38: {  	_ =	swait.ge [sflag:s22], $0xFA0  }
0x39: {  	[sflag:s22] =	ssyncset.done $0x0  }
0x3a: {  	[sflag:s22] =	ssyncadd.s32 $0xFFFFF060  }
0x3b: {  	_ =	swait.ge [sflag:s22], $0xFA0  }
0x3c: {  	[sflag:s22] =	ssyncset.done $0x0  }
0x3d: {  	[sflag:s22] =	ssyncadd.s32 $0xFFFFF060  }
0x3e: {  	_ =	swait.ge [sflag:s22], $0xFA0  }
0x3f: {  	[sflag:s22] =	ssyncset.done $0x0  }
0x40: {  	[sflag:s22] =	ssyncadd.s32 $0xFFFFF060  }
0x41: {  	_ =	swait.ge [sflag:s22], $0xFA0  }
0x42: {  	[sflag:s22] =	ssyncset.done $0x0  }
0x43: {  	[sflag:s22] =	ssyncadd.s32 $0xFFFFF060  }
0x44: {  	_ =	swait.ge [sflag:s22], $0xFA0  }
0x45: {  	[sflag:s22] =	ssyncset.done $0x0  }
0x46: {  	[sflag:s22] =	ssyncadd.s32 $0xFFFFF060  }
0x47: {  	_ =	swait.ge [sflag:s22], $0xFA0  }
0x48: {  	[sflag:s22] =	ssyncset.done $0x0  }
0x49: {  	[sflag:s22] =	ssyncadd.s32 $0xFFFFF060  }
0x4a: {  	_ =	swait.ge [sflag:s22], $0xFA0  }
0x4b: {  	[sflag:s22] =	ssyncset.done $0x0  }
0x4c: {  	[sflag:s22] =	ssyncadd.s32 $0xFFFFF060  }
0x4d: {  	_ =	swait.ge [sflag:s22], $0xFA0  }
0x4e: {  	[sflag:s22] =	ssyncset.done $0x0  }
0x4f: {  	[sflag:s22] =	ssyncadd.s32 $0xFFFFF060  }
0x50: {  	_ =	swait.ge [sflag:s22], $0xFA0  }
0x51: {  	[sflag:s22] =	ssyncset.done $0x0  }
0x52: {  	[sflag:s22] =	ssyncadd.s32 $0xFFFFF060  }
0x53: {  	_ =	swait.ge [sflag:s22], $0xFA0  }
0x54: {  	[sflag:s22] =	ssyncset.done $0x0  }
0x55: {  	[sflag:s22] =	ssyncadd.s32 $0xFFFFF060  }
0x56: {  	[tilespmem:s11], [sflag:$0x1] =	stream.indirect.gather.add.f32 [hbm:s4], $0x20, s9, s10, $0xb8;
	[tilespmem:$0xA640] =	vst v63  }
0x57: {  	s29 =	rddreg [dreg:$0xc]  }
0x58: {  	[tilespmem:s13], [sflag:$0x1] =	stream.indirect.gather.add.f32 [hbm:s4], $0x20, s29, s10, $0xb8;
	[tilespmem:$0xA640] =	vst v63  }
0x59: {  	s30 =	rddreg [dreg:$0xd]  }
0x5a: {  	[tilespmem:s14], [sflag:$0x1] =	stream.indirect.gather.add.f32 [hbm:s4], $0x20, s30, s10, $0xb8;
	[tilespmem:$0xA640] =	vst v63  }
0x5b: {  	s31 =	rddreg [dreg:$0xe]  }
0x5c: {  	[tilespmem:s15], [sflag:$0x1] =	stream.indirect.gather.add.f32 [hbm:s4], $0x20, s31, s10, $0xb8;
	[tilespmem:$0xA640] =	vst v63  }
0x5d: {  	s29 =	rddreg [dreg:$0xf]  }
0x5e: {  	[tilespmem:s16], [sflag:$0x1] =	stream.indirect.gather.add.f32 [hbm:s4], $0x20, s29, s10, $0xb8;
	[tilespmem:$0xA640] =	vst v63  }
0x5f: {  	s30 =	rddreg [dreg:$0x10]  }
0x60: {  	[tilespmem:s17], [sflag:$0x1] =	stream.indirect.gather.add.f32 [hbm:s4], $0x20, s30, s10, $0xb8;
	[tilespmem:$0xA640] =	vst v63  }
0x61: {  	s31 =	rddreg [dreg:$0x11]  }
0x62: {  	[tilespmem:s18], [sflag:$0x1] =	stream.indirect.gather.add.f32 [hbm:s4], $0x20, s31, s10, $0xb8;
	[tilespmem:$0xA640] =	vst v63  }
0x63: {  	s29 =	rddreg [dreg:$0x12]  }
0x64: {  	[tilespmem:s19], [sflag:$0x1] =	stream.indirect.gather.add.f32 [hbm:s4], $0x20, s29, s10, $0xb8;
	[tilespmem:$0xA640] =	vst v63  }
0x65: {  	s30 =	rddreg [dreg:$0x13]  }
0x66: {  	[tilespmem:s20], [sflag:$0x1] =	stream.indirect.gather.add.f32 [hbm:s4], $0x20, s30, s10, $0xb8;
	[tilespmem:$0xA640] =	vst v63  }
0x67: {  	s31 =	rddreg [dreg:$0x14]  }
0x68: {  	[tilespmem:s21], [sflag:$0x1] =	stream.indirect.gather.add.f32 [hbm:s4], $0x20, s31, s10, $0xb8;
	[tilespmem:$0xA640] =	vst v63  }
0x69: {  	_ =	swait.ge [sflag:s22], $0xFA0  }
0x6a: {  	[sflag:s22] =	ssyncset.done $0x0  }
0x6b: {  	[sflag:s22] =	ssyncadd.s32 $0xFFFFF060  }
0x6c: {  	_ =	swait.ge [sflag:s22], $0xFA0  }
0x6d: {  	[sflag:s22] =	ssyncset.done $0x0  }
0x6e: {  	[sflag:s22] =	ssyncadd.s32 $0xFFFFF060  }
0x6f: {  	_ =	swait.ge [sflag:s22], $0xFA0  }
0x70: {  	[sflag:s22] =	ssyncset.done $0x0  }
0x71: {  	[sflag:s22] =	ssyncadd.s32 $0xFFFFF060  }
0x72: {  	_ =	swait.ge [sflag:s22], $0xFA0  }
0x73: {  	[sflag:s22] =	ssyncset.done $0x0  }
0x74: {  	[sflag:s22] =	ssyncadd.s32 $0xFFFFF060  }
0x75: {  	_ =	swait.ge [sflag:s22], $0xFA0  }
0x76: {  	[sflag:s22] =	ssyncset.done $0x0  }
0x77: {  	[sflag:s22] =	ssyncadd.s32 $0xFFFFF060  }
0x78: {  	_ =	swait.ge [sflag:s22], $0xFA0  }
0x79: {  	[sflag:s22] =	ssyncset.done $0x0  }
0x7a: {  	[sflag:s22] =	ssyncadd.s32 $0xFFFFF060  }
0x7b: {  	_ =	swait.ge [sflag:s22], $0xFA0  }
0x7c: {  	[sflag:s22] =	ssyncset.done $0x0  }
0x7d: {  	[sflag:s22] =	ssyncadd.s32 $0xFFFFF060  }
0x7e: {  	_ =	swait.ge [sflag:s22], $0xFA0  }
0x7f: {  	[sflag:s22] =	ssyncset.done $0x0  }
0x80: {  	[sflag:s22] =	ssyncadd.s32 $0xFFFFF060  }
0x81: {  	_ =	swait.ge [sflag:s22], $0xFA0  }
0x82: {  	[sflag:s22] =	ssyncset.done $0x0  }
0x83: {  	[sflag:s22] =	ssyncadd.s32 $0xFFFFF060  }
0x84: {  	_ =	swait.ge [sflag:s22], $0xFA0  }
0x85: {  	s29 =	rddreg [dreg:$0x3];
	[sflag:s22] =	ssyncset.done $0x0  }
0x86: {  	[sflag:s22] =	ssyncadd.s32 $0xFFFFF060;
	s25 =	sadd.s32 $0x0, s29  }
0x87: {  	[hbm4b:s25+s23] =	stream.strided.scatter [tilespmem:s11], [sflag:$0x2], $0xFA0, s12, s23, $0x38;
	[tilespmem:$0xA640] =	vst v63  }
0x88: {  	_ =	swait.ge [sflag:s8], $0xFA0  }
0x89: {  	[sflag:s8] =	ssyncset.done $0x0  }
0x8a: {  	s30 =	sadd.s32 $0x7D0, s25;
	[sflag:s8] =	ssyncadd.s32 $0xFFFFF060  }
0x8b: {  	[hbm4b:s30+s23] =	stream.strided.scatter [tilespmem:s13], [sflag:$0x2], $0xFA0, s12, s23, $0x38;
	[tilespmem:$0xA640] =	vst v63  }
0x8c: {  	_ =	swait.ge [sflag:s8], $0xFA0  }
0x8d: {  	[sflag:s8] =	ssyncset.done $0x0  }
0x8e: {  	s31 =	sadd.s32 $0xFA0, s25;
	[sflag:s8] =	ssyncadd.s32 $0xFFFFF060  }
0x8f: {  	[hbm4b:s31+s23] =	stream.strided.scatter [tilespmem:s14], [sflag:$0x2], $0xFA0, s12, s23, $0x38;
	[tilespmem:$0xA640] =	vst v63  }
0x90: {  	_ =	swait.ge [sflag:s8], $0xFA0  }
0x91: {  	[sflag:s8] =	ssyncset.done $0x0  }
0x92: {  	s29 =	sadd.s32 $0x1770, s25;
	[sflag:s8] =	ssyncadd.s32 $0xFFFFF060  }
0x93: {  	[hbm4b:s29+s23] =	stream.strided.scatter [tilespmem:s15], [sflag:$0x2], $0xFA0, s12, s23, $0x38;
	[tilespmem:$0xA640] =	vst v63  }
0x94: {  	_ =	swait.ge [sflag:s8], $0xFA0  }
0x95: {  	[sflag:s8] =	ssyncset.done $0x0  }
0x96: {  	s30 =	sadd.s32 $0x1F40, s25;
	[sflag:s8] =	ssyncadd.s32 $0xFFFFF060  }
0x97: {  	[hbm4b:s30+s23] =	stream.strided.scatter [tilespmem:s16], [sflag:$0x2], $0xFA0, s12, s23, $0x38;
	[tilespmem:$0xA640] =	vst v63  }
0x98: {  	_ =	swait.ge [sflag:s8], $0xFA0  }
0x99: {  	[sflag:s8] =	ssyncset.done $0x0  }
0x9a: {  	s31 =	sadd.s32 $0x2710, s25;
	[sflag:s8] =	ssyncadd.s32 $0xFFFFF060  }
0x9b: {  	[hbm4b:s31+s23] =	stream.strided.scatter [tilespmem:s17], [sflag:$0x2], $0xFA0, s12, s23, $0x38;
	[tilespmem:$0xA640] =	vst v63  }
0x9c: {  	_ =	swait.ge [sflag:s8], $0xFA0  }
0x9d: {  	[sflag:s8] =	ssyncset.done $0x0  }
0x9e: {  	s29 =	sadd.s32 $0x2EE0, s25;
	[sflag:s8] =	ssyncadd.s32 $0xFFFFF060  }
0x9f: {  	[hbm4b:s29+s23] =	stream.strided.scatter [tilespmem:s18], [sflag:$0x2], $0xFA0, s12, s23, $0x38;
	[tilespmem:$0xA640] =	vst v63  }
0xa0: {  	_ =	swait.ge [sflag:s8], $0xFA0  }
0xa1: {  	[sflag:s8] =	ssyncset.done $0x0  }
0xa2: {  	s30 =	sadd.s32 $0x36B0, s25;
	[sflag:s8] =	ssyncadd.s32 $0xFFFFF060  }
0xa3: {  	[hbm4b:s30+s23] =	stream.strided.scatter [tilespmem:s19], [sflag:$0x2], $0xFA0, s12, s23, $0x38;
	[tilespmem:$0xA640] =	vst v63  }
0xa4: {  	_ =	swait.ge [sflag:s8], $0xFA0  }
0xa5: {  	[sflag:s8] =	ssyncset.done $0x0  }
0xa6: {  	s31 =	sadd.s32 $0x3E80, s25;
	[sflag:s8] =	ssyncadd.s32 $0xFFFFF060  }
0xa7: {  	[hbm4b:s31+s23] =	stream.strided.scatter [tilespmem:s20], [sflag:$0x2], $0xFA0, s12, s23, $0x38;
	[tilespmem:$0xA640] =	vst v63  }
0xa8: {  	_ =	swait.ge [sflag:s8], $0xFA0  }
0xa9: {  	[sflag:s8] =	ssyncset.done $0x0  }
0xaa: {  	s25 =	sadd.s32 $0x4650, s25;
	[sflag:s8] =	ssyncadd.s32 $0xFFFFF060  }
0xab: {  	[hbm4b:s25+s23] =	stream.strided.scatter [tilespmem:s21], [sflag:$0x2], $0xFA0, s12, s23, $0x38;
	[tilespmem:$0xA640] =	vst v63  }
0xac: {  	s28 =	smov.u32 s7;
	_ =	swait.ge [sflag:s8], $0xFA0  }
0xad: {  	s26 =	smov.u32 s6;
	s25 =	simm.s32 $0x4E20;
	[sflag:s8] =	ssyncset.done $0x0  }
.LBB2_2:
0xae: {  	[sflag:s8] =	ssyncadd.s32 $0xFFFFF060;
	s26 =	sadd.s32 $0xA0, s26  }
0xaf: {  	[tilespmem:s3], [sflag:$0x2] =	stream.linear.gather [hbm4b:s26+s3], $0x500, $0x38;
	[tilespmem:$0xA640] =	vst v63  }
0xb0: {  	_ =	swait.ge [sflag:s8], $0x500  }
0xb1: {  	[sflag:s8] =	ssyncset.done $0x0  }
0xb2: {  	s28 =	sadd.s32 $0xA0, s28;
	[sflag:s8] =	ssyncadd.s32 $0xFFFFFB00  }
0xb3: {  	[tilespmem:s9], [sflag:$0x2] =	stream.linear.gather [hbm4b:s28+s3], $0x500, $0x38;
	[tilespmem:$0xA640] =	vst v63  }
0xb4: {  	_ =	swait.ge [sflag:s8], $0x500  }
0xb5: {  	[sflag:s8] =	ssyncset.done $0x0  }
0xb6: {  	[sflag:s8] =	ssyncadd.s32 $0xFFFFFB00  }
0xb7: {  	[tilespmem:s11], [sflag:$0x1] =	stream.indirect.gather [hbm4b:s2+s10], $0x20, s3, s10, $0xb8;
	[tilespmem:$0xA640] =	vst v63  }
0xb8: {  	_ = 	snop  }
0xb9: {  	[tilespmem:s13], [sflag:$0x1] =	stream.indirect.gather [hbm4b:s2+s10], $0x20, s12, s10, $0xb8;
	[tilespmem:$0xA640] =	vst v63  }
0xba: {  	s30 =	rddreg [dreg:$0x4]  }
0xbb: {  	[tilespmem:s14], [sflag:$0x1] =	stream.indirect.gather [hbm4b:s2+s10], $0x20, s30, s10, $0xb8;
	[tilespmem:$0xA640] =	vst v63  }
0xbc: {  	s31 =	rddreg [dreg:$0x5]  }
0xbd: {  	[tilespmem:s15], [sflag:$0x1] =	stream.indirect.gather [hbm4b:s2+s10], $0x20, s31, s10, $0xb8;
	[tilespmem:$0xA640] =	vst v63  }
0xbe: {  	s30 =	rddreg [dreg:$0x6]  }
0xbf: {  	[tilespmem:s16], [sflag:$0x1] =	stream.indirect.gather [hbm4b:s2+s10], $0x20, s30, s10, $0xb8;
	[tilespmem:$0xA640] =	vst v63  }
0xc0: {  	s31 =	rddreg [dreg:$0x7]  }
0xc1: {  	[tilespmem:s17], [sflag:$0x1] =	stream.indirect.gather [hbm4b:s2+s10], $0x20, s31, s10, $0xb8;
	[tilespmem:$0xA640] =	vst v63  }
0xc2: {  	s30 =	rddreg [dreg:$0x8]  }
0xc3: {  	[tilespmem:s18], [sflag:$0x1] =	stream.indirect.gather [hbm4b:s2+s10], $0x20, s30, s10, $0xb8;
	[tilespmem:$0xA640] =	vst v63  }
0xc4: {  	s31 =	rddreg [dreg:$0x9]  }
0xc5: {  	[tilespmem:s19], [sflag:$0x1] =	stream.indirect.gather [hbm4b:s2+s10], $0x20, s31, s10, $0xb8;
	[tilespmem:$0xA640] =	vst v63  }
0xc6: {  	s30 =	rddreg [dreg:$0xa]  }
0xc7: {  	[tilespmem:s20], [sflag:$0x1] =	stream.indirect.gather [hbm4b:s2+s10], $0x20, s30, s10, $0xb8;
	[tilespmem:$0xA640] =	vst v63  }
0xc8: {  	s31 =	rddreg [dreg:$0xb]  }
0xc9: {  	[tilespmem:s21], [sflag:$0x1] =	stream.indirect.gather [hbm4b:s2+s10], $0x20, s31, s10, $0xb8;
	[tilespmem:$0xA640] =	vst v63  }
0xca: {  	_ =	swait.ge [sflag:s22], $0xFA0  }
0xcb: {  	[sflag:s22] =	ssyncset.done $0x0  }
0xcc: {  	[sflag:s22] =	ssyncadd.s32 $0xFFFFF060  }
0xcd: {  	_ =	swait.ge [sflag:s22], $0xFA0  }
0xce: {  	[sflag:s22] =	ssyncset.done $0x0  }
0xcf: {  	[sflag:s22] =	ssyncadd.s32 $0xFFFFF060  }
0xd0: {  	_ =	swait.ge [sflag:s22], $0xFA0  }
0xd1: {  	[sflag:s22] =	ssyncset.done $0x0  }
0xd2: {  	[sflag:s22] =	ssyncadd.s32 $0xFFFFF060  }
0xd3: {  	_ =	swait.ge [sflag:s22], $0xFA0  }
0xd4: {  	[sflag:s22] =	ssyncset.done $0x0  }
0xd5: {  	[sflag:s22] =	ssyncadd.s32 $0xFFFFF060  }
0xd6: {  	_ =	swait.ge [sflag:s22], $0xFA0  }
0xd7: {  	[sflag:s22] =	ssyncset.done $0x0  }
0xd8: {  	[sflag:s22] =	ssyncadd.s32 $0xFFFFF060  }
0xd9: {  	_ =	swait.ge [sflag:s22], $0xFA0  }
0xda: {  	[sflag:s22] =	ssyncset.done $0x0  }
0xdb: {  	[sflag:s22] =	ssyncadd.s32 $0xFFFFF060  }
0xdc: {  	_ =	swait.ge [sflag:s22], $0xFA0  }
0xdd: {  	[sflag:s22] =	ssyncset.done $0x0  }
0xde: {  	[sflag:s22] =	ssyncadd.s32 $0xFFFFF060  }
0xdf: {  	_ =	swait.ge [sflag:s22], $0xFA0  }
0xe0: {  	[sflag:s22] =	ssyncset.done $0x0  }
0xe1: {  	[sflag:s22] =	ssyncadd.s32 $0xFFFFF060  }
0xe2: {  	_ =	swait.ge [sflag:s22], $0xFA0  }
0xe3: {  	[sflag:s22] =	ssyncset.done $0x0  }
0xe4: {  	[sflag:s22] =	ssyncadd.s32 $0xFFFFF060  }
0xe5: {  	_ =	swait.ge [sflag:s22], $0xFA0  }
0xe6: {  	[sflag:s22] =	ssyncset.done $0x0  }
0xe7: {  	[sflag:s22] =	ssyncadd.s32 $0xFFFFF060  }
0xe8: {  	[tilespmem:s11], [sflag:$0x1] =	stream.indirect.gather.add.f32 [hbm:s4], $0x20, s9, s10, $0xb8;
	[tilespmem:$0xA640] =	vst v63  }
0xe9: {  	s30 =	rddreg [dreg:$0xc]  }
0xea: {  	[tilespmem:s13], [sflag:$0x1] =	stream.indirect.gather.add.f32 [hbm:s4], $0x20, s30, s10, $0xb8;
	[tilespmem:$0xA640] =	vst v63  }
0xeb: {  	s31 =	rddreg [dreg:$0xd]  }
0xec: {  	[tilespmem:s14], [sflag:$0x1] =	stream.indirect.gather.add.f32 [hbm:s4], $0x20, s31, s10, $0xb8;
	[tilespmem:$0xA640] =	vst v63  }
0xed: {  	s30 =	rddreg [dreg:$0xe]  }
0xee: {  	[tilespmem:s15], [sflag:$0x1] =	stream.indirect.gather.add.f32 [hbm:s4], $0x20, s30, s10, $0xb8;
	[tilespmem:$0xA640] =	vst v63  }
0xef: {  	s31 =	rddreg [dreg:$0xf]  }
0xf0: {  	[tilespmem:s16], [sflag:$0x1] =	stream.indirect.gather.add.f32 [hbm:s4], $0x20, s31, s10, $0xb8;
	[tilespmem:$0xA640] =	vst v63  }
0xf1: {  	s30 =	rddreg [dreg:$0x10]  }
0xf2: {  	[tilespmem:s17], [sflag:$0x1] =	stream.indirect.gather.add.f32 [hbm:s4], $0x20, s30, s10, $0xb8;
	[tilespmem:$0xA640] =	vst v63  }
0xf3: {  	s31 =	rddreg [dreg:$0x11]  }
0xf4: {  	[tilespmem:s18], [sflag:$0x1] =	stream.indirect.gather.add.f32 [hbm:s4], $0x20, s31, s10, $0xb8;
	[tilespmem:$0xA640] =	vst v63  }
0xf5: {  	s30 =	rddreg [dreg:$0x12]  }
0xf6: {  	[tilespmem:s19], [sflag:$0x1] =	stream.indirect.gather.add.f32 [hbm:s4], $0x20, s30, s10, $0xb8;
	[tilespmem:$0xA640] =	vst v63  }
0xf7: {  	s31 =	rddreg [dreg:$0x13]  }
0xf8: {  	[tilespmem:s20], [sflag:$0x1] =	stream.indirect.gather.add.f32 [hbm:s4], $0x20, s31, s10, $0xb8;
	[tilespmem:$0xA640] =	vst v63  }
0xf9: {  	s30 =	rddreg [dreg:$0x14]  }
0xfa: {  	[tilespmem:s21], [sflag:$0x1] =	stream.indirect.gather.add.f32 [hbm:s4], $0x20, s30, s10, $0xb8;
	[tilespmem:$0xA640] =	vst v63  }
0xfb: {  	_ =	swait.ge [sflag:s22], $0xFA0  }
0xfc: {  	[sflag:s22] =	ssyncset.done $0x0  }
0xfd: {  	[sflag:s22] =	ssyncadd.s32 $0xFFFFF060  }
0xfe: {  	_ =	swait.ge [sflag:s22], $0xFA0  }
0xff: {  	[sflag:s22] =	ssyncset.done $0x0  }
0x100: {  	[sflag:s22] =	ssyncadd.s32 $0xFFFFF060  }
0x101: {  	_ =	swait.ge [sflag:s22], $0xFA0  }
0x102: {  	[sflag:s22] =	ssyncset.done $0x0  }
0x103: {  	[sflag:s22] =	ssyncadd.s32 $0xFFFFF060  }
0x104: {  	_ =	swait.ge [sflag:s22], $0xFA0  }
0x105: {  	[sflag:s22] =	ssyncset.done $0x0  }
0x106: {  	[sflag:s22] =	ssyncadd.s32 $0xFFFFF060  }
0x107: {  	_ =	swait.ge [sflag:s22], $0xFA0  }
0x108: {  	[sflag:s22] =	ssyncset.done $0x0  }
0x109: {  	[sflag:s22] =	ssyncadd.s32 $0xFFFFF060  }
0x10a: {  	_ =	swait.ge [sflag:s22], $0xFA0  }
0x10b: {  	[sflag:s22] =	ssyncset.done $0x0  }
0x10c: {  	[sflag:s22] =	ssyncadd.s32 $0xFFFFF060  }
0x10d: {  	_ =	swait.ge [sflag:s22], $0xFA0  }
0x10e: {  	[sflag:s22] =	ssyncset.done $0x0  }
0x10f: {  	[sflag:s22] =	ssyncadd.s32 $0xFFFFF060  }
0x110: {  	_ =	swait.ge [sflag:s22], $0xFA0  }
0x111: {  	[sflag:s22] =	ssyncset.done $0x0  }
0x112: {  	[sflag:s22] =	ssyncadd.s32 $0xFFFFF060  }
0x113: {  	_ =	swait.ge [sflag:s22], $0xFA0  }
0x114: {  	[sflag:s22] =	ssyncset.done $0x0  }
0x115: {  	[sflag:s22] =	ssyncadd.s32 $0xFFFFF060  }
0x116: {  	_ =	swait.ge [sflag:s22], $0xFA0  }
0x117: {  	s29 =	smov.u32 s25;
	s31 =	rddreg [dreg:$0x3];
	[sflag:s22] =	ssyncset.done $0x0  }
0x118: {  	[sflag:s22] =	ssyncadd.s32 $0xFFFFF060;
	s29 =	sadd.s32 s29, s31  }
0x119: {  	[hbm4b:s29+s23] =	stream.strided.scatter [tilespmem:s11], [sflag:$0x2], $0xFA0, s12, s23, $0x38;
	[tilespmem:$0xA640] =	vst v63  }
0x11a: {  	_ =	swait.ge [sflag:s8], $0xFA0  }
0x11b: {  	[sflag:s8] =	ssyncset.done $0x0  }
0x11c: {  	s30 =	sadd.s32 $0x7D0, s29;
	[sflag:s8] =	ssyncadd.s32 $0xFFFFF060  }
0x11d: {  	[hbm4b:s30+s23] =	stream.strided.scatter [tilespmem:s13], [sflag:$0x2], $0xFA0, s12, s23, $0x38;
	[tilespmem:$0xA640] =	vst v63  }
0x11e: {  	_ =	swait.ge [sflag:s8], $0xFA0  }
0x11f: {  	[sflag:s8] =	ssyncset.done $0x0  }
0x120: {  	s31 =	sadd.s32 $0xFA0, s29;
	[sflag:s8] =	ssyncadd.s32 $0xFFFFF060  }
0x121: {  	[hbm4b:s31+s23] =	stream.strided.scatter [tilespmem:s14], [sflag:$0x2], $0xFA0, s12, s23, $0x38;
	[tilespmem:$0xA640] =	vst v63  }
0x122: {  	_ =	swait.ge [sflag:s8], $0xFA0  }
0x123: {  	[sflag:s8] =	ssyncset.done $0x0  }
0x124: {  	s31 =	sadd.s32 $0x1770, s29;
	[sflag:s8] =	ssyncadd.s32 $0xFFFFF060  }
0x125: {  	[hbm4b:s31+s23] =	stream.strided.scatter [tilespmem:s15], [sflag:$0x2], $0xFA0, s12, s23, $0x38;
	[tilespmem:$0xA640] =	vst v63  }
0x126: {  	_ =	swait.ge [sflag:s8], $0xFA0  }
0x127: {  	[sflag:s8] =	ssyncset.done $0x0  }
0x128: {  	s31 =	sadd.s32 $0x1F40, s29;
	[sflag:s8] =	ssyncadd.s32 $0xFFFFF060  }
0x129: {  	[hbm4b:s31+s23] =	stream.strided.scatter [tilespmem:s16], [sflag:$0x2], $0xFA0, s12, s23, $0x38;
	[tilespmem:$0xA640] =	vst v63  }
0x12a: {  	_ =	swait.ge [sflag:s8], $0xFA0  }
0x12b: {  	[sflag:s8] =	ssyncset.done $0x0  }
0x12c: {  	s31 =	sadd.s32 $0x2710, s29;
	[sflag:s8] =	ssyncadd.s32 $0xFFFFF060  }
0x12d: {  	[hbm4b:s31+s23] =	stream.strided.scatter [tilespmem:s17], [sflag:$0x2], $0xFA0, s12, s23, $0x38;
	[tilespmem:$0xA640] =	vst v63  }
0x12e: {  	_ =	swait.ge [sflag:s8], $0xFA0  }
0x12f: {  	[sflag:s8] =	ssyncset.done $0x0  }
0x130: {  	s31 =	sadd.s32 $0x2EE0, s29;
	[sflag:s8] =	ssyncadd.s32 $0xFFFFF060  }
0x131: {  	[hbm4b:s31+s23] =	stream.strided.scatter [tilespmem:s18], [sflag:$0x2], $0xFA0, s12, s23, $0x38;
	[tilespmem:$0xA640] =	vst v63  }
0x132: {  	_ =	swait.ge [sflag:s8], $0xFA0  }
0x133: {  	[sflag:s8] =	ssyncset.done $0x0  }
0x134: {  	s31 =	sadd.s32 $0x36B0, s29;
	[sflag:s8] =	ssyncadd.s32 $0xFFFFF060  }
0x135: {  	[hbm4b:s31+s23] =	stream.strided.scatter [tilespmem:s19], [sflag:$0x2], $0xFA0, s12, s23, $0x38;
	[tilespmem:$0xA640] =	vst v63  }
0x136: {  	_ =	swait.ge [sflag:s8], $0xFA0  }
0x137: {  	[sflag:s8] =	ssyncset.done $0x0  }
0x138: {  	s31 =	sadd.s32 $0x3E80, s29;
	[sflag:s8] =	ssyncadd.s32 $0xFFFFF060  }
0x139: {  	[hbm4b:s31+s23] =	stream.strided.scatter [tilespmem:s20], [sflag:$0x2], $0xFA0, s12, s23, $0x38;
	[tilespmem:$0xA640] =	vst v63  }
0x13a: {  	p0 =	sne.s32 s25, $0x222E0;
	_ =	swait.ge [sflag:s8], $0xFA0  }
.Ltmp0:
0x13b: {  	[sflag:s8] =	ssyncset.done $0x0;
	(pc) =	sbr.rel @p0 .LBB2_2-.Ltmp0, $4  }
0x13c: {  	s29 =	sadd.s32 $0x4650, s29;
	[sflag:s8] =	ssyncadd.s32 $0xFFFFF060  }
0x13d: {  	[hbm4b:s29+s23] =	stream.strided.scatter [tilespmem:s21], [sflag:$0x2], $0xFA0, s12, s23, $0x38;
	[tilespmem:$0xA640] =	vst v63  }
0x13e: {  	_ =	swait.ge [sflag:s8], $0xFA0  }
0x13f: {  	s25 =	sadd.s32 $0x4E20, s25;
	[sflag:s8] =	ssyncset.done $0x0  }
0x140: {  	s24 =	sadd.s32 $0x1, s24  }
0x141: {  	p0 =	sne.s32 s24, s5  }
.Ltmp1:
0x142: {  	_ = 	snop;
	(pc) =	sbr.rel @p0 .LBB2_1-.Ltmp1, $2  }
0x143: {  	_ =	sdelay $0x2  }
0x144: {  	[sflag:s8] =	ssyncadd.s32 $0xFFFFF060  }
0x145: {  	_ =	sfence.sel $0x180000  }
0x146: {  	[bflag:$0x0] =	sbarrier.arrive $0xFFFF  }
0x147: {  	p0 =	sne.s32 s0, $0x0;
	_ =	strace $0x9000004D  }
0x148: {  	s0 =	sadd.s32 @!p0 $0x100000, s1;
	[bflag:$0x2] =	sbarrier.arrive $0xFFFF  }
0x149: {  	[sflag:s0] =	ssyncadd.tile.s32 @!p0 $0x1;
	_ =	shalt  }
.Lfunc_end2:
_tile_overlayer_lowered:
.L_overlay_start_2:
0x14a: {  	(tag) =	ssettag $0x2  }
0x14b: {  	s0 =	rddreg [dreg:$0x0];
	s2 =	stileid.u32  }
0x14c: {  	s1 =	rddreg [dreg:$0x1];
	p0 =	sne.s32 s2, $0x0  }
0x14d: {  	s3 =	rddreg [dreg:$0x2];
	[bflag:$0x3] =	sbarrier.arrive $0xFFFF;
	s2 =	simm.s32 @!p0 $0x1C02  }
0x14e: {  	[timem:s3], [sflag:s2] =	dma.local @!p0 [hbm:s0], s1  }
0x14f: {  	s0 =	simm.s32 @!p0 $0x2  }
0x150: {  	_ =	swait.ge @!p0 [sflag:s0], s1  }
0x151: {  	s1 =	ssub.s32 @!p0 $0x0, s1;
	[sflag:s0] =	ssyncset.done @!p0 $0x0  }
0x152: {  	[sflag:s0] =	ssyncadd.s32 @!p0 s1  }
0x153: {  	[bflag:$0x3] =	sbarrier.arrive $0xFFFF  }
0x154: {  	_ =	shalt  }

// kernel: kernel.26.cloned.1.call-start
scs
__scs_entry_jumppad:
0x0: {  	(pc) =	sbr.rel $0x88, $3  }
0x1: {  	(tag) =	ssettag $0x0;
	lr =	simm.s32 $0x1  }
0x2: {  	[smem:$0x3F93] =	sst lr;
	_ =	strace $0xD0000000  }
0x3: {  	_ = 	snop  }
0x4: {  	_ = 	snop  }
0x5: {  	_ = 	snop  }
0x6: {  	_ = 	snop  }
0x7: {  	_ = 	snop  }
__scs_overlays_trampoline_lowered:
0x8: {  	[smem:$0x3FA2] =	sst s0  }
0x9: {  	[smem:$0x3FA3] =	sst s1  }
0xa: {  	[smem:$0x3FA4] =	sst s2  }
0xb: {  	[smem:$0x3FA5] =	sst s3  }
0xc: {  	[smem:$0x3FA6] =	sst s4  }
0xd: {  	[smem:$0x3FA7] =	sst s5  }
0xe: {  	[smem:$0x3FA8] =	sst s6  }
0xf: {  	[smem:$0x3FA9] =	sst s7  }
0x10: {  	[smem:$0x3FAA] =	sst s8  }
0x11: {  	[smem:$0x3FAB] =	sst s9;
	s0 =	simm.s32 @!p0 $0x0  }
0x12: {  	s1 =	sld [smem:$0x3F91];
	s0 =	simm.s32 @p0 $0x1  }
0x13: {  	[smem:$0x3FAC] =	sst s0;
	s0 =	simm.s32 @!p1 $0x0  }
0x14: {  	s2 =	sld [smem:$0x3F90];
	s0 =	simm.s32 @p1 $0x1  }
0x15: {  	[smem:$0x3FAD] =	sst s0;
	s0 =	simm.s32 @!p2 $0x0  }
0x16: {  	s3 =	sld [smem:$0x3FDB];
	s0 =	simm.s32 @p2 $0x1  }
0x17: {  	s4 =	simm.s32 $0x1BF5;
	[smem:$0x3FAF] =	sst s0  }
0x18: {  	s0 =	sld [smem:$0x3F92];
	_ =	swait.ge [sflag:s4], $0x0  }
0x19: {  	s7 =	sld [smem:$0x3F93]  }
0x1a: {  	s8 =	sadd.s32 $0xFFFFE003, lr  }
0x1b: {  	s9 =	sadd.s32 $0xFFFFFEF7, lr;
	s5 =	simm.s32 $0xFFFFFFFF;
	p2 =	slt.u32 s8, $0xFFFFF086  }
0x1c: {  	p1 =	slt.u32 s9, $0xF7A;
	s5 =	simm.s32 @!p2 $0x0  }
0x1d: {  	s5 =	simm.s32 @p1 $0x1;
	p0 =	seq.s32 s7, s2  }
0x1e: {  	s7 =	smul.u32 @!p0 $0xF7A, s2;
	p2 =	seq.s32 @!p0 s5, $0x0  }
0x1f: {  	s9 =	smul.u32 $0xF7A, s1;
	s8 =	simm.s32 @!p0 $0x1BF5;
	p2 =	por !p2, p0  }
0x20: {  	[sflag:s8] =	ssyncset.s32 @!p0 $0xFFFFF086;
	s6 =	sadd.s32 @!p0 s3, s7;
	s7 =	simm.s32 @!p0 $0x108  }
0x21: {  	s3 =	sadd.s32 s3, s9;
	s6 =	sadd.s32 @!p0 $0x88, s6;
	s7 =	simm.s32 @p2 $0x1082  }
0x22: {  	[simem:s7], [sflag:s8] =	dma.local @!p0 [hbm:s6], $0xF7A  }
0x23: {  	s9 =	sor.u32 $0xD0000000, s2;
	s6 =	simm.s32 $0x108;
	_ =	swait.ge @!p0 [sflag:s8], $0x0  }
0x24: {  	s3 =	sadd.s32 $0x88, s3;
	s6 =	simm.s32 @!p1 $0x1082;
	[sflag:s4] =	ssyncset.s32 $0xFFFFF086  }
0x25: {  	[simem:s6], [sflag:s4] =	dma.local [hbm:s3], $0xF7A  }
0x26: {  	[smem:$0x3F93] =	sst s1;
	(tag) =	ssettag s2;
	_ =	strace s9  }
0x27: {  	s1 =	sld [smem:$0x3FA3]  }
0x28: {  	s2 =	sld [smem:$0x3FA4]  }
0x29: {  	s4 =	sld [smem:$0x3FA6]  }
0x2a: {  	p0 =	seq.s32 s5, $0x0;
	s5 =	sld [smem:$0x3FA7]  }
0x2b: {  	s6 =	sld [smem:$0x3FA8]  }
0x2c: {  	s7 =	sld [smem:$0x3FA9]  }
0x2d: {  	s3 =	simm.s32 $0x108;
	s8 =	sld [smem:$0x3FAA]  }
0x2e: {  	s3 =	simm.s32 @!p0 $0x1082;
	s9 =	sld [smem:$0x3FAB]  }
0x2f: {  	lr =	sadd.s32 s0, s3;
	s0 =	sld [smem:$0x3FA2]  }
0x30: {  	s3 =	sld [smem:$0x3FA5]  }
0x31: {  	[smem:$0x3FAE] =	sst s10  }
0x32: {  	s10 =	sld [smem:$0x3FAC];
	_ =	sdelay $0x3  }
0x33: {  	p0 =	seq.s32 s10, $0x1;
	s10 =	sld [smem:$0x3FAE];
	_ =	sdelay $0x3  }
0x34: {  	[smem:$0x3FAE] =	sst s10  }
0x35: {  	s10 =	sld [smem:$0x3FAD];
	_ =	sdelay $0x3  }
0x36: {  	p1 =	seq.s32 s10, $0x1;
	s10 =	sld [smem:$0x3FAE];
	_ =	sdelay $0x3  }
0x37: {  	[smem:$0x3FAE] =	sst s10  }
0x38: {  	s10 =	sld [smem:$0x3FAF]  }
0x39: {  	_ = 	snop;
	(pc) =	sbr.ind lr, $3  }
0x3a: {  	_ = 	snop  }
0x3b: {  	_ = 	snop  }
0x3c: {  	p2 =	seq.s32 s10, $0x1;
	s10 =	sld [smem:$0x3FAE]  }
0x3d: {  	_ =	shalt  }
0x3e: {  	_ =	shalt  }
0x3f: {  	_ =	shalt  }
0x40: {  	_ =	shalt  }
0x41: {  	_ =	shalt  }
0x42: {  	_ =	shalt  }
0x43: {  	_ =	shalt  }
0x44: {  	_ =	shalt  }
0x45: {  	_ =	shalt  }
0x46: {  	_ =	shalt  }
0x47: {  	_ =	shalt  }
0x48: {  	_ =	shalt  }
0x49: {  	_ =	shalt  }
0x4a: {  	_ =	shalt  }
0x4b: {  	_ =	shalt  }
0x4c: {  	_ =	shalt  }
0x4d: {  	_ =	shalt  }
0x4e: {  	_ =	shalt  }
0x4f: {  	_ =	shalt  }
0x50: {  	_ =	shalt  }
0x51: {  	_ =	shalt  }
0x52: {  	_ =	shalt  }
0x53: {  	_ =	shalt  }
0x54: {  	_ =	shalt  }
0x55: {  	_ =	shalt  }
0x56: {  	_ =	shalt  }
0x57: {  	_ =	shalt  }
0x58: {  	_ =	shalt  }
0x59: {  	_ =	shalt  }
0x5a: {  	_ =	shalt  }
0x5b: {  	_ =	shalt  }
0x5c: {  	_ =	shalt  }
0x5d: {  	_ =	shalt  }
0x5e: {  	_ =	shalt  }
0x5f: {  	_ =	shalt  }
0x60: {  	_ =	shalt  }
0x61: {  	_ =	shalt  }
0x62: {  	_ =	shalt  }
0x63: {  	_ =	shalt  }
0x64: {  	_ =	shalt  }
0x65: {  	_ =	shalt  }
0x66: {  	_ =	shalt  }
0x67: {  	_ =	shalt  }
0x68: {  	_ =	shalt  }
0x69: {  	_ =	shalt  }
0x6a: {  	_ =	shalt  }
0x6b: {  	_ =	shalt  }
0x6c: {  	_ =	shalt  }
0x6d: {  	_ =	shalt  }
0x6e: {  	_ =	shalt  }
0x6f: {  	_ =	shalt  }
0x70: {  	_ =	shalt  }
0x71: {  	_ =	shalt  }
0x72: {  	_ =	shalt  }
0x73: {  	_ =	shalt  }
0x74: {  	_ =	shalt  }
0x75: {  	_ =	shalt  }
0x76: {  	_ =	shalt  }
0x77: {  	_ =	shalt  }
0x78: {  	_ =	shalt  }
0x79: {  	_ =	shalt  }
0x7a: {  	_ =	shalt  }
0x7b: {  	_ =	shalt  }
0x7c: {  	_ =	shalt  }
0x7d: {  	_ =	shalt  }
0x7e: {  	_ =	shalt  }
0x7f: {  	_ =	shalt  }
0x80: {  	_ =	shalt  }
0x81: {  	_ =	shalt  }
0x82: {  	_ =	shalt  }
0x83: {  	_ =	shalt  }
0x84: {  	_ =	shalt  }
0x85: {  	_ =	shalt  }
0x86: {  	_ =	shalt  }
0x87: {  	_ =	shalt  }
.Lfunc_end0:
.L_simem_size_0:
called_computation.4_lowered:
.L_overlay_start_0:
0x88: {  	s2 =	sld [smem:$0x3FD9]  }
0x89: {  	s3 =	sld [smem:$0x3FFE];
	_ =	sdelay $0x1  }
0x8a: {  	s1 =	srdreg.scid  }
0x8b: {  	s0 =	sand.u32 $0x1, s1  }
0x8c: {  	s15 =	sshll.u32 s0, $0xA;
	s2 =	sadd.s32 s3, s2  }
0x8d: {  	s2 =	sadd.s32 s2, s15  }
0x8e: {  	[smem:$0x3FBA] =	sst s2  }
0x8f: {  	_ = 	snop  }
0x90: {  	s2 =	sld [smem:$0x3FD0];
	_ =	sdelay $0x2  }
0x91: {  	s16 =	simm.s32 $0xE;
	s4 =	simm.s32 $0x10  }
0x92: {  	[smem:s4], [sflag:s16] =	dma.local [hbm:s2], $0x1  }
0x93: {  	_ =	swait.eq [sflag:s16], $0x1  }
0x94: {  	[sflag:s16] =	ssyncset.done $0x0  }
0x95: {  	[sflag:s16] =	ssyncadd.s32 $0xFFFFFFFF  }
0x96: {  	s17 =	sld [smem:$0x11];
	(tm) =	ssettm $0x1  }
0x97: {  	s18 =	sld [smem:$0x3FFB];
	_ =	sdelay $0x3  }
0x98: {  	_ =	strace s18  }
0x99: {  	s2 =	sld [smem:$0x3FFC];
	_ =	sdelay $0x3  }
0x9a: {  	_ =	strace s2  }
0x9b: {  	s2 =	sld [smem:$0x3FFD];
	_ =	sdelay $0x3  }
0x9c: {  	_ =	strace s2  }
0x9d: {  	_ =	strace $0x8FFFFFFF  }
0x9e: {  	s19 =	sld [smem:$0x3FDB];
	_ =	sdelay $0x1  }
0x9f: {  	s20 =	simm.s32 $_scs_section_size  }
0xa0: {  	s5 =	simm.s32 $_size__tile_overlayer_lowered;
	s6 =	simm.s32 $_tile_overlayer_lowered  }
0xa1: {  	s7 =	simm.s32 $0x1BFF;
	s21 =	sshll.u32 s6, $0x1;
	s4 =	sadd.s32 s20, s19  }
0xa2: {  	s22 =	simm.s32 $0x0;
	s5 =	sshll.u32 s5, $0x1;
	s6 =	sadd.s32 s21, s4  }
0xa3: {  	[timem:s22], [sflag:s7] =	dma.local [hbm:s6], s5  }
0xa4: {  	_ =	swait.ge [sflag:s7], s5  }
0xa5: {  	s5 =	ssub.s32 $0x0, s5;
	[sflag:s7] =	ssyncset.done $0x0  }
0xa6: {  	[sflag:s7] =	ssyncadd.s32 s5;
	_ =	sdelay $0x1  }
0xa7: {  	s23 =	simm.s32 $0x1B8B  }
0xa8: {  	_ =	swait.ge [sflag:s23], $0x1  }
0xa9: {  	[sflag:s23] =	ssyncset.done $0x0  }
0xaa: {  	[sflag:s23] =	ssyncadd.s32 $0xFFFFFFFF  }
0xab: {  	s5 =	sld [smem:$0x0]  }
0xac: {  	s6 =	sand.u32 $0xFFFFFFFE, s1  }
0xad: {  	p0 =	sne.s32 s1, s6  }
0xae: {  	s6 =	sshll.u32 @p0 s6, $0xE  }
0xaf: {  	s6 =	sadd.s32 @p0 $0x11B8D, s6;
	s7 =	sshll.u32 @p0 s5, $0x11  }
0xb0: {  	s6 =	sor.u32 @p0 s7, s6  }
0xb1: {  	[sflag:s6] =	ssyncadd.remote.s32 @p0 $0x1;
	_ =	sdelay $0x1  }
0xb2: {  	s6 =	simm.s32 @p0 $0x1B8D  }
0xb3: {  	_ =	swait.eq @p0 [sflag:s6], $0x1  }
0xb4: {  	[sflag:s6] =	ssyncadd.s32 @p0 $0xFFFFFFFF  }
0xb5: {  	s7 =	sshll.u32 @!p0 s1, $0xE  }
0xb6: {  	s7 =	sor.u32 @!p0 $0x4000, s7;
	s6 =	simm.s32 @!p0 $0x1B8D  }
0xb7: {  	s5 =	sshll.u32 @!p0 s5, $0x11;
	s7 =	sadd.s32 @!p0 $0x11B8D, s7;
	_ =	swait.eq @!p0 [sflag:s6], $0x1  }
0xb8: {  	s5 =	sor.u32 @!p0 s5, s7;
	[sflag:s6] =	ssyncadd.s32 @!p0 $0xFFFFFFFF  }
0xb9: {  	s25 =	simm.s32 $0x1B8E;
	s24 =	sld [smem:$0x3FFE];
	[sflag:s5] =	ssyncadd.remote.s32 @!p0 $0x1  }
0xba: {  	s26 =	simm.s32 $execute0_lowered;
	[smem:$0x3FD2] =	sst s25  }
0xbb: {  	s6 =	sshll.u32 s26, $0x1;
	_ =	strace $0x8000004F;
	[dreg:$0x1] =	wrdreg $0xFFFFFFFF  }
0xbc: {  	s28 =	simm.s32 $_size_execute0_lowered;
	s4 =	sadd.s32 s4, s6;
	[dreg:$0x0] =	wrdreg $0x0  }
0xbd: {  	s6 =	sshll.u32 s28, $0x1;
	[dreg:$0x2] =	wrdreg s4  }
0xbe: {  	[dreg:$0x3] =	wrdreg s6  }
0xbf: {  	[dreg:$0x4] =	wrdreg $0xC0  }
0xc0: {  	_ =	task [dreg:s22], $0x5FFFF  }
0xc1: {  	[dreg:$0x1] =	wrdreg $0xFFFFFFFF  }
0xc2: {  	[dreg:$0x0] =	wrdreg $0x60  }
0xc3: {  	[dreg:$0x2] =	wrdreg s17  }
0xc4: {  	[dreg:$0x3] =	wrdreg s24  }
0xc5: {  	[dreg:$0x4] =	wrdreg $0xC  }
0xc6: {  	_ =	task.clear_ibuf [dreg:s22], $0x5FFFF;
	_ =	strace $0x9000004F  }
0xc7: {  	s29 =	simm.s32 $0xC;
	_ =	strace $0x80000051  }
0xc8: {  	_ =	swait.ge [sflag:s29], $0x1  }
0xc9: {  	[sflag:s29] =	ssyncadd.s32 $0xFFFFFFFF  }
0xca: {  	_ =	strace $0x90000051  }
0xcb: {  	_ =	sfence  }
0xcc: {  	s30 =	sld [smem:$0x0];
	_ =	sdelay $0x2  }
0xcd: {  	s31 =	sshll.u32 s1, $0xD;
	s1 =	sshrl.u32 s1, $0x2  }
0xce: {  	s4 =	sand.u32 $0x4000, s31;
	s1 =	sadd.s32 s1, s30  }
0xcf: {  	s0 =	sor.u32 s4, s0;
	s1 =	sshll.u32 s1, $0x11  }
0xd0: {  	s0 =	sor.u32 s1, s0  }
0xd1: {  	s0 =	sadd.s32 $0x8F2B, s0  }
0xd2: {  	[sflag:s0] =	ssyncadd.remote.s32 $0x1  }
0xd3: {  	_ =	sfence.sel $0xFFFF  }
0xd4: {  	[dreg:$0x0] =	wrdreg $0xFFFFFFFF;
	(pc) =	sbr.abs _section_cstart, $3  }
0xd5: {  	[dreg:$0x1] =	wrdreg $0xFFFFFFFF  }
0xd6: {  	_ =	task.clear_ibuf [dreg:s22], $0x2FFFF;
	_ =	strace $0x9FFFFFFF  }
0xd7: {  	(tm) =	ssettm $0x7FFFFFFF  }
tec
execute0_lowered:
.L_overlay_start_1:
0x0: {  	(tag) =	ssettag $0x1  }
0x1: {  	s1 =	srdreg.scid;
	s2 =	rddreg [dreg:$0x0]  }
0x2: {  	s0 =	stileid.u32;
	s6 =	rddreg [dreg:$0x1]  }
0x3: {  	s3 =	simm.s32 $0x0;
	s5 =	sand.u32 $0x1, s1;
	s25 =	sshll.u32 s0, $0x1  }
0x4: {  	[smem:$0x7FF] =	sst s3;
	s1 =	sor.u32 s5, s25  }
0x5: {  	s26 =	simm.s32 $0x100;
	s4 =	sand.u32 $0x7, s1;
	s1 =	rddreg [dreg:$0x2]  }
0x6: {  	s28 =	simm.s32 $0x180;
	_ =	strace $0x80000050;
	[dreg:$0x4] =	wrdreg s26  }
0x7: {  	s29 =	simm.s32 $0x200;
	s30 =	simm.s32 $0x280;
	[dreg:$0x5] =	wrdreg s28  }
0x8: {  	s12 =	simm.s32 $0x300;
	s13 =	simm.s32 $0x380;
	[dreg:$0x6] =	wrdreg s29  }
0x9: {  	s14 =	simm.s32 $0x400;
	s15 =	simm.s32 $0x480;
	[dreg:$0x7] =	wrdreg s30  }
0xa: {  	s16 =	simm.s32 $0x580;
	s17 =	simm.s32 $0x600;
	[dreg:$0x8] =	wrdreg s12  }
0xb: {  	s18 =	simm.s32 $0x680;
	s19 =	simm.s32 $0x700;
	[dreg:$0x9] =	wrdreg s13  }
0xc: {  	s20 =	simm.s32 $0x780;
	s21 =	simm.s32 $0x800;
	[dreg:$0xa] =	wrdreg s14  }
0xd: {  	s22 =	simm.s32 $0x880;
	s23 =	simm.s32 $0x900;
	[dreg:$0xb] =	wrdreg s15  }
0xe: {  	s31 =	simm.s32 $0x980;
	s24 =	simm.s32 $0x0;
	[dreg:$0xc] =	wrdreg s16  }
0xf: {  	s8 =	smul.u32 $0xA0, s0;
	s11 =	sand.u32 $0xC, s0;
	[dreg:$0xd] =	wrdreg s17  }
0x10: {  	s9 =	smul.u32 $0x50, s5;
	s5 =	ssub.s32 $0x2, s5;
	[dreg:$0xe] =	wrdreg s18  }
0x11: {  	s10 =	sshrl.u32 s5, $0x1;
	s12 =	simm.s32 $0x80;
	[dreg:$0xf] =	wrdreg s19  }
0x12: {  	s13 =	simm.s32 $0x19A0;
	s14 =	simm.s32 $0x2940;
	[dreg:$0x10] =	wrdreg s20  }
0x13: {  	s15 =	simm.s32 $0x38E0;
	s16 =	simm.s32 $0x4880;
	[dreg:$0x11] =	wrdreg s21  }
0x14: {  	s17 =	simm.s32 $0x5820;
	s18 =	simm.s32 $0x67C0;
	[dreg:$0x12] =	wrdreg s22  }
0x15: {  	s19 =	simm.s32 $0x7760;
	s20 =	simm.s32 $0x8700;
	[dreg:$0x13] =	wrdreg s23  }
0x16: {  	s21 =	simm.s32 $0x96A0;
	s22 =	simm.s32 $0x1;
	[dreg:$0x14] =	wrdreg s31  }
0x17: {  	s23 =	simm.s32 $0x20;
	s7 =	smul.u32 $0x27100, s4;
	s4 =	sadd.s32 $0x9A00, s6  }
0x18: {  	s8 =	sadd.s32 s9, s8;
	s5 =	ssub.s32 s5, s10;
	s9 =	simm.s32 $0x500  }
0x19: {  	s10 =	simm.s32 $0x7D;
	s8 =	sshll.u32 s8, $0x4;
	s7 =	sadd.s32 s7, s6  }
0x1a: {  	s5 =	smax.u32 s5, $0x1;
	s8 =	sadd.s32 s6, s8;
	s7 =	sadd.s32 s11, s7  }
0x1b: {  	s6 =	sadd.s32 $0x89600, s8;
	s11 =	simm.s32 $0xA00;
	s7 =	sadd.s32 $0x478E00, s7  }
0x1c: {  	[dreg:$0x3] =	wrdreg s7;
	s7 =	sadd.s32 $0xBB600, s8;
	s8 =	simm.s32 $0x2  }
.LBB2_1:
0x1d: {  	[tilespmem:s3], [sflag:$0x2] =	stream.linear.gather [hbm4b:s6+s3], $0x500, $0x38;
	[tilespmem:$0xA640] =	vst v63  }
0x1e: {  	_ =	swait.ge [sflag:s8], $0x500  }
0x1f: {  	[sflag:s8] =	ssyncset.done $0x0  }
0x20: {  	[sflag:s8] =	ssyncadd.s32 $0xFFFFFB00  }
0x21: {  	[tilespmem:s9], [sflag:$0x2] =	stream.linear.gather [hbm4b:s7+s3], $0x500, $0x38;
	[tilespmem:$0xA640] =	vst v63  }
0x22: {  	_ =	swait.ge [sflag:s8], $0x500  }
0x23: {  	[sflag:s8] =	ssyncset.done $0x0  }
0x24: {  	[sflag:s8] =	ssyncadd.s32 $0xFFFFFB00  }
0x25: {  	[tilespmem:s11], [sflag:$0x1] =	stream.indirect.gather [hbm4b:s2+s10], $0x20, s3, s10, $0xb8;
	[tilespmem:$0xA640] =	vst v63  }
0x26: {  	_ = 	snop  }
0x27: {  	[tilespmem:s13], [sflag:$0x1] =	stream.indirect.gather [hbm4b:s2+s10], $0x20, s12, s10, $0xb8;
	[tilespmem:$0xA640] =	vst v63  }
0x28: {  	s25 =	rddreg [dreg:$0x4]  }
0x29: {  	[tilespmem:s14], [sflag:$0x1] =	stream.indirect.gather [hbm4b:s2+s10], $0x20, s25, s10, $0xb8;
	[tilespmem:$0xA640] =	vst v63  }
0x2a: {  	s26 =	rddreg [dreg:$0x5]  }
0x2b: {  	[tilespmem:s15], [sflag:$0x1] =	stream.indirect.gather [hbm4b:s2+s10], $0x20, s26, s10, $0xb8;
	[tilespmem:$0xA640] =	vst v63  }
0x2c: {  	s29 =	rddreg [dreg:$0x6]  }
0x2d: {  	[tilespmem:s16], [sflag:$0x1] =	stream.indirect.gather [hbm4b:s2+s10], $0x20, s29, s10, $0xb8;
	[tilespmem:$0xA640] =	vst v63  }
0x2e: {  	s30 =	rddreg [dreg:$0x7]  }
0x2f: {  	[tilespmem:s17], [sflag:$0x1] =	stream.indirect.gather [hbm4b:s2+s10], $0x20, s30, s10, $0xb8;
	[tilespmem:$0xA640] =	vst v63  }
0x30: {  	s31 =	rddreg [dreg:$0x8]  }
0x31: {  	[tilespmem:s18], [sflag:$0x1] =	stream.indirect.gather [hbm4b:s2+s10], $0x20, s31, s10, $0xb8;
	[tilespmem:$0xA640] =	vst v63  }
0x32: {  	s29 =	rddreg [dreg:$0x9]  }
0x33: {  	[tilespmem:s19], [sflag:$0x1] =	stream.indirect.gather [hbm4b:s2+s10], $0x20, s29, s10, $0xb8;
	[tilespmem:$0xA640] =	vst v63  }
0x34: {  	s30 =	rddreg [dreg:$0xa]  }
0x35: {  	[tilespmem:s20], [sflag:$0x1] =	stream.indirect.gather [hbm4b:s2+s10], $0x20, s30, s10, $0xb8;
	[tilespmem:$0xA640] =	vst v63  }
0x36: {  	s31 =	rddreg [dreg:$0xb]  }
0x37: {  	[tilespmem:s21], [sflag:$0x1] =	stream.indirect.gather [hbm4b:s2+s10], $0x20, s31, s10, $0xb8;
	[tilespmem:$0xA640] =	vst v63  }
0x38: {  	_ =	swait.ge [sflag:s22], $0xFA0  }
0x39: {  	[sflag:s22] =	ssyncset.done $0x0  }
0x3a: {  	[sflag:s22] =	ssyncadd.s32 $0xFFFFF060  }
0x3b: {  	_ =	swait.ge [sflag:s22], $0xFA0  }
0x3c: {  	[sflag:s22] =	ssyncset.done $0x0  }
0x3d: {  	[sflag:s22] =	ssyncadd.s32 $0xFFFFF060  }
0x3e: {  	_ =	swait.ge [sflag:s22], $0xFA0  }
0x3f: {  	[sflag:s22] =	ssyncset.done $0x0  }
0x40: {  	[sflag:s22] =	ssyncadd.s32 $0xFFFFF060  }
0x41: {  	_ =	swait.ge [sflag:s22], $0xFA0  }
0x42: {  	[sflag:s22] =	ssyncset.done $0x0  }
0x43: {  	[sflag:s22] =	ssyncadd.s32 $0xFFFFF060  }
0x44: {  	_ =	swait.ge [sflag:s22], $0xFA0  }
0x45: {  	[sflag:s22] =	ssyncset.done $0x0  }
0x46: {  	[sflag:s22] =	ssyncadd.s32 $0xFFFFF060  }
0x47: {  	_ =	swait.ge [sflag:s22], $0xFA0  }
0x48: {  	[sflag:s22] =	ssyncset.done $0x0  }
0x49: {  	[sflag:s22] =	ssyncadd.s32 $0xFFFFF060  }
0x4a: {  	_ =	swait.ge [sflag:s22], $0xFA0  }
0x4b: {  	[sflag:s22] =	ssyncset.done $0x0  }
0x4c: {  	[sflag:s22] =	ssyncadd.s32 $0xFFFFF060  }
0x4d: {  	_ =	swait.ge [sflag:s22], $0xFA0  }
0x4e: {  	[sflag:s22] =	ssyncset.done $0x0  }
0x4f: {  	[sflag:s22] =	ssyncadd.s32 $0xFFFFF060  }
0x50: {  	_ =	swait.ge [sflag:s22], $0xFA0  }
0x51: {  	[sflag:s22] =	ssyncset.done $0x0  }
0x52: {  	[sflag:s22] =	ssyncadd.s32 $0xFFFFF060  }
0x53: {  	_ =	swait.ge [sflag:s22], $0xFA0  }
0x54: {  	[sflag:s22] =	ssyncset.done $0x0  }
0x55: {  	[sflag:s22] =	ssyncadd.s32 $0xFFFFF060  }
0x56: {  	[tilespmem:s11], [sflag:$0x1] =	stream.indirect.gather.add.f32 [hbm:s4], $0x20, s9, s10, $0xb8;
	[tilespmem:$0xA640] =	vst v63  }
0x57: {  	s29 =	rddreg [dreg:$0xc]  }
0x58: {  	[tilespmem:s13], [sflag:$0x1] =	stream.indirect.gather.add.f32 [hbm:s4], $0x20, s29, s10, $0xb8;
	[tilespmem:$0xA640] =	vst v63  }
0x59: {  	s30 =	rddreg [dreg:$0xd]  }
0x5a: {  	[tilespmem:s14], [sflag:$0x1] =	stream.indirect.gather.add.f32 [hbm:s4], $0x20, s30, s10, $0xb8;
	[tilespmem:$0xA640] =	vst v63  }
0x5b: {  	s31 =	rddreg [dreg:$0xe]  }
0x5c: {  	[tilespmem:s15], [sflag:$0x1] =	stream.indirect.gather.add.f32 [hbm:s4], $0x20, s31, s10, $0xb8;
	[tilespmem:$0xA640] =	vst v63  }
0x5d: {  	s29 =	rddreg [dreg:$0xf]  }
0x5e: {  	[tilespmem:s16], [sflag:$0x1] =	stream.indirect.gather.add.f32 [hbm:s4], $0x20, s29, s10, $0xb8;
	[tilespmem:$0xA640] =	vst v63  }
0x5f: {  	s30 =	rddreg [dreg:$0x10]  }
0x60: {  	[tilespmem:s17], [sflag:$0x1] =	stream.indirect.gather.add.f32 [hbm:s4], $0x20, s30, s10, $0xb8;
	[tilespmem:$0xA640] =	vst v63  }
0x61: {  	s31 =	rddreg [dreg:$0x11]  }
0x62: {  	[tilespmem:s18], [sflag:$0x1] =	stream.indirect.gather.add.f32 [hbm:s4], $0x20, s31, s10, $0xb8;
	[tilespmem:$0xA640] =	vst v63  }
0x63: {  	s29 =	rddreg [dreg:$0x12]  }
0x64: {  	[tilespmem:s19], [sflag:$0x1] =	stream.indirect.gather.add.f32 [hbm:s4], $0x20, s29, s10, $0xb8;
	[tilespmem:$0xA640] =	vst v63  }
0x65: {  	s30 =	rddreg [dreg:$0x13]  }
0x66: {  	[tilespmem:s20], [sflag:$0x1] =	stream.indirect.gather.add.f32 [hbm:s4], $0x20, s30, s10, $0xb8;
	[tilespmem:$0xA640] =	vst v63  }
0x67: {  	s31 =	rddreg [dreg:$0x14]  }
0x68: {  	[tilespmem:s21], [sflag:$0x1] =	stream.indirect.gather.add.f32 [hbm:s4], $0x20, s31, s10, $0xb8;
	[tilespmem:$0xA640] =	vst v63  }
0x69: {  	_ =	swait.ge [sflag:s22], $0xFA0  }
0x6a: {  	[sflag:s22] =	ssyncset.done $0x0  }
0x6b: {  	[sflag:s22] =	ssyncadd.s32 $0xFFFFF060  }
0x6c: {  	_ =	swait.ge [sflag:s22], $0xFA0  }
0x6d: {  	[sflag:s22] =	ssyncset.done $0x0  }
0x6e: {  	[sflag:s22] =	ssyncadd.s32 $0xFFFFF060  }
0x6f: {  	_ =	swait.ge [sflag:s22], $0xFA0  }
0x70: {  	[sflag:s22] =	ssyncset.done $0x0  }
0x71: {  	[sflag:s22] =	ssyncadd.s32 $0xFFFFF060  }
0x72: {  	_ =	swait.ge [sflag:s22], $0xFA0  }
0x73: {  	[sflag:s22] =	ssyncset.done $0x0  }
0x74: {  	[sflag:s22] =	ssyncadd.s32 $0xFFFFF060  }
0x75: {  	_ =	swait.ge [sflag:s22], $0xFA0  }
0x76: {  	[sflag:s22] =	ssyncset.done $0x0  }
0x77: {  	[sflag:s22] =	ssyncadd.s32 $0xFFFFF060  }
0x78: {  	_ =	swait.ge [sflag:s22], $0xFA0  }
0x79: {  	[sflag:s22] =	ssyncset.done $0x0  }
0x7a: {  	[sflag:s22] =	ssyncadd.s32 $0xFFFFF060  }
0x7b: {  	_ =	swait.ge [sflag:s22], $0xFA0  }
0x7c: {  	[sflag:s22] =	ssyncset.done $0x0  }
0x7d: {  	[sflag:s22] =	ssyncadd.s32 $0xFFFFF060  }
0x7e: {  	_ =	swait.ge [sflag:s22], $0xFA0  }
0x7f: {  	[sflag:s22] =	ssyncset.done $0x0  }
0x80: {  	[sflag:s22] =	ssyncadd.s32 $0xFFFFF060  }
0x81: {  	_ =	swait.ge [sflag:s22], $0xFA0  }
0x82: {  	[sflag:s22] =	ssyncset.done $0x0  }
0x83: {  	[sflag:s22] =	ssyncadd.s32 $0xFFFFF060  }
0x84: {  	_ =	swait.ge [sflag:s22], $0xFA0  }
0x85: {  	s29 =	rddreg [dreg:$0x3];
	[sflag:s22] =	ssyncset.done $0x0  }
0x86: {  	[sflag:s22] =	ssyncadd.s32 $0xFFFFF060;
	s25 =	sadd.s32 $0x0, s29  }
0x87: {  	[hbm4b:s25+s23] =	stream.strided.scatter [tilespmem:s11], [sflag:$0x2], $0xFA0, s12, s23, $0x38;
	[tilespmem:$0xA640] =	vst v63  }
0x88: {  	_ =	swait.ge [sflag:s8], $0xFA0  }
0x89: {  	[sflag:s8] =	ssyncset.done $0x0  }
0x8a: {  	s30 =	sadd.s32 $0x7D0, s25;
	[sflag:s8] =	ssyncadd.s32 $0xFFFFF060  }
0x8b: {  	[hbm4b:s30+s23] =	stream.strided.scatter [tilespmem:s13], [sflag:$0x2], $0xFA0, s12, s23, $0x38;
	[tilespmem:$0xA640] =	vst v63  }
0x8c: {  	_ =	swait.ge [sflag:s8], $0xFA0  }
0x8d: {  	[sflag:s8] =	ssyncset.done $0x0  }
0x8e: {  	s31 =	sadd.s32 $0xFA0, s25;
	[sflag:s8] =	ssyncadd.s32 $0xFFFFF060  }
0x8f: {  	[hbm4b:s31+s23] =	stream.strided.scatter [tilespmem:s14], [sflag:$0x2], $0xFA0, s12, s23, $0x38;
	[tilespmem:$0xA640] =	vst v63  }
0x90: {  	_ =	swait.ge [sflag:s8], $0xFA0  }
0x91: {  	[sflag:s8] =	ssyncset.done $0x0  }
0x92: {  	s29 =	sadd.s32 $0x1770, s25;
	[sflag:s8] =	ssyncadd.s32 $0xFFFFF060  }
0x93: {  	[hbm4b:s29+s23] =	stream.strided.scatter [tilespmem:s15], [sflag:$0x2], $0xFA0, s12, s23, $0x38;
	[tilespmem:$0xA640] =	vst v63  }
0x94: {  	_ =	swait.ge [sflag:s8], $0xFA0  }
0x95: {  	[sflag:s8] =	ssyncset.done $0x0  }
0x96: {  	s30 =	sadd.s32 $0x1F40, s25;
	[sflag:s8] =	ssyncadd.s32 $0xFFFFF060  }
0x97: {  	[hbm4b:s30+s23] =	stream.strided.scatter [tilespmem:s16], [sflag:$0x2], $0xFA0, s12, s23, $0x38;
	[tilespmem:$0xA640] =	vst v63  }
0x98: {  	_ =	swait.ge [sflag:s8], $0xFA0  }
0x99: {  	[sflag:s8] =	ssyncset.done $0x0  }
0x9a: {  	s31 =	sadd.s32 $0x2710, s25;
	[sflag:s8] =	ssyncadd.s32 $0xFFFFF060  }
0x9b: {  	[hbm4b:s31+s23] =	stream.strided.scatter [tilespmem:s17], [sflag:$0x2], $0xFA0, s12, s23, $0x38;
	[tilespmem:$0xA640] =	vst v63  }
0x9c: {  	_ =	swait.ge [sflag:s8], $0xFA0  }
0x9d: {  	[sflag:s8] =	ssyncset.done $0x0  }
0x9e: {  	s29 =	sadd.s32 $0x2EE0, s25;
	[sflag:s8] =	ssyncadd.s32 $0xFFFFF060  }
0x9f: {  	[hbm4b:s29+s23] =	stream.strided.scatter [tilespmem:s18], [sflag:$0x2], $0xFA0, s12, s23, $0x38;
	[tilespmem:$0xA640] =	vst v63  }
0xa0: {  	_ =	swait.ge [sflag:s8], $0xFA0  }
0xa1: {  	[sflag:s8] =	ssyncset.done $0x0  }
0xa2: {  	s30 =	sadd.s32 $0x36B0, s25;
	[sflag:s8] =	ssyncadd.s32 $0xFFFFF060  }
0xa3: {  	[hbm4b:s30+s23] =	stream.strided.scatter [tilespmem:s19], [sflag:$0x2], $0xFA0, s12, s23, $0x38;
	[tilespmem:$0xA640] =	vst v63  }
0xa4: {  	_ =	swait.ge [sflag:s8], $0xFA0  }
0xa5: {  	[sflag:s8] =	ssyncset.done $0x0  }
0xa6: {  	s31 =	sadd.s32 $0x3E80, s25;
	[sflag:s8] =	ssyncadd.s32 $0xFFFFF060  }
0xa7: {  	[hbm4b:s31+s23] =	stream.strided.scatter [tilespmem:s20], [sflag:$0x2], $0xFA0, s12, s23, $0x38;
	[tilespmem:$0xA640] =	vst v63  }
0xa8: {  	_ =	swait.ge [sflag:s8], $0xFA0  }
0xa9: {  	[sflag:s8] =	ssyncset.done $0x0  }
0xaa: {  	s25 =	sadd.s32 $0x4650, s25;
	[sflag:s8] =	ssyncadd.s32 $0xFFFFF060  }
0xab: {  	[hbm4b:s25+s23] =	stream.strided.scatter [tilespmem:s21], [sflag:$0x2], $0xFA0, s12, s23, $0x38;
	[tilespmem:$0xA640] =	vst v63  }
0xac: {  	s28 =	smov.u32 s7;
	_ =	swait.ge [sflag:s8], $0xFA0  }
0xad: {  	s26 =	smov.u32 s6;
	s25 =	simm.s32 $0x4E20;
	[sflag:s8] =	ssyncset.done $0x0  }
.LBB2_2:
0xae: {  	[sflag:s8] =	ssyncadd.s32 $0xFFFFF060;
	s26 =	sadd.s32 $0xA0, s26  }
0xaf: {  	[tilespmem:s3], [sflag:$0x2] =	stream.linear.gather [hbm4b:s26+s3], $0x500, $0x38;
	[tilespmem:$0xA640] =	vst v63  }
0xb0: {  	_ =	swait.ge [sflag:s8], $0x500  }
0xb1: {  	[sflag:s8] =	ssyncset.done $0x0  }
0xb2: {  	s28 =	sadd.s32 $0xA0, s28;
	[sflag:s8] =	ssyncadd.s32 $0xFFFFFB00  }
0xb3: {  	[tilespmem:s9], [sflag:$0x2] =	stream.linear.gather [hbm4b:s28+s3], $0x500, $0x38;
	[tilespmem:$0xA640] =	vst v63  }
0xb4: {  	_ =	swait.ge [sflag:s8], $0x500  }
0xb5: {  	[sflag:s8] =	ssyncset.done $0x0  }
0xb6: {  	[sflag:s8] =	ssyncadd.s32 $0xFFFFFB00  }
0xb7: {  	[tilespmem:s11], [sflag:$0x1] =	stream.indirect.gather [hbm4b:s2+s10], $0x20, s3, s10, $0xb8;
	[tilespmem:$0xA640] =	vst v63  }
0xb8: {  	_ = 	snop  }
0xb9: {  	[tilespmem:s13], [sflag:$0x1] =	stream.indirect.gather [hbm4b:s2+s10], $0x20, s12, s10, $0xb8;
	[tilespmem:$0xA640] =	vst v63  }
0xba: {  	s30 =	rddreg [dreg:$0x4]  }
0xbb: {  	[tilespmem:s14], [sflag:$0x1] =	stream.indirect.gather [hbm4b:s2+s10], $0x20, s30, s10, $0xb8;
	[tilespmem:$0xA640] =	vst v63  }
0xbc: {  	s31 =	rddreg [dreg:$0x5]  }
0xbd: {  	[tilespmem:s15], [sflag:$0x1] =	stream.indirect.gather [hbm4b:s2+s10], $0x20, s31, s10, $0xb8;
	[tilespmem:$0xA640] =	vst v63  }
0xbe: {  	s30 =	rddreg [dreg:$0x6]  }
0xbf: {  	[tilespmem:s16], [sflag:$0x1] =	stream.indirect.gather [hbm4b:s2+s10], $0x20, s30, s10, $0xb8;
	[tilespmem:$0xA640] =	vst v63  }
0xc0: {  	s31 =	rddreg [dreg:$0x7]  }
0xc1: {  	[tilespmem:s17], [sflag:$0x1] =	stream.indirect.gather [hbm4b:s2+s10], $0x20, s31, s10, $0xb8;
	[tilespmem:$0xA640] =	vst v63  }
0xc2: {  	s30 =	rddreg [dreg:$0x8]  }
0xc3: {  	[tilespmem:s18], [sflag:$0x1] =	stream.indirect.gather [hbm4b:s2+s10], $0x20, s30, s10, $0xb8;
	[tilespmem:$0xA640] =	vst v63  }
0xc4: {  	s31 =	rddreg [dreg:$0x9]  }
0xc5: {  	[tilespmem:s19], [sflag:$0x1] =	stream.indirect.gather [hbm4b:s2+s10], $0x20, s31, s10, $0xb8;
	[tilespmem:$0xA640] =	vst v63  }
0xc6: {  	s30 =	rddreg [dreg:$0xa]  }
0xc7: {  	[tilespmem:s20], [sflag:$0x1] =	stream.indirect.gather [hbm4b:s2+s10], $0x20, s30, s10, $0xb8;
	[tilespmem:$0xA640] =	vst v63  }
0xc8: {  	s31 =	rddreg [dreg:$0xb]  }
0xc9: {  	[tilespmem:s21], [sflag:$0x1] =	stream.indirect.gather [hbm4b:s2+s10], $0x20, s31, s10, $0xb8;
	[tilespmem:$0xA640] =	vst v63  }
0xca: {  	_ =	swait.ge [sflag:s22], $0xFA0  }
0xcb: {  	[sflag:s22] =	ssyncset.done $0x0  }
0xcc: {  	[sflag:s22] =	ssyncadd.s32 $0xFFFFF060  }
0xcd: {  	_ =	swait.ge [sflag:s22], $0xFA0  }
0xce: {  	[sflag:s22] =	ssyncset.done $0x0  }
0xcf: {  	[sflag:s22] =	ssyncadd.s32 $0xFFFFF060  }
0xd0: {  	_ =	swait.ge [sflag:s22], $0xFA0  }
0xd1: {  	[sflag:s22] =	ssyncset.done $0x0  }
0xd2: {  	[sflag:s22] =	ssyncadd.s32 $0xFFFFF060  }
0xd3: {  	_ =	swait.ge [sflag:s22], $0xFA0  }
0xd4: {  	[sflag:s22] =	ssyncset.done $0x0  }
0xd5: {  	[sflag:s22] =	ssyncadd.s32 $0xFFFFF060  }
0xd6: {  	_ =	swait.ge [sflag:s22], $0xFA0  }
0xd7: {  	[sflag:s22] =	ssyncset.done $0x0  }
0xd8: {  	[sflag:s22] =	ssyncadd.s32 $0xFFFFF060  }
0xd9: {  	_ =	swait.ge [sflag:s22], $0xFA0  }
0xda: {  	[sflag:s22] =	ssyncset.done $0x0  }
0xdb: {  	[sflag:s22] =	ssyncadd.s32 $0xFFFFF060  }
0xdc: {  	_ =	swait.ge [sflag:s22], $0xFA0  }
0xdd: {  	[sflag:s22] =	ssyncset.done $0x0  }
0xde: {  	[sflag:s22] =	ssyncadd.s32 $0xFFFFF060  }
0xdf: {  	_ =	swait.ge [sflag:s22], $0xFA0  }
0xe0: {  	[sflag:s22] =	ssyncset.done $0x0  }
0xe1: {  	[sflag:s22] =	ssyncadd.s32 $0xFFFFF060  }
0xe2: {  	_ =	swait.ge [sflag:s22], $0xFA0  }
0xe3: {  	[sflag:s22] =	ssyncset.done $0x0  }
0xe4: {  	[sflag:s22] =	ssyncadd.s32 $0xFFFFF060  }
0xe5: {  	_ =	swait.ge [sflag:s22], $0xFA0  }
0xe6: {  	[sflag:s22] =	ssyncset.done $0x0  }
0xe7: {  	[sflag:s22] =	ssyncadd.s32 $0xFFFFF060  }
0xe8: {  	[tilespmem:s11], [sflag:$0x1] =	stream.indirect.gather.add.f32 [hbm:s4], $0x20, s9, s10, $0xb8;
	[tilespmem:$0xA640] =	vst v63  }
0xe9: {  	s30 =	rddreg [dreg:$0xc]  }
0xea: {  	[tilespmem:s13], [sflag:$0x1] =	stream.indirect.gather.add.f32 [hbm:s4], $0x20, s30, s10, $0xb8;
	[tilespmem:$0xA640] =	vst v63  }
0xeb: {  	s31 =	rddreg [dreg:$0xd]  }
0xec: {  	[tilespmem:s14], [sflag:$0x1] =	stream.indirect.gather.add.f32 [hbm:s4], $0x20, s31, s10, $0xb8;
	[tilespmem:$0xA640] =	vst v63  }
0xed: {  	s30 =	rddreg [dreg:$0xe]  }
0xee: {  	[tilespmem:s15], [sflag:$0x1] =	stream.indirect.gather.add.f32 [hbm:s4], $0x20, s30, s10, $0xb8;
	[tilespmem:$0xA640] =	vst v63  }
0xef: {  	s31 =	rddreg [dreg:$0xf]  }
0xf0: {  	[tilespmem:s16], [sflag:$0x1] =	stream.indirect.gather.add.f32 [hbm:s4], $0x20, s31, s10, $0xb8;
	[tilespmem:$0xA640] =	vst v63  }
0xf1: {  	s30 =	rddreg [dreg:$0x10]  }
0xf2: {  	[tilespmem:s17], [sflag:$0x1] =	stream.indirect.gather.add.f32 [hbm:s4], $0x20, s30, s10, $0xb8;
	[tilespmem:$0xA640] =	vst v63  }
0xf3: {  	s31 =	rddreg [dreg:$0x11]  }
0xf4: {  	[tilespmem:s18], [sflag:$0x1] =	stream.indirect.gather.add.f32 [hbm:s4], $0x20, s31, s10, $0xb8;
	[tilespmem:$0xA640] =	vst v63  }
0xf5: {  	s30 =	rddreg [dreg:$0x12]  }
0xf6: {  	[tilespmem:s19], [sflag:$0x1] =	stream.indirect.gather.add.f32 [hbm:s4], $0x20, s30, s10, $0xb8;
	[tilespmem:$0xA640] =	vst v63  }
0xf7: {  	s31 =	rddreg [dreg:$0x13]  }
0xf8: {  	[tilespmem:s20], [sflag:$0x1] =	stream.indirect.gather.add.f32 [hbm:s4], $0x20, s31, s10, $0xb8;
	[tilespmem:$0xA640] =	vst v63  }
0xf9: {  	s30 =	rddreg [dreg:$0x14]  }
0xfa: {  	[tilespmem:s21], [sflag:$0x1] =	stream.indirect.gather.add.f32 [hbm:s4], $0x20, s30, s10, $0xb8;
	[tilespmem:$0xA640] =	vst v63  }
0xfb: {  	_ =	swait.ge [sflag:s22], $0xFA0  }
0xfc: {  	[sflag:s22] =	ssyncset.done $0x0  }
0xfd: {  	[sflag:s22] =	ssyncadd.s32 $0xFFFFF060  }
0xfe: {  	_ =	swait.ge [sflag:s22], $0xFA0  }
0xff: {  	[sflag:s22] =	ssyncset.done $0x0  }
0x100: {  	[sflag:s22] =	ssyncadd.s32 $0xFFFFF060  }
0x101: {  	_ =	swait.ge [sflag:s22], $0xFA0  }
0x102: {  	[sflag:s22] =	ssyncset.done $0x0  }
0x103: {  	[sflag:s22] =	ssyncadd.s32 $0xFFFFF060  }
0x104: {  	_ =	swait.ge [sflag:s22], $0xFA0  }
0x105: {  	[sflag:s22] =	ssyncset.done $0x0  }
0x106: {  	[sflag:s22] =	ssyncadd.s32 $0xFFFFF060  }
0x107: {  	_ =	swait.ge [sflag:s22], $0xFA0  }
0x108: {  	[sflag:s22] =	ssyncset.done $0x0  }
0x109: {  	[sflag:s22] =	ssyncadd.s32 $0xFFFFF060  }
0x10a: {  	_ =	swait.ge [sflag:s22], $0xFA0  }
0x10b: {  	[sflag:s22] =	ssyncset.done $0x0  }
0x10c: {  	[sflag:s22] =	ssyncadd.s32 $0xFFFFF060  }
0x10d: {  	_ =	swait.ge [sflag:s22], $0xFA0  }
0x10e: {  	[sflag:s22] =	ssyncset.done $0x0  }
0x10f: {  	[sflag:s22] =	ssyncadd.s32 $0xFFFFF060  }
0x110: {  	_ =	swait.ge [sflag:s22], $0xFA0  }
0x111: {  	[sflag:s22] =	ssyncset.done $0x0  }
0x112: {  	[sflag:s22] =	ssyncadd.s32 $0xFFFFF060  }
0x113: {  	_ =	swait.ge [sflag:s22], $0xFA0  }
0x114: {  	[sflag:s22] =	ssyncset.done $0x0  }
0x115: {  	[sflag:s22] =	ssyncadd.s32 $0xFFFFF060  }
0x116: {  	_ =	swait.ge [sflag:s22], $0xFA0  }
0x117: {  	s29 =	smov.u32 s25;
	s31 =	rddreg [dreg:$0x3];
	[sflag:s22] =	ssyncset.done $0x0  }
0x118: {  	[sflag:s22] =	ssyncadd.s32 $0xFFFFF060;
	s29 =	sadd.s32 s29, s31  }
0x119: {  	[hbm4b:s29+s23] =	stream.strided.scatter [tilespmem:s11], [sflag:$0x2], $0xFA0, s12, s23, $0x38;
	[tilespmem:$0xA640] =	vst v63  }
0x11a: {  	_ =	swait.ge [sflag:s8], $0xFA0  }
0x11b: {  	[sflag:s8] =	ssyncset.done $0x0  }
0x11c: {  	s30 =	sadd.s32 $0x7D0, s29;
	[sflag:s8] =	ssyncadd.s32 $0xFFFFF060  }
0x11d: {  	[hbm4b:s30+s23] =	stream.strided.scatter [tilespmem:s13], [sflag:$0x2], $0xFA0, s12, s23, $0x38;
	[tilespmem:$0xA640] =	vst v63  }
0x11e: {  	_ =	swait.ge [sflag:s8], $0xFA0  }
0x11f: {  	[sflag:s8] =	ssyncset.done $0x0  }
0x120: {  	s31 =	sadd.s32 $0xFA0, s29;
	[sflag:s8] =	ssyncadd.s32 $0xFFFFF060  }
0x121: {  	[hbm4b:s31+s23] =	stream.strided.scatter [tilespmem:s14], [sflag:$0x2], $0xFA0, s12, s23, $0x38;
	[tilespmem:$0xA640] =	vst v63  }
0x122: {  	_ =	swait.ge [sflag:s8], $0xFA0  }
0x123: {  	[sflag:s8] =	ssyncset.done $0x0  }
0x124: {  	s31 =	sadd.s32 $0x1770, s29;
	[sflag:s8] =	ssyncadd.s32 $0xFFFFF060  }
0x125: {  	[hbm4b:s31+s23] =	stream.strided.scatter [tilespmem:s15], [sflag:$0x2], $0xFA0, s12, s23, $0x38;
	[tilespmem:$0xA640] =	vst v63  }
0x126: {  	_ =	swait.ge [sflag:s8], $0xFA0  }
0x127: {  	[sflag:s8] =	ssyncset.done $0x0  }
0x128: {  	s31 =	sadd.s32 $0x1F40, s29;
	[sflag:s8] =	ssyncadd.s32 $0xFFFFF060  }
0x129: {  	[hbm4b:s31+s23] =	stream.strided.scatter [tilespmem:s16], [sflag:$0x2], $0xFA0, s12, s23, $0x38;
	[tilespmem:$0xA640] =	vst v63  }
0x12a: {  	_ =	swait.ge [sflag:s8], $0xFA0  }
0x12b: {  	[sflag:s8] =	ssyncset.done $0x0  }
0x12c: {  	s31 =	sadd.s32 $0x2710, s29;
	[sflag:s8] =	ssyncadd.s32 $0xFFFFF060  }
0x12d: {  	[hbm4b:s31+s23] =	stream.strided.scatter [tilespmem:s17], [sflag:$0x2], $0xFA0, s12, s23, $0x38;
	[tilespmem:$0xA640] =	vst v63  }
0x12e: {  	_ =	swait.ge [sflag:s8], $0xFA0  }
0x12f: {  	[sflag:s8] =	ssyncset.done $0x0  }
0x130: {  	s31 =	sadd.s32 $0x2EE0, s29;
	[sflag:s8] =	ssyncadd.s32 $0xFFFFF060  }
0x131: {  	[hbm4b:s31+s23] =	stream.strided.scatter [tilespmem:s18], [sflag:$0x2], $0xFA0, s12, s23, $0x38;
	[tilespmem:$0xA640] =	vst v63  }
0x132: {  	_ =	swait.ge [sflag:s8], $0xFA0  }
0x133: {  	[sflag:s8] =	ssyncset.done $0x0  }
0x134: {  	s31 =	sadd.s32 $0x36B0, s29;
	[sflag:s8] =	ssyncadd.s32 $0xFFFFF060  }
0x135: {  	[hbm4b:s31+s23] =	stream.strided.scatter [tilespmem:s19], [sflag:$0x2], $0xFA0, s12, s23, $0x38;
	[tilespmem:$0xA640] =	vst v63  }
0x136: {  	_ =	swait.ge [sflag:s8], $0xFA0  }
0x137: {  	[sflag:s8] =	ssyncset.done $0x0  }
0x138: {  	s31 =	sadd.s32 $0x3E80, s29;
	[sflag:s8] =	ssyncadd.s32 $0xFFFFF060  }
0x139: {  	[hbm4b:s31+s23] =	stream.strided.scatter [tilespmem:s20], [sflag:$0x2], $0xFA0, s12, s23, $0x38;
	[tilespmem:$0xA640] =	vst v63  }
0x13a: {  	p0 =	sne.s32 s25, $0x222E0;
	_ =	swait.ge [sflag:s8], $0xFA0  }
.Ltmp0:
0x13b: {  	[sflag:s8] =	ssyncset.done $0x0;
	(pc) =	sbr.rel @p0 .LBB2_2-.Ltmp0, $4  }
0x13c: {  	s29 =	sadd.s32 $0x4650, s29;
	[sflag:s8] =	ssyncadd.s32 $0xFFFFF060  }
0x13d: {  	[hbm4b:s29+s23] =	stream.strided.scatter [tilespmem:s21], [sflag:$0x2], $0xFA0, s12, s23, $0x38;
	[tilespmem:$0xA640] =	vst v63  }
0x13e: {  	_ =	swait.ge [sflag:s8], $0xFA0  }
0x13f: {  	s25 =	sadd.s32 $0x4E20, s25;
	[sflag:s8] =	ssyncset.done $0x0  }
0x140: {  	s24 =	sadd.s32 $0x1, s24  }
0x141: {  	p0 =	sne.s32 s24, s5  }
.Ltmp1:
0x142: {  	_ = 	snop;
	(pc) =	sbr.rel @p0 .LBB2_1-.Ltmp1, $2  }
0x143: {  	_ =	sdelay $0x2  }
0x144: {  	[sflag:s8] =	ssyncadd.s32 $0xFFFFF060  }
0x145: {  	_ =	sfence.sel $0x180000  }
0x146: {  	[bflag:$0x0] =	sbarrier.arrive $0xFFFF  }
0x147: {  	p0 =	sne.s32 s0, $0x0;
	_ =	strace $0x90000050  }
0x148: {  	s0 =	sadd.s32 @!p0 $0x100000, s1;
	[bflag:$0x2] =	sbarrier.arrive $0xFFFF  }
0x149: {  	[sflag:s0] =	ssyncadd.tile.s32 @!p0 $0x1;
	_ =	shalt  }
.Lfunc_end2:
_tile_overlayer_lowered:
.L_overlay_start_2:
0x14a: {  	(tag) =	ssettag $0x2  }
0x14b: {  	s0 =	rddreg [dreg:$0x0];
	s2 =	stileid.u32  }
0x14c: {  	s1 =	rddreg [dreg:$0x1];
	p0 =	sne.s32 s2, $0x0  }
0x14d: {  	s3 =	rddreg [dreg:$0x2];
	[bflag:$0x3] =	sbarrier.arrive $0xFFFF;
	s2 =	simm.s32 @!p0 $0x1C02  }
0x14e: {  	[timem:s3], [sflag:s2] =	dma.local @!p0 [hbm:s0], s1  }
0x14f: {  	s0 =	simm.s32 @!p0 $0x2  }
0x150: {  	_ =	swait.ge @!p0 [sflag:s0], s1  }
0x151: {  	s1 =	ssub.s32 @!p0 $0x0, s1;
	[sflag:s0] =	ssyncset.done @!p0 $0x0  }
0x152: {  	[sflag:s0] =	ssyncadd.s32 @!p0 s1  }
0x153: {  	[bflag:$0x3] =	sbarrier.arrive $0xFFFF  }
0x154: {  	_ =	shalt  }

// kernel: kernel.29.cloned.1.call-start
scs
__scs_entry_jumppad:
0x0: {  	(pc) =	sbr.rel $0x88, $3  }
0x1: {  	(tag) =	ssettag $0x0;
	lr =	simm.s32 $0x1  }
0x2: {  	[smem:$0x3F93] =	sst lr;
	_ =	strace $0xD0000000  }
0x3: {  	_ = 	snop  }
0x4: {  	_ = 	snop  }
0x5: {  	_ = 	snop  }
0x6: {  	_ = 	snop  }
0x7: {  	_ = 	snop  }
__scs_overlays_trampoline_lowered:
0x8: {  	[smem:$0x3FA2] =	sst s0  }
0x9: {  	[smem:$0x3FA3] =	sst s1  }
0xa: {  	[smem:$0x3FA4] =	sst s2  }
0xb: {  	[smem:$0x3FA5] =	sst s3  }
0xc: {  	[smem:$0x3FA6] =	sst s4  }
0xd: {  	[smem:$0x3FA7] =	sst s5  }
0xe: {  	[smem:$0x3FA8] =	sst s6  }
0xf: {  	[smem:$0x3FA9] =	sst s7  }
0x10: {  	[smem:$0x3FAA] =	sst s8  }
0x11: {  	[smem:$0x3FAB] =	sst s9;
	s0 =	simm.s32 @!p0 $0x0  }
0x12: {  	s1 =	sld [smem:$0x3F91];
	s0 =	simm.s32 @p0 $0x1  }
0x13: {  	[smem:$0x3FAC] =	sst s0;
	s0 =	simm.s32 @!p1 $0x0  }
0x14: {  	s2 =	sld [smem:$0x3F90];
	s0 =	simm.s32 @p1 $0x1  }
0x15: {  	[smem:$0x3FAD] =	sst s0;
	s0 =	simm.s32 @!p2 $0x0  }
0x16: {  	s3 =	sld [smem:$0x3FDB];
	s0 =	simm.s32 @p2 $0x1  }
0x17: {  	s4 =	simm.s32 $0x1BF5;
	[smem:$0x3FAF] =	sst s0  }
0x18: {  	s0 =	sld [smem:$0x3F92];
	_ =	swait.ge [sflag:s4], $0x0  }
0x19: {  	s7 =	sld [smem:$0x3F93]  }
0x1a: {  	s8 =	sadd.s32 $0xFFFFE003, lr  }
0x1b: {  	s9 =	sadd.s32 $0xFFFFFEF7, lr;
	s5 =	simm.s32 $0xFFFFFFFF;
	p2 =	slt.u32 s8, $0xFFFFF086  }
0x1c: {  	p1 =	slt.u32 s9, $0xF7A;
	s5 =	simm.s32 @!p2 $0x0  }
0x1d: {  	s5 =	simm.s32 @p1 $0x1;
	p0 =	seq.s32 s7, s2  }
0x1e: {  	s7 =	smul.u32 @!p0 $0xF7A, s2;
	p2 =	seq.s32 @!p0 s5, $0x0  }
0x1f: {  	s9 =	smul.u32 $0xF7A, s1;
	s8 =	simm.s32 @!p0 $0x1BF5;
	p2 =	por !p2, p0  }
0x20: {  	[sflag:s8] =	ssyncset.s32 @!p0 $0xFFFFF086;
	s6 =	sadd.s32 @!p0 s3, s7;
	s7 =	simm.s32 @!p0 $0x108  }
0x21: {  	s3 =	sadd.s32 s3, s9;
	s6 =	sadd.s32 @!p0 $0x88, s6;
	s7 =	simm.s32 @p2 $0x1082  }
0x22: {  	[simem:s7], [sflag:s8] =	dma.local @!p0 [hbm:s6], $0xF7A  }
0x23: {  	s9 =	sor.u32 $0xD0000000, s2;
	s6 =	simm.s32 $0x108;
	_ =	swait.ge @!p0 [sflag:s8], $0x0  }
0x24: {  	s3 =	sadd.s32 $0x88, s3;
	s6 =	simm.s32 @!p1 $0x1082;
	[sflag:s4] =	ssyncset.s32 $0xFFFFF086  }
0x25: {  	[simem:s6], [sflag:s4] =	dma.local [hbm:s3], $0xF7A  }
0x26: {  	[smem:$0x3F93] =	sst s1;
	(tag) =	ssettag s2;
	_ =	strace s9  }
0x27: {  	s1 =	sld [smem:$0x3FA3]  }
0x28: {  	s2 =	sld [smem:$0x3FA4]  }
0x29: {  	s4 =	sld [smem:$0x3FA6]  }
0x2a: {  	p0 =	seq.s32 s5, $0x0;
	s5 =	sld [smem:$0x3FA7]  }
0x2b: {  	s6 =	sld [smem:$0x3FA8]  }
0x2c: {  	s7 =	sld [smem:$0x3FA9]  }
0x2d: {  	s3 =	simm.s32 $0x108;
	s8 =	sld [smem:$0x3FAA]  }
0x2e: {  	s3 =	simm.s32 @!p0 $0x1082;
	s9 =	sld [smem:$0x3FAB]  }
0x2f: {  	lr =	sadd.s32 s0, s3;
	s0 =	sld [smem:$0x3FA2]  }
0x30: {  	s3 =	sld [smem:$0x3FA5]  }
0x31: {  	[smem:$0x3FAE] =	sst s10  }
0x32: {  	s10 =	sld [smem:$0x3FAC];
	_ =	sdelay $0x3  }
0x33: {  	p0 =	seq.s32 s10, $0x1;
	s10 =	sld [smem:$0x3FAE];
	_ =	sdelay $0x3  }
0x34: {  	[smem:$0x3FAE] =	sst s10  }
0x35: {  	s10 =	sld [smem:$0x3FAD];
	_ =	sdelay $0x3  }
0x36: {  	p1 =	seq.s32 s10, $0x1;
	s10 =	sld [smem:$0x3FAE];
	_ =	sdelay $0x3  }
0x37: {  	[smem:$0x3FAE] =	sst s10  }
0x38: {  	s10 =	sld [smem:$0x3FAF]  }
0x39: {  	_ = 	snop;
	(pc) =	sbr.ind lr, $3  }
0x3a: {  	_ = 	snop  }
0x3b: {  	_ = 	snop  }
0x3c: {  	p2 =	seq.s32 s10, $0x1;
	s10 =	sld [smem:$0x3FAE]  }
0x3d: {  	_ =	shalt  }
0x3e: {  	_ =	shalt  }
0x3f: {  	_ =	shalt  }
0x40: {  	_ =	shalt  }
0x41: {  	_ =	shalt  }
0x42: {  	_ =	shalt  }
0x43: {  	_ =	shalt  }
0x44: {  	_ =	shalt  }
0x45: {  	_ =	shalt  }
0x46: {  	_ =	shalt  }
0x47: {  	_ =	shalt  }
0x48: {  	_ =	shalt  }
0x49: {  	_ =	shalt  }
0x4a: {  	_ =	shalt  }
0x4b: {  	_ =	shalt  }
0x4c: {  	_ =	shalt  }
0x4d: {  	_ =	shalt  }
0x4e: {  	_ =	shalt  }
0x4f: {  	_ =	shalt  }
0x50: {  	_ =	shalt  }
0x51: {  	_ =	shalt  }
0x52: {  	_ =	shalt  }
0x53: {  	_ =	shalt  }
0x54: {  	_ =	shalt  }
0x55: {  	_ =	shalt  }
0x56: {  	_ =	shalt  }
0x57: {  	_ =	shalt  }
0x58: {  	_ =	shalt  }
0x59: {  	_ =	shalt  }
0x5a: {  	_ =	shalt  }
0x5b: {  	_ =	shalt  }
0x5c: {  	_ =	shalt  }
0x5d: {  	_ =	shalt  }
0x5e: {  	_ =	shalt  }
0x5f: {  	_ =	shalt  }
0x60: {  	_ =	shalt  }
0x61: {  	_ =	shalt  }
0x62: {  	_ =	shalt  }
0x63: {  	_ =	shalt  }
0x64: {  	_ =	shalt  }
0x65: {  	_ =	shalt  }
0x66: {  	_ =	shalt  }
0x67: {  	_ =	shalt  }
0x68: {  	_ =	shalt  }
0x69: {  	_ =	shalt  }
0x6a: {  	_ =	shalt  }
0x6b: {  	_ =	shalt  }
0x6c: {  	_ =	shalt  }
0x6d: {  	_ =	shalt  }
0x6e: {  	_ =	shalt  }
0x6f: {  	_ =	shalt  }
0x70: {  	_ =	shalt  }
0x71: {  	_ =	shalt  }
0x72: {  	_ =	shalt  }
0x73: {  	_ =	shalt  }
0x74: {  	_ =	shalt  }
0x75: {  	_ =	shalt  }
0x76: {  	_ =	shalt  }
0x77: {  	_ =	shalt  }
0x78: {  	_ =	shalt  }
0x79: {  	_ =	shalt  }
0x7a: {  	_ =	shalt  }
0x7b: {  	_ =	shalt  }
0x7c: {  	_ =	shalt  }
0x7d: {  	_ =	shalt  }
0x7e: {  	_ =	shalt  }
0x7f: {  	_ =	shalt  }
0x80: {  	_ =	shalt  }
0x81: {  	_ =	shalt  }
0x82: {  	_ =	shalt  }
0x83: {  	_ =	shalt  }
0x84: {  	_ =	shalt  }
0x85: {  	_ =	shalt  }
0x86: {  	_ =	shalt  }
0x87: {  	_ =	shalt  }
.Lfunc_end0:
.L_simem_size_0:
called_computation.5_lowered:
.L_overlay_start_0:
0x88: {  	s2 =	sld [smem:$0x3FD9]  }
0x89: {  	s3 =	sld [smem:$0x3FFE];
	_ =	sdelay $0x1  }
0x8a: {  	s1 =	srdreg.scid  }
0x8b: {  	s0 =	sand.u32 $0x1, s1  }
0x8c: {  	s15 =	sshll.u32 s0, $0xA;
	s2 =	sadd.s32 s3, s2  }
0x8d: {  	s2 =	sadd.s32 s2, s15  }
0x8e: {  	[smem:$0x3FBA] =	sst s2  }
0x8f: {  	_ = 	snop  }
0x90: {  	s2 =	sld [smem:$0x3FD0];
	_ =	sdelay $0x2  }
0x91: {  	s4 =	simm.s32 $0xE;
	s16 =	simm.s32 $0x10  }
0x92: {  	[smem:s16], [sflag:s4] =	dma.local [hbm:s2], $0x1  }
0x93: {  	_ =	swait.eq [sflag:s4], $0x1  }
0x94: {  	[sflag:s4] =	ssyncset.done $0x0  }
0x95: {  	s17 =	sld [smem:$0x10];
	[sflag:s4] =	ssyncadd.s32 $0xFFFFFFFF  }
0x96: {  	s18 =	sld [smem:$0x11];
	(tm) =	ssettm $0x1  }
0x97: {  	s19 =	sld [smem:$0x3FFB];
	_ =	sdelay $0x3  }
0x98: {  	_ =	strace s19  }
0x99: {  	s2 =	sld [smem:$0x3FFC];
	_ =	sdelay $0x3  }
0x9a: {  	_ =	strace s2  }
0x9b: {  	s2 =	sld [smem:$0x3FFD];
	_ =	sdelay $0x3  }
0x9c: {  	_ =	strace s2  }
0x9d: {  	_ =	strace $0x8FFFFFFF  }
0x9e: {  	s20 =	sld [smem:$0x3FDB];
	_ =	sdelay $0x1  }
0x9f: {  	s5 =	simm.s32 $_scs_section_size  }
0xa0: {  	s6 =	simm.s32 $_size__tile_overlayer_lowered;
	s7 =	simm.s32 $_tile_overlayer_lowered  }
0xa1: {  	s8 =	simm.s32 $0x1BFF;
	s21 =	sshll.u32 s7, $0x1;
	s5 =	sadd.s32 s5, s20  }
0xa2: {  	s22 =	simm.s32 $0x0;
	s6 =	sshll.u32 s6, $0x1;
	s7 =	sadd.s32 s21, s5  }
0xa3: {  	[timem:s22], [sflag:s8] =	dma.local [hbm:s7], s6  }
0xa4: {  	_ =	swait.ge [sflag:s8], s6  }
0xa5: {  	s6 =	ssub.s32 $0x0, s6;
	[sflag:s8] =	ssyncset.done $0x0  }
0xa6: {  	[sflag:s8] =	ssyncadd.s32 s6;
	_ =	sdelay $0x1  }
0xa7: {  	s23 =	simm.s32 $0x1B8B  }
0xa8: {  	_ =	swait.ge [sflag:s23], $0x1  }
0xa9: {  	[sflag:s23] =	ssyncset.done $0x0  }
0xaa: {  	[sflag:s23] =	ssyncadd.s32 $0xFFFFFFFF  }
0xab: {  	s6 =	sld [smem:$0x0]  }
0xac: {  	s7 =	sand.u32 $0xFFFFFFFE, s1  }
0xad: {  	p0 =	sne.s32 s1, s7  }
0xae: {  	s7 =	sshll.u32 @p0 s7, $0xE  }
0xaf: {  	s7 =	sadd.s32 @p0 $0x11B8D, s7;
	s8 =	sshll.u32 @p0 s6, $0x11  }
0xb0: {  	s7 =	sor.u32 @p0 s8, s7  }
0xb1: {  	[sflag:s7] =	ssyncadd.remote.s32 @p0 $0x1;
	_ =	sdelay $0x1  }
0xb2: {  	s7 =	simm.s32 @p0 $0x1B8D  }
0xb3: {  	_ =	swait.eq @p0 [sflag:s7], $0x1  }
0xb4: {  	[sflag:s7] =	ssyncadd.s32 @p0 $0xFFFFFFFF  }
0xb5: {  	s8 =	sshll.u32 @!p0 s1, $0xE  }
0xb6: {  	s8 =	sor.u32 @!p0 $0x4000, s8;
	s7 =	simm.s32 @!p0 $0x1B8D  }
0xb7: {  	s6 =	sshll.u32 @!p0 s6, $0x11;
	s8 =	sadd.s32 @!p0 $0x11B8D, s8;
	_ =	swait.eq @!p0 [sflag:s7], $0x1  }
0xb8: {  	s6 =	sor.u32 @!p0 s6, s8;
	[sflag:s7] =	ssyncadd.s32 @!p0 $0xFFFFFFFF  }
0xb9: {  	s25 =	simm.s32 $0x1B8E;
	s24 =	sld [smem:$0x3FFE];
	[sflag:s6] =	ssyncadd.remote.s32 @!p0 $0x1  }
0xba: {  	s26 =	simm.s32 $execute0_lowered;
	[smem:$0x3FD2] =	sst s25  }
0xbb: {  	s7 =	sshll.u32 s26, $0x1;
	_ =	strace $0x80000052;
	[dreg:$0x1] =	wrdreg $0xFFFFFFFF  }
0xbc: {  	s28 =	simm.s32 $_size_execute0_lowered;
	s5 =	sadd.s32 s5, s7;
	[dreg:$0x0] =	wrdreg $0x0  }
0xbd: {  	s7 =	sshll.u32 s28, $0x1;
	[dreg:$0x2] =	wrdreg s5  }
0xbe: {  	[dreg:$0x3] =	wrdreg s7  }
0xbf: {  	[dreg:$0x4] =	wrdreg $0xC0  }
0xc0: {  	_ =	task [dreg:s22], $0x5FFFF  }
0xc1: {  	[dreg:$0x1] =	wrdreg $0xFFFFFFFF  }
0xc2: {  	[dreg:$0x0] =	wrdreg $0x60  }
0xc3: {  	[dreg:$0x2] =	wrdreg s18  }
0xc4: {  	[dreg:$0x3] =	wrdreg s24  }
0xc5: {  	[dreg:$0x4] =	wrdreg s17  }
0xc6: {  	[dreg:$0x5] =	wrdreg $0xD  }
0xc7: {  	_ =	task.clear_ibuf [dreg:s22], $0x6FFFF;
	_ =	strace $0x90000052  }
0xc8: {  	s29 =	simm.s32 $0xD;
	_ =	strace $0x80000054  }
0xc9: {  	_ =	swait.ge [sflag:s29], $0x1  }
0xca: {  	[sflag:s29] =	ssyncadd.s32 $0xFFFFFFFF  }
0xcb: {  	_ =	strace $0x90000054  }
0xcc: {  	_ =	sfence  }
0xcd: {  	s30 =	sld [smem:$0x0];
	_ =	sdelay $0x2  }
0xce: {  	s31 =	sshll.u32 s1, $0xD;
	s1 =	sshrl.u32 s1, $0x2  }
0xcf: {  	s4 =	sand.u32 $0x4000, s31;
	s1 =	sadd.s32 s1, s30  }
0xd0: {  	s0 =	sor.u32 s4, s0;
	s1 =	sshll.u32 s1, $0x11  }
0xd1: {  	s0 =	sor.u32 s1, s0  }
0xd2: {  	s0 =	sadd.s32 $0x8F2B, s0  }
0xd3: {  	[sflag:s0] =	ssyncadd.remote.s32 $0x1  }
0xd4: {  	_ =	sfence.sel $0xFFFF  }
0xd5: {  	[dreg:$0x0] =	wrdreg $0xFFFFFFFF;
	(pc) =	sbr.abs _section_cstart, $3  }
0xd6: {  	[dreg:$0x1] =	wrdreg $0xFFFFFFFF  }
0xd7: {  	_ =	task.clear_ibuf [dreg:s22], $0x2FFFF;
	_ =	strace $0x9FFFFFFF  }
0xd8: {  	(tm) =	ssettm $0x7FFFFFFF  }
0xd9: {  	_ =	shalt  }
tec
execute0_lowered:
.L_overlay_start_1:
0x0: {  	(tag) =	ssettag $0x1  }
0x1: {  	s1 =	rddreg [dreg:$0x0]  }
0x2: {  	s6 =	rddreg [dreg:$0x1]  }
0x3: {  	s5 =	rddreg [dreg:$0x2]  }
0x4: {  	s0 =	rddreg [dreg:$0x3]  }
0x5: {  	s4 =	srdreg.scid;
	s2 =	stileid.u32  }
0x6: {  	s3 =	simm.s32 $0x0;
	s26 =	simm.s32 $0x100;
	s28 =	simm.s32 $0x180  }
0x7: {  	s29 =	simm.s32 $0x200;
	s30 =	simm.s32 $0x280;
	[smem:$0x7FF] =	sst s3  }
0x8: {  	s12 =	simm.s32 $0x300;
	_ =	strace $0x80000053;
	[dreg:$0x5] =	wrdreg s26  }
0x9: {  	s13 =	simm.s32 $0x380;
	s14 =	simm.s32 $0x400;
	[dreg:$0x6] =	wrdreg s28  }
0xa: {  	s15 =	simm.s32 $0x480;
	s16 =	simm.s32 $0x580;
	[dreg:$0x7] =	wrdreg s29  }
0xb: {  	s17 =	simm.s32 $0x600;
	s18 =	simm.s32 $0x680;
	[dreg:$0x8] =	wrdreg s30  }
0xc: {  	s19 =	simm.s32 $0x700;
	s20 =	simm.s32 $0x780;
	[dreg:$0x9] =	wrdreg s12  }
0xd: {  	s21 =	simm.s32 $0x800;
	s22 =	simm.s32 $0x880;
	[dreg:$0xa] =	wrdreg s13  }
0xe: {  	s23 =	simm.s32 $0x900;
	s31 =	simm.s32 $0x980;
	[dreg:$0xb] =	wrdreg s14  }
0xf: {  	s24 =	simm.s32 $0x0;
	s4 =	sand.u32 $0x1, s4;
	[dreg:$0xc] =	wrdreg s15  }
0x10: {  	s7 =	sshll.u32 s2, $0x1;
	s8 =	smul.u32 $0xA0, s2;
	[dreg:$0xd] =	wrdreg s16  }
0x11: {  	s25 =	sand.u32 $0xC, s2;
	s7 =	sor.u32 s4, s7;
	[dreg:$0xe] =	wrdreg s17  }
0x12: {  	s9 =	ssub.s32 $0x2, s4;
	s10 =	smul.u32 $0x50, s4;
	[dreg:$0xf] =	wrdreg s18  }
0x13: {  	s4 =	sadd.s32 $0x9A00, s6;
	s12 =	simm.s32 $0x80;
	[dreg:$0x10] =	wrdreg s19  }
0x14: {  	s13 =	simm.s32 $0x19A0;
	s14 =	simm.s32 $0x2940;
	[dreg:$0x11] =	wrdreg s20  }
0x15: {  	s15 =	simm.s32 $0x38E0;
	s16 =	simm.s32 $0x4880;
	[dreg:$0x12] =	wrdreg s21  }
0x16: {  	s17 =	simm.s32 $0x5820;
	s18 =	simm.s32 $0x67C0;
	[dreg:$0x13] =	wrdreg s22  }
0x17: {  	s19 =	simm.s32 $0x7760;
	s20 =	simm.s32 $0x8700;
	[dreg:$0x14] =	wrdreg s23  }
0x18: {  	s21 =	simm.s32 $0x96A0;
	s22 =	simm.s32 $0x1;
	[dreg:$0x15] =	wrdreg s31  }
0x19: {  	s23 =	simm.s32 $0x20;
	s7 =	sand.u32 $0x7, s7;
	s11 =	sshrl.u32 s9, $0x1  }
0x1a: {  	s7 =	smul.u32 $0x27100, s7;
	s9 =	ssub.s32 s9, s11;
	s8 =	sadd.s32 s10, s8  }
0x1b: {  	s10 =	simm.s32 $0x7D;
	s11 =	simm.s32 $0xA00;
	s8 =	sshll.u32 s8, $0x4  }
0x1c: {  	s7 =	sadd.s32 s7, s5;
	s5 =	smax.u32 s9, $0x1;
	s8 =	sadd.s32 s6, s8  }
0x1d: {  	s9 =	simm.s32 $0x500;
	s7 =	sadd.s32 s25, s7;
	s6 =	sadd.s32 $0x93600, s8  }
0x1e: {  	[dreg:$0x4] =	wrdreg s7;
	s7 =	sadd.s32 $0xC5600, s8;
	s8 =	simm.s32 $0x2  }
.LBB2_1:
0x1f: {  	[tilespmem:s3], [sflag:$0x2] =	stream.linear.gather [hbm4b:s6+s3], $0x500, $0x38;
	[tilespmem:$0xA640] =	vst v63  }
0x20: {  	_ =	swait.ge [sflag:s8], $0x500  }
0x21: {  	[sflag:s8] =	ssyncset.done $0x0  }
0x22: {  	[sflag:s8] =	ssyncadd.s32 $0xFFFFFB00  }
0x23: {  	[tilespmem:s9], [sflag:$0x2] =	stream.linear.gather [hbm4b:s7+s3], $0x500, $0x38;
	[tilespmem:$0xA640] =	vst v63  }
0x24: {  	_ =	swait.ge [sflag:s8], $0x500  }
0x25: {  	[sflag:s8] =	ssyncset.done $0x0  }
0x26: {  	[sflag:s8] =	ssyncadd.s32 $0xFFFFFB00  }
0x27: {  	[tilespmem:s11], [sflag:$0x1] =	stream.indirect.gather [hbm4b:s1+s10], $0x20, s3, s10, $0xb8;
	[tilespmem:$0xA640] =	vst v63  }
0x28: {  	_ = 	snop  }
0x29: {  	[tilespmem:s13], [sflag:$0x1] =	stream.indirect.gather [hbm4b:s1+s10], $0x20, s12, s10, $0xb8;
	[tilespmem:$0xA640] =	vst v63  }
0x2a: {  	s25 =	rddreg [dreg:$0x5]  }
0x2b: {  	[tilespmem:s14], [sflag:$0x1] =	stream.indirect.gather [hbm4b:s1+s10], $0x20, s25, s10, $0xb8;
	[tilespmem:$0xA640] =	vst v63  }
0x2c: {  	s26 =	rddreg [dreg:$0x6]  }
0x2d: {  	[tilespmem:s15], [sflag:$0x1] =	stream.indirect.gather [hbm4b:s1+s10], $0x20, s26, s10, $0xb8;
	[tilespmem:$0xA640] =	vst v63  }
0x2e: {  	s29 =	rddreg [dreg:$0x7]  }
0x2f: {  	[tilespmem:s16], [sflag:$0x1] =	stream.indirect.gather [hbm4b:s1+s10], $0x20, s29, s10, $0xb8;
	[tilespmem:$0xA640] =	vst v63  }
0x30: {  	s30 =	rddreg [dreg:$0x8]  }
0x31: {  	[tilespmem:s17], [sflag:$0x1] =	stream.indirect.gather [hbm4b:s1+s10], $0x20, s30, s10, $0xb8;
	[tilespmem:$0xA640] =	vst v63  }
0x32: {  	s31 =	rddreg [dreg:$0x9]  }
0x33: {  	[tilespmem:s18], [sflag:$0x1] =	stream.indirect.gather [hbm4b:s1+s10], $0x20, s31, s10, $0xb8;
	[tilespmem:$0xA640] =	vst v63  }
0x34: {  	s29 =	rddreg [dreg:$0xa]  }
0x35: {  	[tilespmem:s19], [sflag:$0x1] =	stream.indirect.gather [hbm4b:s1+s10], $0x20, s29, s10, $0xb8;
	[tilespmem:$0xA640] =	vst v63  }
0x36: {  	s30 =	rddreg [dreg:$0xb]  }
0x37: {  	[tilespmem:s20], [sflag:$0x1] =	stream.indirect.gather [hbm4b:s1+s10], $0x20, s30, s10, $0xb8;
	[tilespmem:$0xA640] =	vst v63  }
0x38: {  	s31 =	rddreg [dreg:$0xc]  }
0x39: {  	[tilespmem:s21], [sflag:$0x1] =	stream.indirect.gather [hbm4b:s1+s10], $0x20, s31, s10, $0xb8;
	[tilespmem:$0xA640] =	vst v63  }
0x3a: {  	_ =	swait.ge [sflag:s22], $0xFA0  }
0x3b: {  	[sflag:s22] =	ssyncset.done $0x0  }
0x3c: {  	[sflag:s22] =	ssyncadd.s32 $0xFFFFF060  }
0x3d: {  	_ =	swait.ge [sflag:s22], $0xFA0  }
0x3e: {  	[sflag:s22] =	ssyncset.done $0x0  }
0x3f: {  	[sflag:s22] =	ssyncadd.s32 $0xFFFFF060  }
0x40: {  	_ =	swait.ge [sflag:s22], $0xFA0  }
0x41: {  	[sflag:s22] =	ssyncset.done $0x0  }
0x42: {  	[sflag:s22] =	ssyncadd.s32 $0xFFFFF060  }
0x43: {  	_ =	swait.ge [sflag:s22], $0xFA0  }
0x44: {  	[sflag:s22] =	ssyncset.done $0x0  }
0x45: {  	[sflag:s22] =	ssyncadd.s32 $0xFFFFF060  }
0x46: {  	_ =	swait.ge [sflag:s22], $0xFA0  }
0x47: {  	[sflag:s22] =	ssyncset.done $0x0  }
0x48: {  	[sflag:s22] =	ssyncadd.s32 $0xFFFFF060  }
0x49: {  	_ =	swait.ge [sflag:s22], $0xFA0  }
0x4a: {  	[sflag:s22] =	ssyncset.done $0x0  }
0x4b: {  	[sflag:s22] =	ssyncadd.s32 $0xFFFFF060  }
0x4c: {  	_ =	swait.ge [sflag:s22], $0xFA0  }
0x4d: {  	[sflag:s22] =	ssyncset.done $0x0  }
0x4e: {  	[sflag:s22] =	ssyncadd.s32 $0xFFFFF060  }
0x4f: {  	_ =	swait.ge [sflag:s22], $0xFA0  }
0x50: {  	[sflag:s22] =	ssyncset.done $0x0  }
0x51: {  	[sflag:s22] =	ssyncadd.s32 $0xFFFFF060  }
0x52: {  	_ =	swait.ge [sflag:s22], $0xFA0  }
0x53: {  	[sflag:s22] =	ssyncset.done $0x0  }
0x54: {  	[sflag:s22] =	ssyncadd.s32 $0xFFFFF060  }
0x55: {  	_ =	swait.ge [sflag:s22], $0xFA0  }
0x56: {  	[sflag:s22] =	ssyncset.done $0x0  }
0x57: {  	[sflag:s22] =	ssyncadd.s32 $0xFFFFF060  }
0x58: {  	[tilespmem:s11], [sflag:$0x1] =	stream.indirect.gather.add.f32 [hbm:s4], $0x20, s9, s10, $0xb8;
	[tilespmem:$0xA640] =	vst v63  }
0x59: {  	s29 =	rddreg [dreg:$0xd]  }
0x5a: {  	[tilespmem:s13], [sflag:$0x1] =	stream.indirect.gather.add.f32 [hbm:s4], $0x20, s29, s10, $0xb8;
	[tilespmem:$0xA640] =	vst v63  }
0x5b: {  	s30 =	rddreg [dreg:$0xe]  }
0x5c: {  	[tilespmem:s14], [sflag:$0x1] =	stream.indirect.gather.add.f32 [hbm:s4], $0x20, s30, s10, $0xb8;
	[tilespmem:$0xA640] =	vst v63  }
0x5d: {  	s31 =	rddreg [dreg:$0xf]  }
0x5e: {  	[tilespmem:s15], [sflag:$0x1] =	stream.indirect.gather.add.f32 [hbm:s4], $0x20, s31, s10, $0xb8;
	[tilespmem:$0xA640] =	vst v63  }
0x5f: {  	s29 =	rddreg [dreg:$0x10]  }
0x60: {  	[tilespmem:s16], [sflag:$0x1] =	stream.indirect.gather.add.f32 [hbm:s4], $0x20, s29, s10, $0xb8;
	[tilespmem:$0xA640] =	vst v63  }
0x61: {  	s30 =	rddreg [dreg:$0x11]  }
0x62: {  	[tilespmem:s17], [sflag:$0x1] =	stream.indirect.gather.add.f32 [hbm:s4], $0x20, s30, s10, $0xb8;
	[tilespmem:$0xA640] =	vst v63  }
0x63: {  	s31 =	rddreg [dreg:$0x12]  }
0x64: {  	[tilespmem:s18], [sflag:$0x1] =	stream.indirect.gather.add.f32 [hbm:s4], $0x20, s31, s10, $0xb8;
	[tilespmem:$0xA640] =	vst v63  }
0x65: {  	s29 =	rddreg [dreg:$0x13]  }
0x66: {  	[tilespmem:s19], [sflag:$0x1] =	stream.indirect.gather.add.f32 [hbm:s4], $0x20, s29, s10, $0xb8;
	[tilespmem:$0xA640] =	vst v63  }
0x67: {  	s30 =	rddreg [dreg:$0x14]  }
0x68: {  	[tilespmem:s20], [sflag:$0x1] =	stream.indirect.gather.add.f32 [hbm:s4], $0x20, s30, s10, $0xb8;
	[tilespmem:$0xA640] =	vst v63  }
0x69: {  	s31 =	rddreg [dreg:$0x15]  }
0x6a: {  	[tilespmem:s21], [sflag:$0x1] =	stream.indirect.gather.add.f32 [hbm:s4], $0x20, s31, s10, $0xb8;
	[tilespmem:$0xA640] =	vst v63  }
0x6b: {  	_ =	swait.ge [sflag:s22], $0xFA0  }
0x6c: {  	[sflag:s22] =	ssyncset.done $0x0  }
0x6d: {  	[sflag:s22] =	ssyncadd.s32 $0xFFFFF060  }
0x6e: {  	_ =	swait.ge [sflag:s22], $0xFA0  }
0x6f: {  	[sflag:s22] =	ssyncset.done $0x0  }
0x70: {  	[sflag:s22] =	ssyncadd.s32 $0xFFFFF060  }
0x71: {  	_ =	swait.ge [sflag:s22], $0xFA0  }
0x72: {  	[sflag:s22] =	ssyncset.done $0x0  }
0x73: {  	[sflag:s22] =	ssyncadd.s32 $0xFFFFF060  }
0x74: {  	_ =	swait.ge [sflag:s22], $0xFA0  }
0x75: {  	[sflag:s22] =	ssyncset.done $0x0  }
0x76: {  	[sflag:s22] =	ssyncadd.s32 $0xFFFFF060  }
0x77: {  	_ =	swait.ge [sflag:s22], $0xFA0  }
0x78: {  	[sflag:s22] =	ssyncset.done $0x0  }
0x79: {  	[sflag:s22] =	ssyncadd.s32 $0xFFFFF060  }
0x7a: {  	_ =	swait.ge [sflag:s22], $0xFA0  }
0x7b: {  	[sflag:s22] =	ssyncset.done $0x0  }
0x7c: {  	[sflag:s22] =	ssyncadd.s32 $0xFFFFF060  }
0x7d: {  	_ =	swait.ge [sflag:s22], $0xFA0  }
0x7e: {  	[sflag:s22] =	ssyncset.done $0x0  }
0x7f: {  	[sflag:s22] =	ssyncadd.s32 $0xFFFFF060  }
0x80: {  	_ =	swait.ge [sflag:s22], $0xFA0  }
0x81: {  	[sflag:s22] =	ssyncset.done $0x0  }
0x82: {  	[sflag:s22] =	ssyncadd.s32 $0xFFFFF060  }
0x83: {  	_ =	swait.ge [sflag:s22], $0xFA0  }
0x84: {  	[sflag:s22] =	ssyncset.done $0x0  }
0x85: {  	[sflag:s22] =	ssyncadd.s32 $0xFFFFF060  }
0x86: {  	_ =	swait.ge [sflag:s22], $0xFA0  }
0x87: {  	s29 =	rddreg [dreg:$0x4];
	[sflag:s22] =	ssyncset.done $0x0  }
0x88: {  	[sflag:s22] =	ssyncadd.s32 $0xFFFFF060;
	s25 =	sadd.s32 $0x0, s29  }
0x89: {  	[hbm4b:s25+s23] =	stream.strided.scatter [tilespmem:s11], [sflag:$0x2], $0xFA0, s12, s23, $0x38;
	[tilespmem:$0xA640] =	vst v63  }
0x8a: {  	_ =	swait.ge [sflag:s8], $0xFA0  }
0x8b: {  	[sflag:s8] =	ssyncset.done $0x0  }
0x8c: {  	s30 =	sadd.s32 $0x7D0, s25;
	[sflag:s8] =	ssyncadd.s32 $0xFFFFF060  }
0x8d: {  	[hbm4b:s30+s23] =	stream.strided.scatter [tilespmem:s13], [sflag:$0x2], $0xFA0, s12, s23, $0x38;
	[tilespmem:$0xA640] =	vst v63  }
0x8e: {  	_ =	swait.ge [sflag:s8], $0xFA0  }
0x8f: {  	[sflag:s8] =	ssyncset.done $0x0  }
0x90: {  	s31 =	sadd.s32 $0xFA0, s25;
	[sflag:s8] =	ssyncadd.s32 $0xFFFFF060  }
0x91: {  	[hbm4b:s31+s23] =	stream.strided.scatter [tilespmem:s14], [sflag:$0x2], $0xFA0, s12, s23, $0x38;
	[tilespmem:$0xA640] =	vst v63  }
0x92: {  	_ =	swait.ge [sflag:s8], $0xFA0  }
0x93: {  	[sflag:s8] =	ssyncset.done $0x0  }
0x94: {  	s29 =	sadd.s32 $0x1770, s25;
	[sflag:s8] =	ssyncadd.s32 $0xFFFFF060  }
0x95: {  	[hbm4b:s29+s23] =	stream.strided.scatter [tilespmem:s15], [sflag:$0x2], $0xFA0, s12, s23, $0x38;
	[tilespmem:$0xA640] =	vst v63  }
0x96: {  	_ =	swait.ge [sflag:s8], $0xFA0  }
0x97: {  	[sflag:s8] =	ssyncset.done $0x0  }
0x98: {  	s30 =	sadd.s32 $0x1F40, s25;
	[sflag:s8] =	ssyncadd.s32 $0xFFFFF060  }
0x99: {  	[hbm4b:s30+s23] =	stream.strided.scatter [tilespmem:s16], [sflag:$0x2], $0xFA0, s12, s23, $0x38;
	[tilespmem:$0xA640] =	vst v63  }
0x9a: {  	_ =	swait.ge [sflag:s8], $0xFA0  }
0x9b: {  	[sflag:s8] =	ssyncset.done $0x0  }
0x9c: {  	s31 =	sadd.s32 $0x2710, s25;
	[sflag:s8] =	ssyncadd.s32 $0xFFFFF060  }
0x9d: {  	[hbm4b:s31+s23] =	stream.strided.scatter [tilespmem:s17], [sflag:$0x2], $0xFA0, s12, s23, $0x38;
	[tilespmem:$0xA640] =	vst v63  }
0x9e: {  	_ =	swait.ge [sflag:s8], $0xFA0  }
0x9f: {  	[sflag:s8] =	ssyncset.done $0x0  }
0xa0: {  	s29 =	sadd.s32 $0x2EE0, s25;
	[sflag:s8] =	ssyncadd.s32 $0xFFFFF060  }
0xa1: {  	[hbm4b:s29+s23] =	stream.strided.scatter [tilespmem:s18], [sflag:$0x2], $0xFA0, s12, s23, $0x38;
	[tilespmem:$0xA640] =	vst v63  }
0xa2: {  	_ =	swait.ge [sflag:s8], $0xFA0  }
0xa3: {  	[sflag:s8] =	ssyncset.done $0x0  }
0xa4: {  	s30 =	sadd.s32 $0x36B0, s25;
	[sflag:s8] =	ssyncadd.s32 $0xFFFFF060  }
0xa5: {  	[hbm4b:s30+s23] =	stream.strided.scatter [tilespmem:s19], [sflag:$0x2], $0xFA0, s12, s23, $0x38;
	[tilespmem:$0xA640] =	vst v63  }
0xa6: {  	_ =	swait.ge [sflag:s8], $0xFA0  }
0xa7: {  	[sflag:s8] =	ssyncset.done $0x0  }
0xa8: {  	s31 =	sadd.s32 $0x3E80, s25;
	[sflag:s8] =	ssyncadd.s32 $0xFFFFF060  }
0xa9: {  	[hbm4b:s31+s23] =	stream.strided.scatter [tilespmem:s20], [sflag:$0x2], $0xFA0, s12, s23, $0x38;
	[tilespmem:$0xA640] =	vst v63  }
0xaa: {  	_ =	swait.ge [sflag:s8], $0xFA0  }
0xab: {  	[sflag:s8] =	ssyncset.done $0x0  }
0xac: {  	s25 =	sadd.s32 $0x4650, s25;
	[sflag:s8] =	ssyncadd.s32 $0xFFFFF060  }
0xad: {  	[hbm4b:s25+s23] =	stream.strided.scatter [tilespmem:s21], [sflag:$0x2], $0xFA0, s12, s23, $0x38;
	[tilespmem:$0xA640] =	vst v63  }
0xae: {  	s28 =	smov.u32 s7;
	_ =	swait.ge [sflag:s8], $0xFA0  }
0xaf: {  	s26 =	smov.u32 s6;
	s25 =	simm.s32 $0x4E20;
	[sflag:s8] =	ssyncset.done $0x0  }
.LBB2_2:
0xb0: {  	[sflag:s8] =	ssyncadd.s32 $0xFFFFF060;
	s26 =	sadd.s32 $0xA0, s26  }
0xb1: {  	[tilespmem:s3], [sflag:$0x2] =	stream.linear.gather [hbm4b:s26+s3], $0x500, $0x38;
	[tilespmem:$0xA640] =	vst v63  }
0xb2: {  	_ =	swait.ge [sflag:s8], $0x500  }
0xb3: {  	[sflag:s8] =	ssyncset.done $0x0  }
0xb4: {  	s28 =	sadd.s32 $0xA0, s28;
	[sflag:s8] =	ssyncadd.s32 $0xFFFFFB00  }
0xb5: {  	[tilespmem:s9], [sflag:$0x2] =	stream.linear.gather [hbm4b:s28+s3], $0x500, $0x38;
	[tilespmem:$0xA640] =	vst v63  }
0xb6: {  	_ =	swait.ge [sflag:s8], $0x500  }
0xb7: {  	[sflag:s8] =	ssyncset.done $0x0  }
0xb8: {  	[sflag:s8] =	ssyncadd.s32 $0xFFFFFB00  }
0xb9: {  	[tilespmem:s11], [sflag:$0x1] =	stream.indirect.gather [hbm4b:s1+s10], $0x20, s3, s10, $0xb8;
	[tilespmem:$0xA640] =	vst v63  }
0xba: {  	_ = 	snop  }
0xbb: {  	[tilespmem:s13], [sflag:$0x1] =	stream.indirect.gather [hbm4b:s1+s10], $0x20, s12, s10, $0xb8;
	[tilespmem:$0xA640] =	vst v63  }
0xbc: {  	s30 =	rddreg [dreg:$0x5]  }
0xbd: {  	[tilespmem:s14], [sflag:$0x1] =	stream.indirect.gather [hbm4b:s1+s10], $0x20, s30, s10, $0xb8;
	[tilespmem:$0xA640] =	vst v63  }
0xbe: {  	s31 =	rddreg [dreg:$0x6]  }
0xbf: {  	[tilespmem:s15], [sflag:$0x1] =	stream.indirect.gather [hbm4b:s1+s10], $0x20, s31, s10, $0xb8;
	[tilespmem:$0xA640] =	vst v63  }
0xc0: {  	s30 =	rddreg [dreg:$0x7]  }
0xc1: {  	[tilespmem:s16], [sflag:$0x1] =	stream.indirect.gather [hbm4b:s1+s10], $0x20, s30, s10, $0xb8;
	[tilespmem:$0xA640] =	vst v63  }
0xc2: {  	s31 =	rddreg [dreg:$0x8]  }
0xc3: {  	[tilespmem:s17], [sflag:$0x1] =	stream.indirect.gather [hbm4b:s1+s10], $0x20, s31, s10, $0xb8;
	[tilespmem:$0xA640] =	vst v63  }
0xc4: {  	s30 =	rddreg [dreg:$0x9]  }
0xc5: {  	[tilespmem:s18], [sflag:$0x1] =	stream.indirect.gather [hbm4b:s1+s10], $0x20, s30, s10, $0xb8;
	[tilespmem:$0xA640] =	vst v63  }
0xc6: {  	s31 =	rddreg [dreg:$0xa]  }
0xc7: {  	[tilespmem:s19], [sflag:$0x1] =	stream.indirect.gather [hbm4b:s1+s10], $0x20, s31, s10, $0xb8;
	[tilespmem:$0xA640] =	vst v63  }
0xc8: {  	s30 =	rddreg [dreg:$0xb]  }
0xc9: {  	[tilespmem:s20], [sflag:$0x1] =	stream.indirect.gather [hbm4b:s1+s10], $0x20, s30, s10, $0xb8;
	[tilespmem:$0xA640] =	vst v63  }
0xca: {  	s31 =	rddreg [dreg:$0xc]  }
0xcb: {  	[tilespmem:s21], [sflag:$0x1] =	stream.indirect.gather [hbm4b:s1+s10], $0x20, s31, s10, $0xb8;
	[tilespmem:$0xA640] =	vst v63  }
0xcc: {  	_ =	swait.ge [sflag:s22], $0xFA0  }
0xcd: {  	[sflag:s22] =	ssyncset.done $0x0  }
0xce: {  	[sflag:s22] =	ssyncadd.s32 $0xFFFFF060  }
0xcf: {  	_ =	swait.ge [sflag:s22], $0xFA0  }
0xd0: {  	[sflag:s22] =	ssyncset.done $0x0  }
0xd1: {  	[sflag:s22] =	ssyncadd.s32 $0xFFFFF060  }
0xd2: {  	_ =	swait.ge [sflag:s22], $0xFA0  }
0xd3: {  	[sflag:s22] =	ssyncset.done $0x0  }
0xd4: {  	[sflag:s22] =	ssyncadd.s32 $0xFFFFF060  }
0xd5: {  	_ =	swait.ge [sflag:s22], $0xFA0  }
0xd6: {  	[sflag:s22] =	ssyncset.done $0x0  }
0xd7: {  	[sflag:s22] =	ssyncadd.s32 $0xFFFFF060  }
0xd8: {  	_ =	swait.ge [sflag:s22], $0xFA0  }
0xd9: {  	[sflag:s22] =	ssyncset.done $0x0  }
0xda: {  	[sflag:s22] =	ssyncadd.s32 $0xFFFFF060  }
0xdb: {  	_ =	swait.ge [sflag:s22], $0xFA0  }
0xdc: {  	[sflag:s22] =	ssyncset.done $0x0  }
0xdd: {  	[sflag:s22] =	ssyncadd.s32 $0xFFFFF060  }
0xde: {  	_ =	swait.ge [sflag:s22], $0xFA0  }
0xdf: {  	[sflag:s22] =	ssyncset.done $0x0  }
0xe0: {  	[sflag:s22] =	ssyncadd.s32 $0xFFFFF060  }
0xe1: {  	_ =	swait.ge [sflag:s22], $0xFA0  }
0xe2: {  	[sflag:s22] =	ssyncset.done $0x0  }
0xe3: {  	[sflag:s22] =	ssyncadd.s32 $0xFFFFF060  }
0xe4: {  	_ =	swait.ge [sflag:s22], $0xFA0  }
0xe5: {  	[sflag:s22] =	ssyncset.done $0x0  }
0xe6: {  	[sflag:s22] =	ssyncadd.s32 $0xFFFFF060  }
0xe7: {  	_ =	swait.ge [sflag:s22], $0xFA0  }
0xe8: {  	[sflag:s22] =	ssyncset.done $0x0  }
0xe9: {  	[sflag:s22] =	ssyncadd.s32 $0xFFFFF060  }
0xea: {  	[tilespmem:s11], [sflag:$0x1] =	stream.indirect.gather.add.f32 [hbm:s4], $0x20, s9, s10, $0xb8;
	[tilespmem:$0xA640] =	vst v63  }
0xeb: {  	s30 =	rddreg [dreg:$0xd]  }
0xec: {  	[tilespmem:s13], [sflag:$0x1] =	stream.indirect.gather.add.f32 [hbm:s4], $0x20, s30, s10, $0xb8;
	[tilespmem:$0xA640] =	vst v63  }
0xed: {  	s31 =	rddreg [dreg:$0xe]  }
0xee: {  	[tilespmem:s14], [sflag:$0x1] =	stream.indirect.gather.add.f32 [hbm:s4], $0x20, s31, s10, $0xb8;
	[tilespmem:$0xA640] =	vst v63  }
0xef: {  	s30 =	rddreg [dreg:$0xf]  }
0xf0: {  	[tilespmem:s15], [sflag:$0x1] =	stream.indirect.gather.add.f32 [hbm:s4], $0x20, s30, s10, $0xb8;
	[tilespmem:$0xA640] =	vst v63  }
0xf1: {  	s31 =	rddreg [dreg:$0x10]  }
0xf2: {  	[tilespmem:s16], [sflag:$0x1] =	stream.indirect.gather.add.f32 [hbm:s4], $0x20, s31, s10, $0xb8;
	[tilespmem:$0xA640] =	vst v63  }
0xf3: {  	s30 =	rddreg [dreg:$0x11]  }
0xf4: {  	[tilespmem:s17], [sflag:$0x1] =	stream.indirect.gather.add.f32 [hbm:s4], $0x20, s30, s10, $0xb8;
	[tilespmem:$0xA640] =	vst v63  }
0xf5: {  	s31 =	rddreg [dreg:$0x12]  }
0xf6: {  	[tilespmem:s18], [sflag:$0x1] =	stream.indirect.gather.add.f32 [hbm:s4], $0x20, s31, s10, $0xb8;
	[tilespmem:$0xA640] =	vst v63  }
0xf7: {  	s30 =	rddreg [dreg:$0x13]  }
0xf8: {  	[tilespmem:s19], [sflag:$0x1] =	stream.indirect.gather.add.f32 [hbm:s4], $0x20, s30, s10, $0xb8;
	[tilespmem:$0xA640] =	vst v63  }
0xf9: {  	s31 =	rddreg [dreg:$0x14]  }
0xfa: {  	[tilespmem:s20], [sflag:$0x1] =	stream.indirect.gather.add.f32 [hbm:s4], $0x20, s31, s10, $0xb8;
	[tilespmem:$0xA640] =	vst v63  }
0xfb: {  	s30 =	rddreg [dreg:$0x15]  }
0xfc: {  	[tilespmem:s21], [sflag:$0x1] =	stream.indirect.gather.add.f32 [hbm:s4], $0x20, s30, s10, $0xb8;
	[tilespmem:$0xA640] =	vst v63  }
0xfd: {  	_ =	swait.ge [sflag:s22], $0xFA0  }
0xfe: {  	[sflag:s22] =	ssyncset.done $0x0  }
0xff: {  	[sflag:s22] =	ssyncadd.s32 $0xFFFFF060  }
0x100: {  	_ =	swait.ge [sflag:s22], $0xFA0  }
0x101: {  	[sflag:s22] =	ssyncset.done $0x0  }
0x102: {  	[sflag:s22] =	ssyncadd.s32 $0xFFFFF060  }
0x103: {  	_ =	swait.ge [sflag:s22], $0xFA0  }
0x104: {  	[sflag:s22] =	ssyncset.done $0x0  }
0x105: {  	[sflag:s22] =	ssyncadd.s32 $0xFFFFF060  }
0x106: {  	_ =	swait.ge [sflag:s22], $0xFA0  }
0x107: {  	[sflag:s22] =	ssyncset.done $0x0  }
0x108: {  	[sflag:s22] =	ssyncadd.s32 $0xFFFFF060  }
0x109: {  	_ =	swait.ge [sflag:s22], $0xFA0  }
0x10a: {  	[sflag:s22] =	ssyncset.done $0x0  }
0x10b: {  	[sflag:s22] =	ssyncadd.s32 $0xFFFFF060  }
0x10c: {  	_ =	swait.ge [sflag:s22], $0xFA0  }
0x10d: {  	[sflag:s22] =	ssyncset.done $0x0  }
0x10e: {  	[sflag:s22] =	ssyncadd.s32 $0xFFFFF060  }
0x10f: {  	_ =	swait.ge [sflag:s22], $0xFA0  }
0x110: {  	[sflag:s22] =	ssyncset.done $0x0  }
0x111: {  	[sflag:s22] =	ssyncadd.s32 $0xFFFFF060  }
0x112: {  	_ =	swait.ge [sflag:s22], $0xFA0  }
0x113: {  	[sflag:s22] =	ssyncset.done $0x0  }
0x114: {  	[sflag:s22] =	ssyncadd.s32 $0xFFFFF060  }
0x115: {  	_ =	swait.ge [sflag:s22], $0xFA0  }
0x116: {  	[sflag:s22] =	ssyncset.done $0x0  }
0x117: {  	[sflag:s22] =	ssyncadd.s32 $0xFFFFF060  }
0x118: {  	_ =	swait.ge [sflag:s22], $0xFA0  }
0x119: {  	s29 =	smov.u32 s25;
	s31 =	rddreg [dreg:$0x4];
	[sflag:s22] =	ssyncset.done $0x0  }
0x11a: {  	[sflag:s22] =	ssyncadd.s32 $0xFFFFF060;
	s29 =	sadd.s32 s29, s31  }
0x11b: {  	[hbm4b:s29+s23] =	stream.strided.scatter [tilespmem:s11], [sflag:$0x2], $0xFA0, s12, s23, $0x38;
	[tilespmem:$0xA640] =	vst v63  }
0x11c: {  	_ =	swait.ge [sflag:s8], $0xFA0  }
0x11d: {  	[sflag:s8] =	ssyncset.done $0x0  }
0x11e: {  	s30 =	sadd.s32 $0x7D0, s29;
	[sflag:s8] =	ssyncadd.s32 $0xFFFFF060  }
0x11f: {  	[hbm4b:s30+s23] =	stream.strided.scatter [tilespmem:s13], [sflag:$0x2], $0xFA0, s12, s23, $0x38;
	[tilespmem:$0xA640] =	vst v63  }
0x120: {  	_ =	swait.ge [sflag:s8], $0xFA0  }
0x121: {  	[sflag:s8] =	ssyncset.done $0x0  }
0x122: {  	s31 =	sadd.s32 $0xFA0, s29;
	[sflag:s8] =	ssyncadd.s32 $0xFFFFF060  }
0x123: {  	[hbm4b:s31+s23] =	stream.strided.scatter [tilespmem:s14], [sflag:$0x2], $0xFA0, s12, s23, $0x38;
	[tilespmem:$0xA640] =	vst v63  }
0x124: {  	_ =	swait.ge [sflag:s8], $0xFA0  }
0x125: {  	[sflag:s8] =	ssyncset.done $0x0  }
0x126: {  	s31 =	sadd.s32 $0x1770, s29;
	[sflag:s8] =	ssyncadd.s32 $0xFFFFF060  }
0x127: {  	[hbm4b:s31+s23] =	stream.strided.scatter [tilespmem:s15], [sflag:$0x2], $0xFA0, s12, s23, $0x38;
	[tilespmem:$0xA640] =	vst v63  }
0x128: {  	_ =	swait.ge [sflag:s8], $0xFA0  }
0x129: {  	[sflag:s8] =	ssyncset.done $0x0  }
0x12a: {  	s31 =	sadd.s32 $0x1F40, s29;
	[sflag:s8] =	ssyncadd.s32 $0xFFFFF060  }
0x12b: {  	[hbm4b:s31+s23] =	stream.strided.scatter [tilespmem:s16], [sflag:$0x2], $0xFA0, s12, s23, $0x38;
	[tilespmem:$0xA640] =	vst v63  }
0x12c: {  	_ =	swait.ge [sflag:s8], $0xFA0  }
0x12d: {  	[sflag:s8] =	ssyncset.done $0x0  }
0x12e: {  	s31 =	sadd.s32 $0x2710, s29;
	[sflag:s8] =	ssyncadd.s32 $0xFFFFF060  }
0x12f: {  	[hbm4b:s31+s23] =	stream.strided.scatter [tilespmem:s17], [sflag:$0x2], $0xFA0, s12, s23, $0x38;
	[tilespmem:$0xA640] =	vst v63  }
0x130: {  	_ =	swait.ge [sflag:s8], $0xFA0  }
0x131: {  	[sflag:s8] =	ssyncset.done $0x0  }
0x132: {  	s31 =	sadd.s32 $0x2EE0, s29;
	[sflag:s8] =	ssyncadd.s32 $0xFFFFF060  }
0x133: {  	[hbm4b:s31+s23] =	stream.strided.scatter [tilespmem:s18], [sflag:$0x2], $0xFA0, s12, s23, $0x38;
	[tilespmem:$0xA640] =	vst v63  }
0x134: {  	_ =	swait.ge [sflag:s8], $0xFA0  }
0x135: {  	[sflag:s8] =	ssyncset.done $0x0  }
0x136: {  	s31 =	sadd.s32 $0x36B0, s29;
	[sflag:s8] =	ssyncadd.s32 $0xFFFFF060  }
0x137: {  	[hbm4b:s31+s23] =	stream.strided.scatter [tilespmem:s19], [sflag:$0x2], $0xFA0, s12, s23, $0x38;
	[tilespmem:$0xA640] =	vst v63  }
0x138: {  	_ =	swait.ge [sflag:s8], $0xFA0  }
0x139: {  	[sflag:s8] =	ssyncset.done $0x0  }
0x13a: {  	s31 =	sadd.s32 $0x3E80, s29;
	[sflag:s8] =	ssyncadd.s32 $0xFFFFF060  }
0x13b: {  	[hbm4b:s31+s23] =	stream.strided.scatter [tilespmem:s20], [sflag:$0x2], $0xFA0, s12, s23, $0x38;
	[tilespmem:$0xA640] =	vst v63  }
0x13c: {  	p0 =	sne.s32 s25, $0x222E0;
	_ =	swait.ge [sflag:s8], $0xFA0  }
.Ltmp0:
0x13d: {  	[sflag:s8] =	ssyncset.done $0x0;
	(pc) =	sbr.rel @p0 .LBB2_2-.Ltmp0, $4  }
0x13e: {  	s29 =	sadd.s32 $0x4650, s29;
	[sflag:s8] =	ssyncadd.s32 $0xFFFFF060  }
0x13f: {  	[hbm4b:s29+s23] =	stream.strided.scatter [tilespmem:s21], [sflag:$0x2], $0xFA0, s12, s23, $0x38;
	[tilespmem:$0xA640] =	vst v63  }
0x140: {  	_ =	swait.ge [sflag:s8], $0xFA0  }
0x141: {  	s25 =	sadd.s32 $0x4E20, s25;
	[sflag:s8] =	ssyncset.done $0x0  }
0x142: {  	s24 =	sadd.s32 $0x1, s24  }
0x143: {  	p0 =	sne.s32 s24, s5  }
.Ltmp1:
0x144: {  	_ = 	snop;
	(pc) =	sbr.rel @p0 .LBB2_1-.Ltmp1, $2  }
0x145: {  	_ =	sdelay $0x2  }
0x146: {  	[sflag:s8] =	ssyncadd.s32 $0xFFFFF060  }
0x147: {  	_ =	sfence.sel $0x180000  }
0x148: {  	[bflag:$0x0] =	sbarrier.arrive $0xFFFF  }
0x149: {  	p0 =	sne.s32 s2, $0x0;
	_ =	strace $0x90000053  }
0x14a: {  	s0 =	sadd.s32 @!p0 $0x100000, s0;
	[bflag:$0x2] =	sbarrier.arrive $0xFFFF  }
0x14b: {  	[sflag:s0] =	ssyncadd.tile.s32 @!p0 $0x1;
	_ =	shalt  }
.Lfunc_end2:
_tile_overlayer_lowered:
.L_overlay_start_2:
0x14c: {  	(tag) =	ssettag $0x2  }
0x14d: {  	s0 =	rddreg [dreg:$0x0];
	s2 =	stileid.u32  }
0x14e: {  	s1 =	rddreg [dreg:$0x1];
	p0 =	sne.s32 s2, $0x0  }
0x14f: {  	s3 =	rddreg [dreg:$0x2];
	[bflag:$0x3] =	sbarrier.arrive $0xFFFF;
	s2 =	simm.s32 @!p0 $0x1C02  }
0x150: {  	[timem:s3], [sflag:s2] =	dma.local @!p0 [hbm:s0], s1  }
0x151: {  	s0 =	simm.s32 @!p0 $0x2  }
0x152: {  	_ =	swait.ge @!p0 [sflag:s0], s1  }
0x153: {  	s1 =	ssub.s32 @!p0 $0x0, s1;
	[sflag:s0] =	ssyncset.done @!p0 $0x0  }
0x154: {  	[sflag:s0] =	ssyncadd.s32 @!p0 s1  }
0x155: {  	[bflag:$0x3] =	sbarrier.arrive $0xFFFF  }
0x156: {  	_ =	shalt  }

// kernel: sparse-core-data-format-call.cloned.1.call-start
scs
called_computation_lowered:
.L_overlay_start_0:
0x0: {  	s2 =	sld [smem:$0x3FD9]  }
0x1: {  	s3 =	sld [smem:$0x3FFE];
	_ =	sdelay $0x1  }
0x2: {  	s1 =	srdreg.scid  }
0x3: {  	s0 =	sand.u32 $0x1, s1  }
0x4: {  	s15 =	sshll.u32 s0, $0xA;
	s2 =	sadd.s32 s3, s2  }
0x5: {  	s2 =	sadd.s32 s2, s15  }
0x6: {  	[smem:$0x3FBA] =	sst s2  }
0x7: {  	_ = 	snop  }
0x8: {  	s2 =	sld [smem:$0x3FD0];
	_ =	sdelay $0x2  }
0x9: {  	s16 =	simm.s32 $0xE;
	s4 =	simm.s32 $0x10  }
0xa: {  	[smem:s4], [sflag:s16] =	dma.local [hbm:s2], $0x1  }
0xb: {  	_ =	swait.eq [sflag:s16], $0x1  }
0xc: {  	[sflag:s16] =	ssyncset.done $0x0  }
0xd: {  	[sflag:s16] =	ssyncadd.s32 $0xFFFFFFFF  }
0xe: {  	s17 =	sld [smem:$0x10];
	(tm) =	ssettm $0x1  }
0xf: {  	s18 =	sld [smem:$0x3FFB];
	_ =	sdelay $0x3  }
0x10: {  	_ =	strace s18  }
0x11: {  	s3 =	sld [smem:$0x3FFC];
	_ =	sdelay $0x3  }
0x12: {  	_ =	strace s3  }
0x13: {  	s3 =	sld [smem:$0x3FFD];
	_ =	sdelay $0x3  }
0x14: {  	_ =	strace s3  }
0x15: {  	_ =	strace $0x8FFFFFFF  }
0x16: {  	s19 =	sld [smem:$0x3FDB];
	_ =	sdelay $0x1  }
0x17: {  	s20 =	simm.s32 $_scs_section_size  }
0x18: {  	s5 =	simm.s32 $_size__tile_overlayer_lowered;
	s6 =	simm.s32 $_tile_overlayer_lowered  }
0x19: {  	s23 =	simm.s32 $0x1BFF;
	s22 =	sshll.u32 s6, $0x1;
	s3 =	sadd.s32 s20, s19  }
0x1a: {  	s7 =	simm.s32 $0x0;
	s21 =	sshll.u32 s5, $0x1;
	s5 =	sadd.s32 s22, s3  }
0x1b: {  	[timem:s7], [sflag:s23] =	dma.local [hbm:s5], s21  }
0x1c: {  	_ =	swait.ge [sflag:s23], s21  }
0x1d: {  	s4 =	ssub.s32 $0x0, s21;
	[sflag:s23] =	ssyncset.done $0x0  }
0x1e: {  	[sflag:s23] =	ssyncadd.s32 s4;
	_ =	sdelay $0x1  }
0x1f: {  	s24 =	simm.s32 $0x1B8B  }
0x20: {  	_ =	swait.ge [sflag:s24], $0x1  }
0x21: {  	[sflag:s24] =	ssyncset.done $0x0  }
0x22: {  	s26 =	simm.s32 $0x1B8E;
	s25 =	sld [smem:$0x3FFE];
	[sflag:s24] =	ssyncadd.s32 $0xFFFFFFFF  }
0x23: {  	s27 =	simm.s32 $execute0_lowered;
	[smem:$0x3FD2] =	sst s26  }
0x24: {  	s5 =	sshll.u32 s27, $0x1;
	_ =	strace $0x80000055;
	[dreg:$0x1] =	wrdreg $0xFFFFFFFF  }
0x25: {  	s28 =	simm.s32 $_size_execute0_lowered;
	s3 =	sadd.s32 s3, s5;
	[dreg:$0x0] =	wrdreg $0x0  }
0x26: {  	s5 =	sshll.u32 s28, $0x1;
	[dreg:$0x2] =	wrdreg s3  }
0x27: {  	[dreg:$0x3] =	wrdreg s5  }
0x28: {  	[dreg:$0x4] =	wrdreg $0xC0  }
0x29: {  	_ =	task [dreg:s7], $0x5FFFF  }
0x2a: {  	[dreg:$0x1] =	wrdreg $0xFFFFFFFF  }
0x2b: {  	[dreg:$0x0] =	wrdreg $0x60  }
0x2c: {  	[dreg:$0x2] =	wrdreg s25  }
0x2d: {  	[dreg:$0x3] =	wrdreg s17  }
0x2e: {  	[dreg:$0x4] =	wrdreg $0x9  }
0x2f: {  	_ =	task.clear_ibuf [dreg:s7], $0x5FFFF;
	_ =	strace $0x90000055  }
0x30: {  	s29 =	simm.s32 $0x9;
	_ =	strace $0x80000057  }
0x31: {  	_ =	swait.ge [sflag:s29], $0x1  }
0x32: {  	[sflag:s29] =	ssyncadd.s32 $0xFFFFFFFF  }
0x33: {  	_ =	strace $0x90000057  }
0x34: {  	_ =	sfence  }
0x35: {  	s30 =	sld [smem:$0x0];
	_ =	sdelay $0x2  }
0x36: {  	s31 =	sshll.u32 s1, $0xD;
	s1 =	sshrl.u32 s1, $0x2  }
0x37: {  	s3 =	sand.u32 $0x4000, s31;
	s1 =	sadd.s32 s1, s30  }
0x38: {  	s0 =	sor.u32 s3, s0;
	s1 =	sshll.u32 s1, $0x11  }
0x39: {  	s0 =	sor.u32 s1, s0  }
0x3a: {  	s0 =	sadd.s32 $0x8F2B, s0  }
0x3b: {  	[sflag:s0] =	ssyncadd.remote.s32 $0x1  }
0x3c: {  	_ =	sfence.sel $0xFFFF  }
0x3d: {  	[dreg:$0x0] =	wrdreg $0xFFFFFFFF;
	(pc) =	sbr.abs _section_cstart, $3  }
0x3e: {  	[dreg:$0x1] =	wrdreg $0xFFFFFFFF  }
0x3f: {  	_ =	task.clear_ibuf [dreg:s7], $0x2FFFF;
	_ =	strace $0x9FFFFFFF  }
0x40: {  	(tm) =	ssettm $0x7FFFFFFF  }
0x41: {  	_ =	shalt  }
tec
execute0_lowered:
.L_overlay_start_1:
0x0: {  	(tag) =	ssettag $0x1  }
0x1: {  	s0 =	srdreg.scid;
	s29 =	rddreg [dreg:$0x0]  }
0x2: {  	s3 =	rddreg [dreg:$0x1];
	s6 =	simm.s32 $0x1;
	s1 =	sshll.u32 s0, $0x4  }
0x3: {  	_ =	strace $0x80000056;
	s0 =	stileid.u32;
	s1 =	sand.u32 $0x10, s1  }
0x4: {  	s31 =	simm.s32 $0x2;
	s19 =	simm.s32 $0x0;
	s1 =	sor.u32 s0, s1  }
0x5: {  	s11 =	simm.s32 $0x9C400;
	s12 =	simm.s32 $0x0;
	s2 =	sshll.u32 s1, $0x7  }
0x6: {  	s21 =	simm.s32 $0x0;
	s18 =	simm.s32 $0x0;
	s4 =	ssub.s32 $0x13880, s2  }
0x7: {  	s20 =	simm.s32 $0x0;
	s13 =	simm.s32 $0x0;
	s5 =	sand.u32 $0xF80, s4  }
0x8: {  	s15 =	simm.s32 $0x0;
	s16 =	simm.s32 $0x0;
	p0 =	sne.s32 s5, $0x0  }
.Ltmp0:
0x9: {  	s7 =	sshrl.u32 s4, $0xC;
	s6 =	simm.s32 @!p0 $0x0;
	(pc) =	sbr.rel .LBB1_1-.Ltmp0, $4  }
0xa: {  	s17 =	simm.s32 $0x0;
	s8 =	sadd.s32 $0x30D400, s3;
	s30 =	sadd.s32 s6, s7  }
0xb: {  	s9 =	sadd.s32 $0x493E00, s3;
	s5 =	simm.s32 $0x1;
	s6 =	smul.u32 $0x5, s30  }
0xc: {  	s14 =	smov.u32 s2;
	s4 =	sadd.s32 $0x69BC00, s29;
	[sflag:s5] =	ssyncpa.u1 $0x0  }
0xd: {  	[sflag:s31] =	ssyncpa.u1 $0x0;
	s7 =	sadd.s32 $0x186A00, s3;
	s10 =	sadd.s32 $0x1, s6  }
.LBB1_9:
0xe: {  	s1 =	sadd.s32 $0x1000, s14  }
0xf: {  	s18 =	sadd.s32 $0x8, s13;
	s22 =	smov.u32 s13;
	p1 =	sgt.s32 s1, $0x1387F  }
0x10: {  	s22 =	smov.u32 @p1 s18  }
0x11: {  	s23 =	smov.u32 s15;
	s18 =	sadd.s32 $0x4, s15;
	p2 =	sgt.s32 s22, $0x7  }
0x12: {  	s23 =	smov.u32 @p2 s18  }
0x13: {  	s24 =	smov.u32 s16;
	s18 =	sadd.s32 $0x4, s16;
	p3 =	sgt.s32 s23, $0x3  }
0x14: {  	p0 =	slt.u32 s17, $0x2;
	s24 =	smov.u32 @p3 s18  }
0x15: {  	s19 =	smov.u32 s14;
	s1 =	smov.u32 @p1 s2;
	p1 =	sgt.s32 s24, $0x13  }
0x16: {  	s25 =	simm.s32 @!p0 $0x2;
	s24 =	simm.s32 @p1 $0x0;
	p1 =	sne.s32 s17, s10  }
.Ltmp1:
0x17: {  	s21 =	smov.u32 s13;
	_ =	swait.ge @!p0 [sflag:s25], $0x4000;
	(pc) =	sbr.rel @!p1 .LBB1_10-.Ltmp1, $4  }
0x18: {  	s20 =	smov.u32 s16;
	s12 =	sadd.s32 $0x4000, s12;
	[sflag:s25] =	ssyncset.done @!p0 $0x0  }
0x19: {  	s14 =	smov.u32 s1;
	s22 =	simm.s32 @p2 $0x0;
	[sflag:s25] =	ssyncadd.s32 @!p0 $0xFFFFC000  }
0x1a: {  	s13 =	smov.u32 s22;
	s23 =	simm.s32 @p3 $0x0;
	s18 =	smov.u32 s15  }
0x1b: {  	s15 =	smov.u32 s23;
	s17 =	sadd.s32 $0x1, s17;
	s16 =	smov.u32 s24  }
.LBB1_1:
0x1c: {  	p0 =	sge.u32 s17, s6  }
0x1d: {  	s1 =	sshrl.u32 @!p0 s13, $0x3  }
0x1e: {  	s22 =	sshll.u32 @!p0 s14, $0x3;
	s1 =	smul.u32 @!p0 $0x9C400, s1  }
0x1f: {  	s23 =	sshll.u32 @!p0 s13, $0x7;
	s22 =	sand.u32 @!p0 $0xFFFFFC00, s22  }
0x20: {  	s1 =	sadd.s32 @!p0 s1, s22;
	s22 =	sand.u32 @!p0 $0x380, s23  }
0x21: {  	s23 =	sand.u32 @!p0 $0x7F, s14;
	s1 =	sor.u32 @!p0 s22, s1  }
0x22: {  	s22 =	sor.u32 @!p0 s23, s1  }
0x23: {  	s23 =	smulhi.u32 @!p0 $0xD1B71759, s22  }
0x24: {  	s1 =	smulhi.u32 @!p0 $0xD1B71759, s1  }
0x25: {  	s31 =	sadd.s32 $0xFFFFFFFF, s17;
	s25 =	smul.u32 @!p0 $0x4E200, s16;
	s23 =	sshrl.u32 @!p0 s23, $0x10  }
0x26: {  	s24 =	sxor.u32 @!p0 $0xFFFFFFFF, s17;
	s1 =	sshrl.u32 @!p0 s1, $0x10;
	s23 =	smul.u32 @!p0 $0x13880, s23  }
0x27: {  	s26 =	smul.u32 @!p0 $0x13880, s15;
	s24 =	sshll.u32 @!p0 s24, $0xE;
	s1 =	sand.u32 @!p0 $0x7, s1  }
0x28: {  	s1 =	smul.u32 @!p0 $0x2710, s1;
	s22 =	ssub.s32 @!p0 s22, s23;
	s23 =	sadd.s32 @!p0 s4, s25  }
0x29: {  	s24 =	sand.u32 @!p0 $0x4000, s24;
	s23 =	sadd.s32 @!p0 s26, s23;
	s25 =	sand.u32 @!p0 $0x7, s22  }
0x2a: {  	s22 =	sshrl.u32 @!p0 s22, $0x3;
	s1 =	sadd.s32 @!p0 s1, s23;
	s23 =	sshll.u32 @!p0 s25, $0x12  }
0x2b: {  	s1 =	sadd.s32 @!p0 s22, s1;
	s22 =	sor.u32 @!p0 $0x400, s23;
	s23 =	simm.s32 @!p0 $0x9C400  }
0x2c: {  	[tilespmem:s24], [sflag:$0x1] =	stream.strided.gather @!p0 [hbm4b:s1+s22], $0x4000, s23, s22, $0x38;
	[tilespmem:$0x10000] =	vst v63  }
0x2d: {  	p0 =	sge.u32 s31, s6  }
.Ltmp2:
0x2e: {  	_ = 	snop;
	(pc) =	sbr.rel @p0 .LBB1_9-.Ltmp2, $1  }
0x2f: {  	_ =	sdelay $0x3  }
0x30: {  	s1 =	sand.u32 $0x4000, s12  }
0x31: {  	_ =	swait.ge [sflag:s5], $0x4000;
	s22 =	sshll.u32 s17, $0xE;
	s26 =	simm.s32 $0x0  }
0x32: {  	s24 =	sor.u32 $0x8070, s1;
	[sflag:s5] =	ssyncset.done $0x0;
	s22 =	sand.u32 $0x4000, s22  }
0x33: {  	s25 =	sor.u32 $0x40, s1;
	[sflag:s5] =	ssyncadd.s32 $0xFFFFC000;
	s23 =	sor.u32 $0x8000, s22  }
.LBB1_3:
0x34: {  	s27 =	smov.u32 s25;
	s28 =	smov.u32 s24;
	s29 =	simm.s32 $0x0  }
.LBB1_4:
0x35: {  	v1 =	vmov s27;
	_ =	sdelay $0x3  }
0x36: {  	s30 =	simm.s32 $0x0  }
0x37: {  	v7 =	vld.idx.msk [tilespmem:v1+s30+$0x30 ss:$0x1], $0xffff  }
0x38: {  	v0 =	vmov s28;
	v8 =	vld.idx.msk [tilespmem:v1+s30+$0xFFFFFFC0 ss:$0x1], $0xffff  }
0x39: {  	v6 =	vld.idx.msk [tilespmem:v1+s30+$0xFFFFFFD0 ss:$0x1], $0xffff  }
0x3a: {  	v5 =	vld.idx.msk [tilespmem:v1+s30+$0xFFFFFFE0 ss:$0x1], $0xffff  }
0x3b: {  	v4 =	vld.idx.msk [tilespmem:v1+s30+$0xFFFFFFF0 ss:$0x1], $0xffff  }
0x3c: {  	v2 =	vld.idx.msk [tilespmem:v1+s30+$0x0 ss:$0x1], $0xffff  }
0x3d: {  	v3 =	vld.idx.msk [tilespmem:v1+s30+$0x10 ss:$0x1], $0xffff;
	[tilespmem:v0+s30+$0x0 ss:$0x1] =	vst.idx.msk $0xffff, v7  }
0x3e: {  	s31 =	simm.s32 $0x80;
	s1 =	simm.s32 $0x400;
	[tilespmem:v0+s30+$0xFFFFFF90 ss:$0x1] =	vst.idx.msk $0xffff, v8;
	v7 =	vld.idx.msk [tilespmem:v1+s30+$0x20 ss:$0x1], $0xffff  }
.LBB1_5:
0x3f: {  	p0 =	sne.s32 s1, $0xE00;
	v8 =	vld.idx.msk [tilespmem:v1+s31+$0x30 ss:$0x1], $0xffff;
	[tilespmem:v0+s30+$0xFFFFFFA0 ss:$0x1] =	vst.idx.msk $0xffff, v6  }
0x40: {  	v9 =	vld.idx.msk [tilespmem:v1+s31+$0xFFFFFFC0 ss:$0x1], $0xffff;
	[tilespmem:v0+s30+$0xFFFFFFB0 ss:$0x1] =	vst.idx.msk $0xffff, v5  }
0x41: {  	v6 =	vld.idx.msk [tilespmem:v1+s31+$0xFFFFFFD0 ss:$0x1], $0xffff;
	[tilespmem:v0+s30+$0xFFFFFFC0 ss:$0x1] =	vst.idx.msk $0xffff, v4  }
.Ltmp3:
0x42: {  	v5 =	vld.idx.msk [tilespmem:v1+s31+$0xFFFFFFE0 ss:$0x1], $0xffff;
	[tilespmem:v0+s30+$0xFFFFFFD0 ss:$0x1] =	vst.idx.msk $0xffff, v2;
	(pc) =	sbr.rel @p0 .LBB1_5-.Ltmp3, $4  }
0x43: {  	v4 =	vld.idx.msk [tilespmem:v1+s31+$0xFFFFFFF0 ss:$0x1], $0xffff;
	[tilespmem:v0+s30+$0xFFFFFFE0 ss:$0x1] =	vst.idx.msk $0xffff, v3  }
0x44: {  	v2 =	vld.idx.msk [tilespmem:v1+s31+$0x0 ss:$0x1], $0xffff;
	[tilespmem:v0+s30+$0xFFFFFFF0 ss:$0x1] =	vst.idx.msk $0xffff, v7;
	s30 =	smov.u32 s31  }
0x45: {  	v3 =	vld.idx.msk [tilespmem:v1+s30+$0x10 ss:$0x1], $0xffff;
	[tilespmem:v0+s30+$0x0 ss:$0x1] =	vst.idx.msk $0xffff, v8  }
0x46: {  	s31 =	sshra.s32 s1, $0x2;
	s1 =	sadd.s32 $0x200, s1;
	[tilespmem:v0+s30+$0xFFFFFF90 ss:$0x1] =	vst.idx.msk $0xffff, v9;
	v7 =	vld.idx.msk [tilespmem:v1+s30+$0x20 ss:$0x1], $0xffff  }
0x47: {  	_ =	sdelay $0x3  }
0x48: {  	[tilespmem:v0+s30+$0xFFFFFFA0 ss:$0x1] =	vst.idx.msk $0xffff, v6  }
0x49: {  	v56 =	vld.idx.msk [tilespmem:v1+s31+$0x30 ss:$0x1], $0xffff;
	[tilespmem:v0+s30+$0xFFFFFFB0 ss:$0x1] =	vst.idx.msk $0xffff, v5  }
0x4a: {  	v57 =	vld.idx.msk [tilespmem:v1+s31+$0xFFFFFFC0 ss:$0x1], $0xffff;
	[tilespmem:v0+s30+$0xFFFFFFC0 ss:$0x1] =	vst.idx.msk $0xffff, v4  }
0x4b: {  	v58 =	vld.idx.msk [tilespmem:v1+s31+$0xFFFFFFD0 ss:$0x1], $0xffff;
	[tilespmem:v0+s30+$0xFFFFFFD0 ss:$0x1] =	vst.idx.msk $0xffff, v2  }
0x4c: {  	v59 =	vld.idx.msk [tilespmem:v1+s31+$0xFFFFFFE0 ss:$0x1], $0xffff;
	[tilespmem:v0+s30+$0xFFFFFFE0 ss:$0x1] =	vst.idx.msk $0xffff, v3  }
0x4d: {  	v60 =	vld.idx.msk [tilespmem:v1+s31+$0xFFFFFFF0 ss:$0x1], $0xffff;
	[tilespmem:v0+s30+$0xFFFFFFF0 ss:$0x1] =	vst.idx.msk $0xffff, v7  }
0x4e: {  	v61 =	vld.idx.msk [tilespmem:v1+s31+$0x0 ss:$0x1], $0xffff;
	[tilespmem:v0+s31+$0x0 ss:$0x1] =	vst.idx.msk $0xffff, v56  }
0x4f: {  	v62 =	vld.idx.msk [tilespmem:v1+s31+$0x10 ss:$0x1], $0xffff;
	s29 =	sadd.s32 $0x1, s29;
	[tilespmem:v0+s31+$0xFFFFFF90 ss:$0x1] =	vst.idx.msk $0xffff, v57  }
0x50: {  	v63 =	vld.idx.msk [tilespmem:v1+s31+$0x20 ss:$0x1], $0xffff;
	p0 =	sne.s32 s29, $0x4;
	[tilespmem:v0+s31+$0xFFFFFFA0 ss:$0x1] =	vst.idx.msk $0xffff, v58  }
.Ltmp4:
0x51: {  	[tilespmem:v0+s31+$0xFFFFFFB0 ss:$0x1] =	vst.idx.msk $0xffff, v59;
	(pc) =	sbr.rel @p0 .LBB1_4-.Ltmp4, $4  }
0x52: {  	[tilespmem:v0+s31+$0xFFFFFFC0 ss:$0x1] =	vst.idx.msk $0xffff, v60  }
0x53: {  	[tilespmem:v0+s31+$0xFFFFFFD0 ss:$0x1] =	vst.idx.msk $0xffff, v61  }
0x54: {  	[tilespmem:v0+s31+$0xFFFFFFE0 ss:$0x1] =	vst.idx.msk $0xffff, v62  }
0x55: {  	s28 =	sadd.s32 $0x1000, s28;
	s27 =	sadd.s32 $0x400, s27;
	[tilespmem:v0+s31+$0xFFFFFFF0 ss:$0x1] =	vst.idx.msk $0xffff, v63  }
0x56: {  	s26 =	sadd.s32 $0x1, s26  }
0x57: {  	p0 =	sne.s32 s26, $0x4  }
.Ltmp5:
0x58: {  	_ = 	snop;
	(pc) =	sbr.rel @p0 .LBB1_3-.Ltmp5, $2  }
0x59: {  	_ =	sdelay $0x2  }
0x5a: {  	s24 =	sadd.s32 $0x400, s24;
	s25 =	sadd.s32 $0x1000, s25  }
0x5b: {  	s1 =	sshrl.u32 s21, $0x3  }
0x5c: {  	s24 =	sshll.u32 s19, $0x3;
	s1 =	smul.u32 $0x9C400, s1  }
0x5d: {  	s30 =	sshll.u32 s21, $0x7;
	s24 =	sand.u32 $0xFFFFFC00, s24  }
0x5e: {  	s21 =	sand.u32 $0x380, s30;
	s1 =	sadd.s32 s1, s24  }
0x5f: {  	s31 =	sand.u32 $0x7F, s19;
	s1 =	sor.u32 s21, s1  }
0x60: {  	s19 =	sor.u32 s31, s1  }
0x61: {  	s24 =	smulhi.u32 $0xD1B71759, s19  }
0x62: {  	s1 =	smulhi.u32 $0xD1B71759, s1  }
0x63: {  	s20 =	smul.u32 $0x13880, s20;
	s21 =	sshrl.u32 s24, $0x10  }
0x64: {  	s1 =	sshrl.u32 s1, $0x10;
	s21 =	smul.u32 $0x13880, s21  }
0x65: {  	s18 =	smul.u32 $0x186A00, s18;
	s1 =	sand.u32 $0x7, s1  }
0x66: {  	s25 =	sadd.s32 s3, s20;
	s1 =	smul.u32 $0x2710, s1;
	s19 =	ssub.s32 s19, s21  }
0x67: {  	s21 =	sadd.s32 s18, s25;
	s26 =	sand.u32 $0x7, s19  }
0x68: {  	s19 =	sshrl.u32 s19, $0x3;
	s21 =	sadd.s32 s1, s21;
	s24 =	sshll.u32 s26, $0x12  }
0x69: {  	s27 =	sadd.s32 s20, s7;
	s21 =	sadd.s32 s19, s21;
	s24 =	sor.u32 $0x400, s24  }
0x6a: {  	[hbm4b:s21+s24] =	stream.strided.scatter [tilespmem:s23], [sflag:$0x2], $0x1000, s11, s24, $0x38;
	[tilespmem:$0x10000] =	vst v63  }
0x6b: {  	s21 =	sadd.s32 s18, s27  }
0x6c: {  	s21 =	sadd.s32 s1, s21  }
0x6d: {  	s28 =	sadd.s32 $0x9000, s22;
	s29 =	sadd.s32 s20, s8;
	s21 =	sadd.s32 s19, s21  }
0x6e: {  	[hbm4b:s21+s24] =	stream.strided.scatter [tilespmem:s28], [sflag:$0x2], $0x1000, s11, s24, $0x38;
	[tilespmem:$0x10000] =	vst v63  }
0x6f: {  	s20 =	sadd.s32 s20, s9;
	s21 =	sadd.s32 s18, s29  }
.Ltmp6:
0x70: {  	s18 =	sadd.s32 s18, s20;
	s21 =	sadd.s32 s1, s21;
	(pc) =	sbr.rel .LBB1_9-.Ltmp6, $4  }
0x71: {  	s30 =	sadd.s32 $0xA000, s22;
	s1 =	sadd.s32 s1, s18;
	s21 =	sadd.s32 s19, s21  }
0x72: {  	[hbm4b:s21+s24] =	stream.strided.scatter [tilespmem:s30], [sflag:$0x2], $0x1000, s11, s24, $0x38;
	[tilespmem:$0x10000] =	vst v63  }
0x73: {  	s31 =	sadd.s32 $0xB000, s22;
	s1 =	sadd.s32 s19, s1  }
0x74: {  	[hbm4b:s1+s24] =	stream.strided.scatter [tilespmem:s31], [sflag:$0x2], $0x1000, s11, s24, $0x38;
	[tilespmem:$0x10000] =	vst v63  }
.LBB1_10:
0x75: {  	_ =	sfence.sel $0x180000  }
0x76: {  	s1 =	simm.s32 $0x1;
	[bflag:$0x0] =	sbarrier.arrive $0xFFFF  }
0x77: {  	s31 =	simm.s32 $0x2;
	[sflag:s1] =	ssyncpa.u1 $0x1  }
0x78: {  	[sflag:s31] =	ssyncpa.u1 $0x1  }
0x79: {  	_ =	strace $0x90000056  }
0x7a: {  	[bflag:$0x2] =	sbarrier.arrive $0xFFFF  }
0x7b: {  	p0 =	sne.s32 s0, $0x0;
	s0 =	rddreg [dreg:$0x2]  }
0x7c: {  	s0 =	sadd.s32 @!p0 $0x100000, s0  }
0x7d: {  	[sflag:s0] =	ssyncadd.tile.s32 @!p0 $0x1;
	_ =	shalt  }
.Lfunc_end1:
_tile_overlayer_lowered:
.L_overlay_start_2:
0x7e: {  	(tag) =	ssettag $0x2  }
0x7f: {  	s0 =	rddreg [dreg:$0x0];
	s2 =	stileid.u32  }
0x80: {  	s1 =	rddreg [dreg:$0x1];
	p0 =	sne.s32 s2, $0x0  }
0x81: {  	s3 =	rddreg [dreg:$0x2];
	[bflag:$0x3] =	sbarrier.arrive $0xFFFF;
	s2 =	simm.s32 @!p0 $0x1C01  }
0x82: {  	[timem:s3], [sflag:s2] =	dma.local @!p0 [hbm:s0], s1  }
0x83: {  	s0 =	simm.s32 @!p0 $0x1  }
0x84: {  	_ =	swait.ge @!p0 [sflag:s0], s1  }
0x85: {  	s1 =	ssub.s32 @!p0 $0x0, s1;
	[sflag:s0] =	ssyncset.done @!p0 $0x0  }
0x86: {  	[sflag:s0] =	ssyncadd.s32 @!p0 s1  }
0x87: {  	[bflag:$0x3] =	sbarrier.arrive $0xFFFF  }
0x88: {  	_ =	shalt  }

</sc_bundles>
